<compile_context>
chip_gen: v7x
topology: tpu7x:2x2x1
jax: 0.10.2.dev20260603
libtpu: 0.0.44.dev20260713+nightly
codegen_flags: <defaults>
</compile_context>

<pallas_src>
import functools

import jax
import jax.numpy as jnp
from jax import lax
from jax.experimental import pallas as pl
from jax.experimental.pallas import tpu as pltpu
from jax.experimental.pallas import tpu_sc as plsc

N = 10000
E = 160000
D = 256
HALF = 128
NC = 2
NS = 16
NPAD = 10240
EPAD = 163840
BD = 128
DB = EPAD // (NC * NS) // BD
BM = 80
MB = EPAD // NS // BM
G = 8
NG = MB // G
SLOTS = 3
RPT = NPAD // NS

_mesh = plsc.VectorSubcoreMesh(
    core_axis_name="c", subcore_axis_name="s", num_cores=NC, num_subcores=NS
)


def _fill_zero_2d(ref, rows):
    z16 = jnp.zeros((16,), jnp.float32)

    def row(i, _):
        def col(j, __):
            ref[i, pl.ds(j * 16, 16)] = z16
            return 0
        return lax.fori_loop(0, HALF // 16, col, 0)

    lax.fori_loop(0, rows, row, 0)


@functools.partial(
    pl.kernel,
    out_type=jax.ShapeDtypeStruct((NC, NPAD), jnp.float32),
    mesh=_mesh,
    scratch_types=[
        pltpu.VMEM((DB, BD), jnp.int32),
        pltpu.VMEM((BD,), jnp.float32),
        pltpu.VMEM((RPT,), jnp.float32),
        pltpu.VMEM_SHARED((NPAD,), jnp.float32),
    ],
)
def _deg_kernel(dst_hbm, deg_hbm, dst_v, ones_v, zrow_v, deg_sh):
    c = lax.axis_index("c")
    s = lax.axis_index("s")
    pltpu.sync_copy(dst_hbm.at[c, s], dst_v)
    one16 = jnp.ones((16,), jnp.float32)
    z16 = jnp.zeros((16,), jnp.float32)

    def f1(i, _):
        ones_v[pl.ds(i * 16, 16)] = one16
        return 0

    lax.fori_loop(0, BD // 16, f1, 0)

    def f0(i, _):
        zrow_v[pl.ds(i * 16, 16)] = z16
        return 0

    lax.fori_loop(0, RPT // 16, f0, 0)
    pltpu.sync_copy(zrow_v, deg_sh.at[pl.ds(s * RPT, RPT)])
    plsc.subcore_barrier()

    def body(j, _):
        pltpu.sync_copy(ones_v, deg_sh.at[dst_v.at[j]], add=True)
        return 0

    lax.fori_loop(0, DB, body, 0)
    plsc.subcore_barrier()
    pltpu.sync_copy(deg_sh.at[pl.ds(s * RPT, RPT)], deg_hbm.at[c, pl.ds(s * RPT, RPT)])


@functools.partial(
    pl.kernel,
    out_type=jax.ShapeDtypeStruct((NC, NPAD, HALF), jnp.float32),
    mesh=_mesh,
    scratch_types=[
        pltpu.VMEM((SLOTS * G, BM), jnp.int32),
        pltpu.VMEM((SLOTS * G, BM), jnp.int32),
        pltpu.VMEM((4, BM, HALF), jnp.float32),
        pltpu.VMEM_SHARED((NPAD, HALF), jnp.float32),
        pltpu.SemaphoreType.DMA,
        pltpu.SemaphoreType.DMA,
        pltpu.SemaphoreType.DMA,
        pltpu.SemaphoreType.DMA,
        pltpu.SemaphoreType.DMA,
        pltpu.SemaphoreType.DMA,
        pltpu.SemaphoreType.DMA,
        pltpu.SemaphoreType.DMA,
    ],
)
def _scatter_kernel(y_hbm, src2_hbm, dst_hbm, out_hbm,
                    src2_v, dst_v, bufs, acc_sh,
                    sg0, sg1, sg2, sg3, ss0, ss1, ss2, ss3):
    c = lax.axis_index("c")
    s = lax.axis_index("s")
    sg = [sg0, sg1, sg2, sg3]
    ss = [ss0, ss1, ss2, ss3]
    z16 = jnp.zeros((16,), jnp.float32)

    def zrow(i, _):
        def zcol(jc, __):
            bufs[0, i, pl.ds(jc * 16, 16)] = z16
            return 0
        return lax.fori_loop(0, HALF // 16, zcol, 0)

    lax.fori_loop(0, BM, zrow, 0)

    def zcp(k, _):
        pltpu.sync_copy(bufs.at[0], acc_sh.at[pl.ds(s * RPT + k * BM, BM)])
        return 0

    lax.fori_loop(0, RPT // BM, zcp, 0)
    plsc.subcore_barrier()

    def idxrow(b):
        return ((b // G) % SLOTS) * G + b % G

    def load_idx_group(g):
        row = (g % SLOTS) * G
        pltpu.sync_copy(src2_hbm.at[c, s, pl.ds(g * G, G)],
                        src2_v.at[pl.ds(row, G)])
        pltpu.sync_copy(dst_hbm.at[s, pl.ds(g * G, G)],
                        dst_v.at[pl.ds(row, G)])

    def gather(b, m, sem):
        pltpu.async_copy(y_hbm.at[src2_v.at[idxrow(b)]], bufs.at[m], sem)

    def wait_gather(m, sem):
        pltpu.make_async_copy(y_hbm.at[src2_v.at[0]], bufs.at[m], sem).wait()

    def scatter(b, m, sem):
        pltpu.async_copy(bufs.at[m], acc_sh.at[dst_v.at[idxrow(b)]], sem,
                         add=True)

    def wait_scatter(m, sem):
        pltpu.make_async_copy(bufs.at[m], acc_sh.at[dst_v.at[0]], sem).wait()

    load_idx_group(0)
    gather(0, 0, sg[0])
    gather(1, 1, sg[1])
    gather(2, 2, sg[2])

    def body(j, _):
        for m in range(4):
            @pl.when((j + 3) % 4 == m)
            def _(m=m):
                @pl.when(j >= 1)
                def _():
                    wait_scatter(m, ss[m])

                @pl.when(jnp.logical_and((j + 3) % G == 0,
                                         (j + 3) // G < NG))
                def _():
                    load_idx_group((j + 3) // G)

                @pl.when(j + 3 < MB)
                def _():
                    gather(j + 3, m, sg[m])

        for k in range(4):
            @pl.when(j % 4 == k)
            def _(k=k):
                wait_gather(k, sg[k])
                scatter(j, k, ss[k])
        return 0

    lax.fori_loop(0, MB, body, 0)
    wait_scatter((MB - 1) % 4, ss[(MB - 1) % 4])
    plsc.subcore_barrier()
    pltpu.sync_copy(acc_sh.at[pl.ds(s * RPT, RPT)], out_hbm.at[c, pl.ds(s * RPT, RPT)])


R = 1000


def _mm_scale_body(x_ref, w_ref, dinv_ref, y_ref):
    z = jnp.dot(x_ref[...], w_ref[...], preferred_element_type=jnp.float32)
    y_ref[...] = dinv_ref[...] * z


def _layer2_body(acc_ref, y1_ref, dinv_ref, b1_ref, w2_ref, y2_ref):
    sagg = jnp.concatenate([acc_ref[0], acc_ref[1]], axis=1)
    h = jnp.tanh(dinv_ref[...] * (sagg + y1_ref[...]) + b1_ref[...])
    z2 = jnp.dot(h, w2_ref[...], preferred_element_type=jnp.float32)
    y2_ref[...] = dinv_ref[...] * z2


def _final_body(acc_ref, y2_ref, dinv_ref, b2_ref, out_ref):
    sagg = jnp.concatenate([acc_ref[0], acc_ref[1]], axis=1)
    out_ref[...] = dinv_ref[...] * (sagg + y2_ref[...]) + b2_ref[...]


def kernel(latent, edge_index, W1, b1, W2, b2):
    src = edge_index[0].astype(jnp.int32)
    dst = edge_index[1].astype(jnp.int32)
    pad = EPAD - E
    srcp = jnp.concatenate([src, jnp.zeros((pad,), jnp.int32)])
    dstp = jnp.concatenate([dst, jnp.full((pad,), N, jnp.int32)])
    src2 = jnp.stack([srcp * 2, srcp * 2 + 1]).reshape(NC, NS, MB, BM)
    dst_main = dstp.reshape(NS, MB, BM)
    dst_deg = dstp.reshape(NC, NS, DB, BD)

    deg2 = _deg_kernel(dst_deg)
    dinv = lax.rsqrt(deg2[0, :N] + deg2[1, :N] + 1.0)[:, None]

    grid = N // R
    y1 = pl.pallas_call(
        _mm_scale_body,
        grid=(grid,),
        in_specs=[
            pl.BlockSpec((R, D), lambda i: (i, 0)),
            pl.BlockSpec((D, D), lambda i: (0, 0)),
            pl.BlockSpec((R, 1), lambda i: (i, 0)),
        ],
        out_specs=pl.BlockSpec((R, D), lambda i: (i, 0)),
        out_shape=jax.ShapeDtypeStruct((N, D), jnp.float32),
    )(latent, W1, dinv)

    acc1 = _scatter_kernel(y1.reshape(2 * N, HALF), src2, dst_main)

    y2 = pl.pallas_call(
        _layer2_body,
        grid=(grid,),
        in_specs=[
            pl.BlockSpec((NC, R, HALF), lambda i: (0, i, 0)),
            pl.BlockSpec((R, D), lambda i: (i, 0)),
            pl.BlockSpec((R, 1), lambda i: (i, 0)),
            pl.BlockSpec((1, D), lambda i: (0, 0)),
            pl.BlockSpec((D, D), lambda i: (0, 0)),
        ],
        out_specs=pl.BlockSpec((R, D), lambda i: (i, 0)),
        out_shape=jax.ShapeDtypeStruct((N, D), jnp.float32),
    )(acc1, y1, dinv, b1.reshape(1, D), W2)

    acc2 = _scatter_kernel(y2.reshape(2 * N, HALF), src2, dst_main)

    out = pl.pallas_call(
        _final_body,
        grid=(grid,),
        in_specs=[
            pl.BlockSpec((NC, R, HALF), lambda i: (0, i, 0)),
            pl.BlockSpec((R, D), lambda i: (i, 0)),
            pl.BlockSpec((R, 1), lambda i: (i, 0)),
            pl.BlockSpec((1, D), lambda i: (0, 0)),
        ],
        out_specs=pl.BlockSpec((R, D), lambda i: (i, 0)),
        out_shape=jax.ShapeDtypeStruct((N, D), jnp.float32),
    )(acc2, y2, dinv, b2.reshape(1, D))

    return out

# --- scband reference (transcript-rebuilt; emitter-appended) ---
"""Pipeline reference for scband-unconditional-pradadecoder-369367188158 (READ-ONLY COPY).

The authoritative reference and input builder live on the scoring server;
editing this copy changes nothing except your own understanding.
"""

import jax, jax.numpy as jnp
import numpy as np

N_NODES = 10000
N_EDGES = 160000
LATENT_DIM = 256
HIDDEN_DIM = 256
OUTPUT_DIM = 256


def setup_inputs(seed: int = 0) -> dict:
    key = jax.random.key(seed)
    k1, k2, k3, k4, k5, k6 = jax.random.split(key, 6)
    latent = jax.random.normal(k1, (N_NODES, LATENT_DIM), dtype=jnp.float32)
    edge_index = jax.random.randint(k2, (2, N_EDGES), 0, N_NODES, dtype=jnp.int64)
    s1 = 1.0 / np.sqrt(LATENT_DIM)
    s2 = 1.0 / np.sqrt(HIDDEN_DIM)
    W1 = jax.random.uniform(k3, (LATENT_DIM, HIDDEN_DIM), dtype=jnp.float32, minval=-s1, maxval=s1)
    b1 = jax.random.uniform(k4, (HIDDEN_DIM,), dtype=jnp.float32, minval=-s1, maxval=s1)
    W2 = jax.random.uniform(k5, (HIDDEN_DIM, OUTPUT_DIM), dtype=jnp.float32, minval=-s2, maxval=s2)
    b2 = jax.random.uniform(k6, (OUTPUT_DIM,), dtype=jnp.float32, minval=-s2, maxval=s2)
    return {"latent": latent, "edge_index": edge_index, "W1": W1, "b1": b1, "W2": W2, "b2": b2}


def _gcn_conv(x, edge_index, W, b, num_nodes):
    # PyG GCNConv with add_self_loops=True, symmetric normalization
    loop = jnp.arange(num_nodes, dtype=edge_index.dtype)
    src = jnp.concatenate([edge_index[0], loop])
    dst = jnp.concatenate([edge_index[1], loop])
    x = x @ W
    deg = jnp.zeros((num_nodes,), dtype=x.dtype).at[dst].add(1.0)
    deg_inv_sqrt = jnp.where(deg > 0, 1.0 / jnp.sqrt(deg), 0.0)
    norm = deg_inv_sqrt[src] * deg_inv_sqrt[dst]
    msg = x[src] * norm[:, None]
    out = jnp.zeros((num_nodes, x.shape[1]), dtype=x.dtype).at[dst].add(msg)
    return out + b


def reference(latent, edge_index, W1, b1, W2, b2):
    num_nodes = latent.shape[0]
    h = jnp.tanh(_gcn_conv(latent, edge_index, W1, b1, num_nodes))
    out = _gcn_conv(h, edge_index, W2, b2, num_nodes)
    return out

if __name__ == "__main__":
    import jax
    _d = setup_inputs()
    print(jax.jit(kernel)(*tuple(_d.values())))

</pallas_src>

<mosaic_0001>
#map = affine_map<(d0, d1) -> (0, 0, 0, 0)>
#map1 = affine_map<(d0, d1) -> (0, 0)>
module attributes {stable_mosaic.version = 14 : i64} {
  func.func @_deg_kernel(%arg0: i32, %arg1: i32, %arg2: memref<2x16x40x128xi32, #tpu.memory_space<hbm>>, %arg3: memref<2x10240xf32, #tpu.memory_space<hbm>>, %arg4: memref<40x128xi32, #tpu.memory_space<vmem>>, %arg5: memref<128xf32, #tpu.memory_space<vmem>>, %arg6: memref<640xf32, #tpu.memory_space<vmem>>, %arg7: memref<10240xf32, #tpu.memory_space<vmem_shared>>) attributes {dimension_semantics = [#tpu.dimension_semantics<core_parallel>, #tpu.dimension_semantics<subcore_parallel>], iteration_bounds = array<i64: 2, 16>, scalar_prefetch = 0 : i64, scratch_operands = 4 : i64, tpu.core_type = #tpu.core_type<sc_vector_subcore>, window_params = [{transform_indices = #map}, {transform_indices = #map1}]} {
    "tpu.region"() ({
      %run_scoped3A = tpu.sem_alloc : memref<!tpu.dma_semaphore, #tpu.memory_space<semaphore_mem>>
      %dma_start3A = arith.constant 0 : i32
      %dma_start3A_29 = arith.constant 0 : i32
      %dma_start3A_30 = tpu.memref_slice %arg2[%arg0, %arg1, %dma_start3A, %dma_start3A_29] : memref<2x16x40x128xi32, #tpu.memory_space<hbm>> -> memref<1x1x40x128xi32, #tpu.memory_space<hbm>>
      %dma_start3A_31 = tpu.memref_squeeze %dma_start3A_30 : memref<1x1x40x128xi32, #tpu.memory_space<hbm>> -> memref<40x128xi32, #tpu.memory_space<hbm>>
      %dma_start3A_32 = arith.constant 0 : i32
      %dma_start3A_33 = arith.constant 0 : i32
      %dma_start3A_34 = tpu.memref_slice %arg2[%arg0, %arg1, %dma_start3A_32, %dma_start3A_33] : memref<2x16x40x128xi32, #tpu.memory_space<hbm>> -> memref<1x1x40x128xi32, #tpu.memory_space<hbm>>
      %dma_start3A_35 = tpu.memref_squeeze %dma_start3A_34 : memref<1x1x40x128xi32, #tpu.memory_space<hbm>> -> memref<40x128xi32, #tpu.memory_space<hbm>>
      tpu.enqueue_dma source(%dma_start3A_35 : memref<40x128xi32, #tpu.memory_space<hbm>>) target(%arg4 : memref<40x128xi32, #tpu.memory_space<vmem>>) target_semaphore(%run_scoped3A : memref<!tpu.dma_semaphore, #tpu.memory_space<semaphore_mem>>)
      %dma_wait3A = arith.constant 0 : i32
      %dma_wait3A_36 = arith.constant 0 : i32
      %dma_wait3A_37 = tpu.memref_slice %arg2[%arg0, %arg1, %dma_wait3A, %dma_wait3A_36] : memref<2x16x40x128xi32, #tpu.memory_space<hbm>> -> memref<1x1x40x128xi32, #tpu.memory_space<hbm>>
      %dma_wait3A_38 = tpu.memref_squeeze %dma_wait3A_37 : memref<1x1x40x128xi32, #tpu.memory_space<hbm>> -> memref<40x128xi32, #tpu.memory_space<hbm>>
      %dma_wait3A_39 = arith.constant 0 : i32
      %dma_wait3A_40 = arith.constant 0 : i32
      %dma_wait3A_41 = tpu.memref_slice %arg2[%arg0, %arg1, %dma_wait3A_39, %dma_wait3A_40] : memref<2x16x40x128xi32, #tpu.memory_space<hbm>> -> memref<1x1x40x128xi32, #tpu.memory_space<hbm>>
      %dma_wait3A_42 = tpu.memref_squeeze %dma_wait3A_41 : memref<1x1x40x128xi32, #tpu.memory_space<hbm>> -> memref<40x128xi32, #tpu.memory_space<hbm>>
      tpu.wait_dma2 semaphore(%run_scoped3A : memref<!tpu.dma_semaphore, #tpu.memory_space<semaphore_mem>>) src(%dma_wait3A_42 : memref<40x128xi32, #tpu.memory_space<hbm>>) dst(%arg4 : memref<40x128xi32, #tpu.memory_space<vmem>>)
      tpu.yield
    }) : () -> ()
    %broadcast_in_dim3A = arith.constant 1.000000e+00 : f32
    %broadcast_in_dim3A_0 = vector.broadcast %broadcast_in_dim3A : f32 to vector<16xf32>
    %broadcast_in_dim3A_1 = arith.constant 0.000000e+00 : f32
    %broadcast_in_dim3A_2 = vector.broadcast %broadcast_in_dim3A_1 : f32 to vector<16xf32>
    %scan3A = arith.constant 0 : i32
    %scan3A_3 = arith.constant 0 : i32
    %scan3A_4 = arith.constant 8 : i32
    %scan3A_5 = arith.addi %scan3A_3, %scan3A_4 : i32
    %scan3A_6 = arith.constant 1 : i32
    %scan3A_7 = scf.for %scan3A_29 = %scan3A_3 to %scan3A_5 step %scan3A_6 iter_args(%scan3A_30 = %scan3A) -> (i32)  : i32 {
      %mul3A_31 = arith.constant 16 : i32
      %mul3A_32 = arith.muli %scan3A_29, %mul3A_31 : i32
      %swap3A = arith.index_cast %mul3A_32 : i32 to index
      %swap3A_33 = tpu.vector_load %arg5[%swap3A] {strides = array<i32>} : memref<128xf32, #tpu.memory_space<vmem>>, vector<16xf32>,
      %swap3A_34 = vector.shape_cast %swap3A_33 : vector<16xf32> to vector<16xf32>
      %swap3A_35 = vector.shape_cast %broadcast_in_dim3A_0 : vector<16xf32> to vector<16xf32>
      tpu.vector_store %arg5[%swap3A], %swap3A_35 {strides = array<i32>} : memref<128xf32, #tpu.memory_space<vmem>>, vector<16xf32>,
      %scan3A_36 = arith.constant 0 : i32
      scf.yield %scan3A_36 : i32
    }
    %scan3A_8 = arith.constant 8 : i32
    %scan3A_9 = arith.constant 0 : i32
    %scan3A_10 = arith.constant 0 : i32
    %scan3A_11 = arith.constant 40 : i32
    %scan3A_12 = arith.addi %scan3A_10, %scan3A_11 : i32
    %scan3A_13 = arith.constant 1 : i32
    %scan3A_14 = scf.for %scan3A_29 = %scan3A_10 to %scan3A_12 step %scan3A_13 iter_args(%scan3A_30 = %scan3A_9) -> (i32)  : i32 {
      %mul3A_31 = arith.constant 16 : i32
      %mul3A_32 = arith.muli %scan3A_29, %mul3A_31 : i32
      %swap3A = arith.index_cast %mul3A_32 : i32 to index
      %swap3A_33 = tpu.vector_load %arg6[%swap3A] {strides = array<i32>} : memref<640xf32, #tpu.memory_space<vmem>>, vector<16xf32>,
      %swap3A_34 = vector.shape_cast %swap3A_33 : vector<16xf32> to vector<16xf32>
      %swap3A_35 = vector.shape_cast %broadcast_in_dim3A_2 : vector<16xf32> to vector<16xf32>
      tpu.vector_store %arg6[%swap3A], %swap3A_35 {strides = array<i32>} : memref<640xf32, #tpu.memory_space<vmem>>, vector<16xf32>,
      %scan3A_36 = arith.constant 0 : i32
      scf.yield %scan3A_36 : i32
    }
    %scan3A_15 = arith.constant 40 : i32
    %mul3A = arith.constant 640 : i32
    %mul3A_16 = arith.muli %arg1, %mul3A : i32
    "tpu.region"() ({
      %run_scoped3A = tpu.sem_alloc : memref<!tpu.dma_semaphore, #tpu.memory_space<semaphore_mem>>
      %dma_start3A = tpu.memref_slice %arg7[%mul3A_16] : memref<10240xf32, #tpu.memory_space<vmem_shared>> -> memref<640xf32, #tpu.memory_space<vmem_shared>>
      %dma_start3A_29 = tpu.memref_slice %arg7[%mul3A_16] : memref<10240xf32, #tpu.memory_space<vmem_shared>> -> memref<640xf32, #tpu.memory_space<vmem_shared>>
      tpu.enqueue_dma source(%arg6 : memref<640xf32, #tpu.memory_space<vmem>>) target(%dma_start3A_29 : memref<640xf32, #tpu.memory_space<vmem_shared>>) target_semaphore(%run_scoped3A : memref<!tpu.dma_semaphore, #tpu.memory_space<semaphore_mem>>)
      %dma_wait3A = tpu.memref_slice %arg7[%mul3A_16] : memref<10240xf32, #tpu.memory_space<vmem_shared>> -> memref<640xf32, #tpu.memory_space<vmem_shared>>
      %dma_wait3A_30 = tpu.memref_slice %arg7[%mul3A_16] : memref<10240xf32, #tpu.memory_space<vmem_shared>> -> memref<640xf32, #tpu.memory_space<vmem_shared>>
      tpu.wait_dma2 semaphore(%run_scoped3A : memref<!tpu.dma_semaphore, #tpu.memory_space<semaphore_mem>>) src(%arg6 : memref<640xf32, #tpu.memory_space<vmem>>) dst(%dma_wait3A_30 : memref<640xf32, #tpu.memory_space<vmem_shared>>)
      tpu.yield
    }) : () -> ()
    %barrier3A = arith.constant 0 : index
    tpu.barrier barrier_id(%barrier3A)
    %scan3A_17 = arith.constant 0 : i32
    %scan3A_18 = arith.constant 0 : i32
    %scan3A_19 = arith.constant 40 : i32
    %scan3A_20 = arith.addi %scan3A_18, %scan3A_19 : i32
    %scan3A_21 = arith.constant 1 : i32
    %scan3A_22 = scf.for %scan3A_29 = %scan3A_18 to %scan3A_20 step %scan3A_21 iter_args(%scan3A_30 = %scan3A_17) -> (i32)  : i32 {
      "tpu.region"() ({
        %run_scoped3A = tpu.sem_alloc : memref<!tpu.dma_semaphore, #tpu.memory_space<semaphore_mem>>
        %dma_start3A = arith.constant 0 : i32
        %dma_start3A_32 = tpu.memref_slice %arg4[%scan3A_29, %dma_start3A] : memref<40x128xi32, #tpu.memory_space<vmem>> -> memref<1x128xi32, #tpu.memory_space<vmem>>
        %dma_start3A_33 = tpu.memref_squeeze %dma_start3A_32 : memref<1x128xi32, #tpu.memory_space<vmem>> -> memref<128xi32, #tpu.memory_space<vmem>>
        %dma_start3A_34 = arith.constant 0 : i32
        %dma_start3A_35 = tpu.memref_slice %arg7[%dma_start3A_34] : memref<10240xf32, #tpu.memory_space<vmem_shared>> -> memref<10240xf32, #tpu.memory_space<vmem_shared>>
        tpu.enqueue_indirect_dma source(%arg5 : memref<128xf32, #tpu.memory_space<vmem>>) target(%dma_start3A_35 : memref<10240xf32, #tpu.memory_space<vmem_shared>>) offsets(%dma_start3A_33 : memref<128xi32, #tpu.memory_space<vmem>>) semaphore(%run_scoped3A : memref<!tpu.dma_semaphore, #tpu.memory_space<semaphore_mem>>) {add = true}
        %dma_wait3A = arith.constant 0 : i32
        %dma_wait3A_36 = tpu.memref_slice %arg4[%scan3A_29, %dma_wait3A] : memref<40x128xi32, #tpu.memory_space<vmem>> -> memref<1x128xi32, #tpu.memory_space<vmem>>
        %dma_wait3A_37 = tpu.memref_squeeze %dma_wait3A_36 : memref<1x128xi32, #tpu.memory_space<vmem>> -> memref<128xi32, #tpu.memory_space<vmem>>
        %dma_wait3A_38 = arith.constant 0 : i32
        %dma_wait3A_39 = tpu.memref_slice %arg7[%dma_wait3A_38] : memref<10240xf32, #tpu.memory_space<vmem_shared>> -> memref<10240xf32, #tpu.memory_space<vmem_shared>>
        tpu.wait_indirect_dma semaphore(%run_scoped3A : memref<!tpu.dma_semaphore, #tpu.memory_space<semaphore_mem>>) src(%arg5 : memref<128xf32, #tpu.memory_space<vmem>>) dst(%dma_wait3A_39 : memref<10240xf32, #tpu.memory_space<vmem_shared>>)
        tpu.yield
      }) : () -> ()
      %scan3A_31 = arith.constant 0 : i32
      scf.yield %scan3A_31 : i32
    }
    %scan3A_23 = arith.constant 40 : i32
    %barrier3A_24 = arith.constant 0 : index
    tpu.barrier barrier_id(%barrier3A_24)
    %mul3A_25 = arith.constant 640 : i32
    %mul3A_26 = arith.muli %arg1, %mul3A_25 : i32
    %mul3A_27 = arith.constant 640 : i32
    %mul3A_28 = arith.muli %arg1, %mul3A_27 : i32
    "tpu.region"() ({
      %run_scoped3A = tpu.sem_alloc : memref<!tpu.dma_semaphore, #tpu.memory_space<semaphore_mem>>
      %dma_start3A = tpu.memref_slice %arg3[%arg0, %mul3A_28] : memref<2x10240xf32, #tpu.memory_space<hbm>> -> memref<1x640xf32, #tpu.memory_space<hbm>>
      %dma_start3A_29 = tpu.memref_squeeze %dma_start3A : memref<1x640xf32, #tpu.memory_space<hbm>> -> memref<640xf32, #tpu.memory_space<hbm>>
      %dma_start3A_30 = tpu.memref_slice %arg7[%mul3A_26] : memref<10240xf32, #tpu.memory_space<vmem_shared>> -> memref<640xf32, #tpu.memory_space<vmem_shared>>
      tpu.enqueue_dma source(%dma_start3A_30 : memref<640xf32, #tpu.memory_space<vmem_shared>>) target(%dma_start3A_29 : memref<640xf32, #tpu.memory_space<hbm>>) target_semaphore(%run_scoped3A : memref<!tpu.dma_semaphore, #tpu.memory_space<semaphore_mem>>)
      %dma_wait3A = tpu.memref_slice %arg3[%arg0, %mul3A_28] : memref<2x10240xf32, #tpu.memory_space<hbm>> -> memref<1x640xf32, #tpu.memory_space<hbm>>
      %dma_wait3A_31 = tpu.memref_squeeze %dma_wait3A : memref<1x640xf32, #tpu.memory_space<hbm>> -> memref<640xf32, #tpu.memory_space<hbm>>
      %dma_wait3A_32 = tpu.memref_slice %arg7[%mul3A_26] : memref<10240xf32, #tpu.memory_space<vmem_shared>> -> memref<640xf32, #tpu.memory_space<vmem_shared>>
      tpu.wait_dma2 semaphore(%run_scoped3A : memref<!tpu.dma_semaphore, #tpu.memory_space<semaphore_mem>>) src(%dma_wait3A_32 : memref<640xf32, #tpu.memory_space<vmem_shared>>) dst(%dma_wait3A_31 : memref<640xf32, #tpu.memory_space<hbm>>)
      tpu.yield
    }) : () -> ()
    return
  }
}

#map = affine_map<(d0, d1) -> (0, 0)>
#map1 = affine_map<(d0, d1) -> (0, 0, 0, 0)>
#map2 = affine_map<(d0, d1) -> (0, 0, 0)>
module attributes {stable_mosaic.version = 14 : i64} {
  func.func @_scatter_kernel(%arg0: i32, %arg1: i32, %arg2: memref<20000x128xf32, #tpu.memory_space<hbm>>, %arg3: memref<2x16x128x80xi32, #tpu.memory_space<hbm>>, %arg4: memref<16x128x80xi32, #tpu.memory_space<hbm>>, %arg5: memref<2x10240x128xf32, #tpu.memory_space<hbm>>, %arg6: memref<24x80xi32, #tpu.memory_space<vmem>>, %arg7: memref<24x80xi32, #tpu.memory_space<vmem>>, %arg8: memref<4x80x128xf32, #tpu.memory_space<vmem>>, %arg9: memref<10240x128xf32, #tpu.memory_space<vmem_shared>>, %arg10: memref<!tpu.dma_semaphore, #tpu.memory_space<semaphore_mem>>, %arg11: memref<!tpu.dma_semaphore, #tpu.memory_space<semaphore_mem>>, %arg12: memref<!tpu.dma_semaphore, #tpu.memory_space<semaphore_mem>>, %arg13: memref<!tpu.dma_semaphore, #tpu.memory_space<semaphore_mem>>, %arg14: memref<!tpu.dma_semaphore, #tpu.memory_space<semaphore_mem>>, %arg15: memref<!tpu.dma_semaphore, #tpu.memory_space<semaphore_mem>>, %arg16: memref<!tpu.dma_semaphore, #tpu.memory_space<semaphore_mem>>, %arg17: memref<!tpu.dma_semaphore, #tpu.memory_space<semaphore_mem>>) attributes {dimension_semantics = [#tpu.dimension_semantics<core_parallel>, #tpu.dimension_semantics<subcore_parallel>], iteration_bounds = array<i64: 2, 16>, scalar_prefetch = 0 : i64, scratch_operands = 12 : i64, tpu.core_type = #tpu.core_type<sc_vector_subcore>, window_params = [{transform_indices = #map}, {transform_indices = #map1}, {transform_indices = #map2}, {transform_indices = #map2}]} {
    %broadcast_in_dim3A = arith.constant 0.000000e+00 : f32
    %broadcast_in_dim3A_0 = vector.broadcast %broadcast_in_dim3A : f32 to vector<16xf32>
    %scan3A = arith.constant 0 : i32
    %scan3A_1 = arith.constant 0 : i32
    %scan3A_2 = arith.constant 80 : i32
    %scan3A_3 = arith.addi %scan3A_1, %scan3A_2 : i32
    %scan3A_4 = arith.constant 1 : i32
    %scan3A_5 = scf.for %scan3A_71 = %scan3A_1 to %scan3A_3 step %scan3A_4 iter_args(%scan3A_72 = %scan3A) -> (i32)  : i32 {
      %scan3A_73 = arith.constant 0 : i32
      %scan3A_74 = arith.constant 0 : i32
      %scan3A_75 = arith.constant 8 : i32
      %scan3A_76 = arith.addi %scan3A_74, %scan3A_75 : i32
      %scan3A_77 = arith.constant 1 : i32
      %scan3A_78 = scf.for %scan3A_80 = %scan3A_74 to %scan3A_76 step %scan3A_77 iter_args(%scan3A_81 = %scan3A_73) -> (i32)  : i32 {
        %mul3A_82 = arith.constant 16 : i32
        %mul3A_83 = arith.muli %scan3A_80, %mul3A_82 : i32
        %swap3A = arith.constant 0 : i32
        %swap3A_84 = arith.index_cast %swap3A : i32 to index
        %swap3A_85 = arith.index_cast %scan3A_71 : i32 to index
        %swap3A_86 = arith.index_cast %mul3A_83 : i32 to index
        %swap3A_87 = tpu.vector_load %arg8[%swap3A_84, %swap3A_85, %swap3A_86] {strides = array<i32>} : memref<4x80x128xf32, #tpu.memory_space<vmem>>, vector<1x1x16xf32>,
        %swap3A_88 = vector.shape_cast %swap3A_87 : vector<1x1x16xf32> to vector<16xf32>
        %swap3A_89 = vector.shape_cast %broadcast_in_dim3A_0 : vector<16xf32> to vector<1x1x16xf32>
        tpu.vector_store %arg8[%swap3A_84, %swap3A_85, %swap3A_86], %swap3A_89 {strides = array<i32>} : memref<4x80x128xf32, #tpu.memory_space<vmem>>, vector<1x1x16xf32>,
        %scan3A_90 = arith.constant 0 : i32
        scf.yield %scan3A_90 : i32
      }
      %scan3A_79 = arith.constant 8 : i32
      scf.yield %scan3A_78 : i32
    }
    %scan3A_6 = arith.constant 80 : i32
    %scan3A_7 = arith.constant 0 : i32
    %scan3A_8 = arith.constant 0 : i32
    %scan3A_9 = arith.constant 8 : i32
    %scan3A_10 = arith.addi %scan3A_8, %scan3A_9 : i32
    %scan3A_11 = arith.constant 1 : i32
    %scan3A_12 = scf.for %scan3A_71 = %scan3A_8 to %scan3A_10 step %scan3A_11 iter_args(%scan3A_72 = %scan3A_7) -> (i32)  : i32 {
      %mul3A_73 = arith.constant 640 : i32
      %mul3A_74 = arith.muli %arg1, %mul3A_73 : i32
      %mul3A_75 = arith.constant 80 : i32
      %mul3A_76 = arith.muli %scan3A_71, %mul3A_75 : i32
      %add3A = arith.addi %mul3A_74, %mul3A_76 : i32
      %run_scoped3A = arith.constant 0 : i32
      "tpu.region"() ({
        %run_scoped3A_78 = tpu.sem_alloc : memref<!tpu.dma_semaphore, #tpu.memory_space<semaphore_mem>>
        %dma_start3A_79 = arith.constant 0 : i32
        %dma_start3A_80 = arith.constant 0 : i32
        %dma_start3A_81 = tpu.memref_slice %arg8[%run_scoped3A, %dma_start3A_79, %dma_start3A_80] : memref<4x80x128xf32, #tpu.memory_space<vmem>> -> memref<1x80x128xf32, #tpu.memory_space<vmem>>
        %dma_start3A_82 = tpu.memref_squeeze %dma_start3A_81 : memref<1x80x128xf32, #tpu.memory_space<vmem>> -> memref<80x128xf32, #tpu.memory_space<vmem>>
        %dma_start3A_83 = arith.constant 0 : i32
        %dma_start3A_84 = tpu.memref_slice %arg9[%add3A, %dma_start3A_83] : memref<10240x128xf32, #tpu.memory_space<vmem_shared>> -> memref<80x128xf32, #tpu.memory_space<vmem_shared>>
        %dma_start3A_85 = arith.constant 0 : i32
        %dma_start3A_86 = tpu.memref_slice %arg9[%add3A, %dma_start3A_85] : memref<10240x128xf32, #tpu.memory_space<vmem_shared>> -> memref<80x128xf32, #tpu.memory_space<vmem_shared>>
        %dma_start3A_87 = arith.constant 0 : i32
        %dma_start3A_88 = arith.constant 0 : i32
        %dma_start3A_89 = tpu.memref_slice %arg8[%run_scoped3A, %dma_start3A_87, %dma_start3A_88] : memref<4x80x128xf32, #tpu.memory_space<vmem>> -> memref<1x80x128xf32, #tpu.memory_space<vmem>>
        %dma_start3A_90 = tpu.memref_squeeze %dma_start3A_89 : memref<1x80x128xf32, #tpu.memory_space<vmem>> -> memref<80x128xf32, #tpu.memory_space<vmem>>
        tpu.enqueue_dma source(%dma_start3A_90 : memref<80x128xf32, #tpu.memory_space<vmem>>) target(%dma_start3A_86 : memref<80x128xf32, #tpu.memory_space<vmem_shared>>) target_semaphore(%run_scoped3A_78 : memref<!tpu.dma_semaphore, #tpu.memory_space<semaphore_mem>>)
        %dma_wait3A_91 = arith.constant 0 : i32
        %dma_wait3A_92 = arith.constant 0 : i32
        %dma_wait3A_93 = tpu.memref_slice %arg8[%run_scoped3A, %dma_wait3A_91, %dma_wait3A_92] : memref<4x80x128xf32, #tpu.memory_space<vmem>> -> memref<1x80x128xf32, #tpu.memory_space<vmem>>
        %dma_wait3A_94 = tpu.memref_squeeze %dma_wait3A_93 : memref<1x80x128xf32, #tpu.memory_space<vmem>> -> memref<80x128xf32, #tpu.memory_space<vmem>>
        %dma_wait3A_95 = arith.constant 0 : i32
        %dma_wait3A_96 = tpu.memref_slice %arg9[%add3A, %dma_wait3A_95] : memref<10240x128xf32, #tpu.memory_space<vmem_shared>> -> memref<80x128xf32, #tpu.memory_space<vmem_shared>>
        %dma_wait3A_97 = arith.constant 0 : i32
        %dma_wait3A_98 = tpu.memref_slice %arg9[%add3A, %dma_wait3A_97] : memref<10240x128xf32, #tpu.memory_space<vmem_shared>> -> memref<80x128xf32, #tpu.memory_space<vmem_shared>>
        %dma_wait3A_99 = arith.constant 0 : i32
        %dma_wait3A_100 = arith.constant 0 : i32
        %dma_wait3A_101 = tpu.memref_slice %arg8[%run_scoped3A, %dma_wait3A_99, %dma_wait3A_100] : memref<4x80x128xf32, #tpu.memory_space<vmem>> -> memref<1x80x128xf32, #tpu.memory_space<vmem>>
        %dma_wait3A_102 = tpu.memref_squeeze %dma_wait3A_101 : memref<1x80x128xf32, #tpu.memory_space<vmem>> -> memref<80x128xf32, #tpu.memory_space<vmem>>
        tpu.wait_dma2 semaphore(%run_scoped3A_78 : memref<!tpu.dma_semaphore, #tpu.memory_space<semaphore_mem>>) src(%dma_wait3A_102 : memref<80x128xf32, #tpu.memory_space<vmem>>) dst(%dma_wait3A_98 : memref<80x128xf32, #tpu.memory_space<vmem_shared>>)
        tpu.yield
      }) : () -> ()
      %scan3A_77 = arith.constant 0 : i32
      scf.yield %scan3A_77 : i32
    }
    %scan3A_13 = arith.constant 8 : i32
    %barrier3A = arith.constant 0 : index
    tpu.barrier barrier_id(%barrier3A)
    "tpu.region"() ({
      %run_scoped3A = tpu.sem_alloc : memref<!tpu.dma_semaphore, #tpu.memory_space<semaphore_mem>>
      %dma_start3A_71 = arith.constant 0 : i32
      %dma_start3A_72 = arith.constant 0 : i32
      %dma_start3A_73 = tpu.memref_slice %arg6[%dma_start3A_71, %dma_start3A_72] : memref<24x80xi32, #tpu.memory_space<vmem>> -> memref<8x80xi32, #tpu.memory_space<vmem>>
      %dma_start3A_74 = arith.constant 0 : i32
      %dma_start3A_75 = arith.constant 0 : i32
      %dma_start3A_76 = tpu.memref_slice %arg3[%arg0, %arg1, %dma_start3A_74, %dma_start3A_75] : memref<2x16x128x80xi32, #tpu.memory_space<hbm>> -> memref<1x1x8x80xi32, #tpu.memory_space<hbm>>
      %dma_start3A_77 = tpu.memref_squeeze %dma_start3A_76 : memref<1x1x8x80xi32, #tpu.memory_space<hbm>> -> memref<8x80xi32, #tpu.memory_space<hbm>>
      %dma_start3A_78 = arith.constant 0 : i32
      %dma_start3A_79 = arith.constant 0 : i32
      %dma_start3A_80 = tpu.memref_slice %arg6[%dma_start3A_78, %dma_start3A_79] : memref<24x80xi32, #tpu.memory_space<vmem>> -> memref<8x80xi32, #tpu.memory_space<vmem>>
      %dma_start3A_81 = arith.constant 0 : i32
      %dma_start3A_82 = arith.constant 0 : i32
      %dma_start3A_83 = tpu.memref_slice %arg3[%arg0, %arg1, %dma_start3A_81, %dma_start3A_82] : memref<2x16x128x80xi32, #tpu.memory_space<hbm>> -> memref<1x1x8x80xi32, #tpu.memory_space<hbm>>
      %dma_start3A_84 = tpu.memref_squeeze %dma_start3A_83 : memref<1x1x8x80xi32, #tpu.memory_space<hbm>> -> memref<8x80xi32, #tpu.memory_space<hbm>>
      tpu.enqueue_dma source(%dma_start3A_84 : memref<8x80xi32, #tpu.memory_space<hbm>>) target(%dma_start3A_80 : memref<8x80xi32, #tpu.memory_space<vmem>>) target_semaphore(%run_scoped3A : memref<!tpu.dma_semaphore, #tpu.memory_space<semaphore_mem>>)
      %dma_wait3A_85 = arith.constant 0 : i32
      %dma_wait3A_86 = arith.constant 0 : i32
      %dma_wait3A_87 = tpu.memref_slice %arg6[%dma_wait3A_85, %dma_wait3A_86] : memref<24x80xi32, #tpu.memory_space<vmem>> -> memref<8x80xi32, #tpu.memory_space<vmem>>
      %dma_wait3A_88 = arith.constant 0 : i32
      %dma_wait3A_89 = arith.constant 0 : i32
      %dma_wait3A_90 = tpu.memref_slice %arg3[%arg0, %arg1, %dma_wait3A_88, %dma_wait3A_89] : memref<2x16x128x80xi32, #tpu.memory_space<hbm>> -> memref<1x1x8x80xi32, #tpu.memory_space<hbm>>
      %dma_wait3A_91 = tpu.memref_squeeze %dma_wait3A_90 : memref<1x1x8x80xi32, #tpu.memory_space<hbm>> -> memref<8x80xi32, #tpu.memory_space<hbm>>
      %dma_wait3A_92 = arith.constant 0 : i32
      %dma_wait3A_93 = arith.constant 0 : i32
      %dma_wait3A_94 = tpu.memref_slice %arg6[%dma_wait3A_92, %dma_wait3A_93] : memref<24x80xi32, #tpu.memory_space<vmem>> -> memref<8x80xi32, #tpu.memory_space<vmem>>
      %dma_wait3A_95 = arith.constant 0 : i32
      %dma_wait3A_96 = arith.constant 0 : i32
      %dma_wait3A_97 = tpu.memref_slice %arg3[%arg0, %arg1, %dma_wait3A_95, %dma_wait3A_96] : memref<2x16x128x80xi32, #tpu.memory_space<hbm>> -> memref<1x1x8x80xi32, #tpu.memory_space<hbm>>
      %dma_wait3A_98 = tpu.memref_squeeze %dma_wait3A_97 : memref<1x1x8x80xi32, #tpu.memory_space<hbm>> -> memref<8x80xi32, #tpu.memory_space<hbm>>
      tpu.wait_dma2 semaphore(%run_scoped3A : memref<!tpu.dma_semaphore, #tpu.memory_space<semaphore_mem>>) src(%dma_wait3A_98 : memref<8x80xi32, #tpu.memory_space<hbm>>) dst(%dma_wait3A_94 : memref<8x80xi32, #tpu.memory_space<vmem>>)
      tpu.yield
    }) : () -> ()
    "tpu.region"() ({
      %run_scoped3A = tpu.sem_alloc : memref<!tpu.dma_semaphore, #tpu.memory_space<semaphore_mem>>
      %dma_start3A_71 = arith.constant 0 : i32
      %dma_start3A_72 = arith.constant 0 : i32
      %dma_start3A_73 = tpu.memref_slice %arg7[%dma_start3A_71, %dma_start3A_72] : memref<24x80xi32, #tpu.memory_space<vmem>> -> memref<8x80xi32, #tpu.memory_space<vmem>>
      %dma_start3A_74 = arith.constant 0 : i32
      %dma_start3A_75 = arith.constant 0 : i32
      %dma_start3A_76 = tpu.memref_slice %arg4[%arg1, %dma_start3A_74, %dma_start3A_75] : memref<16x128x80xi32, #tpu.memory_space<hbm>> -> memref<1x8x80xi32, #tpu.memory_space<hbm>>
      %dma_start3A_77 = tpu.memref_squeeze %dma_start3A_76 : memref<1x8x80xi32, #tpu.memory_space<hbm>> -> memref<8x80xi32, #tpu.memory_space<hbm>>
      %dma_start3A_78 = arith.constant 0 : i32
      %dma_start3A_79 = arith.constant 0 : i32
      %dma_start3A_80 = tpu.memref_slice %arg7[%dma_start3A_78, %dma_start3A_79] : memref<24x80xi32, #tpu.memory_space<vmem>> -> memref<8x80xi32, #tpu.memory_space<vmem>>
      %dma_start3A_81 = arith.constant 0 : i32
      %dma_start3A_82 = arith.constant 0 : i32
      %dma_start3A_83 = tpu.memref_slice %arg4[%arg1, %dma_start3A_81, %dma_start3A_82] : memref<16x128x80xi32, #tpu.memory_space<hbm>> -> memref<1x8x80xi32, #tpu.memory_space<hbm>>
      %dma_start3A_84 = tpu.memref_squeeze %dma_start3A_83 : memref<1x8x80xi32, #tpu.memory_space<hbm>> -> memref<8x80xi32, #tpu.memory_space<hbm>>
      tpu.enqueue_dma source(%dma_start3A_84 : memref<8x80xi32, #tpu.memory_space<hbm>>) target(%dma_start3A_80 : memref<8x80xi32, #tpu.memory_space<vmem>>) target_semaphore(%run_scoped3A : memref<!tpu.dma_semaphore, #tpu.memory_space<semaphore_mem>>)
      %dma_wait3A_85 = arith.constant 0 : i32
      %dma_wait3A_86 = arith.constant 0 : i32
      %dma_wait3A_87 = tpu.memref_slice %arg7[%dma_wait3A_85, %dma_wait3A_86] : memref<24x80xi32, #tpu.memory_space<vmem>> -> memref<8x80xi32, #tpu.memory_space<vmem>>
      %dma_wait3A_88 = arith.constant 0 : i32
      %dma_wait3A_89 = arith.constant 0 : i32
      %dma_wait3A_90 = tpu.memref_slice %arg4[%arg1, %dma_wait3A_88, %dma_wait3A_89] : memref<16x128x80xi32, #tpu.memory_space<hbm>> -> memref<1x8x80xi32, #tpu.memory_space<hbm>>
      %dma_wait3A_91 = tpu.memref_squeeze %dma_wait3A_90 : memref<1x8x80xi32, #tpu.memory_space<hbm>> -> memref<8x80xi32, #tpu.memory_space<hbm>>
      %dma_wait3A_92 = arith.constant 0 : i32
      %dma_wait3A_93 = arith.constant 0 : i32
      %dma_wait3A_94 = tpu.memref_slice %arg7[%dma_wait3A_92, %dma_wait3A_93] : memref<24x80xi32, #tpu.memory_space<vmem>> -> memref<8x80xi32, #tpu.memory_space<vmem>>
      %dma_wait3A_95 = arith.constant 0 : i32
      %dma_wait3A_96 = arith.constant 0 : i32
      %dma_wait3A_97 = tpu.memref_slice %arg4[%arg1, %dma_wait3A_95, %dma_wait3A_96] : memref<16x128x80xi32, #tpu.memory_space<hbm>> -> memref<1x8x80xi32, #tpu.memory_space<hbm>>
      %dma_wait3A_98 = tpu.memref_squeeze %dma_wait3A_97 : memref<1x8x80xi32, #tpu.memory_space<hbm>> -> memref<8x80xi32, #tpu.memory_space<hbm>>
      tpu.wait_dma2 semaphore(%run_scoped3A : memref<!tpu.dma_semaphore, #tpu.memory_space<semaphore_mem>>) src(%dma_wait3A_98 : memref<8x80xi32, #tpu.memory_space<hbm>>) dst(%dma_wait3A_94 : memref<8x80xi32, #tpu.memory_space<vmem>>)
      tpu.yield
    }) : () -> ()
    %dma_start3A = arith.constant 0 : i32
    %dma_start3A_14 = arith.constant 0 : i32
    %dma_start3A_15 = arith.constant 0 : i32
    %dma_start3A_16 = arith.constant 0 : i32
    %dma_start3A_17 = tpu.memref_slice %arg8[%dma_start3A_14, %dma_start3A_15, %dma_start3A_16] : memref<4x80x128xf32, #tpu.memory_space<vmem>> -> memref<1x80x128xf32, #tpu.memory_space<vmem>>
    %dma_start3A_18 = tpu.memref_squeeze %dma_start3A_17 : memref<1x80x128xf32, #tpu.memory_space<vmem>> -> memref<80x128xf32, #tpu.memory_space<vmem>>
    %dma_start3A_19 = arith.constant 0 : i32
    %dma_start3A_20 = tpu.memref_slice %arg6[%dma_start3A, %dma_start3A_19] : memref<24x80xi32, #tpu.memory_space<vmem>> -> memref<1x80xi32, #tpu.memory_space<vmem>>
    %dma_start3A_21 = tpu.memref_squeeze %dma_start3A_20 : memref<1x80xi32, #tpu.memory_space<vmem>> -> memref<80xi32, #tpu.memory_space<vmem>>
    %dma_start3A_22 = arith.constant 0 : i32
    %dma_start3A_23 = arith.constant 0 : i32
    %dma_start3A_24 = tpu.memref_slice %arg2[%dma_start3A_22, %dma_start3A_23] : memref<20000x128xf32, #tpu.memory_space<hbm>> -> memref<20000x128xf32, #tpu.memory_space<hbm>>
    tpu.enqueue_indirect_dma source(%dma_start3A_24 : memref<20000x128xf32, #tpu.memory_space<hbm>>) target(%dma_start3A_18 : memref<80x128xf32, #tpu.memory_space<vmem>>) offsets(%dma_start3A_21 : memref<80xi32, #tpu.memory_space<vmem>>) semaphore(%arg10 : memref<!tpu.dma_semaphore, #tpu.memory_space<semaphore_mem>>)
    %dma_start3A_25 = arith.constant 1 : i32
    %dma_start3A_26 = arith.constant 1 : i32
    %dma_start3A_27 = arith.constant 0 : i32
    %dma_start3A_28 = arith.constant 0 : i32
    %dma_start3A_29 = tpu.memref_slice %arg8[%dma_start3A_26, %dma_start3A_27, %dma_start3A_28] : memref<4x80x128xf32, #tpu.memory_space<vmem>> -> memref<1x80x128xf32, #tpu.memory_space<vmem>>
    %dma_start3A_30 = tpu.memref_squeeze %dma_start3A_29 : memref<1x80x128xf32, #tpu.memory_space<vmem>> -> memref<80x128xf32, #tpu.memory_space<vmem>>
    %dma_start3A_31 = arith.constant 0 : i32
    %dma_start3A_32 = tpu.memref_slice %arg6[%dma_start3A_25, %dma_start3A_31] : memref<24x80xi32, #tpu.memory_space<vmem>> -> memref<1x80xi32, #tpu.memory_space<vmem>>
    %dma_start3A_33 = tpu.memref_squeeze %dma_start3A_32 : memref<1x80xi32, #tpu.memory_space<vmem>> -> memref<80xi32, #tpu.memory_space<vmem>>
    %dma_start3A_34 = arith.constant 0 : i32
    %dma_start3A_35 = arith.constant 0 : i32
    %dma_start3A_36 = tpu.memref_slice %arg2[%dma_start3A_34, %dma_start3A_35] : memref<20000x128xf32, #tpu.memory_space<hbm>> -> memref<20000x128xf32, #tpu.memory_space<hbm>>
    tpu.enqueue_indirect_dma source(%dma_start3A_36 : memref<20000x128xf32, #tpu.memory_space<hbm>>) target(%dma_start3A_30 : memref<80x128xf32, #tpu.memory_space<vmem>>) offsets(%dma_start3A_33 : memref<80xi32, #tpu.memory_space<vmem>>) semaphore(%arg11 : memref<!tpu.dma_semaphore, #tpu.memory_space<semaphore_mem>>)
    %dma_start3A_37 = arith.constant 2 : i32
    %dma_start3A_38 = arith.constant 2 : i32
    %dma_start3A_39 = arith.constant 0 : i32
    %dma_start3A_40 = arith.constant 0 : i32
    %dma_start3A_41 = tpu.memref_slice %arg8[%dma_start3A_38, %dma_start3A_39, %dma_start3A_40] : memref<4x80x128xf32, #tpu.memory_space<vmem>> -> memref<1x80x128xf32, #tpu.memory_space<vmem>>
    %dma_start3A_42 = tpu.memref_squeeze %dma_start3A_41 : memref<1x80x128xf32, #tpu.memory_space<vmem>> -> memref<80x128xf32, #tpu.memory_space<vmem>>
    %dma_start3A_43 = arith.constant 0 : i32
    %dma_start3A_44 = tpu.memref_slice %arg6[%dma_start3A_37, %dma_start3A_43] : memref<24x80xi32, #tpu.memory_space<vmem>> -> memref<1x80xi32, #tpu.memory_space<vmem>>
    %dma_start3A_45 = tpu.memref_squeeze %dma_start3A_44 : memref<1x80xi32, #tpu.memory_space<vmem>> -> memref<80xi32, #tpu.memory_space<vmem>>
    %dma_start3A_46 = arith.constant 0 : i32
    %dma_start3A_47 = arith.constant 0 : i32
    %dma_start3A_48 = tpu.memref_slice %arg2[%dma_start3A_46, %dma_start3A_47] : memref<20000x128xf32, #tpu.memory_space<hbm>> -> memref<20000x128xf32, #tpu.memory_space<hbm>>
    tpu.enqueue_indirect_dma source(%dma_start3A_48 : memref<20000x128xf32, #tpu.memory_space<hbm>>) target(%dma_start3A_42 : memref<80x128xf32, #tpu.memory_space<vmem>>) offsets(%dma_start3A_45 : memref<80xi32, #tpu.memory_space<vmem>>) semaphore(%arg12 : memref<!tpu.dma_semaphore, #tpu.memory_space<semaphore_mem>>)
    %scan3A_49 = arith.constant 0 : i32
    %scan3A_50 = arith.constant 0 : i32
    %scan3A_51 = arith.constant 128 : i32
    %scan3A_52 = arith.addi %scan3A_50, %scan3A_51 : i32
    %scan3A_53 = arith.constant 1 : i32
    %scan3A_54 = scf.for %scan3A_71 = %scan3A_50 to %scan3A_52 step %scan3A_53 iter_args(%scan3A_72 = %scan3A_49) -> (i32)  : i32 {
      %add3A = arith.constant 3 : i32
      %add3A_73 = arith.addi %scan3A_71, %add3A : i32
      %jit3A = arith.constant 4 : i32
      %eq3A = arith.constant 0 : i32
      %eq3A_74 = arith.cmpi eq, %jit3A, %eq3A : i32
      %jit3A_75 = arith.constant 1 : i32
      %select_n3A = arith.select %eq3A_74, %jit3A_75, %jit3A : i32
      %rem3A = arith.remsi %add3A_73, %select_n3A : i32
      %ne3A = arith.constant 0 : i32
      %ne3A_76 = arith.cmpi ne, %rem3A, %ne3A : i32
      %lt3A = arith.constant 0 : i32
      %lt3A_77 = arith.cmpi slt, %rem3A, %lt3A : i32
      %lt3A_78 = arith.constant 0 : i32
      %lt3A_79 = arith.cmpi slt, %select_n3A, %lt3A_78 : i32
      %ne3A_80 = arith.xori %lt3A_77, %lt3A_79 : i1
      %and3A = arith.andi %ne3A_80, %ne3A_76 : i1
      %add3A_81 = arith.addi %rem3A, %select_n3A : i32
      %select_n3A_82 = arith.select %and3A, %add3A_81, %rem3A : i32
      %eq3A_83 = arith.constant 0 : i32
      %eq3A_84 = arith.cmpi eq, %select_n3A_82, %eq3A_83 : i32
      %convert_element_type3A = arith.extui %eq3A_84 : i1 to i32
      %cond3A = arith.constant 0 : i32
      %cond3A_85 = arith.cmpi ne, %convert_element_type3A, %cond3A : i32
      scf.if %cond3A_85 {
        %ge3A = arith.constant 1 : i32
        %ge3A_240 = arith.cmpi sge, %scan3A_71, %ge3A : i32
        %convert_element_type3A_241 = arith.extui %ge3A_240 : i1 to i32
        %cond3A_242 = arith.constant 0 : i32
        %cond3A_243 = arith.cmpi ne, %convert_element_type3A_241, %cond3A_242 : i32
        scf.if %cond3A_243 {
          %dma_wait3A_300 = arith.constant 0 : i32
          %dma_wait3A_301 = arith.constant 0 : i32
          %dma_wait3A_302 = arith.constant 0 : i32
          %dma_wait3A_303 = arith.constant 0 : i32
          %dma_wait3A_304 = tpu.memref_slice %arg8[%dma_wait3A_300, %dma_wait3A_302, %dma_wait3A_303] : memref<4x80x128xf32, #tpu.memory_space<vmem>> -> memref<1x80x128xf32, #tpu.memory_space<vmem>>
          %dma_wait3A_305 = tpu.memref_squeeze %dma_wait3A_304 : memref<1x80x128xf32, #tpu.memory_space<vmem>> -> memref<80x128xf32, #tpu.memory_space<vmem>>
          %dma_wait3A_306 = arith.constant 0 : i32
          %dma_wait3A_307 = tpu.memref_slice %arg7[%dma_wait3A_301, %dma_wait3A_306] : memref<24x80xi32, #tpu.memory_space<vmem>> -> memref<1x80xi32, #tpu.memory_space<vmem>>
          %dma_wait3A_308 = tpu.memref_squeeze %dma_wait3A_307 : memref<1x80xi32, #tpu.memory_space<vmem>> -> memref<80xi32, #tpu.memory_space<vmem>>
          %dma_wait3A_309 = arith.constant 0 : i32
          %dma_wait3A_310 = arith.constant 0 : i32
          %dma_wait3A_311 = tpu.memref_slice %arg9[%dma_wait3A_309, %dma_wait3A_310] : memref<10240x128xf32, #tpu.memory_space<vmem_shared>> -> memref<10240x128xf32, #tpu.memory_space<vmem_shared>>
          tpu.wait_indirect_dma semaphore(%arg14 : memref<!tpu.dma_semaphore, #tpu.memory_space<semaphore_mem>>) src(%dma_wait3A_305 : memref<80x128xf32, #tpu.memory_space<vmem>>) dst(%dma_wait3A_311 : memref<10240x128xf32, #tpu.memory_space<vmem_shared>>)
        } else {
        }
        %add3A_244 = arith.constant 3 : i32
        %add3A_245 = arith.addi %scan3A_71, %add3A_244 : i32
        %jit3A_246 = arith.constant 8 : i32
        %eq3A_247 = arith.constant 0 : i32
        %eq3A_248 = arith.cmpi eq, %jit3A_246, %eq3A_247 : i32
        %jit3A_249 = arith.constant 1 : i32
        %select_n3A_250 = arith.select %eq3A_248, %jit3A_249, %jit3A_246 : i32
        %rem3A_251 = arith.remsi %add3A_245, %select_n3A_250 : i32
        %ne3A_252 = arith.constant 0 : i32
        %ne3A_253 = arith.cmpi ne, %rem3A_251, %ne3A_252 : i32
        %lt3A_254 = arith.constant 0 : i32
        %lt3A_255 = arith.cmpi slt, %rem3A_251, %lt3A_254 : i32
        %lt3A_256 = arith.constant 0 : i32
        %lt3A_257 = arith.cmpi slt, %select_n3A_250, %lt3A_256 : i32
        %ne3A_258 = arith.xori %lt3A_255, %lt3A_257 : i1
        %and3A_259 = arith.andi %ne3A_258, %ne3A_253 : i1
        %add3A_260 = arith.addi %rem3A_251, %select_n3A_250 : i32
        %select_n3A_261 = arith.select %and3A_259, %add3A_260, %rem3A_251 : i32
        %eq3A_262 = arith.constant 0 : i32
        %eq3A_263 = arith.cmpi eq, %select_n3A_261, %eq3A_262 : i32
        %add3A_264 = arith.constant 3 : i32
        %add3A_265 = arith.addi %scan3A_71, %add3A_264 : i32
        %jit3A_266 = arith.constant 8 : i32
        %div3A = arith.divsi %add3A_265, %jit3A_266 : i32
        %sign3A = arith.constant 0 : i32
        %sign3A_267 = arith.cmpi sgt, %add3A_265, %sign3A : i32
        %sign3A_268 = arith.extui %sign3A_267 : i1 to i32
        %sign3A_269 = arith.constant 0 : i32
        %sign3A_270 = arith.cmpi slt, %add3A_265, %sign3A_269 : i32
        %sign3A_271 = arith.extui %sign3A_270 : i1 to i32
        %sign3A_272 = arith.subi %sign3A_268, %sign3A_271 : i32
        %sign3A_273 = arith.constant 0 : i32
        %sign3A_274 = arith.cmpi sgt, %jit3A_266, %sign3A_273 : i32
        %sign3A_275 = arith.extui %sign3A_274 : i1 to i32
        %sign3A_276 = arith.constant 0 : i32
        %sign3A_277 = arith.cmpi slt, %jit3A_266, %sign3A_276 : i32
        %sign3A_278 = arith.extui %sign3A_277 : i1 to i32
        %sign3A_279 = arith.subi %sign3A_275, %sign3A_278 : i32
        %ne3A_280 = arith.cmpi ne, %sign3A_272, %sign3A_279 : i32
        %rem3A_281 = arith.remsi %add3A_265, %jit3A_266 : i32
        %ne3A_282 = arith.constant 0 : i32
        %ne3A_283 = arith.cmpi ne, %rem3A_281, %ne3A_282 : i32
        %and3A_284 = arith.andi %ne3A_280, %ne3A_283 : i1
        %sub3A = arith.constant 1 : i32
        %sub3A_285 = arith.subi %div3A, %sub3A : i32
        %select_n3A_286 = arith.select %and3A_284, %sub3A_285, %div3A : i32
        %lt3A_287 = arith.constant 16 : i32
        %lt3A_288 = arith.cmpi slt, %select_n3A_286, %lt3A_287 : i32
        %and3A_289 = arith.andi %eq3A_263, %lt3A_288 : i1
        %convert_element_type3A_290 = arith.extui %and3A_289 : i1 to i32
        %cond3A_291 = arith.constant 0 : i32
        %cond3A_292 = arith.cmpi ne, %convert_element_type3A_290, %cond3A_291 : i32
        scf.if %cond3A_292 {
          %add3A_300 = arith.constant 3 : i32
          %add3A_301 = arith.addi %scan3A_71, %add3A_300 : i32
          %jit3A_302 = arith.constant 8 : i32
          %div3A_303 = arith.divsi %add3A_301, %jit3A_302 : i32
          %sign3A_304 = arith.constant 0 : i32
          %sign3A_305 = arith.cmpi sgt, %add3A_301, %sign3A_304 : i32
          %sign3A_306 = arith.extui %sign3A_305 : i1 to i32
          %sign3A_307 = arith.constant 0 : i32
          %sign3A_308 = arith.cmpi slt, %add3A_301, %sign3A_307 : i32
          %sign3A_309 = arith.extui %sign3A_308 : i1 to i32
          %sign3A_310 = arith.subi %sign3A_306, %sign3A_309 : i32
          %sign3A_311 = arith.constant 0 : i32
          %sign3A_312 = arith.cmpi sgt, %jit3A_302, %sign3A_311 : i32
          %sign3A_313 = arith.extui %sign3A_312 : i1 to i32
          %sign3A_314 = arith.constant 0 : i32
          %sign3A_315 = arith.cmpi slt, %jit3A_302, %sign3A_314 : i32
          %sign3A_316 = arith.extui %sign3A_315 : i1 to i32
          %sign3A_317 = arith.subi %sign3A_313, %sign3A_316 : i32
          %ne3A_318 = arith.cmpi ne, %sign3A_310, %sign3A_317 : i32
          %rem3A_319 = arith.remsi %add3A_301, %jit3A_302 : i32
          %ne3A_320 = arith.constant 0 : i32
          %ne3A_321 = arith.cmpi ne, %rem3A_319, %ne3A_320 : i32
          %and3A_322 = arith.andi %ne3A_318, %ne3A_321 : i1
          %sub3A_323 = arith.constant 1 : i32
          %sub3A_324 = arith.subi %div3A_303, %sub3A_323 : i32
          %select_n3A_325 = arith.select %and3A_322, %sub3A_324, %div3A_303 : i32
          %jit3A_326 = arith.constant 3 : i32
          %eq3A_327 = arith.constant 0 : i32
          %eq3A_328 = arith.cmpi eq, %jit3A_326, %eq3A_327 : i32
          %jit3A_329 = arith.constant 1 : i32
          %select_n3A_330 = arith.select %eq3A_328, %jit3A_329, %jit3A_326 : i32
          %rem3A_331 = arith.remsi %select_n3A_325, %select_n3A_330 : i32
          %ne3A_332 = arith.constant 0 : i32
          %ne3A_333 = arith.cmpi ne, %rem3A_331, %ne3A_332 : i32
          %lt3A_334 = arith.constant 0 : i32
          %lt3A_335 = arith.cmpi slt, %rem3A_331, %lt3A_334 : i32
          %lt3A_336 = arith.constant 0 : i32
          %lt3A_337 = arith.cmpi slt, %select_n3A_330, %lt3A_336 : i32
          %ne3A_338 = arith.xori %lt3A_335, %lt3A_337 : i1
          %and3A_339 = arith.andi %ne3A_338, %ne3A_333 : i1
          %add3A_340 = arith.addi %rem3A_331, %select_n3A_330 : i32
          %select_n3A_341 = arith.select %and3A_339, %add3A_340, %rem3A_331 : i32
          %mul3A_342 = arith.constant 8 : i32
          %mul3A_343 = arith.muli %select_n3A_341, %mul3A_342 : i32
          %mul3A_344 = arith.constant 8 : i32
          %mul3A_345 = arith.muli %select_n3A_325, %mul3A_344 : i32
          "tpu.region"() ({
            %run_scoped3A = tpu.sem_alloc : memref<!tpu.dma_semaphore, #tpu.memory_space<semaphore_mem>>
            %dma_start3A_348 = arith.constant 0 : i32
            %dma_start3A_349 = tpu.memref_slice %arg6[%mul3A_343, %dma_start3A_348] : memref<24x80xi32, #tpu.memory_space<vmem>> -> memref<8x80xi32, #tpu.memory_space<vmem>>
            %dma_start3A_350 = arith.constant 0 : i32
            %dma_start3A_351 = tpu.memref_slice %arg3[%arg0, %arg1, %mul3A_345, %dma_start3A_350] : memref<2x16x128x80xi32, #tpu.memory_space<hbm>> -> memref<1x1x8x80xi32, #tpu.memory_space<hbm>>
            %dma_start3A_352 = tpu.memref_squeeze %dma_start3A_351 : memref<1x1x8x80xi32, #tpu.memory_space<hbm>> -> memref<8x80xi32, #tpu.memory_space<hbm>>
            %dma_start3A_353 = arith.constant 0 : i32
            %dma_start3A_354 = tpu.memref_slice %arg6[%mul3A_343, %dma_start3A_353] : memref<24x80xi32, #tpu.memory_space<vmem>> -> memref<8x80xi32, #tpu.memory_space<vmem>>
            %dma_start3A_355 = arith.constant 0 : i32
            %dma_start3A_356 = tpu.memref_slice %arg3[%arg0, %arg1, %mul3A_345, %dma_start3A_355] : memref<2x16x128x80xi32, #tpu.memory_space<hbm>> -> memref<1x1x8x80xi32, #tpu.memory_space<hbm>>
            %dma_start3A_357 = tpu.memref_squeeze %dma_start3A_356 : memref<1x1x8x80xi32, #tpu.memory_space<hbm>> -> memref<8x80xi32, #tpu.memory_space<hbm>>
            tpu.enqueue_dma source(%dma_start3A_357 : memref<8x80xi32, #tpu.memory_space<hbm>>) target(%dma_start3A_354 : memref<8x80xi32, #tpu.memory_space<vmem>>) target_semaphore(%run_scoped3A : memref<!tpu.dma_semaphore, #tpu.memory_space<semaphore_mem>>)
            %dma_wait3A_358 = arith.constant 0 : i32
            %dma_wait3A_359 = tpu.memref_slice %arg6[%mul3A_343, %dma_wait3A_358] : memref<24x80xi32, #tpu.memory_space<vmem>> -> memref<8x80xi32, #tpu.memory_space<vmem>>
            %dma_wait3A_360 = arith.constant 0 : i32
            %dma_wait3A_361 = tpu.memref_slice %arg3[%arg0, %arg1, %mul3A_345, %dma_wait3A_360] : memref<2x16x128x80xi32, #tpu.memory_space<hbm>> -> memref<1x1x8x80xi32, #tpu.memory_space<hbm>>
            %dma_wait3A_362 = tpu.memref_squeeze %dma_wait3A_361 : memref<1x1x8x80xi32, #tpu.memory_space<hbm>> -> memref<8x80xi32, #tpu.memory_space<hbm>>
            %dma_wait3A_363 = arith.constant 0 : i32
            %dma_wait3A_364 = tpu.memref_slice %arg6[%mul3A_343, %dma_wait3A_363] : memref<24x80xi32, #tpu.memory_space<vmem>> -> memref<8x80xi32, #tpu.memory_space<vmem>>
            %dma_wait3A_365 = arith.constant 0 : i32
            %dma_wait3A_366 = tpu.memref_slice %arg3[%arg0, %arg1, %mul3A_345, %dma_wait3A_365] : memref<2x16x128x80xi32, #tpu.memory_space<hbm>> -> memref<1x1x8x80xi32, #tpu.memory_space<hbm>>
            %dma_wait3A_367 = tpu.memref_squeeze %dma_wait3A_366 : memref<1x1x8x80xi32, #tpu.memory_space<hbm>> -> memref<8x80xi32, #tpu.memory_space<hbm>>
            tpu.wait_dma2 semaphore(%run_scoped3A : memref<!tpu.dma_semaphore, #tpu.memory_space<semaphore_mem>>) src(%dma_wait3A_367 : memref<8x80xi32, #tpu.memory_space<hbm>>) dst(%dma_wait3A_364 : memref<8x80xi32, #tpu.memory_space<vmem>>)
            tpu.yield
          }) : () -> ()
          %mul3A_346 = arith.constant 8 : i32
          %mul3A_347 = arith.muli %select_n3A_325, %mul3A_346 : i32
          "tpu.region"() ({
            %run_scoped3A = tpu.sem_alloc : memref<!tpu.dma_semaphore, #tpu.memory_space<semaphore_mem>>
            %dma_start3A_348 = arith.constant 0 : i32
            %dma_start3A_349 = tpu.memref_slice %arg7[%mul3A_343, %dma_start3A_348] : memref<24x80xi32, #tpu.memory_space<vmem>> -> memref<8x80xi32, #tpu.memory_space<vmem>>
            %dma_start3A_350 = arith.constant 0 : i32
            %dma_start3A_351 = tpu.memref_slice %arg4[%arg1, %mul3A_347, %dma_start3A_350] : memref<16x128x80xi32, #tpu.memory_space<hbm>> -> memref<1x8x80xi32, #tpu.memory_space<hbm>>
            %dma_start3A_352 = tpu.memref_squeeze %dma_start3A_351 : memref<1x8x80xi32, #tpu.memory_space<hbm>> -> memref<8x80xi32, #tpu.memory_space<hbm>>
            %dma_start3A_353 = arith.constant 0 : i32
            %dma_start3A_354 = tpu.memref_slice %arg7[%mul3A_343, %dma_start3A_353] : memref<24x80xi32, #tpu.memory_space<vmem>> -> memref<8x80xi32, #tpu.memory_space<vmem>>
            %dma_start3A_355 = arith.constant 0 : i32
            %dma_start3A_356 = tpu.memref_slice %arg4[%arg1, %mul3A_347, %dma_start3A_355] : memref<16x128x80xi32, #tpu.memory_space<hbm>> -> memref<1x8x80xi32, #tpu.memory_space<hbm>>
            %dma_start3A_357 = tpu.memref_squeeze %dma_start3A_356 : memref<1x8x80xi32, #tpu.memory_space<hbm>> -> memref<8x80xi32, #tpu.memory_space<hbm>>
            tpu.enqueue_dma source(%dma_start3A_357 : memref<8x80xi32, #tpu.memory_space<hbm>>) target(%dma_start3A_354 : memref<8x80xi32, #tpu.memory_space<vmem>>) target_semaphore(%run_scoped3A : memref<!tpu.dma_semaphore, #tpu.memory_space<semaphore_mem>>)
            %dma_wait3A_358 = arith.constant 0 : i32
            %dma_wait3A_359 = tpu.memref_slice %arg7[%mul3A_343, %dma_wait3A_358] : memref<24x80xi32, #tpu.memory_space<vmem>> -> memref<8x80xi32, #tpu.memory_space<vmem>>
            %dma_wait3A_360 = arith.constant 0 : i32
            %dma_wait3A_361 = tpu.memref_slice %arg4[%arg1, %mul3A_347, %dma_wait3A_360] : memref<16x128x80xi32, #tpu.memory_space<hbm>> -> memref<1x8x80xi32, #tpu.memory_space<hbm>>
            %dma_wait3A_362 = tpu.memref_squeeze %dma_wait3A_361 : memref<1x8x80xi32, #tpu.memory_space<hbm>> -> memref<8x80xi32, #tpu.memory_space<hbm>>
            %dma_wait3A_363 = arith.constant 0 : i32
            %dma_wait3A_364 = tpu.memref_slice %arg7[%mul3A_343, %dma_wait3A_363] : memref<24x80xi32, #tpu.memory_space<vmem>> -> memref<8x80xi32, #tpu.memory_space<vmem>>
            %dma_wait3A_365 = arith.constant 0 : i32
            %dma_wait3A_366 = tpu.memref_slice %arg4[%arg1, %mul3A_347, %dma_wait3A_365] : memref<16x128x80xi32, #tpu.memory_space<hbm>> -> memref<1x8x80xi32, #tpu.memory_space<hbm>>
            %dma_wait3A_367 = tpu.memref_squeeze %dma_wait3A_366 : memref<1x8x80xi32, #tpu.memory_space<hbm>> -> memref<8x80xi32, #tpu.memory_space<hbm>>
            tpu.wait_dma2 semaphore(%run_scoped3A : memref<!tpu.dma_semaphore, #tpu.memory_space<semaphore_mem>>) src(%dma_wait3A_367 : memref<8x80xi32, #tpu.memory_space<hbm>>) dst(%dma_wait3A_364 : memref<8x80xi32, #tpu.memory_space<vmem>>)
            tpu.yield
          }) : () -> ()
        } else {
        }
        %add3A_293 = arith.constant 3 : i32
        %add3A_294 = arith.addi %scan3A_71, %add3A_293 : i32
        %lt3A_295 = arith.constant 128 : i32
        %lt3A_296 = arith.cmpi slt, %add3A_294, %lt3A_295 : i32
        %convert_element_type3A_297 = arith.extui %lt3A_296 : i1 to i32
        %cond3A_298 = arith.constant 0 : i32
        %cond3A_299 = arith.cmpi ne, %convert_element_type3A_297, %cond3A_298 : i32
        scf.if %cond3A_299 {
          %add3A_300 = arith.constant 3 : i32
          %add3A_301 = arith.addi %scan3A_71, %add3A_300 : i32
          %jit3A_302 = arith.constant 8 : i32
          %div3A_303 = arith.divsi %add3A_301, %jit3A_302 : i32
          %sign3A_304 = arith.constant 0 : i32
          %sign3A_305 = arith.cmpi sgt, %add3A_301, %sign3A_304 : i32
          %sign3A_306 = arith.extui %sign3A_305 : i1 to i32
          %sign3A_307 = arith.constant 0 : i32
          %sign3A_308 = arith.cmpi slt, %add3A_301, %sign3A_307 : i32
          %sign3A_309 = arith.extui %sign3A_308 : i1 to i32
          %sign3A_310 = arith.subi %sign3A_306, %sign3A_309 : i32
          %sign3A_311 = arith.constant 0 : i32
          %sign3A_312 = arith.cmpi sgt, %jit3A_302, %sign3A_311 : i32
          %sign3A_313 = arith.extui %sign3A_312 : i1 to i32
          %sign3A_314 = arith.constant 0 : i32
          %sign3A_315 = arith.cmpi slt, %jit3A_302, %sign3A_314 : i32
          %sign3A_316 = arith.extui %sign3A_315 : i1 to i32
          %sign3A_317 = arith.subi %sign3A_313, %sign3A_316 : i32
          %ne3A_318 = arith.cmpi ne, %sign3A_310, %sign3A_317 : i32
          %rem3A_319 = arith.remsi %add3A_301, %jit3A_302 : i32
          %ne3A_320 = arith.constant 0 : i32
          %ne3A_321 = arith.cmpi ne, %rem3A_319, %ne3A_320 : i32
          %and3A_322 = arith.andi %ne3A_318, %ne3A_321 : i1
          %sub3A_323 = arith.constant 1 : i32
          %sub3A_324 = arith.subi %div3A_303, %sub3A_323 : i32
          %select_n3A_325 = arith.select %and3A_322, %sub3A_324, %div3A_303 : i32
          %jit3A_326 = arith.constant 3 : i32
          %eq3A_327 = arith.constant 0 : i32
          %eq3A_328 = arith.cmpi eq, %jit3A_326, %eq3A_327 : i32
          %jit3A_329 = arith.constant 1 : i32
          %select_n3A_330 = arith.select %eq3A_328, %jit3A_329, %jit3A_326 : i32
          %rem3A_331 = arith.remsi %select_n3A_325, %select_n3A_330 : i32
          %ne3A_332 = arith.constant 0 : i32
          %ne3A_333 = arith.cmpi ne, %rem3A_331, %ne3A_332 : i32
          %lt3A_334 = arith.constant 0 : i32
          %lt3A_335 = arith.cmpi slt, %rem3A_331, %lt3A_334 : i32
          %lt3A_336 = arith.constant 0 : i32
          %lt3A_337 = arith.cmpi slt, %select_n3A_330, %lt3A_336 : i32
          %ne3A_338 = arith.xori %lt3A_335, %lt3A_337 : i1
          %and3A_339 = arith.andi %ne3A_338, %ne3A_333 : i1
          %add3A_340 = arith.addi %rem3A_331, %select_n3A_330 : i32
          %select_n3A_341 = arith.select %and3A_339, %add3A_340, %rem3A_331 : i32
          %mul3A_342 = arith.constant 8 : i32
          %mul3A_343 = arith.muli %select_n3A_341, %mul3A_342 : i32
          %jit3A_344 = arith.constant 8 : i32
          %eq3A_345 = arith.constant 0 : i32
          %eq3A_346 = arith.cmpi eq, %jit3A_344, %eq3A_345 : i32
          %jit3A_347 = arith.constant 1 : i32
          %select_n3A_348 = arith.select %eq3A_346, %jit3A_347, %jit3A_344 : i32
          %rem3A_349 = arith.remsi %add3A_301, %select_n3A_348 : i32
          %ne3A_350 = arith.constant 0 : i32
          %ne3A_351 = arith.cmpi ne, %rem3A_349, %ne3A_350 : i32
          %lt3A_352 = arith.constant 0 : i32
          %lt3A_353 = arith.cmpi slt, %rem3A_349, %lt3A_352 : i32
          %lt3A_354 = arith.constant 0 : i32
          %lt3A_355 = arith.cmpi slt, %select_n3A_348, %lt3A_354 : i32
          %ne3A_356 = arith.xori %lt3A_353, %lt3A_355 : i1
          %and3A_357 = arith.andi %ne3A_356, %ne3A_351 : i1
          %add3A_358 = arith.addi %rem3A_349, %select_n3A_348 : i32
          %select_n3A_359 = arith.select %and3A_357, %add3A_358, %rem3A_349 : i32
          %add3A_360 = arith.addi %mul3A_343, %select_n3A_359 : i32
          %dma_start3A_361 = arith.constant 0 : i32
          %dma_start3A_362 = arith.constant 0 : i32
          %dma_start3A_363 = arith.constant 0 : i32
          %dma_start3A_364 = tpu.memref_slice %arg8[%dma_start3A_361, %dma_start3A_362, %dma_start3A_363] : memref<4x80x128xf32, #tpu.memory_space<vmem>> -> memref<1x80x128xf32, #tpu.memory_space<vmem>>
          %dma_start3A_365 = tpu.memref_squeeze %dma_start3A_364 : memref<1x80x128xf32, #tpu.memory_space<vmem>> -> memref<80x128xf32, #tpu.memory_space<vmem>>
          %dma_start3A_366 = arith.constant 0 : i32
          %dma_start3A_367 = tpu.memref_slice %arg6[%add3A_360, %dma_start3A_366] : memref<24x80xi32, #tpu.memory_space<vmem>> -> memref<1x80xi32, #tpu.memory_space<vmem>>
          %dma_start3A_368 = tpu.memref_squeeze %dma_start3A_367 : memref<1x80xi32, #tpu.memory_space<vmem>> -> memref<80xi32, #tpu.memory_space<vmem>>
          %dma_start3A_369 = arith.constant 0 : i32
          %dma_start3A_370 = arith.constant 0 : i32
          %dma_start3A_371 = tpu.memref_slice %arg2[%dma_start3A_369, %dma_start3A_370] : memref<20000x128xf32, #tpu.memory_space<hbm>> -> memref<20000x128xf32, #tpu.memory_space<hbm>>
          tpu.enqueue_indirect_dma source(%dma_start3A_371 : memref<20000x128xf32, #tpu.memory_space<hbm>>) target(%dma_start3A_365 : memref<80x128xf32, #tpu.memory_space<vmem>>) offsets(%dma_start3A_368 : memref<80xi32, #tpu.memory_space<vmem>>) semaphore(%arg10 : memref<!tpu.dma_semaphore, #tpu.memory_space<semaphore_mem>>)
        } else {
        }
      } else {
      }
      %add3A_86 = arith.constant 3 : i32
      %add3A_87 = arith.addi %scan3A_71, %add3A_86 : i32
      %jit3A_88 = arith.constant 4 : i32
      %eq3A_89 = arith.constant 0 : i32
      %eq3A_90 = arith.cmpi eq, %jit3A_88, %eq3A_89 : i32
      %jit3A_91 = arith.constant 1 : i32
      %select_n3A_92 = arith.select %eq3A_90, %jit3A_91, %jit3A_88 : i32
      %rem3A_93 = arith.remsi %add3A_87, %select_n3A_92 : i32
      %ne3A_94 = arith.constant 0 : i32
      %ne3A_95 = arith.cmpi ne, %rem3A_93, %ne3A_94 : i32
      %lt3A_96 = arith.constant 0 : i32
      %lt3A_97 = arith.cmpi slt, %rem3A_93, %lt3A_96 : i32
      %lt3A_98 = arith.constant 0 : i32
      %lt3A_99 = arith.cmpi slt, %select_n3A_92, %lt3A_98 : i32
      %ne3A_100 = arith.xori %lt3A_97, %lt3A_99 : i1
      %and3A_101 = arith.andi %ne3A_100, %ne3A_95 : i1
      %add3A_102 = arith.addi %rem3A_93, %select_n3A_92 : i32
      %select_n3A_103 = arith.select %and3A_101, %add3A_102, %rem3A_93 : i32
      %eq3A_104 = arith.constant 1 : i32
      %eq3A_105 = arith.cmpi eq, %select_n3A_103, %eq3A_104 : i32
      %convert_element_type3A_106 = arith.extui %eq3A_105 : i1 to i32
      %cond3A_107 = arith.constant 0 : i32
      %cond3A_108 = arith.cmpi ne, %convert_element_type3A_106, %cond3A_107 : i32
      scf.if %cond3A_108 {
        %ge3A = arith.constant 1 : i32
        %ge3A_240 = arith.cmpi sge, %scan3A_71, %ge3A : i32
        %convert_element_type3A_241 = arith.extui %ge3A_240 : i1 to i32
        %cond3A_242 = arith.constant 0 : i32
        %cond3A_243 = arith.cmpi ne, %convert_element_type3A_241, %cond3A_242 : i32
        scf.if %cond3A_243 {
          %dma_wait3A_300 = arith.constant 1 : i32
          %dma_wait3A_301 = arith.constant 0 : i32
          %dma_wait3A_302 = arith.constant 0 : i32
          %dma_wait3A_303 = arith.constant 0 : i32
          %dma_wait3A_304 = tpu.memref_slice %arg8[%dma_wait3A_300, %dma_wait3A_302, %dma_wait3A_303] : memref<4x80x128xf32, #tpu.memory_space<vmem>> -> memref<1x80x128xf32, #tpu.memory_space<vmem>>
          %dma_wait3A_305 = tpu.memref_squeeze %dma_wait3A_304 : memref<1x80x128xf32, #tpu.memory_space<vmem>> -> memref<80x128xf32, #tpu.memory_space<vmem>>
          %dma_wait3A_306 = arith.constant 0 : i32
          %dma_wait3A_307 = tpu.memref_slice %arg7[%dma_wait3A_301, %dma_wait3A_306] : memref<24x80xi32, #tpu.memory_space<vmem>> -> memref<1x80xi32, #tpu.memory_space<vmem>>
          %dma_wait3A_308 = tpu.memref_squeeze %dma_wait3A_307 : memref<1x80xi32, #tpu.memory_space<vmem>> -> memref<80xi32, #tpu.memory_space<vmem>>
          %dma_wait3A_309 = arith.constant 0 : i32
          %dma_wait3A_310 = arith.constant 0 : i32
          %dma_wait3A_311 = tpu.memref_slice %arg9[%dma_wait3A_309, %dma_wait3A_310] : memref<10240x128xf32, #tpu.memory_space<vmem_shared>> -> memref<10240x128xf32, #tpu.memory_space<vmem_shared>>
          tpu.wait_indirect_dma semaphore(%arg15 : memref<!tpu.dma_semaphore, #tpu.memory_space<semaphore_mem>>) src(%dma_wait3A_305 : memref<80x128xf32, #tpu.memory_space<vmem>>) dst(%dma_wait3A_311 : memref<10240x128xf32, #tpu.memory_space<vmem_shared>>)
        } else {
        }
        %add3A_244 = arith.constant 3 : i32
        %add3A_245 = arith.addi %scan3A_71, %add3A_244 : i32
        %jit3A_246 = arith.constant 8 : i32
        %eq3A_247 = arith.constant 0 : i32
        %eq3A_248 = arith.cmpi eq, %jit3A_246, %eq3A_247 : i32
        %jit3A_249 = arith.constant 1 : i32
        %select_n3A_250 = arith.select %eq3A_248, %jit3A_249, %jit3A_246 : i32
        %rem3A_251 = arith.remsi %add3A_245, %select_n3A_250 : i32
        %ne3A_252 = arith.constant 0 : i32
        %ne3A_253 = arith.cmpi ne, %rem3A_251, %ne3A_252 : i32
        %lt3A_254 = arith.constant 0 : i32
        %lt3A_255 = arith.cmpi slt, %rem3A_251, %lt3A_254 : i32
        %lt3A_256 = arith.constant 0 : i32
        %lt3A_257 = arith.cmpi slt, %select_n3A_250, %lt3A_256 : i32
        %ne3A_258 = arith.xori %lt3A_255, %lt3A_257 : i1
        %and3A_259 = arith.andi %ne3A_258, %ne3A_253 : i1
        %add3A_260 = arith.addi %rem3A_251, %select_n3A_250 : i32
        %select_n3A_261 = arith.select %and3A_259, %add3A_260, %rem3A_251 : i32
        %eq3A_262 = arith.constant 0 : i32
        %eq3A_263 = arith.cmpi eq, %select_n3A_261, %eq3A_262 : i32
        %add3A_264 = arith.constant 3 : i32
        %add3A_265 = arith.addi %scan3A_71, %add3A_264 : i32
        %jit3A_266 = arith.constant 8 : i32
        %div3A = arith.divsi %add3A_265, %jit3A_266 : i32
        %sign3A = arith.constant 0 : i32
        %sign3A_267 = arith.cmpi sgt, %add3A_265, %sign3A : i32
        %sign3A_268 = arith.extui %sign3A_267 : i1 to i32
        %sign3A_269 = arith.constant 0 : i32
        %sign3A_270 = arith.cmpi slt, %add3A_265, %sign3A_269 : i32
        %sign3A_271 = arith.extui %sign3A_270 : i1 to i32
        %sign3A_272 = arith.subi %sign3A_268, %sign3A_271 : i32
        %sign3A_273 = arith.constant 0 : i32
        %sign3A_274 = arith.cmpi sgt, %jit3A_266, %sign3A_273 : i32
        %sign3A_275 = arith.extui %sign3A_274 : i1 to i32
        %sign3A_276 = arith.constant 0 : i32
        %sign3A_277 = arith.cmpi slt, %jit3A_266, %sign3A_276 : i32
        %sign3A_278 = arith.extui %sign3A_277 : i1 to i32
        %sign3A_279 = arith.subi %sign3A_275, %sign3A_278 : i32
        %ne3A_280 = arith.cmpi ne, %sign3A_272, %sign3A_279 : i32
        %rem3A_281 = arith.remsi %add3A_265, %jit3A_266 : i32
        %ne3A_282 = arith.constant 0 : i32
        %ne3A_283 = arith.cmpi ne, %rem3A_281, %ne3A_282 : i32
        %and3A_284 = arith.andi %ne3A_280, %ne3A_283 : i1
        %sub3A = arith.constant 1 : i32
        %sub3A_285 = arith.subi %div3A, %sub3A : i32
        %select_n3A_286 = arith.select %and3A_284, %sub3A_285, %div3A : i32
        %lt3A_287 = arith.constant 16 : i32
        %lt3A_288 = arith.cmpi slt, %select_n3A_286, %lt3A_287 : i32
        %and3A_289 = arith.andi %eq3A_263, %lt3A_288 : i1
        %convert_element_type3A_290 = arith.extui %and3A_289 : i1 to i32
        %cond3A_291 = arith.constant 0 : i32
        %cond3A_292 = arith.cmpi ne, %convert_element_type3A_290, %cond3A_291 : i32
        scf.if %cond3A_292 {
          %add3A_300 = arith.constant 3 : i32
          %add3A_301 = arith.addi %scan3A_71, %add3A_300 : i32
          %jit3A_302 = arith.constant 8 : i32
          %div3A_303 = arith.divsi %add3A_301, %jit3A_302 : i32
          %sign3A_304 = arith.constant 0 : i32
          %sign3A_305 = arith.cmpi sgt, %add3A_301, %sign3A_304 : i32
          %sign3A_306 = arith.extui %sign3A_305 : i1 to i32
          %sign3A_307 = arith.constant 0 : i32
          %sign3A_308 = arith.cmpi slt, %add3A_301, %sign3A_307 : i32
          %sign3A_309 = arith.extui %sign3A_308 : i1 to i32
          %sign3A_310 = arith.subi %sign3A_306, %sign3A_309 : i32
          %sign3A_311 = arith.constant 0 : i32
          %sign3A_312 = arith.cmpi sgt, %jit3A_302, %sign3A_311 : i32
          %sign3A_313 = arith.extui %sign3A_312 : i1 to i32
          %sign3A_314 = arith.constant 0 : i32
          %sign3A_315 = arith.cmpi slt, %jit3A_302, %sign3A_314 : i32
          %sign3A_316 = arith.extui %sign3A_315 : i1 to i32
          %sign3A_317 = arith.subi %sign3A_313, %sign3A_316 : i32
          %ne3A_318 = arith.cmpi ne, %sign3A_310, %sign3A_317 : i32
          %rem3A_319 = arith.remsi %add3A_301, %jit3A_302 : i32
          %ne3A_320 = arith.constant 0 : i32
          %ne3A_321 = arith.cmpi ne, %rem3A_319, %ne3A_320 : i32
          %and3A_322 = arith.andi %ne3A_318, %ne3A_321 : i1
          %sub3A_323 = arith.constant 1 : i32
          %sub3A_324 = arith.subi %div3A_303, %sub3A_323 : i32
          %select_n3A_325 = arith.select %and3A_322, %sub3A_324, %div3A_303 : i32
          %jit3A_326 = arith.constant 3 : i32
          %eq3A_327 = arith.constant 0 : i32
          %eq3A_328 = arith.cmpi eq, %jit3A_326, %eq3A_327 : i32
          %jit3A_329 = arith.constant 1 : i32
          %select_n3A_330 = arith.select %eq3A_328, %jit3A_329, %jit3A_326 : i32
          %rem3A_331 = arith.remsi %select_n3A_325, %select_n3A_330 : i32
          %ne3A_332 = arith.constant 0 : i32
          %ne3A_333 = arith.cmpi ne, %rem3A_331, %ne3A_332 : i32
          %lt3A_334 = arith.constant 0 : i32
          %lt3A_335 = arith.cmpi slt, %rem3A_331, %lt3A_334 : i32
          %lt3A_336 = arith.constant 0 : i32
          %lt3A_337 = arith.cmpi slt, %select_n3A_330, %lt3A_336 : i32
          %ne3A_338 = arith.xori %lt3A_335, %lt3A_337 : i1
          %and3A_339 = arith.andi %ne3A_338, %ne3A_333 : i1
          %add3A_340 = arith.addi %rem3A_331, %select_n3A_330 : i32
          %select_n3A_341 = arith.select %and3A_339, %add3A_340, %rem3A_331 : i32
          %mul3A_342 = arith.constant 8 : i32
          %mul3A_343 = arith.muli %select_n3A_341, %mul3A_342 : i32
          %mul3A_344 = arith.constant 8 : i32
          %mul3A_345 = arith.muli %select_n3A_325, %mul3A_344 : i32
          "tpu.region"() ({
            %run_scoped3A = tpu.sem_alloc : memref<!tpu.dma_semaphore, #tpu.memory_space<semaphore_mem>>
            %dma_start3A_348 = arith.constant 0 : i32
            %dma_start3A_349 = tpu.memref_slice %arg6[%mul3A_343, %dma_start3A_348] : memref<24x80xi32, #tpu.memory_space<vmem>> -> memref<8x80xi32, #tpu.memory_space<vmem>>
            %dma_start3A_350 = arith.constant 0 : i32
            %dma_start3A_351 = tpu.memref_slice %arg3[%arg0, %arg1, %mul3A_345, %dma_start3A_350] : memref<2x16x128x80xi32, #tpu.memory_space<hbm>> -> memref<1x1x8x80xi32, #tpu.memory_space<hbm>>
            %dma_start3A_352 = tpu.memref_squeeze %dma_start3A_351 : memref<1x1x8x80xi32, #tpu.memory_space<hbm>> -> memref<8x80xi32, #tpu.memory_space<hbm>>
            %dma_start3A_353 = arith.constant 0 : i32
            %dma_start3A_354 = tpu.memref_slice %arg6[%mul3A_343, %dma_start3A_353] : memref<24x80xi32, #tpu.memory_space<vmem>> -> memref<8x80xi32, #tpu.memory_space<vmem>>
            %dma_start3A_355 = arith.constant 0 : i32
            %dma_start3A_356 = tpu.memref_slice %arg3[%arg0, %arg1, %mul3A_345, %dma_start3A_355] : memref<2x16x128x80xi32, #tpu.memory_space<hbm>> -> memref<1x1x8x80xi32, #tpu.memory_space<hbm>>
            %dma_start3A_357 = tpu.memref_squeeze %dma_start3A_356 : memref<1x1x8x80xi32, #tpu.memory_space<hbm>> -> memref<8x80xi32, #tpu.memory_space<hbm>>
            tpu.enqueue_dma source(%dma_start3A_357 : memref<8x80xi32, #tpu.memory_space<hbm>>) target(%dma_start3A_354 : memref<8x80xi32, #tpu.memory_space<vmem>>) target_semaphore(%run_scoped3A : memref<!tpu.dma_semaphore, #tpu.memory_space<semaphore_mem>>)
            %dma_wait3A_358 = arith.constant 0 : i32
            %dma_wait3A_359 = tpu.memref_slice %arg6[%mul3A_343, %dma_wait3A_358] : memref<24x80xi32, #tpu.memory_space<vmem>> -> memref<8x80xi32, #tpu.memory_space<vmem>>
            %dma_wait3A_360 = arith.constant 0 : i32
            %dma_wait3A_361 = tpu.memref_slice %arg3[%arg0, %arg1, %mul3A_345, %dma_wait3A_360] : memref<2x16x128x80xi32, #tpu.memory_space<hbm>> -> memref<1x1x8x80xi32, #tpu.memory_space<hbm>>
            %dma_wait3A_362 = tpu.memref_squeeze %dma_wait3A_361 : memref<1x1x8x80xi32, #tpu.memory_space<hbm>> -> memref<8x80xi32, #tpu.memory_space<hbm>>
            %dma_wait3A_363 = arith.constant 0 : i32
            %dma_wait3A_364 = tpu.memref_slice %arg6[%mul3A_343, %dma_wait3A_363] : memref<24x80xi32, #tpu.memory_space<vmem>> -> memref<8x80xi32, #tpu.memory_space<vmem>>
            %dma_wait3A_365 = arith.constant 0 : i32
            %dma_wait3A_366 = tpu.memref_slice %arg3[%arg0, %arg1, %mul3A_345, %dma_wait3A_365] : memref<2x16x128x80xi32, #tpu.memory_space<hbm>> -> memref<1x1x8x80xi32, #tpu.memory_space<hbm>>
            %dma_wait3A_367 = tpu.memref_squeeze %dma_wait3A_366 : memref<1x1x8x80xi32, #tpu.memory_space<hbm>> -> memref<8x80xi32, #tpu.memory_space<hbm>>
            tpu.wait_dma2 semaphore(%run_scoped3A : memref<!tpu.dma_semaphore, #tpu.memory_space<semaphore_mem>>) src(%dma_wait3A_367 : memref<8x80xi32, #tpu.memory_space<hbm>>) dst(%dma_wait3A_364 : memref<8x80xi32, #tpu.memory_space<vmem>>)
            tpu.yield
          }) : () -> ()
          %mul3A_346 = arith.constant 8 : i32
          %mul3A_347 = arith.muli %select_n3A_325, %mul3A_346 : i32
          "tpu.region"() ({
            %run_scoped3A = tpu.sem_alloc : memref<!tpu.dma_semaphore, #tpu.memory_space<semaphore_mem>>
            %dma_start3A_348 = arith.constant 0 : i32
            %dma_start3A_349 = tpu.memref_slice %arg7[%mul3A_343, %dma_start3A_348] : memref<24x80xi32, #tpu.memory_space<vmem>> -> memref<8x80xi32, #tpu.memory_space<vmem>>
            %dma_start3A_350 = arith.constant 0 : i32
            %dma_start3A_351 = tpu.memref_slice %arg4[%arg1, %mul3A_347, %dma_start3A_350] : memref<16x128x80xi32, #tpu.memory_space<hbm>> -> memref<1x8x80xi32, #tpu.memory_space<hbm>>
            %dma_start3A_352 = tpu.memref_squeeze %dma_start3A_351 : memref<1x8x80xi32, #tpu.memory_space<hbm>> -> memref<8x80xi32, #tpu.memory_space<hbm>>
            %dma_start3A_353 = arith.constant 0 : i32
            %dma_start3A_354 = tpu.memref_slice %arg7[%mul3A_343, %dma_start3A_353] : memref<24x80xi32, #tpu.memory_space<vmem>> -> memref<8x80xi32, #tpu.memory_space<vmem>>
            %dma_start3A_355 = arith.constant 0 : i32
            %dma_start3A_356 = tpu.memref_slice %arg4[%arg1, %mul3A_347, %dma_start3A_355] : memref<16x128x80xi32, #tpu.memory_space<hbm>> -> memref<1x8x80xi32, #tpu.memory_space<hbm>>
            %dma_start3A_357 = tpu.memref_squeeze %dma_start3A_356 : memref<1x8x80xi32, #tpu.memory_space<hbm>> -> memref<8x80xi32, #tpu.memory_space<hbm>>
            tpu.enqueue_dma source(%dma_start3A_357 : memref<8x80xi32, #tpu.memory_space<hbm>>) target(%dma_start3A_354 : memref<8x80xi32, #tpu.memory_space<vmem>>) target_semaphore(%run_scoped3A : memref<!tpu.dma_semaphore, #tpu.memory_space<semaphore_mem>>)
            %dma_wait3A_358 = arith.constant 0 : i32
            %dma_wait3A_359 = tpu.memref_slice %arg7[%mul3A_343, %dma_wait3A_358] : memref<24x80xi32, #tpu.memory_space<vmem>> -> memref<8x80xi32, #tpu.memory_space<vmem>>
            %dma_wait3A_360 = arith.constant 0 : i32
            %dma_wait3A_361 = tpu.memref_slice %arg4[%arg1, %mul3A_347, %dma_wait3A_360] : memref<16x128x80xi32, #tpu.memory_space<hbm>> -> memref<1x8x80xi32, #tpu.memory_space<hbm>>
            %dma_wait3A_362 = tpu.memref_squeeze %dma_wait3A_361 : memref<1x8x80xi32, #tpu.memory_space<hbm>> -> memref<8x80xi32, #tpu.memory_space<hbm>>
            %dma_wait3A_363 = arith.constant 0 : i32
            %dma_wait3A_364 = tpu.memref_slice %arg7[%mul3A_343, %dma_wait3A_363] : memref<24x80xi32, #tpu.memory_space<vmem>> -> memref<8x80xi32, #tpu.memory_space<vmem>>
            %dma_wait3A_365 = arith.constant 0 : i32
            %dma_wait3A_366 = tpu.memref_slice %arg4[%arg1, %mul3A_347, %dma_wait3A_365] : memref<16x128x80xi32, #tpu.memory_space<hbm>> -> memref<1x8x80xi32, #tpu.memory_space<hbm>>
            %dma_wait3A_367 = tpu.memref_squeeze %dma_wait3A_366 : memref<1x8x80xi32, #tpu.memory_space<hbm>> -> memref<8x80xi32, #tpu.memory_space<hbm>>
            tpu.wait_dma2 semaphore(%run_scoped3A : memref<!tpu.dma_semaphore, #tpu.memory_space<semaphore_mem>>) src(%dma_wait3A_367 : memref<8x80xi32, #tpu.memory_space<hbm>>) dst(%dma_wait3A_364 : memref<8x80xi32, #tpu.memory_space<vmem>>)
            tpu.yield
          }) : () -> ()
        } else {
        }
        %add3A_293 = arith.constant 3 : i32
        %add3A_294 = arith.addi %scan3A_71, %add3A_293 : i32
        %lt3A_295 = arith.constant 128 : i32
        %lt3A_296 = arith.cmpi slt, %add3A_294, %lt3A_295 : i32
        %convert_element_type3A_297 = arith.extui %lt3A_296 : i1 to i32
        %cond3A_298 = arith.constant 0 : i32
        %cond3A_299 = arith.cmpi ne, %convert_element_type3A_297, %cond3A_298 : i32
        scf.if %cond3A_299 {
          %add3A_300 = arith.constant 3 : i32
          %add3A_301 = arith.addi %scan3A_71, %add3A_300 : i32
          %jit3A_302 = arith.constant 8 : i32
          %div3A_303 = arith.divsi %add3A_301, %jit3A_302 : i32
          %sign3A_304 = arith.constant 0 : i32
          %sign3A_305 = arith.cmpi sgt, %add3A_301, %sign3A_304 : i32
          %sign3A_306 = arith.extui %sign3A_305 : i1 to i32
          %sign3A_307 = arith.constant 0 : i32
          %sign3A_308 = arith.cmpi slt, %add3A_301, %sign3A_307 : i32
          %sign3A_309 = arith.extui %sign3A_308 : i1 to i32
          %sign3A_310 = arith.subi %sign3A_306, %sign3A_309 : i32
          %sign3A_311 = arith.constant 0 : i32
          %sign3A_312 = arith.cmpi sgt, %jit3A_302, %sign3A_311 : i32
          %sign3A_313 = arith.extui %sign3A_312 : i1 to i32
          %sign3A_314 = arith.constant 0 : i32
          %sign3A_315 = arith.cmpi slt, %jit3A_302, %sign3A_314 : i32
          %sign3A_316 = arith.extui %sign3A_315 : i1 to i32
          %sign3A_317 = arith.subi %sign3A_313, %sign3A_316 : i32
          %ne3A_318 = arith.cmpi ne, %sign3A_310, %sign3A_317 : i32
          %rem3A_319 = arith.remsi %add3A_301, %jit3A_302 : i32
          %ne3A_320 = arith.constant 0 : i32
          %ne3A_321 = arith.cmpi ne, %rem3A_319, %ne3A_320 : i32
          %and3A_322 = arith.andi %ne3A_318, %ne3A_321 : i1
          %sub3A_323 = arith.constant 1 : i32
          %sub3A_324 = arith.subi %div3A_303, %sub3A_323 : i32
          %select_n3A_325 = arith.select %and3A_322, %sub3A_324, %div3A_303 : i32
          %jit3A_326 = arith.constant 3 : i32
          %eq3A_327 = arith.constant 0 : i32
          %eq3A_328 = arith.cmpi eq, %jit3A_326, %eq3A_327 : i32
          %jit3A_329 = arith.constant 1 : i32
          %select_n3A_330 = arith.select %eq3A_328, %jit3A_329, %jit3A_326 : i32
          %rem3A_331 = arith.remsi %select_n3A_325, %select_n3A_330 : i32
          %ne3A_332 = arith.constant 0 : i32
          %ne3A_333 = arith.cmpi ne, %rem3A_331, %ne3A_332 : i32
          %lt3A_334 = arith.constant 0 : i32
          %lt3A_335 = arith.cmpi slt, %rem3A_331, %lt3A_334 : i32
          %lt3A_336 = arith.constant 0 : i32
          %lt3A_337 = arith.cmpi slt, %select_n3A_330, %lt3A_336 : i32
          %ne3A_338 = arith.xori %lt3A_335, %lt3A_337 : i1
          %and3A_339 = arith.andi %ne3A_338, %ne3A_333 : i1
          %add3A_340 = arith.addi %rem3A_331, %select_n3A_330 : i32
          %select_n3A_341 = arith.select %and3A_339, %add3A_340, %rem3A_331 : i32
          %mul3A_342 = arith.constant 8 : i32
          %mul3A_343 = arith.muli %select_n3A_341, %mul3A_342 : i32
          %jit3A_344 = arith.constant 8 : i32
          %eq3A_345 = arith.constant 0 : i32
          %eq3A_346 = arith.cmpi eq, %jit3A_344, %eq3A_345 : i32
          %jit3A_347 = arith.constant 1 : i32
          %select_n3A_348 = arith.select %eq3A_346, %jit3A_347, %jit3A_344 : i32
          %rem3A_349 = arith.remsi %add3A_301, %select_n3A_348 : i32
          %ne3A_350 = arith.constant 0 : i32
          %ne3A_351 = arith.cmpi ne, %rem3A_349, %ne3A_350 : i32
          %lt3A_352 = arith.constant 0 : i32
          %lt3A_353 = arith.cmpi slt, %rem3A_349, %lt3A_352 : i32
          %lt3A_354 = arith.constant 0 : i32
          %lt3A_355 = arith.cmpi slt, %select_n3A_348, %lt3A_354 : i32
          %ne3A_356 = arith.xori %lt3A_353, %lt3A_355 : i1
          %and3A_357 = arith.andi %ne3A_356, %ne3A_351 : i1
          %add3A_358 = arith.addi %rem3A_349, %select_n3A_348 : i32
          %select_n3A_359 = arith.select %and3A_357, %add3A_358, %rem3A_349 : i32
          %add3A_360 = arith.addi %mul3A_343, %select_n3A_359 : i32
          %dma_start3A_361 = arith.constant 1 : i32
          %dma_start3A_362 = arith.constant 0 : i32
          %dma_start3A_363 = arith.constant 0 : i32
          %dma_start3A_364 = tpu.memref_slice %arg8[%dma_start3A_361, %dma_start3A_362, %dma_start3A_363] : memref<4x80x128xf32, #tpu.memory_space<vmem>> -> memref<1x80x128xf32, #tpu.memory_space<vmem>>
          %dma_start3A_365 = tpu.memref_squeeze %dma_start3A_364 : memref<1x80x128xf32, #tpu.memory_space<vmem>> -> memref<80x128xf32, #tpu.memory_space<vmem>>
          %dma_start3A_366 = arith.constant 0 : i32
          %dma_start3A_367 = tpu.memref_slice %arg6[%add3A_360, %dma_start3A_366] : memref<24x80xi32, #tpu.memory_space<vmem>> -> memref<1x80xi32, #tpu.memory_space<vmem>>
          %dma_start3A_368 = tpu.memref_squeeze %dma_start3A_367 : memref<1x80xi32, #tpu.memory_space<vmem>> -> memref<80xi32, #tpu.memory_space<vmem>>
          %dma_start3A_369 = arith.constant 0 : i32
          %dma_start3A_370 = arith.constant 0 : i32
          %dma_start3A_371 = tpu.memref_slice %arg2[%dma_start3A_369, %dma_start3A_370] : memref<20000x128xf32, #tpu.memory_space<hbm>> -> memref<20000x128xf32, #tpu.memory_space<hbm>>
          tpu.enqueue_indirect_dma source(%dma_start3A_371 : memref<20000x128xf32, #tpu.memory_space<hbm>>) target(%dma_start3A_365 : memref<80x128xf32, #tpu.memory_space<vmem>>) offsets(%dma_start3A_368 : memref<80xi32, #tpu.memory_space<vmem>>) semaphore(%arg11 : memref<!tpu.dma_semaphore, #tpu.memory_space<semaphore_mem>>)
        } else {
        }
      } else {
      }
      %add3A_109 = arith.constant 3 : i32
      %add3A_110 = arith.addi %scan3A_71, %add3A_109 : i32
      %jit3A_111 = arith.constant 4 : i32
      %eq3A_112 = arith.constant 0 : i32
      %eq3A_113 = arith.cmpi eq, %jit3A_111, %eq3A_112 : i32
      %jit3A_114 = arith.constant 1 : i32
      %select_n3A_115 = arith.select %eq3A_113, %jit3A_114, %jit3A_111 : i32
      %rem3A_116 = arith.remsi %add3A_110, %select_n3A_115 : i32
      %ne3A_117 = arith.constant 0 : i32
      %ne3A_118 = arith.cmpi ne, %rem3A_116, %ne3A_117 : i32
      %lt3A_119 = arith.constant 0 : i32
      %lt3A_120 = arith.cmpi slt, %rem3A_116, %lt3A_119 : i32
      %lt3A_121 = arith.constant 0 : i32
      %lt3A_122 = arith.cmpi slt, %select_n3A_115, %lt3A_121 : i32
      %ne3A_123 = arith.xori %lt3A_120, %lt3A_122 : i1
      %and3A_124 = arith.andi %ne3A_123, %ne3A_118 : i1
      %add3A_125 = arith.addi %rem3A_116, %select_n3A_115 : i32
      %select_n3A_126 = arith.select %and3A_124, %add3A_125, %rem3A_116 : i32
      %eq3A_127 = arith.constant 2 : i32
      %eq3A_128 = arith.cmpi eq, %select_n3A_126, %eq3A_127 : i32
      %convert_element_type3A_129 = arith.extui %eq3A_128 : i1 to i32
      %cond3A_130 = arith.constant 0 : i32
      %cond3A_131 = arith.cmpi ne, %convert_element_type3A_129, %cond3A_130 : i32
      scf.if %cond3A_131 {
        %ge3A = arith.constant 1 : i32
        %ge3A_240 = arith.cmpi sge, %scan3A_71, %ge3A : i32
        %convert_element_type3A_241 = arith.extui %ge3A_240 : i1 to i32
        %cond3A_242 = arith.constant 0 : i32
        %cond3A_243 = arith.cmpi ne, %convert_element_type3A_241, %cond3A_242 : i32
        scf.if %cond3A_243 {
          %dma_wait3A_300 = arith.constant 2 : i32
          %dma_wait3A_301 = arith.constant 0 : i32
          %dma_wait3A_302 = arith.constant 0 : i32
          %dma_wait3A_303 = arith.constant 0 : i32
          %dma_wait3A_304 = tpu.memref_slice %arg8[%dma_wait3A_300, %dma_wait3A_302, %dma_wait3A_303] : memref<4x80x128xf32, #tpu.memory_space<vmem>> -> memref<1x80x128xf32, #tpu.memory_space<vmem>>
          %dma_wait3A_305 = tpu.memref_squeeze %dma_wait3A_304 : memref<1x80x128xf32, #tpu.memory_space<vmem>> -> memref<80x128xf32, #tpu.memory_space<vmem>>
          %dma_wait3A_306 = arith.constant 0 : i32
          %dma_wait3A_307 = tpu.memref_slice %arg7[%dma_wait3A_301, %dma_wait3A_306] : memref<24x80xi32, #tpu.memory_space<vmem>> -> memref<1x80xi32, #tpu.memory_space<vmem>>
          %dma_wait3A_308 = tpu.memref_squeeze %dma_wait3A_307 : memref<1x80xi32, #tpu.memory_space<vmem>> -> memref<80xi32, #tpu.memory_space<vmem>>
          %dma_wait3A_309 = arith.constant 0 : i32
          %dma_wait3A_310 = arith.constant 0 : i32
          %dma_wait3A_311 = tpu.memref_slice %arg9[%dma_wait3A_309, %dma_wait3A_310] : memref<10240x128xf32, #tpu.memory_space<vmem_shared>> -> memref<10240x128xf32, #tpu.memory_space<vmem_shared>>
          tpu.wait_indirect_dma semaphore(%arg16 : memref<!tpu.dma_semaphore, #tpu.memory_space<semaphore_mem>>) src(%dma_wait3A_305 : memref<80x128xf32, #tpu.memory_space<vmem>>) dst(%dma_wait3A_311 : memref<10240x128xf32, #tpu.memory_space<vmem_shared>>)
        } else {
        }
        %add3A_244 = arith.constant 3 : i32
        %add3A_245 = arith.addi %scan3A_71, %add3A_244 : i32
        %jit3A_246 = arith.constant 8 : i32
        %eq3A_247 = arith.constant 0 : i32
        %eq3A_248 = arith.cmpi eq, %jit3A_246, %eq3A_247 : i32
        %jit3A_249 = arith.constant 1 : i32
        %select_n3A_250 = arith.select %eq3A_248, %jit3A_249, %jit3A_246 : i32
        %rem3A_251 = arith.remsi %add3A_245, %select_n3A_250 : i32
        %ne3A_252 = arith.constant 0 : i32
        %ne3A_253 = arith.cmpi ne, %rem3A_251, %ne3A_252 : i32
        %lt3A_254 = arith.constant 0 : i32
        %lt3A_255 = arith.cmpi slt, %rem3A_251, %lt3A_254 : i32
        %lt3A_256 = arith.constant 0 : i32
        %lt3A_257 = arith.cmpi slt, %select_n3A_250, %lt3A_256 : i32
        %ne3A_258 = arith.xori %lt3A_255, %lt3A_257 : i1
        %and3A_259 = arith.andi %ne3A_258, %ne3A_253 : i1
        %add3A_260 = arith.addi %rem3A_251, %select_n3A_250 : i32
        %select_n3A_261 = arith.select %and3A_259, %add3A_260, %rem3A_251 : i32
        %eq3A_262 = arith.constant 0 : i32
        %eq3A_263 = arith.cmpi eq, %select_n3A_261, %eq3A_262 : i32
        %add3A_264 = arith.constant 3 : i32
        %add3A_265 = arith.addi %scan3A_71, %add3A_264 : i32
        %jit3A_266 = arith.constant 8 : i32
        %div3A = arith.divsi %add3A_265, %jit3A_266 : i32
        %sign3A = arith.constant 0 : i32
        %sign3A_267 = arith.cmpi sgt, %add3A_265, %sign3A : i32
        %sign3A_268 = arith.extui %sign3A_267 : i1 to i32
        %sign3A_269 = arith.constant 0 : i32
        %sign3A_270 = arith.cmpi slt, %add3A_265, %sign3A_269 : i32
        %sign3A_271 = arith.extui %sign3A_270 : i1 to i32
        %sign3A_272 = arith.subi %sign3A_268, %sign3A_271 : i32
        %sign3A_273 = arith.constant 0 : i32
        %sign3A_274 = arith.cmpi sgt, %jit3A_266, %sign3A_273 : i32
        %sign3A_275 = arith.extui %sign3A_274 : i1 to i32
        %sign3A_276 = arith.constant 0 : i32
        %sign3A_277 = arith.cmpi slt, %jit3A_266, %sign3A_276 : i32
        %sign3A_278 = arith.extui %sign3A_277 : i1 to i32
        %sign3A_279 = arith.subi %sign3A_275, %sign3A_278 : i32
        %ne3A_280 = arith.cmpi ne, %sign3A_272, %sign3A_279 : i32
        %rem3A_281 = arith.remsi %add3A_265, %jit3A_266 : i32
        %ne3A_282 = arith.constant 0 : i32
        %ne3A_283 = arith.cmpi ne, %rem3A_281, %ne3A_282 : i32
        %and3A_284 = arith.andi %ne3A_280, %ne3A_283 : i1
        %sub3A = arith.constant 1 : i32
        %sub3A_285 = arith.subi %div3A, %sub3A : i32
        %select_n3A_286 = arith.select %and3A_284, %sub3A_285, %div3A : i32
        %lt3A_287 = arith.constant 16 : i32
        %lt3A_288 = arith.cmpi slt, %select_n3A_286, %lt3A_287 : i32
        %and3A_289 = arith.andi %eq3A_263, %lt3A_288 : i1
        %convert_element_type3A_290 = arith.extui %and3A_289 : i1 to i32
        %cond3A_291 = arith.constant 0 : i32
        %cond3A_292 = arith.cmpi ne, %convert_element_type3A_290, %cond3A_291 : i32
        scf.if %cond3A_292 {
          %add3A_300 = arith.constant 3 : i32
          %add3A_301 = arith.addi %scan3A_71, %add3A_300 : i32
          %jit3A_302 = arith.constant 8 : i32
          %div3A_303 = arith.divsi %add3A_301, %jit3A_302 : i32
          %sign3A_304 = arith.constant 0 : i32
          %sign3A_305 = arith.cmpi sgt, %add3A_301, %sign3A_304 : i32
          %sign3A_306 = arith.extui %sign3A_305 : i1 to i32
          %sign3A_307 = arith.constant 0 : i32
          %sign3A_308 = arith.cmpi slt, %add3A_301, %sign3A_307 : i32
          %sign3A_309 = arith.extui %sign3A_308 : i1 to i32
          %sign3A_310 = arith.subi %sign3A_306, %sign3A_309 : i32
          %sign3A_311 = arith.constant 0 : i32
          %sign3A_312 = arith.cmpi sgt, %jit3A_302, %sign3A_311 : i32
          %sign3A_313 = arith.extui %sign3A_312 : i1 to i32
          %sign3A_314 = arith.constant 0 : i32
          %sign3A_315 = arith.cmpi slt, %jit3A_302, %sign3A_314 : i32
          %sign3A_316 = arith.extui %sign3A_315 : i1 to i32
          %sign3A_317 = arith.subi %sign3A_313, %sign3A_316 : i32
          %ne3A_318 = arith.cmpi ne, %sign3A_310, %sign3A_317 : i32
          %rem3A_319 = arith.remsi %add3A_301, %jit3A_302 : i32
          %ne3A_320 = arith.constant 0 : i32
          %ne3A_321 = arith.cmpi ne, %rem3A_319, %ne3A_320 : i32
          %and3A_322 = arith.andi %ne3A_318, %ne3A_321 : i1
          %sub3A_323 = arith.constant 1 : i32
          %sub3A_324 = arith.subi %div3A_303, %sub3A_323 : i32
          %select_n3A_325 = arith.select %and3A_322, %sub3A_324, %div3A_303 : i32
          %jit3A_326 = arith.constant 3 : i32
          %eq3A_327 = arith.constant 0 : i32
          %eq3A_328 = arith.cmpi eq, %jit3A_326, %eq3A_327 : i32
          %jit3A_329 = arith.constant 1 : i32
          %select_n3A_330 = arith.select %eq3A_328, %jit3A_329, %jit3A_326 : i32
          %rem3A_331 = arith.remsi %select_n3A_325, %select_n3A_330 : i32
          %ne3A_332 = arith.constant 0 : i32
          %ne3A_333 = arith.cmpi ne, %rem3A_331, %ne3A_332 : i32
          %lt3A_334 = arith.constant 0 : i32
          %lt3A_335 = arith.cmpi slt, %rem3A_331, %lt3A_334 : i32
          %lt3A_336 = arith.constant 0 : i32
          %lt3A_337 = arith.cmpi slt, %select_n3A_330, %lt3A_336 : i32
          %ne3A_338 = arith.xori %lt3A_335, %lt3A_337 : i1
          %and3A_339 = arith.andi %ne3A_338, %ne3A_333 : i1
          %add3A_340 = arith.addi %rem3A_331, %select_n3A_330 : i32
          %select_n3A_341 = arith.select %and3A_339, %add3A_340, %rem3A_331 : i32
          %mul3A_342 = arith.constant 8 : i32
          %mul3A_343 = arith.muli %select_n3A_341, %mul3A_342 : i32
          %mul3A_344 = arith.constant 8 : i32
          %mul3A_345 = arith.muli %select_n3A_325, %mul3A_344 : i32
          "tpu.region"() ({
            %run_scoped3A = tpu.sem_alloc : memref<!tpu.dma_semaphore, #tpu.memory_space<semaphore_mem>>
            %dma_start3A_348 = arith.constant 0 : i32
            %dma_start3A_349 = tpu.memref_slice %arg6[%mul3A_343, %dma_start3A_348] : memref<24x80xi32, #tpu.memory_space<vmem>> -> memref<8x80xi32, #tpu.memory_space<vmem>>
            %dma_start3A_350 = arith.constant 0 : i32
            %dma_start3A_351 = tpu.memref_slice %arg3[%arg0, %arg1, %mul3A_345, %dma_start3A_350] : memref<2x16x128x80xi32, #tpu.memory_space<hbm>> -> memref<1x1x8x80xi32, #tpu.memory_space<hbm>>
            %dma_start3A_352 = tpu.memref_squeeze %dma_start3A_351 : memref<1x1x8x80xi32, #tpu.memory_space<hbm>> -> memref<8x80xi32, #tpu.memory_space<hbm>>
            %dma_start3A_353 = arith.constant 0 : i32
            %dma_start3A_354 = tpu.memref_slice %arg6[%mul3A_343, %dma_start3A_353] : memref<24x80xi32, #tpu.memory_space<vmem>> -> memref<8x80xi32, #tpu.memory_space<vmem>>
            %dma_start3A_355 = arith.constant 0 : i32
            %dma_start3A_356 = tpu.memref_slice %arg3[%arg0, %arg1, %mul3A_345, %dma_start3A_355] : memref<2x16x128x80xi32, #tpu.memory_space<hbm>> -> memref<1x1x8x80xi32, #tpu.memory_space<hbm>>
            %dma_start3A_357 = tpu.memref_squeeze %dma_start3A_356 : memref<1x1x8x80xi32, #tpu.memory_space<hbm>> -> memref<8x80xi32, #tpu.memory_space<hbm>>
            tpu.enqueue_dma source(%dma_start3A_357 : memref<8x80xi32, #tpu.memory_space<hbm>>) target(%dma_start3A_354 : memref<8x80xi32, #tpu.memory_space<vmem>>) target_semaphore(%run_scoped3A : memref<!tpu.dma_semaphore, #tpu.memory_space<semaphore_mem>>)
            %dma_wait3A_358 = arith.constant 0 : i32
            %dma_wait3A_359 = tpu.memref_slice %arg6[%mul3A_343, %dma_wait3A_358] : memref<24x80xi32, #tpu.memory_space<vmem>> -> memref<8x80xi32, #tpu.memory_space<vmem>>
            %dma_wait3A_360 = arith.constant 0 : i32
            %dma_wait3A_361 = tpu.memref_slice %arg3[%arg0, %arg1, %mul3A_345, %dma_wait3A_360] : memref<2x16x128x80xi32, #tpu.memory_space<hbm>> -> memref<1x1x8x80xi32, #tpu.memory_space<hbm>>
            %dma_wait3A_362 = tpu.memref_squeeze %dma_wait3A_361 : memref<1x1x8x80xi32, #tpu.memory_space<hbm>> -> memref<8x80xi32, #tpu.memory_space<hbm>>
            %dma_wait3A_363 = arith.constant 0 : i32
            %dma_wait3A_364 = tpu.memref_slice %arg6[%mul3A_343, %dma_wait3A_363] : memref<24x80xi32, #tpu.memory_space<vmem>> -> memref<8x80xi32, #tpu.memory_space<vmem>>
            %dma_wait3A_365 = arith.constant 0 : i32
            %dma_wait3A_366 = tpu.memref_slice %arg3[%arg0, %arg1, %mul3A_345, %dma_wait3A_365] : memref<2x16x128x80xi32, #tpu.memory_space<hbm>> -> memref<1x1x8x80xi32, #tpu.memory_space<hbm>>
            %dma_wait3A_367 = tpu.memref_squeeze %dma_wait3A_366 : memref<1x1x8x80xi32, #tpu.memory_space<hbm>> -> memref<8x80xi32, #tpu.memory_space<hbm>>
            tpu.wait_dma2 semaphore(%run_scoped3A : memref<!tpu.dma_semaphore, #tpu.memory_space<semaphore_mem>>) src(%dma_wait3A_367 : memref<8x80xi32, #tpu.memory_space<hbm>>) dst(%dma_wait3A_364 : memref<8x80xi32, #tpu.memory_space<vmem>>)
            tpu.yield
          }) : () -> ()
          %mul3A_346 = arith.constant 8 : i32
          %mul3A_347 = arith.muli %select_n3A_325, %mul3A_346 : i32
          "tpu.region"() ({
            %run_scoped3A = tpu.sem_alloc : memref<!tpu.dma_semaphore, #tpu.memory_space<semaphore_mem>>
            %dma_start3A_348 = arith.constant 0 : i32
            %dma_start3A_349 = tpu.memref_slice %arg7[%mul3A_343, %dma_start3A_348] : memref<24x80xi32, #tpu.memory_space<vmem>> -> memref<8x80xi32, #tpu.memory_space<vmem>>
            %dma_start3A_350 = arith.constant 0 : i32
            %dma_start3A_351 = tpu.memref_slice %arg4[%arg1, %mul3A_347, %dma_start3A_350] : memref<16x128x80xi32, #tpu.memory_space<hbm>> -> memref<1x8x80xi32, #tpu.memory_space<hbm>>
            %dma_start3A_352 = tpu.memref_squeeze %dma_start3A_351 : memref<1x8x80xi32, #tpu.memory_space<hbm>> -> memref<8x80xi32, #tpu.memory_space<hbm>>
            %dma_start3A_353 = arith.constant 0 : i32
            %dma_start3A_354 = tpu.memref_slice %arg7[%mul3A_343, %dma_start3A_353] : memref<24x80xi32, #tpu.memory_space<vmem>> -> memref<8x80xi32, #tpu.memory_space<vmem>>
            %dma_start3A_355 = arith.constant 0 : i32
            %dma_start3A_356 = tpu.memref_slice %arg4[%arg1, %mul3A_347, %dma_start3A_355] : memref<16x128x80xi32, #tpu.memory_space<hbm>> -> memref<1x8x80xi32, #tpu.memory_space<hbm>>
            %dma_start3A_357 = tpu.memref_squeeze %dma_start3A_356 : memref<1x8x80xi32, #tpu.memory_space<hbm>> -> memref<8x80xi32, #tpu.memory_space<hbm>>
            tpu.enqueue_dma source(%dma_start3A_357 : memref<8x80xi32, #tpu.memory_space<hbm>>) target(%dma_start3A_354 : memref<8x80xi32, #tpu.memory_space<vmem>>) target_semaphore(%run_scoped3A : memref<!tpu.dma_semaphore, #tpu.memory_space<semaphore_mem>>)
            %dma_wait3A_358 = arith.constant 0 : i32
            %dma_wait3A_359 = tpu.memref_slice %arg7[%mul3A_343, %dma_wait3A_358] : memref<24x80xi32, #tpu.memory_space<vmem>> -> memref<8x80xi32, #tpu.memory_space<vmem>>
            %dma_wait3A_360 = arith.constant 0 : i32
            %dma_wait3A_361 = tpu.memref_slice %arg4[%arg1, %mul3A_347, %dma_wait3A_360] : memref<16x128x80xi32, #tpu.memory_space<hbm>> -> memref<1x8x80xi32, #tpu.memory_space<hbm>>
            %dma_wait3A_362 = tpu.memref_squeeze %dma_wait3A_361 : memref<1x8x80xi32, #tpu.memory_space<hbm>> -> memref<8x80xi32, #tpu.memory_space<hbm>>
            %dma_wait3A_363 = arith.constant 0 : i32
            %dma_wait3A_364 = tpu.memref_slice %arg7[%mul3A_343, %dma_wait3A_363] : memref<24x80xi32, #tpu.memory_space<vmem>> -> memref<8x80xi32, #tpu.memory_space<vmem>>
            %dma_wait3A_365 = arith.constant 0 : i32
            %dma_wait3A_366 = tpu.memref_slice %arg4[%arg1, %mul3A_347, %dma_wait3A_365] : memref<16x128x80xi32, #tpu.memory_space<hbm>> -> memref<1x8x80xi32, #tpu.memory_space<hbm>>
            %dma_wait3A_367 = tpu.memref_squeeze %dma_wait3A_366 : memref<1x8x80xi32, #tpu.memory_space<hbm>> -> memref<8x80xi32, #tpu.memory_space<hbm>>
            tpu.wait_dma2 semaphore(%run_scoped3A : memref<!tpu.dma_semaphore, #tpu.memory_space<semaphore_mem>>) src(%dma_wait3A_367 : memref<8x80xi32, #tpu.memory_space<hbm>>) dst(%dma_wait3A_364 : memref<8x80xi32, #tpu.memory_space<vmem>>)
            tpu.yield
          }) : () -> ()
        } else {
        }
        %add3A_293 = arith.constant 3 : i32
        %add3A_294 = arith.addi %scan3A_71, %add3A_293 : i32
        %lt3A_295 = arith.constant 128 : i32
        %lt3A_296 = arith.cmpi slt, %add3A_294, %lt3A_295 : i32
        %convert_element_type3A_297 = arith.extui %lt3A_296 : i1 to i32
        %cond3A_298 = arith.constant 0 : i32
        %cond3A_299 = arith.cmpi ne, %convert_element_type3A_297, %cond3A_298 : i32
        scf.if %cond3A_299 {
          %add3A_300 = arith.constant 3 : i32
          %add3A_301 = arith.addi %scan3A_71, %add3A_300 : i32
          %jit3A_302 = arith.constant 8 : i32
          %div3A_303 = arith.divsi %add3A_301, %jit3A_302 : i32
          %sign3A_304 = arith.constant 0 : i32
          %sign3A_305 = arith.cmpi sgt, %add3A_301, %sign3A_304 : i32
          %sign3A_306 = arith.extui %sign3A_305 : i1 to i32
          %sign3A_307 = arith.constant 0 : i32
          %sign3A_308 = arith.cmpi slt, %add3A_301, %sign3A_307 : i32
          %sign3A_309 = arith.extui %sign3A_308 : i1 to i32
          %sign3A_310 = arith.subi %sign3A_306, %sign3A_309 : i32
          %sign3A_311 = arith.constant 0 : i32
          %sign3A_312 = arith.cmpi sgt, %jit3A_302, %sign3A_311 : i32
          %sign3A_313 = arith.extui %sign3A_312 : i1 to i32
          %sign3A_314 = arith.constant 0 : i32
          %sign3A_315 = arith.cmpi slt, %jit3A_302, %sign3A_314 : i32
          %sign3A_316 = arith.extui %sign3A_315 : i1 to i32
          %sign3A_317 = arith.subi %sign3A_313, %sign3A_316 : i32
          %ne3A_318 = arith.cmpi ne, %sign3A_310, %sign3A_317 : i32
          %rem3A_319 = arith.remsi %add3A_301, %jit3A_302 : i32
          %ne3A_320 = arith.constant 0 : i32
          %ne3A_321 = arith.cmpi ne, %rem3A_319, %ne3A_320 : i32
          %and3A_322 = arith.andi %ne3A_318, %ne3A_321 : i1
          %sub3A_323 = arith.constant 1 : i32
          %sub3A_324 = arith.subi %div3A_303, %sub3A_323 : i32
          %select_n3A_325 = arith.select %and3A_322, %sub3A_324, %div3A_303 : i32
          %jit3A_326 = arith.constant 3 : i32
          %eq3A_327 = arith.constant 0 : i32
          %eq3A_328 = arith.cmpi eq, %jit3A_326, %eq3A_327 : i32
          %jit3A_329 = arith.constant 1 : i32
          %select_n3A_330 = arith.select %eq3A_328, %jit3A_329, %jit3A_326 : i32
          %rem3A_331 = arith.remsi %select_n3A_325, %select_n3A_330 : i32
          %ne3A_332 = arith.constant 0 : i32
          %ne3A_333 = arith.cmpi ne, %rem3A_331, %ne3A_332 : i32
          %lt3A_334 = arith.constant 0 : i32
          %lt3A_335 = arith.cmpi slt, %rem3A_331, %lt3A_334 : i32
          %lt3A_336 = arith.constant 0 : i32
          %lt3A_337 = arith.cmpi slt, %select_n3A_330, %lt3A_336 : i32
          %ne3A_338 = arith.xori %lt3A_335, %lt3A_337 : i1
          %and3A_339 = arith.andi %ne3A_338, %ne3A_333 : i1
          %add3A_340 = arith.addi %rem3A_331, %select_n3A_330 : i32
          %select_n3A_341 = arith.select %and3A_339, %add3A_340, %rem3A_331 : i32
          %mul3A_342 = arith.constant 8 : i32
          %mul3A_343 = arith.muli %select_n3A_341, %mul3A_342 : i32
          %jit3A_344 = arith.constant 8 : i32
          %eq3A_345 = arith.constant 0 : i32
          %eq3A_346 = arith.cmpi eq, %jit3A_344, %eq3A_345 : i32
          %jit3A_347 = arith.constant 1 : i32
          %select_n3A_348 = arith.select %eq3A_346, %jit3A_347, %jit3A_344 : i32
          %rem3A_349 = arith.remsi %add3A_301, %select_n3A_348 : i32
          %ne3A_350 = arith.constant 0 : i32
          %ne3A_351 = arith.cmpi ne, %rem3A_349, %ne3A_350 : i32
          %lt3A_352 = arith.constant 0 : i32
          %lt3A_353 = arith.cmpi slt, %rem3A_349, %lt3A_352 : i32
          %lt3A_354 = arith.constant 0 : i32
          %lt3A_355 = arith.cmpi slt, %select_n3A_348, %lt3A_354 : i32
          %ne3A_356 = arith.xori %lt3A_353, %lt3A_355 : i1
          %and3A_357 = arith.andi %ne3A_356, %ne3A_351 : i1
          %add3A_358 = arith.addi %rem3A_349, %select_n3A_348 : i32
          %select_n3A_359 = arith.select %and3A_357, %add3A_358, %rem3A_349 : i32
          %add3A_360 = arith.addi %mul3A_343, %select_n3A_359 : i32
          %dma_start3A_361 = arith.constant 2 : i32
          %dma_start3A_362 = arith.constant 0 : i32
          %dma_start3A_363 = arith.constant 0 : i32
          %dma_start3A_364 = tpu.memref_slice %arg8[%dma_start3A_361, %dma_start3A_362, %dma_start3A_363] : memref<4x80x128xf32, #tpu.memory_space<vmem>> -> memref<1x80x128xf32, #tpu.memory_space<vmem>>
          %dma_start3A_365 = tpu.memref_squeeze %dma_start3A_364 : memref<1x80x128xf32, #tpu.memory_space<vmem>> -> memref<80x128xf32, #tpu.memory_space<vmem>>
          %dma_start3A_366 = arith.constant 0 : i32
          %dma_start3A_367 = tpu.memref_slice %arg6[%add3A_360, %dma_start3A_366] : memref<24x80xi32, #tpu.memory_space<vmem>> -> memref<1x80xi32, #tpu.memory_space<vmem>>
          %dma_start3A_368 = tpu.memref_squeeze %dma_start3A_367 : memref<1x80xi32, #tpu.memory_space<vmem>> -> memref<80xi32, #tpu.memory_space<vmem>>
          %dma_start3A_369 = arith.constant 0 : i32
          %dma_start3A_370 = arith.constant 0 : i32
          %dma_start3A_371 = tpu.memref_slice %arg2[%dma_start3A_369, %dma_start3A_370] : memref<20000x128xf32, #tpu.memory_space<hbm>> -> memref<20000x128xf32, #tpu.memory_space<hbm>>
          tpu.enqueue_indirect_dma source(%dma_start3A_371 : memref<20000x128xf32, #tpu.memory_space<hbm>>) target(%dma_start3A_365 : memref<80x128xf32, #tpu.memory_space<vmem>>) offsets(%dma_start3A_368 : memref<80xi32, #tpu.memory_space<vmem>>) semaphore(%arg12 : memref<!tpu.dma_semaphore, #tpu.memory_space<semaphore_mem>>)
        } else {
        }
      } else {
      }
      %add3A_132 = arith.constant 3 : i32
      %add3A_133 = arith.addi %scan3A_71, %add3A_132 : i32
      %jit3A_134 = arith.constant 4 : i32
      %eq3A_135 = arith.constant 0 : i32
      %eq3A_136 = arith.cmpi eq, %jit3A_134, %eq3A_135 : i32
      %jit3A_137 = arith.constant 1 : i32
      %select_n3A_138 = arith.select %eq3A_136, %jit3A_137, %jit3A_134 : i32
      %rem3A_139 = arith.remsi %add3A_133, %select_n3A_138 : i32
      %ne3A_140 = arith.constant 0 : i32
      %ne3A_141 = arith.cmpi ne, %rem3A_139, %ne3A_140 : i32
      %lt3A_142 = arith.constant 0 : i32
      %lt3A_143 = arith.cmpi slt, %rem3A_139, %lt3A_142 : i32
      %lt3A_144 = arith.constant 0 : i32
      %lt3A_145 = arith.cmpi slt, %select_n3A_138, %lt3A_144 : i32
      %ne3A_146 = arith.xori %lt3A_143, %lt3A_145 : i1
      %and3A_147 = arith.andi %ne3A_146, %ne3A_141 : i1
      %add3A_148 = arith.addi %rem3A_139, %select_n3A_138 : i32
      %select_n3A_149 = arith.select %and3A_147, %add3A_148, %rem3A_139 : i32
      %eq3A_150 = arith.constant 3 : i32
      %eq3A_151 = arith.cmpi eq, %select_n3A_149, %eq3A_150 : i32
      %convert_element_type3A_152 = arith.extui %eq3A_151 : i1 to i32
      %cond3A_153 = arith.constant 0 : i32
      %cond3A_154 = arith.cmpi ne, %convert_element_type3A_152, %cond3A_153 : i32
      scf.if %cond3A_154 {
        %ge3A = arith.constant 1 : i32
        %ge3A_240 = arith.cmpi sge, %scan3A_71, %ge3A : i32
        %convert_element_type3A_241 = arith.extui %ge3A_240 : i1 to i32
        %cond3A_242 = arith.constant 0 : i32
        %cond3A_243 = arith.cmpi ne, %convert_element_type3A_241, %cond3A_242 : i32
        scf.if %cond3A_243 {
          %dma_wait3A_300 = arith.constant 3 : i32
          %dma_wait3A_301 = arith.constant 0 : i32
          %dma_wait3A_302 = arith.constant 0 : i32
          %dma_wait3A_303 = arith.constant 0 : i32
          %dma_wait3A_304 = tpu.memref_slice %arg8[%dma_wait3A_300, %dma_wait3A_302, %dma_wait3A_303] : memref<4x80x128xf32, #tpu.memory_space<vmem>> -> memref<1x80x128xf32, #tpu.memory_space<vmem>>
          %dma_wait3A_305 = tpu.memref_squeeze %dma_wait3A_304 : memref<1x80x128xf32, #tpu.memory_space<vmem>> -> memref<80x128xf32, #tpu.memory_space<vmem>>
          %dma_wait3A_306 = arith.constant 0 : i32
          %dma_wait3A_307 = tpu.memref_slice %arg7[%dma_wait3A_301, %dma_wait3A_306] : memref<24x80xi32, #tpu.memory_space<vmem>> -> memref<1x80xi32, #tpu.memory_space<vmem>>
          %dma_wait3A_308 = tpu.memref_squeeze %dma_wait3A_307 : memref<1x80xi32, #tpu.memory_space<vmem>> -> memref<80xi32, #tpu.memory_space<vmem>>
          %dma_wait3A_309 = arith.constant 0 : i32
          %dma_wait3A_310 = arith.constant 0 : i32
          %dma_wait3A_311 = tpu.memref_slice %arg9[%dma_wait3A_309, %dma_wait3A_310] : memref<10240x128xf32, #tpu.memory_space<vmem_shared>> -> memref<10240x128xf32, #tpu.memory_space<vmem_shared>>
          tpu.wait_indirect_dma semaphore(%arg17 : memref<!tpu.dma_semaphore, #tpu.memory_space<semaphore_mem>>) src(%dma_wait3A_305 : memref<80x128xf32, #tpu.memory_space<vmem>>) dst(%dma_wait3A_311 : memref<10240x128xf32, #tpu.memory_space<vmem_shared>>)
        } else {
        }
        %add3A_244 = arith.constant 3 : i32
        %add3A_245 = arith.addi %scan3A_71, %add3A_244 : i32
        %jit3A_246 = arith.constant 8 : i32
        %eq3A_247 = arith.constant 0 : i32
        %eq3A_248 = arith.cmpi eq, %jit3A_246, %eq3A_247 : i32
        %jit3A_249 = arith.constant 1 : i32
        %select_n3A_250 = arith.select %eq3A_248, %jit3A_249, %jit3A_246 : i32
        %rem3A_251 = arith.remsi %add3A_245, %select_n3A_250 : i32
        %ne3A_252 = arith.constant 0 : i32
        %ne3A_253 = arith.cmpi ne, %rem3A_251, %ne3A_252 : i32
        %lt3A_254 = arith.constant 0 : i32
        %lt3A_255 = arith.cmpi slt, %rem3A_251, %lt3A_254 : i32
        %lt3A_256 = arith.constant 0 : i32
        %lt3A_257 = arith.cmpi slt, %select_n3A_250, %lt3A_256 : i32
        %ne3A_258 = arith.xori %lt3A_255, %lt3A_257 : i1
        %and3A_259 = arith.andi %ne3A_258, %ne3A_253 : i1
        %add3A_260 = arith.addi %rem3A_251, %select_n3A_250 : i32
        %select_n3A_261 = arith.select %and3A_259, %add3A_260, %rem3A_251 : i32
        %eq3A_262 = arith.constant 0 : i32
        %eq3A_263 = arith.cmpi eq, %select_n3A_261, %eq3A_262 : i32
        %add3A_264 = arith.constant 3 : i32
        %add3A_265 = arith.addi %scan3A_71, %add3A_264 : i32
        %jit3A_266 = arith.constant 8 : i32
        %div3A = arith.divsi %add3A_265, %jit3A_266 : i32
        %sign3A = arith.constant 0 : i32
        %sign3A_267 = arith.cmpi sgt, %add3A_265, %sign3A : i32
        %sign3A_268 = arith.extui %sign3A_267 : i1 to i32
        %sign3A_269 = arith.constant 0 : i32
        %sign3A_270 = arith.cmpi slt, %add3A_265, %sign3A_269 : i32
        %sign3A_271 = arith.extui %sign3A_270 : i1 to i32
        %sign3A_272 = arith.subi %sign3A_268, %sign3A_271 : i32
        %sign3A_273 = arith.constant 0 : i32
        %sign3A_274 = arith.cmpi sgt, %jit3A_266, %sign3A_273 : i32
        %sign3A_275 = arith.extui %sign3A_274 : i1 to i32
        %sign3A_276 = arith.constant 0 : i32
        %sign3A_277 = arith.cmpi slt, %jit3A_266, %sign3A_276 : i32
        %sign3A_278 = arith.extui %sign3A_277 : i1 to i32
        %sign3A_279 = arith.subi %sign3A_275, %sign3A_278 : i32
        %ne3A_280 = arith.cmpi ne, %sign3A_272, %sign3A_279 : i32
        %rem3A_281 = arith.remsi %add3A_265, %jit3A_266 : i32
        %ne3A_282 = arith.constant 0 : i32
        %ne3A_283 = arith.cmpi ne, %rem3A_281, %ne3A_282 : i32
        %and3A_284 = arith.andi %ne3A_280, %ne3A_283 : i1
        %sub3A = arith.constant 1 : i32
        %sub3A_285 = arith.subi %div3A, %sub3A : i32
        %select_n3A_286 = arith.select %and3A_284, %sub3A_285, %div3A : i32
        %lt3A_287 = arith.constant 16 : i32
        %lt3A_288 = arith.cmpi slt, %select_n3A_286, %lt3A_287 : i32
        %and3A_289 = arith.andi %eq3A_263, %lt3A_288 : i1
        %convert_element_type3A_290 = arith.extui %and3A_289 : i1 to i32
        %cond3A_291 = arith.constant 0 : i32
        %cond3A_292 = arith.cmpi ne, %convert_element_type3A_290, %cond3A_291 : i32
        scf.if %cond3A_292 {
          %add3A_300 = arith.constant 3 : i32
          %add3A_301 = arith.addi %scan3A_71, %add3A_300 : i32
          %jit3A_302 = arith.constant 8 : i32
          %div3A_303 = arith.divsi %add3A_301, %jit3A_302 : i32
          %sign3A_304 = arith.constant 0 : i32
          %sign3A_305 = arith.cmpi sgt, %add3A_301, %sign3A_304 : i32
          %sign3A_306 = arith.extui %sign3A_305 : i1 to i32
          %sign3A_307 = arith.constant 0 : i32
          %sign3A_308 = arith.cmpi slt, %add3A_301, %sign3A_307 : i32
          %sign3A_309 = arith.extui %sign3A_308 : i1 to i32
          %sign3A_310 = arith.subi %sign3A_306, %sign3A_309 : i32
          %sign3A_311 = arith.constant 0 : i32
          %sign3A_312 = arith.cmpi sgt, %jit3A_302, %sign3A_311 : i32
          %sign3A_313 = arith.extui %sign3A_312 : i1 to i32
          %sign3A_314 = arith.constant 0 : i32
          %sign3A_315 = arith.cmpi slt, %jit3A_302, %sign3A_314 : i32
          %sign3A_316 = arith.extui %sign3A_315 : i1 to i32
          %sign3A_317 = arith.subi %sign3A_313, %sign3A_316 : i32
          %ne3A_318 = arith.cmpi ne, %sign3A_310, %sign3A_317 : i32
          %rem3A_319 = arith.remsi %add3A_301, %jit3A_302 : i32
          %ne3A_320 = arith.constant 0 : i32
          %ne3A_321 = arith.cmpi ne, %rem3A_319, %ne3A_320 : i32
          %and3A_322 = arith.andi %ne3A_318, %ne3A_321 : i1
          %sub3A_323 = arith.constant 1 : i32
          %sub3A_324 = arith.subi %div3A_303, %sub3A_323 : i32
          %select_n3A_325 = arith.select %and3A_322, %sub3A_324, %div3A_303 : i32
          %jit3A_326 = arith.constant 3 : i32
          %eq3A_327 = arith.constant 0 : i32
          %eq3A_328 = arith.cmpi eq, %jit3A_326, %eq3A_327 : i32
          %jit3A_329 = arith.constant 1 : i32
          %select_n3A_330 = arith.select %eq3A_328, %jit3A_329, %jit3A_326 : i32
          %rem3A_331 = arith.remsi %select_n3A_325, %select_n3A_330 : i32
          %ne3A_332 = arith.constant 0 : i32
          %ne3A_333 = arith.cmpi ne, %rem3A_331, %ne3A_332 : i32
          %lt3A_334 = arith.constant 0 : i32
          %lt3A_335 = arith.cmpi slt, %rem3A_331, %lt3A_334 : i32
          %lt3A_336 = arith.constant 0 : i32
          %lt3A_337 = arith.cmpi slt, %select_n3A_330, %lt3A_336 : i32
          %ne3A_338 = arith.xori %lt3A_335, %lt3A_337 : i1
          %and3A_339 = arith.andi %ne3A_338, %ne3A_333 : i1
          %add3A_340 = arith.addi %rem3A_331, %select_n3A_330 : i32
          %select_n3A_341 = arith.select %and3A_339, %add3A_340, %rem3A_331 : i32
          %mul3A_342 = arith.constant 8 : i32
          %mul3A_343 = arith.muli %select_n3A_341, %mul3A_342 : i32
          %mul3A_344 = arith.constant 8 : i32
          %mul3A_345 = arith.muli %select_n3A_325, %mul3A_344 : i32
          "tpu.region"() ({
            %run_scoped3A = tpu.sem_alloc : memref<!tpu.dma_semaphore, #tpu.memory_space<semaphore_mem>>
            %dma_start3A_348 = arith.constant 0 : i32
            %dma_start3A_349 = tpu.memref_slice %arg6[%mul3A_343, %dma_start3A_348] : memref<24x80xi32, #tpu.memory_space<vmem>> -> memref<8x80xi32, #tpu.memory_space<vmem>>
            %dma_start3A_350 = arith.constant 0 : i32
            %dma_start3A_351 = tpu.memref_slice %arg3[%arg0, %arg1, %mul3A_345, %dma_start3A_350] : memref<2x16x128x80xi32, #tpu.memory_space<hbm>> -> memref<1x1x8x80xi32, #tpu.memory_space<hbm>>
            %dma_start3A_352 = tpu.memref_squeeze %dma_start3A_351 : memref<1x1x8x80xi32, #tpu.memory_space<hbm>> -> memref<8x80xi32, #tpu.memory_space<hbm>>
            %dma_start3A_353 = arith.constant 0 : i32
            %dma_start3A_354 = tpu.memref_slice %arg6[%mul3A_343, %dma_start3A_353] : memref<24x80xi32, #tpu.memory_space<vmem>> -> memref<8x80xi32, #tpu.memory_space<vmem>>
            %dma_start3A_355 = arith.constant 0 : i32
            %dma_start3A_356 = tpu.memref_slice %arg3[%arg0, %arg1, %mul3A_345, %dma_start3A_355] : memref<2x16x128x80xi32, #tpu.memory_space<hbm>> -> memref<1x1x8x80xi32, #tpu.memory_space<hbm>>
            %dma_start3A_357 = tpu.memref_squeeze %dma_start3A_356 : memref<1x1x8x80xi32, #tpu.memory_space<hbm>> -> memref<8x80xi32, #tpu.memory_space<hbm>>
            tpu.enqueue_dma source(%dma_start3A_357 : memref<8x80xi32, #tpu.memory_space<hbm>>) target(%dma_start3A_354 : memref<8x80xi32, #tpu.memory_space<vmem>>) target_semaphore(%run_scoped3A : memref<!tpu.dma_semaphore, #tpu.memory_space<semaphore_mem>>)
            %dma_wait3A_358 = arith.constant 0 : i32
            %dma_wait3A_359 = tpu.memref_slice %arg6[%mul3A_343, %dma_wait3A_358] : memref<24x80xi32, #tpu.memory_space<vmem>> -> memref<8x80xi32, #tpu.memory_space<vmem>>
            %dma_wait3A_360 = arith.constant 0 : i32
            %dma_wait3A_361 = tpu.memref_slice %arg3[%arg0, %arg1, %mul3A_345, %dma_wait3A_360] : memref<2x16x128x80xi32, #tpu.memory_space<hbm>> -> memref<1x1x8x80xi32, #tpu.memory_space<hbm>>
            %dma_wait3A_362 = tpu.memref_squeeze %dma_wait3A_361 : memref<1x1x8x80xi32, #tpu.memory_space<hbm>> -> memref<8x80xi32, #tpu.memory_space<hbm>>
            %dma_wait3A_363 = arith.constant 0 : i32
            %dma_wait3A_364 = tpu.memref_slice %arg6[%mul3A_343, %dma_wait3A_363] : memref<24x80xi32, #tpu.memory_space<vmem>> -> memref<8x80xi32, #tpu.memory_space<vmem>>
            %dma_wait3A_365 = arith.constant 0 : i32
            %dma_wait3A_366 = tpu.memref_slice %arg3[%arg0, %arg1, %mul3A_345, %dma_wait3A_365] : memref<2x16x128x80xi32, #tpu.memory_space<hbm>> -> memref<1x1x8x80xi32, #tpu.memory_space<hbm>>
            %dma_wait3A_367 = tpu.memref_squeeze %dma_wait3A_366 : memref<1x1x8x80xi32, #tpu.memory_space<hbm>> -> memref<8x80xi32, #tpu.memory_space<hbm>>
            tpu.wait_dma2 semaphore(%run_scoped3A : memref<!tpu.dma_semaphore, #tpu.memory_space<semaphore_mem>>) src(%dma_wait3A_367 : memref<8x80xi32, #tpu.memory_space<hbm>>) dst(%dma_wait3A_364 : memref<8x80xi32, #tpu.memory_space<vmem>>)
            tpu.yield
          }) : () -> ()
          %mul3A_346 = arith.constant 8 : i32
          %mul3A_347 = arith.muli %select_n3A_325, %mul3A_346 : i32
          "tpu.region"() ({
            %run_scoped3A = tpu.sem_alloc : memref<!tpu.dma_semaphore, #tpu.memory_space<semaphore_mem>>
            %dma_start3A_348 = arith.constant 0 : i32
            %dma_start3A_349 = tpu.memref_slice %arg7[%mul3A_343, %dma_start3A_348] : memref<24x80xi32, #tpu.memory_space<vmem>> -> memref<8x80xi32, #tpu.memory_space<vmem>>
            %dma_start3A_350 = arith.constant 0 : i32
            %dma_start3A_351 = tpu.memref_slice %arg4[%arg1, %mul3A_347, %dma_start3A_350] : memref<16x128x80xi32, #tpu.memory_space<hbm>> -> memref<1x8x80xi32, #tpu.memory_space<hbm>>
            %dma_start3A_352 = tpu.memref_squeeze %dma_start3A_351 : memref<1x8x80xi32, #tpu.memory_space<hbm>> -> memref<8x80xi32, #tpu.memory_space<hbm>>
            %dma_start3A_353 = arith.constant 0 : i32
            %dma_start3A_354 = tpu.memref_slice %arg7[%mul3A_343, %dma_start3A_353] : memref<24x80xi32, #tpu.memory_space<vmem>> -> memref<8x80xi32, #tpu.memory_space<vmem>>
            %dma_start3A_355 = arith.constant 0 : i32
            %dma_start3A_356 = tpu.memref_slice %arg4[%arg1, %mul3A_347, %dma_start3A_355] : memref<16x128x80xi32, #tpu.memory_space<hbm>> -> memref<1x8x80xi32, #tpu.memory_space<hbm>>
            %dma_start3A_357 = tpu.memref_squeeze %dma_start3A_356 : memref<1x8x80xi32, #tpu.memory_space<hbm>> -> memref<8x80xi32, #tpu.memory_space<hbm>>
            tpu.enqueue_dma source(%dma_start3A_357 : memref<8x80xi32, #tpu.memory_space<hbm>>) target(%dma_start3A_354 : memref<8x80xi32, #tpu.memory_space<vmem>>) target_semaphore(%run_scoped3A : memref<!tpu.dma_semaphore, #tpu.memory_space<semaphore_mem>>)
            %dma_wait3A_358 = arith.constant 0 : i32
            %dma_wait3A_359 = tpu.memref_slice %arg7[%mul3A_343, %dma_wait3A_358] : memref<24x80xi32, #tpu.memory_space<vmem>> -> memref<8x80xi32, #tpu.memory_space<vmem>>
            %dma_wait3A_360 = arith.constant 0 : i32
            %dma_wait3A_361 = tpu.memref_slice %arg4[%arg1, %mul3A_347, %dma_wait3A_360] : memref<16x128x80xi32, #tpu.memory_space<hbm>> -> memref<1x8x80xi32, #tpu.memory_space<hbm>>
            %dma_wait3A_362 = tpu.memref_squeeze %dma_wait3A_361 : memref<1x8x80xi32, #tpu.memory_space<hbm>> -> memref<8x80xi32, #tpu.memory_space<hbm>>
            %dma_wait3A_363 = arith.constant 0 : i32
            %dma_wait3A_364 = tpu.memref_slice %arg7[%mul3A_343, %dma_wait3A_363] : memref<24x80xi32, #tpu.memory_space<vmem>> -> memref<8x80xi32, #tpu.memory_space<vmem>>
            %dma_wait3A_365 = arith.constant 0 : i32
            %dma_wait3A_366 = tpu.memref_slice %arg4[%arg1, %mul3A_347, %dma_wait3A_365] : memref<16x128x80xi32, #tpu.memory_space<hbm>> -> memref<1x8x80xi32, #tpu.memory_space<hbm>>
            %dma_wait3A_367 = tpu.memref_squeeze %dma_wait3A_366 : memref<1x8x80xi32, #tpu.memory_space<hbm>> -> memref<8x80xi32, #tpu.memory_space<hbm>>
            tpu.wait_dma2 semaphore(%run_scoped3A : memref<!tpu.dma_semaphore, #tpu.memory_space<semaphore_mem>>) src(%dma_wait3A_367 : memref<8x80xi32, #tpu.memory_space<hbm>>) dst(%dma_wait3A_364 : memref<8x80xi32, #tpu.memory_space<vmem>>)
            tpu.yield
          }) : () -> ()
        } else {
        }
        %add3A_293 = arith.constant 3 : i32
        %add3A_294 = arith.addi %scan3A_71, %add3A_293 : i32
        %lt3A_295 = arith.constant 128 : i32
        %lt3A_296 = arith.cmpi slt, %add3A_294, %lt3A_295 : i32
        %convert_element_type3A_297 = arith.extui %lt3A_296 : i1 to i32
        %cond3A_298 = arith.constant 0 : i32
        %cond3A_299 = arith.cmpi ne, %convert_element_type3A_297, %cond3A_298 : i32
        scf.if %cond3A_299 {
          %add3A_300 = arith.constant 3 : i32
          %add3A_301 = arith.addi %scan3A_71, %add3A_300 : i32
          %jit3A_302 = arith.constant 8 : i32
          %div3A_303 = arith.divsi %add3A_301, %jit3A_302 : i32
          %sign3A_304 = arith.constant 0 : i32
          %sign3A_305 = arith.cmpi sgt, %add3A_301, %sign3A_304 : i32
          %sign3A_306 = arith.extui %sign3A_305 : i1 to i32
          %sign3A_307 = arith.constant 0 : i32
          %sign3A_308 = arith.cmpi slt, %add3A_301, %sign3A_307 : i32
          %sign3A_309 = arith.extui %sign3A_308 : i1 to i32
          %sign3A_310 = arith.subi %sign3A_306, %sign3A_309 : i32
          %sign3A_311 = arith.constant 0 : i32
          %sign3A_312 = arith.cmpi sgt, %jit3A_302, %sign3A_311 : i32
          %sign3A_313 = arith.extui %sign3A_312 : i1 to i32
          %sign3A_314 = arith.constant 0 : i32
          %sign3A_315 = arith.cmpi slt, %jit3A_302, %sign3A_314 : i32
          %sign3A_316 = arith.extui %sign3A_315 : i1 to i32
          %sign3A_317 = arith.subi %sign3A_313, %sign3A_316 : i32
          %ne3A_318 = arith.cmpi ne, %sign3A_310, %sign3A_317 : i32
          %rem3A_319 = arith.remsi %add3A_301, %jit3A_302 : i32
          %ne3A_320 = arith.constant 0 : i32
          %ne3A_321 = arith.cmpi ne, %rem3A_319, %ne3A_320 : i32
          %and3A_322 = arith.andi %ne3A_318, %ne3A_321 : i1
          %sub3A_323 = arith.constant 1 : i32
          %sub3A_324 = arith.subi %div3A_303, %sub3A_323 : i32
          %select_n3A_325 = arith.select %and3A_322, %sub3A_324, %div3A_303 : i32
          %jit3A_326 = arith.constant 3 : i32
          %eq3A_327 = arith.constant 0 : i32
          %eq3A_328 = arith.cmpi eq, %jit3A_326, %eq3A_327 : i32
          %jit3A_329 = arith.constant 1 : i32
          %select_n3A_330 = arith.select %eq3A_328, %jit3A_329, %jit3A_326 : i32
          %rem3A_331 = arith.remsi %select_n3A_325, %select_n3A_330 : i32
          %ne3A_332 = arith.constant 0 : i32
          %ne3A_333 = arith.cmpi ne, %rem3A_331, %ne3A_332 : i32
          %lt3A_334 = arith.constant 0 : i32
          %lt3A_335 = arith.cmpi slt, %rem3A_331, %lt3A_334 : i32
          %lt3A_336 = arith.constant 0 : i32
          %lt3A_337 = arith.cmpi slt, %select_n3A_330, %lt3A_336 : i32
          %ne3A_338 = arith.xori %lt3A_335, %lt3A_337 : i1
          %and3A_339 = arith.andi %ne3A_338, %ne3A_333 : i1
          %add3A_340 = arith.addi %rem3A_331, %select_n3A_330 : i32
          %select_n3A_341 = arith.select %and3A_339, %add3A_340, %rem3A_331 : i32
          %mul3A_342 = arith.constant 8 : i32
          %mul3A_343 = arith.muli %select_n3A_341, %mul3A_342 : i32
          %jit3A_344 = arith.constant 8 : i32
          %eq3A_345 = arith.constant 0 : i32
          %eq3A_346 = arith.cmpi eq, %jit3A_344, %eq3A_345 : i32
          %jit3A_347 = arith.constant 1 : i32
          %select_n3A_348 = arith.select %eq3A_346, %jit3A_347, %jit3A_344 : i32
          %rem3A_349 = arith.remsi %add3A_301, %select_n3A_348 : i32
          %ne3A_350 = arith.constant 0 : i32
          %ne3A_351 = arith.cmpi ne, %rem3A_349, %ne3A_350 : i32
          %lt3A_352 = arith.constant 0 : i32
          %lt3A_353 = arith.cmpi slt, %rem3A_349, %lt3A_352 : i32
          %lt3A_354 = arith.constant 0 : i32
          %lt3A_355 = arith.cmpi slt, %select_n3A_348, %lt3A_354 : i32
          %ne3A_356 = arith.xori %lt3A_353, %lt3A_355 : i1
          %and3A_357 = arith.andi %ne3A_356, %ne3A_351 : i1
          %add3A_358 = arith.addi %rem3A_349, %select_n3A_348 : i32
          %select_n3A_359 = arith.select %and3A_357, %add3A_358, %rem3A_349 : i32
          %add3A_360 = arith.addi %mul3A_343, %select_n3A_359 : i32
          %dma_start3A_361 = arith.constant 3 : i32
          %dma_start3A_362 = arith.constant 0 : i32
          %dma_start3A_363 = arith.constant 0 : i32
          %dma_start3A_364 = tpu.memref_slice %arg8[%dma_start3A_361, %dma_start3A_362, %dma_start3A_363] : memref<4x80x128xf32, #tpu.memory_space<vmem>> -> memref<1x80x128xf32, #tpu.memory_space<vmem>>
          %dma_start3A_365 = tpu.memref_squeeze %dma_start3A_364 : memref<1x80x128xf32, #tpu.memory_space<vmem>> -> memref<80x128xf32, #tpu.memory_space<vmem>>
          %dma_start3A_366 = arith.constant 0 : i32
          %dma_start3A_367 = tpu.memref_slice %arg6[%add3A_360, %dma_start3A_366] : memref<24x80xi32, #tpu.memory_space<vmem>> -> memref<1x80xi32, #tpu.memory_space<vmem>>
          %dma_start3A_368 = tpu.memref_squeeze %dma_start3A_367 : memref<1x80xi32, #tpu.memory_space<vmem>> -> memref<80xi32, #tpu.memory_space<vmem>>
          %dma_start3A_369 = arith.constant 0 : i32
          %dma_start3A_370 = arith.constant 0 : i32
          %dma_start3A_371 = tpu.memref_slice %arg2[%dma_start3A_369, %dma_start3A_370] : memref<20000x128xf32, #tpu.memory_space<hbm>> -> memref<20000x128xf32, #tpu.memory_space<hbm>>
          tpu.enqueue_indirect_dma source(%dma_start3A_371 : memref<20000x128xf32, #tpu.memory_space<hbm>>) target(%dma_start3A_365 : memref<80x128xf32, #tpu.memory_space<vmem>>) offsets(%dma_start3A_368 : memref<80xi32, #tpu.memory_space<vmem>>) semaphore(%arg13 : memref<!tpu.dma_semaphore, #tpu.memory_space<semaphore_mem>>)
        } else {
        }
      } else {
      }
      %jit3A_155 = arith.constant 4 : i32
      %eq3A_156 = arith.constant 0 : i32
      %eq3A_157 = arith.cmpi eq, %jit3A_155, %eq3A_156 : i32
      %jit3A_158 = arith.constant 1 : i32
      %select_n3A_159 = arith.select %eq3A_157, %jit3A_158, %jit3A_155 : i32
      %rem3A_160 = arith.remsi %scan3A_71, %select_n3A_159 : i32
      %ne3A_161 = arith.constant 0 : i32
      %ne3A_162 = arith.cmpi ne, %rem3A_160, %ne3A_161 : i32
      %lt3A_163 = arith.constant 0 : i32
      %lt3A_164 = arith.cmpi slt, %rem3A_160, %lt3A_163 : i32
      %lt3A_165 = arith.constant 0 : i32
      %lt3A_166 = arith.cmpi slt, %select_n3A_159, %lt3A_165 : i32
      %ne3A_167 = arith.xori %lt3A_164, %lt3A_166 : i1
      %and3A_168 = arith.andi %ne3A_167, %ne3A_162 : i1
      %add3A_169 = arith.addi %rem3A_160, %select_n3A_159 : i32
      %select_n3A_170 = arith.select %and3A_168, %add3A_169, %rem3A_160 : i32
      %eq3A_171 = arith.constant 0 : i32
      %eq3A_172 = arith.cmpi eq, %select_n3A_170, %eq3A_171 : i32
      %convert_element_type3A_173 = arith.extui %eq3A_172 : i1 to i32
      %cond3A_174 = arith.constant 0 : i32
      %cond3A_175 = arith.cmpi ne, %convert_element_type3A_173, %cond3A_174 : i32
      scf.if %cond3A_175 {
        %dma_wait3A_240 = arith.constant 0 : i32
        %dma_wait3A_241 = arith.constant 0 : i32
        %dma_wait3A_242 = arith.constant 0 : i32
        %dma_wait3A_243 = arith.constant 0 : i32
        %dma_wait3A_244 = tpu.memref_slice %arg8[%dma_wait3A_241, %dma_wait3A_242, %dma_wait3A_243] : memref<4x80x128xf32, #tpu.memory_space<vmem>> -> memref<1x80x128xf32, #tpu.memory_space<vmem>>
        %dma_wait3A_245 = tpu.memref_squeeze %dma_wait3A_244 : memref<1x80x128xf32, #tpu.memory_space<vmem>> -> memref<80x128xf32, #tpu.memory_space<vmem>>
        %dma_wait3A_246 = arith.constant 0 : i32
        %dma_wait3A_247 = tpu.memref_slice %arg6[%dma_wait3A_240, %dma_wait3A_246] : memref<24x80xi32, #tpu.memory_space<vmem>> -> memref<1x80xi32, #tpu.memory_space<vmem>>
        %dma_wait3A_248 = tpu.memref_squeeze %dma_wait3A_247 : memref<1x80xi32, #tpu.memory_space<vmem>> -> memref<80xi32, #tpu.memory_space<vmem>>
        %dma_wait3A_249 = arith.constant 0 : i32
        %dma_wait3A_250 = arith.constant 0 : i32
        %dma_wait3A_251 = tpu.memref_slice %arg2[%dma_wait3A_249, %dma_wait3A_250] : memref<20000x128xf32, #tpu.memory_space<hbm>> -> memref<20000x128xf32, #tpu.memory_space<hbm>>
        tpu.wait_indirect_dma semaphore(%arg10 : memref<!tpu.dma_semaphore, #tpu.memory_space<semaphore_mem>>) src(%dma_wait3A_251 : memref<20000x128xf32, #tpu.memory_space<hbm>>) dst(%dma_wait3A_245 : memref<80x128xf32, #tpu.memory_space<vmem>>)
        %jit3A_252 = arith.constant 8 : i32
        %div3A = arith.divsi %scan3A_71, %jit3A_252 : i32
        %sign3A = arith.constant 0 : i32
        %sign3A_253 = arith.cmpi sgt, %scan3A_71, %sign3A : i32
        %sign3A_254 = arith.extui %sign3A_253 : i1 to i32
        %sign3A_255 = arith.constant 0 : i32
        %sign3A_256 = arith.cmpi slt, %scan3A_71, %sign3A_255 : i32
        %sign3A_257 = arith.extui %sign3A_256 : i1 to i32
        %sign3A_258 = arith.subi %sign3A_254, %sign3A_257 : i32
        %sign3A_259 = arith.constant 0 : i32
        %sign3A_260 = arith.cmpi sgt, %jit3A_252, %sign3A_259 : i32
        %sign3A_261 = arith.extui %sign3A_260 : i1 to i32
        %sign3A_262 = arith.constant 0 : i32
        %sign3A_263 = arith.cmpi slt, %jit3A_252, %sign3A_262 : i32
        %sign3A_264 = arith.extui %sign3A_263 : i1 to i32
        %sign3A_265 = arith.subi %sign3A_261, %sign3A_264 : i32
        %ne3A_266 = arith.cmpi ne, %sign3A_258, %sign3A_265 : i32
        %rem3A_267 = arith.remsi %scan3A_71, %jit3A_252 : i32
        %ne3A_268 = arith.constant 0 : i32
        %ne3A_269 = arith.cmpi ne, %rem3A_267, %ne3A_268 : i32
        %and3A_270 = arith.andi %ne3A_266, %ne3A_269 : i1
        %sub3A = arith.constant 1 : i32
        %sub3A_271 = arith.subi %div3A, %sub3A : i32
        %select_n3A_272 = arith.select %and3A_270, %sub3A_271, %div3A : i32
        %jit3A_273 = arith.constant 3 : i32
        %eq3A_274 = arith.constant 0 : i32
        %eq3A_275 = arith.cmpi eq, %jit3A_273, %eq3A_274 : i32
        %jit3A_276 = arith.constant 1 : i32
        %select_n3A_277 = arith.select %eq3A_275, %jit3A_276, %jit3A_273 : i32
        %rem3A_278 = arith.remsi %select_n3A_272, %select_n3A_277 : i32
        %ne3A_279 = arith.constant 0 : i32
        %ne3A_280 = arith.cmpi ne, %rem3A_278, %ne3A_279 : i32
        %lt3A_281 = arith.constant 0 : i32
        %lt3A_282 = arith.cmpi slt, %rem3A_278, %lt3A_281 : i32
        %lt3A_283 = arith.constant 0 : i32
        %lt3A_284 = arith.cmpi slt, %select_n3A_277, %lt3A_283 : i32
        %ne3A_285 = arith.xori %lt3A_282, %lt3A_284 : i1
        %and3A_286 = arith.andi %ne3A_285, %ne3A_280 : i1
        %add3A_287 = arith.addi %rem3A_278, %select_n3A_277 : i32
        %select_n3A_288 = arith.select %and3A_286, %add3A_287, %rem3A_278 : i32
        %mul3A_289 = arith.constant 8 : i32
        %mul3A_290 = arith.muli %select_n3A_288, %mul3A_289 : i32
        %jit3A_291 = arith.constant 8 : i32
        %eq3A_292 = arith.constant 0 : i32
        %eq3A_293 = arith.cmpi eq, %jit3A_291, %eq3A_292 : i32
        %jit3A_294 = arith.constant 1 : i32
        %select_n3A_295 = arith.select %eq3A_293, %jit3A_294, %jit3A_291 : i32
        %rem3A_296 = arith.remsi %scan3A_71, %select_n3A_295 : i32
        %ne3A_297 = arith.constant 0 : i32
        %ne3A_298 = arith.cmpi ne, %rem3A_296, %ne3A_297 : i32
        %lt3A_299 = arith.constant 0 : i32
        %lt3A_300 = arith.cmpi slt, %rem3A_296, %lt3A_299 : i32
        %lt3A_301 = arith.constant 0 : i32
        %lt3A_302 = arith.cmpi slt, %select_n3A_295, %lt3A_301 : i32
        %ne3A_303 = arith.xori %lt3A_300, %lt3A_302 : i1
        %and3A_304 = arith.andi %ne3A_303, %ne3A_298 : i1
        %add3A_305 = arith.addi %rem3A_296, %select_n3A_295 : i32
        %select_n3A_306 = arith.select %and3A_304, %add3A_305, %rem3A_296 : i32
        %add3A_307 = arith.addi %mul3A_290, %select_n3A_306 : i32
        %dma_start3A_308 = arith.constant 0 : i32
        %dma_start3A_309 = arith.constant 0 : i32
        %dma_start3A_310 = arith.constant 0 : i32
        %dma_start3A_311 = tpu.memref_slice %arg8[%dma_start3A_308, %dma_start3A_309, %dma_start3A_310] : memref<4x80x128xf32, #tpu.memory_space<vmem>> -> memref<1x80x128xf32, #tpu.memory_space<vmem>>
        %dma_start3A_312 = tpu.memref_squeeze %dma_start3A_311 : memref<1x80x128xf32, #tpu.memory_space<vmem>> -> memref<80x128xf32, #tpu.memory_space<vmem>>
        %dma_start3A_313 = arith.constant 0 : i32
        %dma_start3A_314 = tpu.memref_slice %arg7[%add3A_307, %dma_start3A_313] : memref<24x80xi32, #tpu.memory_space<vmem>> -> memref<1x80xi32, #tpu.memory_space<vmem>>
        %dma_start3A_315 = tpu.memref_squeeze %dma_start3A_314 : memref<1x80xi32, #tpu.memory_space<vmem>> -> memref<80xi32, #tpu.memory_space<vmem>>
        %dma_start3A_316 = arith.constant 0 : i32
        %dma_start3A_317 = arith.constant 0 : i32
        %dma_start3A_318 = tpu.memref_slice %arg9[%dma_start3A_316, %dma_start3A_317] : memref<10240x128xf32, #tpu.memory_space<vmem_shared>> -> memref<10240x128xf32, #tpu.memory_space<vmem_shared>>
        tpu.enqueue_indirect_dma source(%dma_start3A_312 : memref<80x128xf32, #tpu.memory_space<vmem>>) target(%dma_start3A_318 : memref<10240x128xf32, #tpu.memory_space<vmem_shared>>) offsets(%dma_start3A_315 : memref<80xi32, #tpu.memory_space<vmem>>) semaphore(%arg14 : memref<!tpu.dma_semaphore, #tpu.memory_space<semaphore_mem>>) {add = true}
      } else {
      }
      %jit3A_176 = arith.constant 4 : i32
      %eq3A_177 = arith.constant 0 : i32
      %eq3A_178 = arith.cmpi eq, %jit3A_176, %eq3A_177 : i32
      %jit3A_179 = arith.constant 1 : i32
      %select_n3A_180 = arith.select %eq3A_178, %jit3A_179, %jit3A_176 : i32
      %rem3A_181 = arith.remsi %scan3A_71, %select_n3A_180 : i32
      %ne3A_182 = arith.constant 0 : i32
      %ne3A_183 = arith.cmpi ne, %rem3A_181, %ne3A_182 : i32
      %lt3A_184 = arith.constant 0 : i32
      %lt3A_185 = arith.cmpi slt, %rem3A_181, %lt3A_184 : i32
      %lt3A_186 = arith.constant 0 : i32
      %lt3A_187 = arith.cmpi slt, %select_n3A_180, %lt3A_186 : i32
      %ne3A_188 = arith.xori %lt3A_185, %lt3A_187 : i1
      %and3A_189 = arith.andi %ne3A_188, %ne3A_183 : i1
      %add3A_190 = arith.addi %rem3A_181, %select_n3A_180 : i32
      %select_n3A_191 = arith.select %and3A_189, %add3A_190, %rem3A_181 : i32
      %eq3A_192 = arith.constant 1 : i32
      %eq3A_193 = arith.cmpi eq, %select_n3A_191, %eq3A_192 : i32
      %convert_element_type3A_194 = arith.extui %eq3A_193 : i1 to i32
      %cond3A_195 = arith.constant 0 : i32
      %cond3A_196 = arith.cmpi ne, %convert_element_type3A_194, %cond3A_195 : i32
      scf.if %cond3A_196 {
        %dma_wait3A_240 = arith.constant 0 : i32
        %dma_wait3A_241 = arith.constant 1 : i32
        %dma_wait3A_242 = arith.constant 0 : i32
        %dma_wait3A_243 = arith.constant 0 : i32
        %dma_wait3A_244 = tpu.memref_slice %arg8[%dma_wait3A_241, %dma_wait3A_242, %dma_wait3A_243] : memref<4x80x128xf32, #tpu.memory_space<vmem>> -> memref<1x80x128xf32, #tpu.memory_space<vmem>>
        %dma_wait3A_245 = tpu.memref_squeeze %dma_wait3A_244 : memref<1x80x128xf32, #tpu.memory_space<vmem>> -> memref<80x128xf32, #tpu.memory_space<vmem>>
        %dma_wait3A_246 = arith.constant 0 : i32
        %dma_wait3A_247 = tpu.memref_slice %arg6[%dma_wait3A_240, %dma_wait3A_246] : memref<24x80xi32, #tpu.memory_space<vmem>> -> memref<1x80xi32, #tpu.memory_space<vmem>>
        %dma_wait3A_248 = tpu.memref_squeeze %dma_wait3A_247 : memref<1x80xi32, #tpu.memory_space<vmem>> -> memref<80xi32, #tpu.memory_space<vmem>>
        %dma_wait3A_249 = arith.constant 0 : i32
        %dma_wait3A_250 = arith.constant 0 : i32
        %dma_wait3A_251 = tpu.memref_slice %arg2[%dma_wait3A_249, %dma_wait3A_250] : memref<20000x128xf32, #tpu.memory_space<hbm>> -> memref<20000x128xf32, #tpu.memory_space<hbm>>
        tpu.wait_indirect_dma semaphore(%arg11 : memref<!tpu.dma_semaphore, #tpu.memory_space<semaphore_mem>>) src(%dma_wait3A_251 : memref<20000x128xf32, #tpu.memory_space<hbm>>) dst(%dma_wait3A_245 : memref<80x128xf32, #tpu.memory_space<vmem>>)
        %jit3A_252 = arith.constant 8 : i32
        %div3A = arith.divsi %scan3A_71, %jit3A_252 : i32
        %sign3A = arith.constant 0 : i32
        %sign3A_253 = arith.cmpi sgt, %scan3A_71, %sign3A : i32
        %sign3A_254 = arith.extui %sign3A_253 : i1 to i32
        %sign3A_255 = arith.constant 0 : i32
        %sign3A_256 = arith.cmpi slt, %scan3A_71, %sign3A_255 : i32
        %sign3A_257 = arith.extui %sign3A_256 : i1 to i32
        %sign3A_258 = arith.subi %sign3A_254, %sign3A_257 : i32
        %sign3A_259 = arith.constant 0 : i32
        %sign3A_260 = arith.cmpi sgt, %jit3A_252, %sign3A_259 : i32
        %sign3A_261 = arith.extui %sign3A_260 : i1 to i32
        %sign3A_262 = arith.constant 0 : i32
        %sign3A_263 = arith.cmpi slt, %jit3A_252, %sign3A_262 : i32
        %sign3A_264 = arith.extui %sign3A_263 : i1 to i32
        %sign3A_265 = arith.subi %sign3A_261, %sign3A_264 : i32
        %ne3A_266 = arith.cmpi ne, %sign3A_258, %sign3A_265 : i32
        %rem3A_267 = arith.remsi %scan3A_71, %jit3A_252 : i32
        %ne3A_268 = arith.constant 0 : i32
        %ne3A_269 = arith.cmpi ne, %rem3A_267, %ne3A_268 : i32
        %and3A_270 = arith.andi %ne3A_266, %ne3A_269 : i1
        %sub3A = arith.constant 1 : i32
        %sub3A_271 = arith.subi %div3A, %sub3A : i32
        %select_n3A_272 = arith.select %and3A_270, %sub3A_271, %div3A : i32
        %jit3A_273 = arith.constant 3 : i32
        %eq3A_274 = arith.constant 0 : i32
        %eq3A_275 = arith.cmpi eq, %jit3A_273, %eq3A_274 : i32
        %jit3A_276 = arith.constant 1 : i32
        %select_n3A_277 = arith.select %eq3A_275, %jit3A_276, %jit3A_273 : i32
        %rem3A_278 = arith.remsi %select_n3A_272, %select_n3A_277 : i32
        %ne3A_279 = arith.constant 0 : i32
        %ne3A_280 = arith.cmpi ne, %rem3A_278, %ne3A_279 : i32
        %lt3A_281 = arith.constant 0 : i32
        %lt3A_282 = arith.cmpi slt, %rem3A_278, %lt3A_281 : i32
        %lt3A_283 = arith.constant 0 : i32
        %lt3A_284 = arith.cmpi slt, %select_n3A_277, %lt3A_283 : i32
        %ne3A_285 = arith.xori %lt3A_282, %lt3A_284 : i1
        %and3A_286 = arith.andi %ne3A_285, %ne3A_280 : i1
        %add3A_287 = arith.addi %rem3A_278, %select_n3A_277 : i32
        %select_n3A_288 = arith.select %and3A_286, %add3A_287, %rem3A_278 : i32
        %mul3A_289 = arith.constant 8 : i32
        %mul3A_290 = arith.muli %select_n3A_288, %mul3A_289 : i32
        %jit3A_291 = arith.constant 8 : i32
        %eq3A_292 = arith.constant 0 : i32
        %eq3A_293 = arith.cmpi eq, %jit3A_291, %eq3A_292 : i32
        %jit3A_294 = arith.constant 1 : i32
        %select_n3A_295 = arith.select %eq3A_293, %jit3A_294, %jit3A_291 : i32
        %rem3A_296 = arith.remsi %scan3A_71, %select_n3A_295 : i32
        %ne3A_297 = arith.constant 0 : i32
        %ne3A_298 = arith.cmpi ne, %rem3A_296, %ne3A_297 : i32
        %lt3A_299 = arith.constant 0 : i32
        %lt3A_300 = arith.cmpi slt, %rem3A_296, %lt3A_299 : i32
        %lt3A_301 = arith.constant 0 : i32
        %lt3A_302 = arith.cmpi slt, %select_n3A_295, %lt3A_301 : i32
        %ne3A_303 = arith.xori %lt3A_300, %lt3A_302 : i1
        %and3A_304 = arith.andi %ne3A_303, %ne3A_298 : i1
        %add3A_305 = arith.addi %rem3A_296, %select_n3A_295 : i32
        %select_n3A_306 = arith.select %and3A_304, %add3A_305, %rem3A_296 : i32
        %add3A_307 = arith.addi %mul3A_290, %select_n3A_306 : i32
        %dma_start3A_308 = arith.constant 1 : i32
        %dma_start3A_309 = arith.constant 0 : i32
        %dma_start3A_310 = arith.constant 0 : i32
        %dma_start3A_311 = tpu.memref_slice %arg8[%dma_start3A_308, %dma_start3A_309, %dma_start3A_310] : memref<4x80x128xf32, #tpu.memory_space<vmem>> -> memref<1x80x128xf32, #tpu.memory_space<vmem>>
        %dma_start3A_312 = tpu.memref_squeeze %dma_start3A_311 : memref<1x80x128xf32, #tpu.memory_space<vmem>> -> memref<80x128xf32, #tpu.memory_space<vmem>>
        %dma_start3A_313 = arith.constant 0 : i32
        %dma_start3A_314 = tpu.memref_slice %arg7[%add3A_307, %dma_start3A_313] : memref<24x80xi32, #tpu.memory_space<vmem>> -> memref<1x80xi32, #tpu.memory_space<vmem>>
        %dma_start3A_315 = tpu.memref_squeeze %dma_start3A_314 : memref<1x80xi32, #tpu.memory_space<vmem>> -> memref<80xi32, #tpu.memory_space<vmem>>
        %dma_start3A_316 = arith.constant 0 : i32
        %dma_start3A_317 = arith.constant 0 : i32
        %dma_start3A_318 = tpu.memref_slice %arg9[%dma_start3A_316, %dma_start3A_317] : memref<10240x128xf32, #tpu.memory_space<vmem_shared>> -> memref<10240x128xf32, #tpu.memory_space<vmem_shared>>
        tpu.enqueue_indirect_dma source(%dma_start3A_312 : memref<80x128xf32, #tpu.memory_space<vmem>>) target(%dma_start3A_318 : memref<10240x128xf32, #tpu.memory_space<vmem_shared>>) offsets(%dma_start3A_315 : memref<80xi32, #tpu.memory_space<vmem>>) semaphore(%arg15 : memref<!tpu.dma_semaphore, #tpu.memory_space<semaphore_mem>>) {add = true}
      } else {
      }
      %jit3A_197 = arith.constant 4 : i32
      %eq3A_198 = arith.constant 0 : i32
      %eq3A_199 = arith.cmpi eq, %jit3A_197, %eq3A_198 : i32
      %jit3A_200 = arith.constant 1 : i32
      %select_n3A_201 = arith.select %eq3A_199, %jit3A_200, %jit3A_197 : i32
      %rem3A_202 = arith.remsi %scan3A_71, %select_n3A_201 : i32
      %ne3A_203 = arith.constant 0 : i32
      %ne3A_204 = arith.cmpi ne, %rem3A_202, %ne3A_203 : i32
      %lt3A_205 = arith.constant 0 : i32
      %lt3A_206 = arith.cmpi slt, %rem3A_202, %lt3A_205 : i32
      %lt3A_207 = arith.constant 0 : i32
      %lt3A_208 = arith.cmpi slt, %select_n3A_201, %lt3A_207 : i32
      %ne3A_209 = arith.xori %lt3A_206, %lt3A_208 : i1
      %and3A_210 = arith.andi %ne3A_209, %ne3A_204 : i1
      %add3A_211 = arith.addi %rem3A_202, %select_n3A_201 : i32
      %select_n3A_212 = arith.select %and3A_210, %add3A_211, %rem3A_202 : i32
      %eq3A_213 = arith.constant 2 : i32
      %eq3A_214 = arith.cmpi eq, %select_n3A_212, %eq3A_213 : i32
      %convert_element_type3A_215 = arith.extui %eq3A_214 : i1 to i32
      %cond3A_216 = arith.constant 0 : i32
      %cond3A_217 = arith.cmpi ne, %convert_element_type3A_215, %cond3A_216 : i32
      scf.if %cond3A_217 {
        %dma_wait3A_240 = arith.constant 0 : i32
        %dma_wait3A_241 = arith.constant 2 : i32
        %dma_wait3A_242 = arith.constant 0 : i32
        %dma_wait3A_243 = arith.constant 0 : i32
        %dma_wait3A_244 = tpu.memref_slice %arg8[%dma_wait3A_241, %dma_wait3A_242, %dma_wait3A_243] : memref<4x80x128xf32, #tpu.memory_space<vmem>> -> memref<1x80x128xf32, #tpu.memory_space<vmem>>
        %dma_wait3A_245 = tpu.memref_squeeze %dma_wait3A_244 : memref<1x80x128xf32, #tpu.memory_space<vmem>> -> memref<80x128xf32, #tpu.memory_space<vmem>>
        %dma_wait3A_246 = arith.constant 0 : i32
        %dma_wait3A_247 = tpu.memref_slice %arg6[%dma_wait3A_240, %dma_wait3A_246] : memref<24x80xi32, #tpu.memory_space<vmem>> -> memref<1x80xi32, #tpu.memory_space<vmem>>
        %dma_wait3A_248 = tpu.memref_squeeze %dma_wait3A_247 : memref<1x80xi32, #tpu.memory_space<vmem>> -> memref<80xi32, #tpu.memory_space<vmem>>
        %dma_wait3A_249 = arith.constant 0 : i32
        %dma_wait3A_250 = arith.constant 0 : i32
        %dma_wait3A_251 = tpu.memref_slice %arg2[%dma_wait3A_249, %dma_wait3A_250] : memref<20000x128xf32, #tpu.memory_space<hbm>> -> memref<20000x128xf32, #tpu.memory_space<hbm>>
        tpu.wait_indirect_dma semaphore(%arg12 : memref<!tpu.dma_semaphore, #tpu.memory_space<semaphore_mem>>) src(%dma_wait3A_251 : memref<20000x128xf32, #tpu.memory_space<hbm>>) dst(%dma_wait3A_245 : memref<80x128xf32, #tpu.memory_space<vmem>>)
        %jit3A_252 = arith.constant 8 : i32
        %div3A = arith.divsi %scan3A_71, %jit3A_252 : i32
        %sign3A = arith.constant 0 : i32
        %sign3A_253 = arith.cmpi sgt, %scan3A_71, %sign3A : i32
        %sign3A_254 = arith.extui %sign3A_253 : i1 to i32
        %sign3A_255 = arith.constant 0 : i32
        %sign3A_256 = arith.cmpi slt, %scan3A_71, %sign3A_255 : i32
        %sign3A_257 = arith.extui %sign3A_256 : i1 to i32
        %sign3A_258 = arith.subi %sign3A_254, %sign3A_257 : i32
        %sign3A_259 = arith.constant 0 : i32
        %sign3A_260 = arith.cmpi sgt, %jit3A_252, %sign3A_259 : i32
        %sign3A_261 = arith.extui %sign3A_260 : i1 to i32
        %sign3A_262 = arith.constant 0 : i32
        %sign3A_263 = arith.cmpi slt, %jit3A_252, %sign3A_262 : i32
        %sign3A_264 = arith.extui %sign3A_263 : i1 to i32
        %sign3A_265 = arith.subi %sign3A_261, %sign3A_264 : i32
        %ne3A_266 = arith.cmpi ne, %sign3A_258, %sign3A_265 : i32
        %rem3A_267 = arith.remsi %scan3A_71, %jit3A_252 : i32
        %ne3A_268 = arith.constant 0 : i32
        %ne3A_269 = arith.cmpi ne, %rem3A_267, %ne3A_268 : i32
        %and3A_270 = arith.andi %ne3A_266, %ne3A_269 : i1
        %sub3A = arith.constant 1 : i32
        %sub3A_271 = arith.subi %div3A, %sub3A : i32
        %select_n3A_272 = arith.select %and3A_270, %sub3A_271, %div3A : i32
        %jit3A_273 = arith.constant 3 : i32
        %eq3A_274 = arith.constant 0 : i32
        %eq3A_275 = arith.cmpi eq, %jit3A_273, %eq3A_274 : i32
        %jit3A_276 = arith.constant 1 : i32
        %select_n3A_277 = arith.select %eq3A_275, %jit3A_276, %jit3A_273 : i32
        %rem3A_278 = arith.remsi %select_n3A_272, %select_n3A_277 : i32
        %ne3A_279 = arith.constant 0 : i32
        %ne3A_280 = arith.cmpi ne, %rem3A_278, %ne3A_279 : i32
        %lt3A_281 = arith.constant 0 : i32
        %lt3A_282 = arith.cmpi slt, %rem3A_278, %lt3A_281 : i32
        %lt3A_283 = arith.constant 0 : i32
        %lt3A_284 = arith.cmpi slt, %select_n3A_277, %lt3A_283 : i32
        %ne3A_285 = arith.xori %lt3A_282, %lt3A_284 : i1
        %and3A_286 = arith.andi %ne3A_285, %ne3A_280 : i1
        %add3A_287 = arith.addi %rem3A_278, %select_n3A_277 : i32
        %select_n3A_288 = arith.select %and3A_286, %add3A_287, %rem3A_278 : i32
        %mul3A_289 = arith.constant 8 : i32
        %mul3A_290 = arith.muli %select_n3A_288, %mul3A_289 : i32
        %jit3A_291 = arith.constant 8 : i32
        %eq3A_292 = arith.constant 0 : i32
        %eq3A_293 = arith.cmpi eq, %jit3A_291, %eq3A_292 : i32
        %jit3A_294 = arith.constant 1 : i32
        %select_n3A_295 = arith.select %eq3A_293, %jit3A_294, %jit3A_291 : i32
        %rem3A_296 = arith.remsi %scan3A_71, %select_n3A_295 : i32
        %ne3A_297 = arith.constant 0 : i32
        %ne3A_298 = arith.cmpi ne, %rem3A_296, %ne3A_297 : i32
        %lt3A_299 = arith.constant 0 : i32
        %lt3A_300 = arith.cmpi slt, %rem3A_296, %lt3A_299 : i32
        %lt3A_301 = arith.constant 0 : i32
        %lt3A_302 = arith.cmpi slt, %select_n3A_295, %lt3A_301 : i32
        %ne3A_303 = arith.xori %lt3A_300, %lt3A_302 : i1
        %and3A_304 = arith.andi %ne3A_303, %ne3A_298 : i1
        %add3A_305 = arith.addi %rem3A_296, %select_n3A_295 : i32
        %select_n3A_306 = arith.select %and3A_304, %add3A_305, %rem3A_296 : i32
        %add3A_307 = arith.addi %mul3A_290, %select_n3A_306 : i32
        %dma_start3A_308 = arith.constant 2 : i32
        %dma_start3A_309 = arith.constant 0 : i32
        %dma_start3A_310 = arith.constant 0 : i32
        %dma_start3A_311 = tpu.memref_slice %arg8[%dma_start3A_308, %dma_start3A_309, %dma_start3A_310] : memref<4x80x128xf32, #tpu.memory_space<vmem>> -> memref<1x80x128xf32, #tpu.memory_space<vmem>>
        %dma_start3A_312 = tpu.memref_squeeze %dma_start3A_311 : memref<1x80x128xf32, #tpu.memory_space<vmem>> -> memref<80x128xf32, #tpu.memory_space<vmem>>
        %dma_start3A_313 = arith.constant 0 : i32
        %dma_start3A_314 = tpu.memref_slice %arg7[%add3A_307, %dma_start3A_313] : memref<24x80xi32, #tpu.memory_space<vmem>> -> memref<1x80xi32, #tpu.memory_space<vmem>>
        %dma_start3A_315 = tpu.memref_squeeze %dma_start3A_314 : memref<1x80xi32, #tpu.memory_space<vmem>> -> memref<80xi32, #tpu.memory_space<vmem>>
        %dma_start3A_316 = arith.constant 0 : i32
        %dma_start3A_317 = arith.constant 0 : i32
        %dma_start3A_318 = tpu.memref_slice %arg9[%dma_start3A_316, %dma_start3A_317] : memref<10240x128xf32, #tpu.memory_space<vmem_shared>> -> memref<10240x128xf32, #tpu.memory_space<vmem_shared>>
        tpu.enqueue_indirect_dma source(%dma_start3A_312 : memref<80x128xf32, #tpu.memory_space<vmem>>) target(%dma_start3A_318 : memref<10240x128xf32, #tpu.memory_space<vmem_shared>>) offsets(%dma_start3A_315 : memref<80xi32, #tpu.memory_space<vmem>>) semaphore(%arg16 : memref<!tpu.dma_semaphore, #tpu.memory_space<semaphore_mem>>) {add = true}
      } else {
      }
      %jit3A_218 = arith.constant 4 : i32
      %eq3A_219 = arith.constant 0 : i32
      %eq3A_220 = arith.cmpi eq, %jit3A_218, %eq3A_219 : i32
      %jit3A_221 = arith.constant 1 : i32
      %select_n3A_222 = arith.select %eq3A_220, %jit3A_221, %jit3A_218 : i32
      %rem3A_223 = arith.remsi %scan3A_71, %select_n3A_222 : i32
      %ne3A_224 = arith.constant 0 : i32
      %ne3A_225 = arith.cmpi ne, %rem3A_223, %ne3A_224 : i32
      %lt3A_226 = arith.constant 0 : i32
      %lt3A_227 = arith.cmpi slt, %rem3A_223, %lt3A_226 : i32
      %lt3A_228 = arith.constant 0 : i32
      %lt3A_229 = arith.cmpi slt, %select_n3A_222, %lt3A_228 : i32
      %ne3A_230 = arith.xori %lt3A_227, %lt3A_229 : i1
      %and3A_231 = arith.andi %ne3A_230, %ne3A_225 : i1
      %add3A_232 = arith.addi %rem3A_223, %select_n3A_222 : i32
      %select_n3A_233 = arith.select %and3A_231, %add3A_232, %rem3A_223 : i32
      %eq3A_234 = arith.constant 3 : i32
      %eq3A_235 = arith.cmpi eq, %select_n3A_233, %eq3A_234 : i32
      %convert_element_type3A_236 = arith.extui %eq3A_235 : i1 to i32
      %cond3A_237 = arith.constant 0 : i32
      %cond3A_238 = arith.cmpi ne, %convert_element_type3A_236, %cond3A_237 : i32
      scf.if %cond3A_238 {
        %dma_wait3A_240 = arith.constant 0 : i32
        %dma_wait3A_241 = arith.constant 3 : i32
        %dma_wait3A_242 = arith.constant 0 : i32
        %dma_wait3A_243 = arith.constant 0 : i32
        %dma_wait3A_244 = tpu.memref_slice %arg8[%dma_wait3A_241, %dma_wait3A_242, %dma_wait3A_243] : memref<4x80x128xf32, #tpu.memory_space<vmem>> -> memref<1x80x128xf32, #tpu.memory_space<vmem>>
        %dma_wait3A_245 = tpu.memref_squeeze %dma_wait3A_244 : memref<1x80x128xf32, #tpu.memory_space<vmem>> -> memref<80x128xf32, #tpu.memory_space<vmem>>
        %dma_wait3A_246 = arith.constant 0 : i32
        %dma_wait3A_247 = tpu.memref_slice %arg6[%dma_wait3A_240, %dma_wait3A_246] : memref<24x80xi32, #tpu.memory_space<vmem>> -> memref<1x80xi32, #tpu.memory_space<vmem>>
        %dma_wait3A_248 = tpu.memref_squeeze %dma_wait3A_247 : memref<1x80xi32, #tpu.memory_space<vmem>> -> memref<80xi32, #tpu.memory_space<vmem>>
        %dma_wait3A_249 = arith.constant 0 : i32
        %dma_wait3A_250 = arith.constant 0 : i32
        %dma_wait3A_251 = tpu.memref_slice %arg2[%dma_wait3A_249, %dma_wait3A_250] : memref<20000x128xf32, #tpu.memory_space<hbm>> -> memref<20000x128xf32, #tpu.memory_space<hbm>>
        tpu.wait_indirect_dma semaphore(%arg13 : memref<!tpu.dma_semaphore, #tpu.memory_space<semaphore_mem>>) src(%dma_wait3A_251 : memref<20000x128xf32, #tpu.memory_space<hbm>>) dst(%dma_wait3A_245 : memref<80x128xf32, #tpu.memory_space<vmem>>)
        %jit3A_252 = arith.constant 8 : i32
        %div3A = arith.divsi %scan3A_71, %jit3A_252 : i32
        %sign3A = arith.constant 0 : i32
        %sign3A_253 = arith.cmpi sgt, %scan3A_71, %sign3A : i32
        %sign3A_254 = arith.extui %sign3A_253 : i1 to i32
        %sign3A_255 = arith.constant 0 : i32
        %sign3A_256 = arith.cmpi slt, %scan3A_71, %sign3A_255 : i32
        %sign3A_257 = arith.extui %sign3A_256 : i1 to i32
        %sign3A_258 = arith.subi %sign3A_254, %sign3A_257 : i32
        %sign3A_259 = arith.constant 0 : i32
        %sign3A_260 = arith.cmpi sgt, %jit3A_252, %sign3A_259 : i32
        %sign3A_261 = arith.extui %sign3A_260 : i1 to i32
        %sign3A_262 = arith.constant 0 : i32
        %sign3A_263 = arith.cmpi slt, %jit3A_252, %sign3A_262 : i32
        %sign3A_264 = arith.extui %sign3A_263 : i1 to i32
        %sign3A_265 = arith.subi %sign3A_261, %sign3A_264 : i32
        %ne3A_266 = arith.cmpi ne, %sign3A_258, %sign3A_265 : i32
        %rem3A_267 = arith.remsi %scan3A_71, %jit3A_252 : i32
        %ne3A_268 = arith.constant 0 : i32
        %ne3A_269 = arith.cmpi ne, %rem3A_267, %ne3A_268 : i32
        %and3A_270 = arith.andi %ne3A_266, %ne3A_269 : i1
        %sub3A = arith.constant 1 : i32
        %sub3A_271 = arith.subi %div3A, %sub3A : i32
        %select_n3A_272 = arith.select %and3A_270, %sub3A_271, %div3A : i32
        %jit3A_273 = arith.constant 3 : i32
        %eq3A_274 = arith.constant 0 : i32
        %eq3A_275 = arith.cmpi eq, %jit3A_273, %eq3A_274 : i32
        %jit3A_276 = arith.constant 1 : i32
        %select_n3A_277 = arith.select %eq3A_275, %jit3A_276, %jit3A_273 : i32
        %rem3A_278 = arith.remsi %select_n3A_272, %select_n3A_277 : i32
        %ne3A_279 = arith.constant 0 : i32
        %ne3A_280 = arith.cmpi ne, %rem3A_278, %ne3A_279 : i32
        %lt3A_281 = arith.constant 0 : i32
        %lt3A_282 = arith.cmpi slt, %rem3A_278, %lt3A_281 : i32
        %lt3A_283 = arith.constant 0 : i32
        %lt3A_284 = arith.cmpi slt, %select_n3A_277, %lt3A_283 : i32
        %ne3A_285 = arith.xori %lt3A_282, %lt3A_284 : i1
        %and3A_286 = arith.andi %ne3A_285, %ne3A_280 : i1
        %add3A_287 = arith.addi %rem3A_278, %select_n3A_277 : i32
        %select_n3A_288 = arith.select %and3A_286, %add3A_287, %rem3A_278 : i32
        %mul3A_289 = arith.constant 8 : i32
        %mul3A_290 = arith.muli %select_n3A_288, %mul3A_289 : i32
        %jit3A_291 = arith.constant 8 : i32
        %eq3A_292 = arith.constant 0 : i32
        %eq3A_293 = arith.cmpi eq, %jit3A_291, %eq3A_292 : i32
        %jit3A_294 = arith.constant 1 : i32
        %select_n3A_295 = arith.select %eq3A_293, %jit3A_294, %jit3A_291 : i32
        %rem3A_296 = arith.remsi %scan3A_71, %select_n3A_295 : i32
        %ne3A_297 = arith.constant 0 : i32
        %ne3A_298 = arith.cmpi ne, %rem3A_296, %ne3A_297 : i32
        %lt3A_299 = arith.constant 0 : i32
        %lt3A_300 = arith.cmpi slt, %rem3A_296, %lt3A_299 : i32
        %lt3A_301 = arith.constant 0 : i32
        %lt3A_302 = arith.cmpi slt, %select_n3A_295, %lt3A_301 : i32
        %ne3A_303 = arith.xori %lt3A_300, %lt3A_302 : i1
        %and3A_304 = arith.andi %ne3A_303, %ne3A_298 : i1
        %add3A_305 = arith.addi %rem3A_296, %select_n3A_295 : i32
        %select_n3A_306 = arith.select %and3A_304, %add3A_305, %rem3A_296 : i32
        %add3A_307 = arith.addi %mul3A_290, %select_n3A_306 : i32
        %dma_start3A_308 = arith.constant 3 : i32
        %dma_start3A_309 = arith.constant 0 : i32
        %dma_start3A_310 = arith.constant 0 : i32
        %dma_start3A_311 = tpu.memref_slice %arg8[%dma_start3A_308, %dma_start3A_309, %dma_start3A_310] : memref<4x80x128xf32, #tpu.memory_space<vmem>> -> memref<1x80x128xf32, #tpu.memory_space<vmem>>
        %dma_start3A_312 = tpu.memref_squeeze %dma_start3A_311 : memref<1x80x128xf32, #tpu.memory_space<vmem>> -> memref<80x128xf32, #tpu.memory_space<vmem>>
        %dma_start3A_313 = arith.constant 0 : i32
        %dma_start3A_314 = tpu.memref_slice %arg7[%add3A_307, %dma_start3A_313] : memref<24x80xi32, #tpu.memory_space<vmem>> -> memref<1x80xi32, #tpu.memory_space<vmem>>
        %dma_start3A_315 = tpu.memref_squeeze %dma_start3A_314 : memref<1x80xi32, #tpu.memory_space<vmem>> -> memref<80xi32, #tpu.memory_space<vmem>>
        %dma_start3A_316 = arith.constant 0 : i32
        %dma_start3A_317 = arith.constant 0 : i32
        %dma_start3A_318 = tpu.memref_slice %arg9[%dma_start3A_316, %dma_start3A_317] : memref<10240x128xf32, #tpu.memory_space<vmem_shared>> -> memref<10240x128xf32, #tpu.memory_space<vmem_shared>>
        tpu.enqueue_indirect_dma source(%dma_start3A_312 : memref<80x128xf32, #tpu.memory_space<vmem>>) target(%dma_start3A_318 : memref<10240x128xf32, #tpu.memory_space<vmem_shared>>) offsets(%dma_start3A_315 : memref<80xi32, #tpu.memory_space<vmem>>) semaphore(%arg17 : memref<!tpu.dma_semaphore, #tpu.memory_space<semaphore_mem>>) {add = true}
      } else {
      }
      %scan3A_239 = arith.constant 0 : i32
      scf.yield %scan3A_239 : i32
    }
    %scan3A_55 = arith.constant 128 : i32
    %dma_wait3A = arith.constant 3 : i32
    %dma_wait3A_56 = arith.constant 0 : i32
    %dma_wait3A_57 = arith.constant 0 : i32
    %dma_wait3A_58 = arith.constant 0 : i32
    %dma_wait3A_59 = tpu.memref_slice %arg8[%dma_wait3A, %dma_wait3A_57, %dma_wait3A_58] : memref<4x80x128xf32, #tpu.memory_space<vmem>> -> memref<1x80x128xf32, #tpu.memory_space<vmem>>
    %dma_wait3A_60 = tpu.memref_squeeze %dma_wait3A_59 : memref<1x80x128xf32, #tpu.memory_space<vmem>> -> memref<80x128xf32, #tpu.memory_space<vmem>>
    %dma_wait3A_61 = arith.constant 0 : i32
    %dma_wait3A_62 = tpu.memref_slice %arg7[%dma_wait3A_56, %dma_wait3A_61] : memref<24x80xi32, #tpu.memory_space<vmem>> -> memref<1x80xi32, #tpu.memory_space<vmem>>
    %dma_wait3A_63 = tpu.memref_squeeze %dma_wait3A_62 : memref<1x80xi32, #tpu.memory_space<vmem>> -> memref<80xi32, #tpu.memory_space<vmem>>
    %dma_wait3A_64 = arith.constant 0 : i32
    %dma_wait3A_65 = arith.constant 0 : i32
    %dma_wait3A_66 = tpu.memref_slice %arg9[%dma_wait3A_64, %dma_wait3A_65] : memref<10240x128xf32, #tpu.memory_space<vmem_shared>> -> memref<10240x128xf32, #tpu.memory_space<vmem_shared>>
    tpu.wait_indirect_dma semaphore(%arg17 : memref<!tpu.dma_semaphore, #tpu.memory_space<semaphore_mem>>) src(%dma_wait3A_60 : memref<80x128xf32, #tpu.memory_space<vmem>>) dst(%dma_wait3A_66 : memref<10240x128xf32, #tpu.memory_space<vmem_shared>>)
    %barrier3A_67 = arith.constant 0 : index
    tpu.barrier barrier_id(%barrier3A_67)
    %mul3A = arith.constant 640 : i32
    %mul3A_68 = arith.muli %arg1, %mul3A : i32
    %mul3A_69 = arith.constant 640 : i32
    %mul3A_70 = arith.muli %arg1, %mul3A_69 : i32
    "tpu.region"() ({
      %run_scoped3A = tpu.sem_alloc : memref<!tpu.dma_semaphore, #tpu.memory_space<semaphore_mem>>
      %dma_start3A_71 = arith.constant 0 : i32
      %dma_start3A_72 = tpu.memref_slice %arg5[%arg0, %mul3A_70, %dma_start3A_71] : memref<2x10240x128xf32, #tpu.memory_space<hbm>> -> memref<1x640x128xf32, #tpu.memory_space<hbm>>
      %dma_start3A_73 = tpu.memref_squeeze %dma_start3A_72 : memref<1x640x128xf32, #tpu.memory_space<hbm>> -> memref<640x128xf32, #tpu.memory_space<hbm>>
      %dma_start3A_74 = arith.constant 0 : i32
      %dma_start3A_75 = tpu.memref_slice %arg9[%mul3A_68, %dma_start3A_74] : memref<10240x128xf32, #tpu.memory_space<vmem_shared>> -> memref<640x128xf32, #tpu.memory_space<vmem_shared>>
      tpu.enqueue_dma source(%dma_start3A_75 : memref<640x128xf32, #tpu.memory_space<vmem_shared>>) target(%dma_start3A_73 : memref<640x128xf32, #tpu.memory_space<hbm>>) target_semaphore(%run_scoped3A : memref<!tpu.dma_semaphore, #tpu.memory_space<semaphore_mem>>)
      %dma_wait3A_76 = arith.constant 0 : i32
      %dma_wait3A_77 = tpu.memref_slice %arg5[%arg0, %mul3A_70, %dma_wait3A_76] : memref<2x10240x128xf32, #tpu.memory_space<hbm>> -> memref<1x640x128xf32, #tpu.memory_space<hbm>>
      %dma_wait3A_78 = tpu.memref_squeeze %dma_wait3A_77 : memref<1x640x128xf32, #tpu.memory_space<hbm>> -> memref<640x128xf32, #tpu.memory_space<hbm>>
      %dma_wait3A_79 = arith.constant 0 : i32
      %dma_wait3A_80 = tpu.memref_slice %arg9[%mul3A_68, %dma_wait3A_79] : memref<10240x128xf32, #tpu.memory_space<vmem_shared>> -> memref<640x128xf32, #tpu.memory_space<vmem_shared>>
      tpu.wait_dma2 semaphore(%run_scoped3A : memref<!tpu.dma_semaphore, #tpu.memory_space<semaphore_mem>>) src(%dma_wait3A_80 : memref<640x128xf32, #tpu.memory_space<vmem_shared>>) dst(%dma_wait3A_78 : memref<640x128xf32, #tpu.memory_space<hbm>>)
      tpu.yield
    }) : () -> ()
    return
  }
}

#map = affine_map<(d0, d1) -> (0, 0)>
#map1 = affine_map<(d0, d1) -> (0, 0, 0, 0)>
#map2 = affine_map<(d0, d1) -> (0, 0, 0)>
module attributes {stable_mosaic.version = 14 : i64} {
  func.func @_scatter_kernel(%arg0: i32, %arg1: i32, %arg2: memref<20000x128xf32, #tpu.memory_space<hbm>>, %arg3: memref<2x16x128x80xi32, #tpu.memory_space<hbm>>, %arg4: memref<16x128x80xi32, #tpu.memory_space<hbm>>, %arg5: memref<2x10240x128xf32, #tpu.memory_space<hbm>>, %arg6: memref<24x80xi32, #tpu.memory_space<vmem>>, %arg7: memref<24x80xi32, #tpu.memory_space<vmem>>, %arg8: memref<4x80x128xf32, #tpu.memory_space<vmem>>, %arg9: memref<10240x128xf32, #tpu.memory_space<vmem_shared>>, %arg10: memref<!tpu.dma_semaphore, #tpu.memory_space<semaphore_mem>>, %arg11: memref<!tpu.dma_semaphore, #tpu.memory_space<semaphore_mem>>, %arg12: memref<!tpu.dma_semaphore, #tpu.memory_space<semaphore_mem>>, %arg13: memref<!tpu.dma_semaphore, #tpu.memory_space<semaphore_mem>>, %arg14: memref<!tpu.dma_semaphore, #tpu.memory_space<semaphore_mem>>, %arg15: memref<!tpu.dma_semaphore, #tpu.memory_space<semaphore_mem>>, %arg16: memref<!tpu.dma_semaphore, #tpu.memory_space<semaphore_mem>>, %arg17: memref<!tpu.dma_semaphore, #tpu.memory_space<semaphore_mem>>) attributes {dimension_semantics = [#tpu.dimension_semantics<core_parallel>, #tpu.dimension_semantics<subcore_parallel>], iteration_bounds = array<i64: 2, 16>, scalar_prefetch = 0 : i64, scratch_operands = 12 : i64, tpu.core_type = #tpu.core_type<sc_vector_subcore>, window_params = [{transform_indices = #map}, {transform_indices = #map1}, {transform_indices = #map2}, {transform_indices = #map2}]} {
    %broadcast_in_dim3A = arith.constant 0.000000e+00 : f32
    %broadcast_in_dim3A_0 = vector.broadcast %broadcast_in_dim3A : f32 to vector<16xf32>
    %scan3A = arith.constant 0 : i32
    %scan3A_1 = arith.constant 0 : i32
    %scan3A_2 = arith.constant 80 : i32
    %scan3A_3 = arith.addi %scan3A_1, %scan3A_2 : i32
    %scan3A_4 = arith.constant 1 : i32
    %scan3A_5 = scf.for %scan3A_71 = %scan3A_1 to %scan3A_3 step %scan3A_4 iter_args(%scan3A_72 = %scan3A) -> (i32)  : i32 {
      %scan3A_73 = arith.constant 0 : i32
      %scan3A_74 = arith.constant 0 : i32
      %scan3A_75 = arith.constant 8 : i32
      %scan3A_76 = arith.addi %scan3A_74, %scan3A_75 : i32
      %scan3A_77 = arith.constant 1 : i32
      %scan3A_78 = scf.for %scan3A_80 = %scan3A_74 to %scan3A_76 step %scan3A_77 iter_args(%scan3A_81 = %scan3A_73) -> (i32)  : i32 {
        %mul3A_82 = arith.constant 16 : i32
        %mul3A_83 = arith.muli %scan3A_80, %mul3A_82 : i32
        %swap3A = arith.constant 0 : i32
        %swap3A_84 = arith.index_cast %swap3A : i32 to index
        %swap3A_85 = arith.index_cast %scan3A_71 : i32 to index
        %swap3A_86 = arith.index_cast %mul3A_83 : i32 to index
        %swap3A_87 = tpu.vector_load %arg8[%swap3A_84, %swap3A_85, %swap3A_86] {strides = array<i32>} : memref<4x80x128xf32, #tpu.memory_space<vmem>>, vector<1x1x16xf32>,
        %swap3A_88 = vector.shape_cast %swap3A_87 : vector<1x1x16xf32> to vector<16xf32>
        %swap3A_89 = vector.shape_cast %broadcast_in_dim3A_0 : vector<16xf32> to vector<1x1x16xf32>
        tpu.vector_store %arg8[%swap3A_84, %swap3A_85, %swap3A_86], %swap3A_89 {strides = array<i32>} : memref<4x80x128xf32, #tpu.memory_space<vmem>>, vector<1x1x16xf32>,
        %scan3A_90 = arith.constant 0 : i32
        scf.yield %scan3A_90 : i32
      }
      %scan3A_79 = arith.constant 8 : i32
      scf.yield %scan3A_78 : i32
    }
    %scan3A_6 = arith.constant 80 : i32
    %scan3A_7 = arith.constant 0 : i32
    %scan3A_8 = arith.constant 0 : i32
    %scan3A_9 = arith.constant 8 : i32
    %scan3A_10 = arith.addi %scan3A_8, %scan3A_9 : i32
    %scan3A_11 = arith.constant 1 : i32
    %scan3A_12 = scf.for %scan3A_71 = %scan3A_8 to %scan3A_10 step %scan3A_11 iter_args(%scan3A_72 = %scan3A_7) -> (i32)  : i32 {
      %mul3A_73 = arith.constant 640 : i32
      %mul3A_74 = arith.muli %arg1, %mul3A_73 : i32
      %mul3A_75 = arith.constant 80 : i32
      %mul3A_76 = arith.muli %scan3A_71, %mul3A_75 : i32
      %add3A = arith.addi %mul3A_74, %mul3A_76 : i32
      %run_scoped3A = arith.constant 0 : i32
      "tpu.region"() ({
        %run_scoped3A_78 = tpu.sem_alloc : memref<!tpu.dma_semaphore, #tpu.memory_space<semaphore_mem>>
        %dma_start3A_79 = arith.constant 0 : i32
        %dma_start3A_80 = arith.constant 0 : i32
        %dma_start3A_81 = tpu.memref_slice %arg8[%run_scoped3A, %dma_start3A_79, %dma_start3A_80] : memref<4x80x128xf32, #tpu.memory_space<vmem>> -> memref<1x80x128xf32, #tpu.memory_space<vmem>>
        %dma_start3A_82 = tpu.memref_squeeze %dma_start3A_81 : memref<1x80x128xf32, #tpu.memory_space<vmem>> -> memref<80x128xf32, #tpu.memory_space<vmem>>
        %dma_start3A_83 = arith.constant 0 : i32
        %dma_start3A_84 = tpu.memref_slice %arg9[%add3A, %dma_start3A_83] : memref<10240x128xf32, #tpu.memory_space<vmem_shared>> -> memref<80x128xf32, #tpu.memory_space<vmem_shared>>
        %dma_start3A_85 = arith.constant 0 : i32
        %dma_start3A_86 = tpu.memref_slice %arg9[%add3A, %dma_start3A_85] : memref<10240x128xf32, #tpu.memory_space<vmem_shared>> -> memref<80x128xf32, #tpu.memory_space<vmem_shared>>
        %dma_start3A_87 = arith.constant 0 : i32
        %dma_start3A_88 = arith.constant 0 : i32
        %dma_start3A_89 = tpu.memref_slice %arg8[%run_scoped3A, %dma_start3A_87, %dma_start3A_88] : memref<4x80x128xf32, #tpu.memory_space<vmem>> -> memref<1x80x128xf32, #tpu.memory_space<vmem>>
        %dma_start3A_90 = tpu.memref_squeeze %dma_start3A_89 : memref<1x80x128xf32, #tpu.memory_space<vmem>> -> memref<80x128xf32, #tpu.memory_space<vmem>>
        tpu.enqueue_dma source(%dma_start3A_90 : memref<80x128xf32, #tpu.memory_space<vmem>>) target(%dma_start3A_86 : memref<80x128xf32, #tpu.memory_space<vmem_shared>>) target_semaphore(%run_scoped3A_78 : memref<!tpu.dma_semaphore, #tpu.memory_space<semaphore_mem>>)
        %dma_wait3A_91 = arith.constant 0 : i32
        %dma_wait3A_92 = arith.constant 0 : i32
        %dma_wait3A_93 = tpu.memref_slice %arg8[%run_scoped3A, %dma_wait3A_91, %dma_wait3A_92] : memref<4x80x128xf32, #tpu.memory_space<vmem>> -> memref<1x80x128xf32, #tpu.memory_space<vmem>>
        %dma_wait3A_94 = tpu.memref_squeeze %dma_wait3A_93 : memref<1x80x128xf32, #tpu.memory_space<vmem>> -> memref<80x128xf32, #tpu.memory_space<vmem>>
        %dma_wait3A_95 = arith.constant 0 : i32
        %dma_wait3A_96 = tpu.memref_slice %arg9[%add3A, %dma_wait3A_95] : memref<10240x128xf32, #tpu.memory_space<vmem_shared>> -> memref<80x128xf32, #tpu.memory_space<vmem_shared>>
        %dma_wait3A_97 = arith.constant 0 : i32
        %dma_wait3A_98 = tpu.memref_slice %arg9[%add3A, %dma_wait3A_97] : memref<10240x128xf32, #tpu.memory_space<vmem_shared>> -> memref<80x128xf32, #tpu.memory_space<vmem_shared>>
        %dma_wait3A_99 = arith.constant 0 : i32
        %dma_wait3A_100 = arith.constant 0 : i32
        %dma_wait3A_101 = tpu.memref_slice %arg8[%run_scoped3A, %dma_wait3A_99, %dma_wait3A_100] : memref<4x80x128xf32, #tpu.memory_space<vmem>> -> memref<1x80x128xf32, #tpu.memory_space<vmem>>
        %dma_wait3A_102 = tpu.memref_squeeze %dma_wait3A_101 : memref<1x80x128xf32, #tpu.memory_space<vmem>> -> memref<80x128xf32, #tpu.memory_space<vmem>>
        tpu.wait_dma2 semaphore(%run_scoped3A_78 : memref<!tpu.dma_semaphore, #tpu.memory_space<semaphore_mem>>) src(%dma_wait3A_102 : memref<80x128xf32, #tpu.memory_space<vmem>>) dst(%dma_wait3A_98 : memref<80x128xf32, #tpu.memory_space<vmem_shared>>)
        tpu.yield
      }) : () -> ()
      %scan3A_77 = arith.constant 0 : i32
      scf.yield %scan3A_77 : i32
    }
    %scan3A_13 = arith.constant 8 : i32
    %barrier3A = arith.constant 0 : index
    tpu.barrier barrier_id(%barrier3A)
    "tpu.region"() ({
      %run_scoped3A = tpu.sem_alloc : memref<!tpu.dma_semaphore, #tpu.memory_space<semaphore_mem>>
      %dma_start3A_71 = arith.constant 0 : i32
      %dma_start3A_72 = arith.constant 0 : i32
      %dma_start3A_73 = tpu.memref_slice %arg6[%dma_start3A_71, %dma_start3A_72] : memref<24x80xi32, #tpu.memory_space<vmem>> -> memref<8x80xi32, #tpu.memory_space<vmem>>
      %dma_start3A_74 = arith.constant 0 : i32
      %dma_start3A_75 = arith.constant 0 : i32
      %dma_start3A_76 = tpu.memref_slice %arg3[%arg0, %arg1, %dma_start3A_74, %dma_start3A_75] : memref<2x16x128x80xi32, #tpu.memory_space<hbm>> -> memref<1x1x8x80xi32, #tpu.memory_space<hbm>>
      %dma_start3A_77 = tpu.memref_squeeze %dma_start3A_76 : memref<1x1x8x80xi32, #tpu.memory_space<hbm>> -> memref<8x80xi32, #tpu.memory_space<hbm>>
      %dma_start3A_78 = arith.constant 0 : i32
      %dma_start3A_79 = arith.constant 0 : i32
      %dma_start3A_80 = tpu.memref_slice %arg6[%dma_start3A_78, %dma_start3A_79] : memref<24x80xi32, #tpu.memory_space<vmem>> -> memref<8x80xi32, #tpu.memory_space<vmem>>
      %dma_start3A_81 = arith.constant 0 : i32
      %dma_start3A_82 = arith.constant 0 : i32
      %dma_start3A_83 = tpu.memref_slice %arg3[%arg0, %arg1, %dma_start3A_81, %dma_start3A_82] : memref<2x16x128x80xi32, #tpu.memory_space<hbm>> -> memref<1x1x8x80xi32, #tpu.memory_space<hbm>>
      %dma_start3A_84 = tpu.memref_squeeze %dma_start3A_83 : memref<1x1x8x80xi32, #tpu.memory_space<hbm>> -> memref<8x80xi32, #tpu.memory_space<hbm>>
      tpu.enqueue_dma source(%dma_start3A_84 : memref<8x80xi32, #tpu.memory_space<hbm>>) target(%dma_start3A_80 : memref<8x80xi32, #tpu.memory_space<vmem>>) target_semaphore(%run_scoped3A : memref<!tpu.dma_semaphore, #tpu.memory_space<semaphore_mem>>)
      %dma_wait3A_85 = arith.constant 0 : i32
      %dma_wait3A_86 = arith.constant 0 : i32
      %dma_wait3A_87 = tpu.memref_slice %arg6[%dma_wait3A_85, %dma_wait3A_86] : memref<24x80xi32, #tpu.memory_space<vmem>> -> memref<8x80xi32, #tpu.memory_space<vmem>>
      %dma_wait3A_88 = arith.constant 0 : i32
      %dma_wait3A_89 = arith.constant 0 : i32
      %dma_wait3A_90 = tpu.memref_slice %arg3[%arg0, %arg1, %dma_wait3A_88, %dma_wait3A_89] : memref<2x16x128x80xi32, #tpu.memory_space<hbm>> -> memref<1x1x8x80xi32, #tpu.memory_space<hbm>>
      %dma_wait3A_91 = tpu.memref_squeeze %dma_wait3A_90 : memref<1x1x8x80xi32, #tpu.memory_space<hbm>> -> memref<8x80xi32, #tpu.memory_space<hbm>>
      %dma_wait3A_92 = arith.constant 0 : i32
      %dma_wait3A_93 = arith.constant 0 : i32
      %dma_wait3A_94 = tpu.memref_slice %arg6[%dma_wait3A_92, %dma_wait3A_93] : memref<24x80xi32, #tpu.memory_space<vmem>> -> memref<8x80xi32, #tpu.memory_space<vmem>>
      %dma_wait3A_95 = arith.constant 0 : i32
      %dma_wait3A_96 = arith.constant 0 : i32
      %dma_wait3A_97 = tpu.memref_slice %arg3[%arg0, %arg1, %dma_wait3A_95, %dma_wait3A_96] : memref<2x16x128x80xi32, #tpu.memory_space<hbm>> -> memref<1x1x8x80xi32, #tpu.memory_space<hbm>>
      %dma_wait3A_98 = tpu.memref_squeeze %dma_wait3A_97 : memref<1x1x8x80xi32, #tpu.memory_space<hbm>> -> memref<8x80xi32, #tpu.memory_space<hbm>>
      tpu.wait_dma2 semaphore(%run_scoped3A : memref<!tpu.dma_semaphore, #tpu.memory_space<semaphore_mem>>) src(%dma_wait3A_98 : memref<8x80xi32, #tpu.memory_space<hbm>>) dst(%dma_wait3A_94 : memref<8x80xi32, #tpu.memory_space<vmem>>)
      tpu.yield
    }) : () -> ()
    "tpu.region"() ({
      %run_scoped3A = tpu.sem_alloc : memref<!tpu.dma_semaphore, #tpu.memory_space<semaphore_mem>>
      %dma_start3A_71 = arith.constant 0 : i32
      %dma_start3A_72 = arith.constant 0 : i32
      %dma_start3A_73 = tpu.memref_slice %arg7[%dma_start3A_71, %dma_start3A_72] : memref<24x80xi32, #tpu.memory_space<vmem>> -> memref<8x80xi32, #tpu.memory_space<vmem>>
      %dma_start3A_74 = arith.constant 0 : i32
      %dma_start3A_75 = arith.constant 0 : i32
      %dma_start3A_76 = tpu.memref_slice %arg4[%arg1, %dma_start3A_74, %dma_start3A_75] : memref<16x128x80xi32, #tpu.memory_space<hbm>> -> memref<1x8x80xi32, #tpu.memory_space<hbm>>
      %dma_start3A_77 = tpu.memref_squeeze %dma_start3A_76 : memref<1x8x80xi32, #tpu.memory_space<hbm>> -> memref<8x80xi32, #tpu.memory_space<hbm>>
      %dma_start3A_78 = arith.constant 0 : i32
      %dma_start3A_79 = arith.constant 0 : i32
      %dma_start3A_80 = tpu.memref_slice %arg7[%dma_start3A_78, %dma_start3A_79] : memref<24x80xi32, #tpu.memory_space<vmem>> -> memref<8x80xi32, #tpu.memory_space<vmem>>
      %dma_start3A_81 = arith.constant 0 : i32
      %dma_start3A_82 = arith.constant 0 : i32
      %dma_start3A_83 = tpu.memref_slice %arg4[%arg1, %dma_start3A_81, %dma_start3A_82] : memref<16x128x80xi32, #tpu.memory_space<hbm>> -> memref<1x8x80xi32, #tpu.memory_space<hbm>>
      %dma_start3A_84 = tpu.memref_squeeze %dma_start3A_83 : memref<1x8x80xi32, #tpu.memory_space<hbm>> -> memref<8x80xi32, #tpu.memory_space<hbm>>
      tpu.enqueue_dma source(%dma_start3A_84 : memref<8x80xi32, #tpu.memory_space<hbm>>) target(%dma_start3A_80 : memref<8x80xi32, #tpu.memory_space<vmem>>) target_semaphore(%run_scoped3A : memref<!tpu.dma_semaphore, #tpu.memory_space<semaphore_mem>>)
      %dma_wait3A_85 = arith.constant 0 : i32
      %dma_wait3A_86 = arith.constant 0 : i32
      %dma_wait3A_87 = tpu.memref_slice %arg7[%dma_wait3A_85, %dma_wait3A_86] : memref<24x80xi32, #tpu.memory_space<vmem>> -> memref<8x80xi32, #tpu.memory_space<vmem>>
      %dma_wait3A_88 = arith.constant 0 : i32
      %dma_wait3A_89 = arith.constant 0 : i32
      %dma_wait3A_90 = tpu.memref_slice %arg4[%arg1, %dma_wait3A_88, %dma_wait3A_89] : memref<16x128x80xi32, #tpu.memory_space<hbm>> -> memref<1x8x80xi32, #tpu.memory_space<hbm>>
      %dma_wait3A_91 = tpu.memref_squeeze %dma_wait3A_90 : memref<1x8x80xi32, #tpu.memory_space<hbm>> -> memref<8x80xi32, #tpu.memory_space<hbm>>
      %dma_wait3A_92 = arith.constant 0 : i32
      %dma_wait3A_93 = arith.constant 0 : i32
      %dma_wait3A_94 = tpu.memref_slice %arg7[%dma_wait3A_92, %dma_wait3A_93] : memref<24x80xi32, #tpu.memory_space<vmem>> -> memref<8x80xi32, #tpu.memory_space<vmem>>
      %dma_wait3A_95 = arith.constant 0 : i32
      %dma_wait3A_96 = arith.constant 0 : i32
      %dma_wait3A_97 = tpu.memref_slice %arg4[%arg1, %dma_wait3A_95, %dma_wait3A_96] : memref<16x128x80xi32, #tpu.memory_space<hbm>> -> memref<1x8x80xi32, #tpu.memory_space<hbm>>
      %dma_wait3A_98 = tpu.memref_squeeze %dma_wait3A_97 : memref<1x8x80xi32, #tpu.memory_space<hbm>> -> memref<8x80xi32, #tpu.memory_space<hbm>>
      tpu.wait_dma2 semaphore(%run_scoped3A : memref<!tpu.dma_semaphore, #tpu.memory_space<semaphore_mem>>) src(%dma_wait3A_98 : memref<8x80xi32, #tpu.memory_space<hbm>>) dst(%dma_wait3A_94 : memref<8x80xi32, #tpu.memory_space<vmem>>)
      tpu.yield
    }) : () -> ()
    %dma_start3A = arith.constant 0 : i32
    %dma_start3A_14 = arith.constant 0 : i32
    %dma_start3A_15 = arith.constant 0 : i32
    %dma_start3A_16 = arith.constant 0 : i32
    %dma_start3A_17 = tpu.memref_slice %arg8[%dma_start3A_14, %dma_start3A_15, %dma_start3A_16] : memref<4x80x128xf32, #tpu.memory_space<vmem>> -> memref<1x80x128xf32, #tpu.memory_space<vmem>>
    %dma_start3A_18 = tpu.memref_squeeze %dma_start3A_17 : memref<1x80x128xf32, #tpu.memory_space<vmem>> -> memref<80x128xf32, #tpu.memory_space<vmem>>
    %dma_start3A_19 = arith.constant 0 : i32
    %dma_start3A_20 = tpu.memref_slice %arg6[%dma_start3A, %dma_start3A_19] : memref<24x80xi32, #tpu.memory_space<vmem>> -> memref<1x80xi32, #tpu.memory_space<vmem>>
    %dma_start3A_21 = tpu.memref_squeeze %dma_start3A_20 : memref<1x80xi32, #tpu.memory_space<vmem>> -> memref<80xi32, #tpu.memory_space<vmem>>
    %dma_start3A_22 = arith.constant 0 : i32
    %dma_start3A_23 = arith.constant 0 : i32
    %dma_start3A_24 = tpu.memref_slice %arg2[%dma_start3A_22, %dma_start3A_23] : memref<20000x128xf32, #tpu.memory_space<hbm>> -> memref<20000x128xf32, #tpu.memory_space<hbm>>
    tpu.enqueue_indirect_dma source(%dma_start3A_24 : memref<20000x128xf32, #tpu.memory_space<hbm>>) target(%dma_start3A_18 : memref<80x128xf32, #tpu.memory_space<vmem>>) offsets(%dma_start3A_21 : memref<80xi32, #tpu.memory_space<vmem>>) semaphore(%arg10 : memref<!tpu.dma_semaphore, #tpu.memory_space<semaphore_mem>>)
    %dma_start3A_25 = arith.constant 1 : i32
    %dma_start3A_26 = arith.constant 1 : i32
    %dma_start3A_27 = arith.constant 0 : i32
    %dma_start3A_28 = arith.constant 0 : i32
    %dma_start3A_29 = tpu.memref_slice %arg8[%dma_start3A_26, %dma_start3A_27, %dma_start3A_28] : memref<4x80x128xf32, #tpu.memory_space<vmem>> -> memref<1x80x128xf32, #tpu.memory_space<vmem>>
    %dma_start3A_30 = tpu.memref_squeeze %dma_start3A_29 : memref<1x80x128xf32, #tpu.memory_space<vmem>> -> memref<80x128xf32, #tpu.memory_space<vmem>>
    %dma_start3A_31 = arith.constant 0 : i32
    %dma_start3A_32 = tpu.memref_slice %arg6[%dma_start3A_25, %dma_start3A_31] : memref<24x80xi32, #tpu.memory_space<vmem>> -> memref<1x80xi32, #tpu.memory_space<vmem>>
    %dma_start3A_33 = tpu.memref_squeeze %dma_start3A_32 : memref<1x80xi32, #tpu.memory_space<vmem>> -> memref<80xi32, #tpu.memory_space<vmem>>
    %dma_start3A_34 = arith.constant 0 : i32
    %dma_start3A_35 = arith.constant 0 : i32
    %dma_start3A_36 = tpu.memref_slice %arg2[%dma_start3A_34, %dma_start3A_35] : memref<20000x128xf32, #tpu.memory_space<hbm>> -> memref<20000x128xf32, #tpu.memory_space<hbm>>
    tpu.enqueue_indirect_dma source(%dma_start3A_36 : memref<20000x128xf32, #tpu.memory_space<hbm>>) target(%dma_start3A_30 : memref<80x128xf32, #tpu.memory_space<vmem>>) offsets(%dma_start3A_33 : memref<80xi32, #tpu.memory_space<vmem>>) semaphore(%arg11 : memref<!tpu.dma_semaphore, #tpu.memory_space<semaphore_mem>>)
    %dma_start3A_37 = arith.constant 2 : i32
    %dma_start3A_38 = arith.constant 2 : i32
    %dma_start3A_39 = arith.constant 0 : i32
    %dma_start3A_40 = arith.constant 0 : i32
    %dma_start3A_41 = tpu.memref_slice %arg8[%dma_start3A_38, %dma_start3A_39, %dma_start3A_40] : memref<4x80x128xf32, #tpu.memory_space<vmem>> -> memref<1x80x128xf32, #tpu.memory_space<vmem>>
    %dma_start3A_42 = tpu.memref_squeeze %dma_start3A_41 : memref<1x80x128xf32, #tpu.memory_space<vmem>> -> memref<80x128xf32, #tpu.memory_space<vmem>>
    %dma_start3A_43 = arith.constant 0 : i32
    %dma_start3A_44 = tpu.memref_slice %arg6[%dma_start3A_37, %dma_start3A_43] : memref<24x80xi32, #tpu.memory_space<vmem>> -> memref<1x80xi32, #tpu.memory_space<vmem>>
    %dma_start3A_45 = tpu.memref_squeeze %dma_start3A_44 : memref<1x80xi32, #tpu.memory_space<vmem>> -> memref<80xi32, #tpu.memory_space<vmem>>
    %dma_start3A_46 = arith.constant 0 : i32
    %dma_start3A_47 = arith.constant 0 : i32
    %dma_start3A_48 = tpu.memref_slice %arg2[%dma_start3A_46, %dma_start3A_47] : memref<20000x128xf32, #tpu.memory_space<hbm>> -> memref<20000x128xf32, #tpu.memory_space<hbm>>
    tpu.enqueue_indirect_dma source(%dma_start3A_48 : memref<20000x128xf32, #tpu.memory_space<hbm>>) target(%dma_start3A_42 : memref<80x128xf32, #tpu.memory_space<vmem>>) offsets(%dma_start3A_45 : memref<80xi32, #tpu.memory_space<vmem>>) semaphore(%arg12 : memref<!tpu.dma_semaphore, #tpu.memory_space<semaphore_mem>>)
    %scan3A_49 = arith.constant 0 : i32
    %scan3A_50 = arith.constant 0 : i32
    %scan3A_51 = arith.constant 128 : i32
    %scan3A_52 = arith.addi %scan3A_50, %scan3A_51 : i32
    %scan3A_53 = arith.constant 1 : i32
    %scan3A_54 = scf.for %scan3A_71 = %scan3A_50 to %scan3A_52 step %scan3A_53 iter_args(%scan3A_72 = %scan3A_49) -> (i32)  : i32 {
      %add3A = arith.constant 3 : i32
      %add3A_73 = arith.addi %scan3A_71, %add3A : i32
      %jit3A = arith.constant 4 : i32
      %eq3A = arith.constant 0 : i32
      %eq3A_74 = arith.cmpi eq, %jit3A, %eq3A : i32
      %jit3A_75 = arith.constant 1 : i32
      %select_n3A = arith.select %eq3A_74, %jit3A_75, %jit3A : i32
      %rem3A = arith.remsi %add3A_73, %select_n3A : i32
      %ne3A = arith.constant 0 : i32
      %ne3A_76 = arith.cmpi ne, %rem3A, %ne3A : i32
      %lt3A = arith.constant 0 : i32
      %lt3A_77 = arith.cmpi slt, %rem3A, %lt3A : i32
      %lt3A_78 = arith.constant 0 : i32
      %lt3A_79 = arith.cmpi slt, %select_n3A, %lt3A_78 : i32
      %ne3A_80 = arith.xori %lt3A_77, %lt3A_79 : i1
      %and3A = arith.andi %ne3A_80, %ne3A_76 : i1
      %add3A_81 = arith.addi %rem3A, %select_n3A : i32
      %select_n3A_82 = arith.select %and3A, %add3A_81, %rem3A : i32
      %eq3A_83 = arith.constant 0 : i32
      %eq3A_84 = arith.cmpi eq, %select_n3A_82, %eq3A_83 : i32
      %convert_element_type3A = arith.extui %eq3A_84 : i1 to i32
      %cond3A = arith.constant 0 : i32
      %cond3A_85 = arith.cmpi ne, %convert_element_type3A, %cond3A : i32
      scf.if %cond3A_85 {
        %ge3A = arith.constant 1 : i32
        %ge3A_240 = arith.cmpi sge, %scan3A_71, %ge3A : i32
        %convert_element_type3A_241 = arith.extui %ge3A_240 : i1 to i32
        %cond3A_242 = arith.constant 0 : i32
        %cond3A_243 = arith.cmpi ne, %convert_element_type3A_241, %cond3A_242 : i32
        scf.if %cond3A_243 {
          %dma_wait3A_300 = arith.constant 0 : i32
          %dma_wait3A_301 = arith.constant 0 : i32
          %dma_wait3A_302 = arith.constant 0 : i32
          %dma_wait3A_303 = arith.constant 0 : i32
          %dma_wait3A_304 = tpu.memref_slice %arg8[%dma_wait3A_300, %dma_wait3A_302, %dma_wait3A_303] : memref<4x80x128xf32, #tpu.memory_space<vmem>> -> memref<1x80x128xf32, #tpu.memory_space<vmem>>
          %dma_wait3A_305 = tpu.memref_squeeze %dma_wait3A_304 : memref<1x80x128xf32, #tpu.memory_space<vmem>> -> memref<80x128xf32, #tpu.memory_space<vmem>>
          %dma_wait3A_306 = arith.constant 0 : i32
          %dma_wait3A_307 = tpu.memref_slice %arg7[%dma_wait3A_301, %dma_wait3A_306] : memref<24x80xi32, #tpu.memory_space<vmem>> -> memref<1x80xi32, #tpu.memory_space<vmem>>
          %dma_wait3A_308 = tpu.memref_squeeze %dma_wait3A_307 : memref<1x80xi32, #tpu.memory_space<vmem>> -> memref<80xi32, #tpu.memory_space<vmem>>
          %dma_wait3A_309 = arith.constant 0 : i32
          %dma_wait3A_310 = arith.constant 0 : i32
          %dma_wait3A_311 = tpu.memref_slice %arg9[%dma_wait3A_309, %dma_wait3A_310] : memref<10240x128xf32, #tpu.memory_space<vmem_shared>> -> memref<10240x128xf32, #tpu.memory_space<vmem_shared>>
          tpu.wait_indirect_dma semaphore(%arg14 : memref<!tpu.dma_semaphore, #tpu.memory_space<semaphore_mem>>) src(%dma_wait3A_305 : memref<80x128xf32, #tpu.memory_space<vmem>>) dst(%dma_wait3A_311 : memref<10240x128xf32, #tpu.memory_space<vmem_shared>>)
        } else {
        }
        %add3A_244 = arith.constant 3 : i32
        %add3A_245 = arith.addi %scan3A_71, %add3A_244 : i32
        %jit3A_246 = arith.constant 8 : i32
        %eq3A_247 = arith.constant 0 : i32
        %eq3A_248 = arith.cmpi eq, %jit3A_246, %eq3A_247 : i32
        %jit3A_249 = arith.constant 1 : i32
        %select_n3A_250 = arith.select %eq3A_248, %jit3A_249, %jit3A_246 : i32
        %rem3A_251 = arith.remsi %add3A_245, %select_n3A_250 : i32
        %ne3A_252 = arith.constant 0 : i32
        %ne3A_253 = arith.cmpi ne, %rem3A_251, %ne3A_252 : i32
        %lt3A_254 = arith.constant 0 : i32
        %lt3A_255 = arith.cmpi slt, %rem3A_251, %lt3A_254 : i32
        %lt3A_256 = arith.constant 0 : i32
        %lt3A_257 = arith.cmpi slt, %select_n3A_250, %lt3A_256 : i32
        %ne3A_258 = arith.xori %lt3A_255, %lt3A_257 : i1
        %and3A_259 = arith.andi %ne3A_258, %ne3A_253 : i1
        %add3A_260 = arith.addi %rem3A_251, %select_n3A_250 : i32
        %select_n3A_261 = arith.select %and3A_259, %add3A_260, %rem3A_251 : i32
        %eq3A_262 = arith.constant 0 : i32
        %eq3A_263 = arith.cmpi eq, %select_n3A_261, %eq3A_262 : i32
        %add3A_264 = arith.constant 3 : i32
        %add3A_265 = arith.addi %scan3A_71, %add3A_264 : i32
        %jit3A_266 = arith.constant 8 : i32
        %div3A = arith.divsi %add3A_265, %jit3A_266 : i32
        %sign3A = arith.constant 0 : i32
        %sign3A_267 = arith.cmpi sgt, %add3A_265, %sign3A : i32
        %sign3A_268 = arith.extui %sign3A_267 : i1 to i32
        %sign3A_269 = arith.constant 0 : i32
        %sign3A_270 = arith.cmpi slt, %add3A_265, %sign3A_269 : i32
        %sign3A_271 = arith.extui %sign3A_270 : i1 to i32
        %sign3A_272 = arith.subi %sign3A_268, %sign3A_271 : i32
        %sign3A_273 = arith.constant 0 : i32
        %sign3A_274 = arith.cmpi sgt, %jit3A_266, %sign3A_273 : i32
        %sign3A_275 = arith.extui %sign3A_274 : i1 to i32
        %sign3A_276 = arith.constant 0 : i32
        %sign3A_277 = arith.cmpi slt, %jit3A_266, %sign3A_276 : i32
        %sign3A_278 = arith.extui %sign3A_277 : i1 to i32
        %sign3A_279 = arith.subi %sign3A_275, %sign3A_278 : i32
        %ne3A_280 = arith.cmpi ne, %sign3A_272, %sign3A_279 : i32
        %rem3A_281 = arith.remsi %add3A_265, %jit3A_266 : i32
        %ne3A_282 = arith.constant 0 : i32
        %ne3A_283 = arith.cmpi ne, %rem3A_281, %ne3A_282 : i32
        %and3A_284 = arith.andi %ne3A_280, %ne3A_283 : i1
        %sub3A = arith.constant 1 : i32
        %sub3A_285 = arith.subi %div3A, %sub3A : i32
        %select_n3A_286 = arith.select %and3A_284, %sub3A_285, %div3A : i32
        %lt3A_287 = arith.constant 16 : i32
        %lt3A_288 = arith.cmpi slt, %select_n3A_286, %lt3A_287 : i32
        %and3A_289 = arith.andi %eq3A_263, %lt3A_288 : i1
        %convert_element_type3A_290 = arith.extui %and3A_289 : i1 to i32
        %cond3A_291 = arith.constant 0 : i32
        %cond3A_292 = arith.cmpi ne, %convert_element_type3A_290, %cond3A_291 : i32
        scf.if %cond3A_292 {
          %add3A_300 = arith.constant 3 : i32
          %add3A_301 = arith.addi %scan3A_71, %add3A_300 : i32
          %jit3A_302 = arith.constant 8 : i32
          %div3A_303 = arith.divsi %add3A_301, %jit3A_302 : i32
          %sign3A_304 = arith.constant 0 : i32
          %sign3A_305 = arith.cmpi sgt, %add3A_301, %sign3A_304 : i32
          %sign3A_306 = arith.extui %sign3A_305 : i1 to i32
          %sign3A_307 = arith.constant 0 : i32
          %sign3A_308 = arith.cmpi slt, %add3A_301, %sign3A_307 : i32
          %sign3A_309 = arith.extui %sign3A_308 : i1 to i32
          %sign3A_310 = arith.subi %sign3A_306, %sign3A_309 : i32
          %sign3A_311 = arith.constant 0 : i32
          %sign3A_312 = arith.cmpi sgt, %jit3A_302, %sign3A_311 : i32
          %sign3A_313 = arith.extui %sign3A_312 : i1 to i32
          %sign3A_314 = arith.constant 0 : i32
          %sign3A_315 = arith.cmpi slt, %jit3A_302, %sign3A_314 : i32
          %sign3A_316 = arith.extui %sign3A_315 : i1 to i32
          %sign3A_317 = arith.subi %sign3A_313, %sign3A_316 : i32
          %ne3A_318 = arith.cmpi ne, %sign3A_310, %sign3A_317 : i32
          %rem3A_319 = arith.remsi %add3A_301, %jit3A_302 : i32
          %ne3A_320 = arith.constant 0 : i32
          %ne3A_321 = arith.cmpi ne, %rem3A_319, %ne3A_320 : i32
          %and3A_322 = arith.andi %ne3A_318, %ne3A_321 : i1
          %sub3A_323 = arith.constant 1 : i32
          %sub3A_324 = arith.subi %div3A_303, %sub3A_323 : i32
          %select_n3A_325 = arith.select %and3A_322, %sub3A_324, %div3A_303 : i32
          %jit3A_326 = arith.constant 3 : i32
          %eq3A_327 = arith.constant 0 : i32
          %eq3A_328 = arith.cmpi eq, %jit3A_326, %eq3A_327 : i32
          %jit3A_329 = arith.constant 1 : i32
          %select_n3A_330 = arith.select %eq3A_328, %jit3A_329, %jit3A_326 : i32
          %rem3A_331 = arith.remsi %select_n3A_325, %select_n3A_330 : i32
          %ne3A_332 = arith.constant 0 : i32
          %ne3A_333 = arith.cmpi ne, %rem3A_331, %ne3A_332 : i32
          %lt3A_334 = arith.constant 0 : i32
          %lt3A_335 = arith.cmpi slt, %rem3A_331, %lt3A_334 : i32
          %lt3A_336 = arith.constant 0 : i32
          %lt3A_337 = arith.cmpi slt, %select_n3A_330, %lt3A_336 : i32
          %ne3A_338 = arith.xori %lt3A_335, %lt3A_337 : i1
          %and3A_339 = arith.andi %ne3A_338, %ne3A_333 : i1
          %add3A_340 = arith.addi %rem3A_331, %select_n3A_330 : i32
          %select_n3A_341 = arith.select %and3A_339, %add3A_340, %rem3A_331 : i32
          %mul3A_342 = arith.constant 8 : i32
          %mul3A_343 = arith.muli %select_n3A_341, %mul3A_342 : i32
          %mul3A_344 = arith.constant 8 : i32
          %mul3A_345 = arith.muli %select_n3A_325, %mul3A_344 : i32
          "tpu.region"() ({
            %run_scoped3A = tpu.sem_alloc : memref<!tpu.dma_semaphore, #tpu.memory_space<semaphore_mem>>
            %dma_start3A_348 = arith.constant 0 : i32
            %dma_start3A_349 = tpu.memref_slice %arg6[%mul3A_343, %dma_start3A_348] : memref<24x80xi32, #tpu.memory_space<vmem>> -> memref<8x80xi32, #tpu.memory_space<vmem>>
            %dma_start3A_350 = arith.constant 0 : i32
            %dma_start3A_351 = tpu.memref_slice %arg3[%arg0, %arg1, %mul3A_345, %dma_start3A_350] : memref<2x16x128x80xi32, #tpu.memory_space<hbm>> -> memref<1x1x8x80xi32, #tpu.memory_space<hbm>>
            %dma_start3A_352 = tpu.memref_squeeze %dma_start3A_351 : memref<1x1x8x80xi32, #tpu.memory_space<hbm>> -> memref<8x80xi32, #tpu.memory_space<hbm>>
            %dma_start3A_353 = arith.constant 0 : i32
            %dma_start3A_354 = tpu.memref_slice %arg6[%mul3A_343, %dma_start3A_353] : memref<24x80xi32, #tpu.memory_space<vmem>> -> memref<8x80xi32, #tpu.memory_space<vmem>>
            %dma_start3A_355 = arith.constant 0 : i32
            %dma_start3A_356 = tpu.memref_slice %arg3[%arg0, %arg1, %mul3A_345, %dma_start3A_355] : memref<2x16x128x80xi32, #tpu.memory_space<hbm>> -> memref<1x1x8x80xi32, #tpu.memory_space<hbm>>
            %dma_start3A_357 = tpu.memref_squeeze %dma_start3A_356 : memref<1x1x8x80xi32, #tpu.memory_space<hbm>> -> memref<8x80xi32, #tpu.memory_space<hbm>>
            tpu.enqueue_dma source(%dma_start3A_357 : memref<8x80xi32, #tpu.memory_space<hbm>>) target(%dma_start3A_354 : memref<8x80xi32, #tpu.memory_space<vmem>>) target_semaphore(%run_scoped3A : memref<!tpu.dma_semaphore, #tpu.memory_space<semaphore_mem>>)
            %dma_wait3A_358 = arith.constant 0 : i32
            %dma_wait3A_359 = tpu.memref_slice %arg6[%mul3A_343, %dma_wait3A_358] : memref<24x80xi32, #tpu.memory_space<vmem>> -> memref<8x80xi32, #tpu.memory_space<vmem>>
            %dma_wait3A_360 = arith.constant 0 : i32
            %dma_wait3A_361 = tpu.memref_slice %arg3[%arg0, %arg1, %mul3A_345, %dma_wait3A_360] : memref<2x16x128x80xi32, #tpu.memory_space<hbm>> -> memref<1x1x8x80xi32, #tpu.memory_space<hbm>>
            %dma_wait3A_362 = tpu.memref_squeeze %dma_wait3A_361 : memref<1x1x8x80xi32, #tpu.memory_space<hbm>> -> memref<8x80xi32, #tpu.memory_space<hbm>>
            %dma_wait3A_363 = arith.constant 0 : i32
            %dma_wait3A_364 = tpu.memref_slice %arg6[%mul3A_343, %dma_wait3A_363] : memref<24x80xi32, #tpu.memory_space<vmem>> -> memref<8x80xi32, #tpu.memory_space<vmem>>
            %dma_wait3A_365 = arith.constant 0 : i32
            %dma_wait3A_366 = tpu.memref_slice %arg3[%arg0, %arg1, %mul3A_345, %dma_wait3A_365] : memref<2x16x128x80xi32, #tpu.memory_space<hbm>> -> memref<1x1x8x80xi32, #tpu.memory_space<hbm>>
            %dma_wait3A_367 = tpu.memref_squeeze %dma_wait3A_366 : memref<1x1x8x80xi32, #tpu.memory_space<hbm>> -> memref<8x80xi32, #tpu.memory_space<hbm>>
            tpu.wait_dma2 semaphore(%run_scoped3A : memref<!tpu.dma_semaphore, #tpu.memory_space<semaphore_mem>>) src(%dma_wait3A_367 : memref<8x80xi32, #tpu.memory_space<hbm>>) dst(%dma_wait3A_364 : memref<8x80xi32, #tpu.memory_space<vmem>>)
            tpu.yield
          }) : () -> ()
          %mul3A_346 = arith.constant 8 : i32
          %mul3A_347 = arith.muli %select_n3A_325, %mul3A_346 : i32
          "tpu.region"() ({
            %run_scoped3A = tpu.sem_alloc : memref<!tpu.dma_semaphore, #tpu.memory_space<semaphore_mem>>
            %dma_start3A_348 = arith.constant 0 : i32
            %dma_start3A_349 = tpu.memref_slice %arg7[%mul3A_343, %dma_start3A_348] : memref<24x80xi32, #tpu.memory_space<vmem>> -> memref<8x80xi32, #tpu.memory_space<vmem>>
            %dma_start3A_350 = arith.constant 0 : i32
            %dma_start3A_351 = tpu.memref_slice %arg4[%arg1, %mul3A_347, %dma_start3A_350] : memref<16x128x80xi32, #tpu.memory_space<hbm>> -> memref<1x8x80xi32, #tpu.memory_space<hbm>>
            %dma_start3A_352 = tpu.memref_squeeze %dma_start3A_351 : memref<1x8x80xi32, #tpu.memory_space<hbm>> -> memref<8x80xi32, #tpu.memory_space<hbm>>
            %dma_start3A_353 = arith.constant 0 : i32
            %dma_start3A_354 = tpu.memref_slice %arg7[%mul3A_343, %dma_start3A_353] : memref<24x80xi32, #tpu.memory_space<vmem>> -> memref<8x80xi32, #tpu.memory_space<vmem>>
            %dma_start3A_355 = arith.constant 0 : i32
            %dma_start3A_356 = tpu.memref_slice %arg4[%arg1, %mul3A_347, %dma_start3A_355] : memref<16x128x80xi32, #tpu.memory_space<hbm>> -> memref<1x8x80xi32, #tpu.memory_space<hbm>>
            %dma_start3A_357 = tpu.memref_squeeze %dma_start3A_356 : memref<1x8x80xi32, #tpu.memory_space<hbm>> -> memref<8x80xi32, #tpu.memory_space<hbm>>
            tpu.enqueue_dma source(%dma_start3A_357 : memref<8x80xi32, #tpu.memory_space<hbm>>) target(%dma_start3A_354 : memref<8x80xi32, #tpu.memory_space<vmem>>) target_semaphore(%run_scoped3A : memref<!tpu.dma_semaphore, #tpu.memory_space<semaphore_mem>>)
            %dma_wait3A_358 = arith.constant 0 : i32
            %dma_wait3A_359 = tpu.memref_slice %arg7[%mul3A_343, %dma_wait3A_358] : memref<24x80xi32, #tpu.memory_space<vmem>> -> memref<8x80xi32, #tpu.memory_space<vmem>>
            %dma_wait3A_360 = arith.constant 0 : i32
            %dma_wait3A_361 = tpu.memref_slice %arg4[%arg1, %mul3A_347, %dma_wait3A_360] : memref<16x128x80xi32, #tpu.memory_space<hbm>> -> memref<1x8x80xi32, #tpu.memory_space<hbm>>
            %dma_wait3A_362 = tpu.memref_squeeze %dma_wait3A_361 : memref<1x8x80xi32, #tpu.memory_space<hbm>> -> memref<8x80xi32, #tpu.memory_space<hbm>>
            %dma_wait3A_363 = arith.constant 0 : i32
            %dma_wait3A_364 = tpu.memref_slice %arg7[%mul3A_343, %dma_wait3A_363] : memref<24x80xi32, #tpu.memory_space<vmem>> -> memref<8x80xi32, #tpu.memory_space<vmem>>
            %dma_wait3A_365 = arith.constant 0 : i32
            %dma_wait3A_366 = tpu.memref_slice %arg4[%arg1, %mul3A_347, %dma_wait3A_365] : memref<16x128x80xi32, #tpu.memory_space<hbm>> -> memref<1x8x80xi32, #tpu.memory_space<hbm>>
            %dma_wait3A_367 = tpu.memref_squeeze %dma_wait3A_366 : memref<1x8x80xi32, #tpu.memory_space<hbm>> -> memref<8x80xi32, #tpu.memory_space<hbm>>
            tpu.wait_dma2 semaphore(%run_scoped3A : memref<!tpu.dma_semaphore, #tpu.memory_space<semaphore_mem>>) src(%dma_wait3A_367 : memref<8x80xi32, #tpu.memory_space<hbm>>) dst(%dma_wait3A_364 : memref<8x80xi32, #tpu.memory_space<vmem>>)
            tpu.yield
          }) : () -> ()
        } else {
        }
        %add3A_293 = arith.constant 3 : i32
        %add3A_294 = arith.addi %scan3A_71, %add3A_293 : i32
        %lt3A_295 = arith.constant 128 : i32
        %lt3A_296 = arith.cmpi slt, %add3A_294, %lt3A_295 : i32
        %convert_element_type3A_297 = arith.extui %lt3A_296 : i1 to i32
        %cond3A_298 = arith.constant 0 : i32
        %cond3A_299 = arith.cmpi ne, %convert_element_type3A_297, %cond3A_298 : i32
        scf.if %cond3A_299 {
          %add3A_300 = arith.constant 3 : i32
          %add3A_301 = arith.addi %scan3A_71, %add3A_300 : i32
          %jit3A_302 = arith.constant 8 : i32
          %div3A_303 = arith.divsi %add3A_301, %jit3A_302 : i32
          %sign3A_304 = arith.constant 0 : i32
          %sign3A_305 = arith.cmpi sgt, %add3A_301, %sign3A_304 : i32
          %sign3A_306 = arith.extui %sign3A_305 : i1 to i32
          %sign3A_307 = arith.constant 0 : i32
          %sign3A_308 = arith.cmpi slt, %add3A_301, %sign3A_307 : i32
          %sign3A_309 = arith.extui %sign3A_308 : i1 to i32
          %sign3A_310 = arith.subi %sign3A_306, %sign3A_309 : i32
          %sign3A_311 = arith.constant 0 : i32
          %sign3A_312 = arith.cmpi sgt, %jit3A_302, %sign3A_311 : i32
          %sign3A_313 = arith.extui %sign3A_312 : i1 to i32
          %sign3A_314 = arith.constant 0 : i32
          %sign3A_315 = arith.cmpi slt, %jit3A_302, %sign3A_314 : i32
          %sign3A_316 = arith.extui %sign3A_315 : i1 to i32
          %sign3A_317 = arith.subi %sign3A_313, %sign3A_316 : i32
          %ne3A_318 = arith.cmpi ne, %sign3A_310, %sign3A_317 : i32
          %rem3A_319 = arith.remsi %add3A_301, %jit3A_302 : i32
          %ne3A_320 = arith.constant 0 : i32
          %ne3A_321 = arith.cmpi ne, %rem3A_319, %ne3A_320 : i32
          %and3A_322 = arith.andi %ne3A_318, %ne3A_321 : i1
          %sub3A_323 = arith.constant 1 : i32
          %sub3A_324 = arith.subi %div3A_303, %sub3A_323 : i32
          %select_n3A_325 = arith.select %and3A_322, %sub3A_324, %div3A_303 : i32
          %jit3A_326 = arith.constant 3 : i32
          %eq3A_327 = arith.constant 0 : i32
          %eq3A_328 = arith.cmpi eq, %jit3A_326, %eq3A_327 : i32
          %jit3A_329 = arith.constant 1 : i32
          %select_n3A_330 = arith.select %eq3A_328, %jit3A_329, %jit3A_326 : i32
          %rem3A_331 = arith.remsi %select_n3A_325, %select_n3A_330 : i32
          %ne3A_332 = arith.constant 0 : i32
          %ne3A_333 = arith.cmpi ne, %rem3A_331, %ne3A_332 : i32
          %lt3A_334 = arith.constant 0 : i32
          %lt3A_335 = arith.cmpi slt, %rem3A_331, %lt3A_334 : i32
          %lt3A_336 = arith.constant 0 : i32
          %lt3A_337 = arith.cmpi slt, %select_n3A_330, %lt3A_336 : i32
          %ne3A_338 = arith.xori %lt3A_335, %lt3A_337 : i1
          %and3A_339 = arith.andi %ne3A_338, %ne3A_333 : i1
          %add3A_340 = arith.addi %rem3A_331, %select_n3A_330 : i32
          %select_n3A_341 = arith.select %and3A_339, %add3A_340, %rem3A_331 : i32
          %mul3A_342 = arith.constant 8 : i32
          %mul3A_343 = arith.muli %select_n3A_341, %mul3A_342 : i32
          %jit3A_344 = arith.constant 8 : i32
          %eq3A_345 = arith.constant 0 : i32
          %eq3A_346 = arith.cmpi eq, %jit3A_344, %eq3A_345 : i32
          %jit3A_347 = arith.constant 1 : i32
          %select_n3A_348 = arith.select %eq3A_346, %jit3A_347, %jit3A_344 : i32
          %rem3A_349 = arith.remsi %add3A_301, %select_n3A_348 : i32
          %ne3A_350 = arith.constant 0 : i32
          %ne3A_351 = arith.cmpi ne, %rem3A_349, %ne3A_350 : i32
          %lt3A_352 = arith.constant 0 : i32
          %lt3A_353 = arith.cmpi slt, %rem3A_349, %lt3A_352 : i32
          %lt3A_354 = arith.constant 0 : i32
          %lt3A_355 = arith.cmpi slt, %select_n3A_348, %lt3A_354 : i32
          %ne3A_356 = arith.xori %lt3A_353, %lt3A_355 : i1
          %and3A_357 = arith.andi %ne3A_356, %ne3A_351 : i1
          %add3A_358 = arith.addi %rem3A_349, %select_n3A_348 : i32
          %select_n3A_359 = arith.select %and3A_357, %add3A_358, %rem3A_349 : i32
          %add3A_360 = arith.addi %mul3A_343, %select_n3A_359 : i32
          %dma_start3A_361 = arith.constant 0 : i32
          %dma_start3A_362 = arith.constant 0 : i32
          %dma_start3A_363 = arith.constant 0 : i32
          %dma_start3A_364 = tpu.memref_slice %arg8[%dma_start3A_361, %dma_start3A_362, %dma_start3A_363] : memref<4x80x128xf32, #tpu.memory_space<vmem>> -> memref<1x80x128xf32, #tpu.memory_space<vmem>>
          %dma_start3A_365 = tpu.memref_squeeze %dma_start3A_364 : memref<1x80x128xf32, #tpu.memory_space<vmem>> -> memref<80x128xf32, #tpu.memory_space<vmem>>
          %dma_start3A_366 = arith.constant 0 : i32
          %dma_start3A_367 = tpu.memref_slice %arg6[%add3A_360, %dma_start3A_366] : memref<24x80xi32, #tpu.memory_space<vmem>> -> memref<1x80xi32, #tpu.memory_space<vmem>>
          %dma_start3A_368 = tpu.memref_squeeze %dma_start3A_367 : memref<1x80xi32, #tpu.memory_space<vmem>> -> memref<80xi32, #tpu.memory_space<vmem>>
          %dma_start3A_369 = arith.constant 0 : i32
          %dma_start3A_370 = arith.constant 0 : i32
          %dma_start3A_371 = tpu.memref_slice %arg2[%dma_start3A_369, %dma_start3A_370] : memref<20000x128xf32, #tpu.memory_space<hbm>> -> memref<20000x128xf32, #tpu.memory_space<hbm>>
          tpu.enqueue_indirect_dma source(%dma_start3A_371 : memref<20000x128xf32, #tpu.memory_space<hbm>>) target(%dma_start3A_365 : memref<80x128xf32, #tpu.memory_space<vmem>>) offsets(%dma_start3A_368 : memref<80xi32, #tpu.memory_space<vmem>>) semaphore(%arg10 : memref<!tpu.dma_semaphore, #tpu.memory_space<semaphore_mem>>)
        } else {
        }
      } else {
      }
      %add3A_86 = arith.constant 3 : i32
      %add3A_87 = arith.addi %scan3A_71, %add3A_86 : i32
      %jit3A_88 = arith.constant 4 : i32
      %eq3A_89 = arith.constant 0 : i32
      %eq3A_90 = arith.cmpi eq, %jit3A_88, %eq3A_89 : i32
      %jit3A_91 = arith.constant 1 : i32
      %select_n3A_92 = arith.select %eq3A_90, %jit3A_91, %jit3A_88 : i32
      %rem3A_93 = arith.remsi %add3A_87, %select_n3A_92 : i32
      %ne3A_94 = arith.constant 0 : i32
      %ne3A_95 = arith.cmpi ne, %rem3A_93, %ne3A_94 : i32
      %lt3A_96 = arith.constant 0 : i32
      %lt3A_97 = arith.cmpi slt, %rem3A_93, %lt3A_96 : i32
      %lt3A_98 = arith.constant 0 : i32
      %lt3A_99 = arith.cmpi slt, %select_n3A_92, %lt3A_98 : i32
      %ne3A_100 = arith.xori %lt3A_97, %lt3A_99 : i1
      %and3A_101 = arith.andi %ne3A_100, %ne3A_95 : i1
      %add3A_102 = arith.addi %rem3A_93, %select_n3A_92 : i32
      %select_n3A_103 = arith.select %and3A_101, %add3A_102, %rem3A_93 : i32
      %eq3A_104 = arith.constant 1 : i32
      %eq3A_105 = arith.cmpi eq, %select_n3A_103, %eq3A_104 : i32
      %convert_element_type3A_106 = arith.extui %eq3A_105 : i1 to i32
      %cond3A_107 = arith.constant 0 : i32
      %cond3A_108 = arith.cmpi ne, %convert_element_type3A_106, %cond3A_107 : i32
      scf.if %cond3A_108 {
        %ge3A = arith.constant 1 : i32
        %ge3A_240 = arith.cmpi sge, %scan3A_71, %ge3A : i32
        %convert_element_type3A_241 = arith.extui %ge3A_240 : i1 to i32
        %cond3A_242 = arith.constant 0 : i32
        %cond3A_243 = arith.cmpi ne, %convert_element_type3A_241, %cond3A_242 : i32
        scf.if %cond3A_243 {
          %dma_wait3A_300 = arith.constant 1 : i32
          %dma_wait3A_301 = arith.constant 0 : i32
          %dma_wait3A_302 = arith.constant 0 : i32
          %dma_wait3A_303 = arith.constant 0 : i32
          %dma_wait3A_304 = tpu.memref_slice %arg8[%dma_wait3A_300, %dma_wait3A_302, %dma_wait3A_303] : memref<4x80x128xf32, #tpu.memory_space<vmem>> -> memref<1x80x128xf32, #tpu.memory_space<vmem>>
          %dma_wait3A_305 = tpu.memref_squeeze %dma_wait3A_304 : memref<1x80x128xf32, #tpu.memory_space<vmem>> -> memref<80x128xf32, #tpu.memory_space<vmem>>
          %dma_wait3A_306 = arith.constant 0 : i32
          %dma_wait3A_307 = tpu.memref_slice %arg7[%dma_wait3A_301, %dma_wait3A_306] : memref<24x80xi32, #tpu.memory_space<vmem>> -> memref<1x80xi32, #tpu.memory_space<vmem>>
          %dma_wait3A_308 = tpu.memref_squeeze %dma_wait3A_307 : memref<1x80xi32, #tpu.memory_space<vmem>> -> memref<80xi32, #tpu.memory_space<vmem>>
          %dma_wait3A_309 = arith.constant 0 : i32
          %dma_wait3A_310 = arith.constant 0 : i32
          %dma_wait3A_311 = tpu.memref_slice %arg9[%dma_wait3A_309, %dma_wait3A_310] : memref<10240x128xf32, #tpu.memory_space<vmem_shared>> -> memref<10240x128xf32, #tpu.memory_space<vmem_shared>>
          tpu.wait_indirect_dma semaphore(%arg15 : memref<!tpu.dma_semaphore, #tpu.memory_space<semaphore_mem>>) src(%dma_wait3A_305 : memref<80x128xf32, #tpu.memory_space<vmem>>) dst(%dma_wait3A_311 : memref<10240x128xf32, #tpu.memory_space<vmem_shared>>)
        } else {
        }
        %add3A_244 = arith.constant 3 : i32
        %add3A_245 = arith.addi %scan3A_71, %add3A_244 : i32
        %jit3A_246 = arith.constant 8 : i32
        %eq3A_247 = arith.constant 0 : i32
        %eq3A_248 = arith.cmpi eq, %jit3A_246, %eq3A_247 : i32
        %jit3A_249 = arith.constant 1 : i32
        %select_n3A_250 = arith.select %eq3A_248, %jit3A_249, %jit3A_246 : i32
        %rem3A_251 = arith.remsi %add3A_245, %select_n3A_250 : i32
        %ne3A_252 = arith.constant 0 : i32
        %ne3A_253 = arith.cmpi ne, %rem3A_251, %ne3A_252 : i32
        %lt3A_254 = arith.constant 0 : i32
        %lt3A_255 = arith.cmpi slt, %rem3A_251, %lt3A_254 : i32
        %lt3A_256 = arith.constant 0 : i32
        %lt3A_257 = arith.cmpi slt, %select_n3A_250, %lt3A_256 : i32
        %ne3A_258 = arith.xori %lt3A_255, %lt3A_257 : i1
        %and3A_259 = arith.andi %ne3A_258, %ne3A_253 : i1
        %add3A_260 = arith.addi %rem3A_251, %select_n3A_250 : i32
        %select_n3A_261 = arith.select %and3A_259, %add3A_260, %rem3A_251 : i32
        %eq3A_262 = arith.constant 0 : i32
        %eq3A_263 = arith.cmpi eq, %select_n3A_261, %eq3A_262 : i32
        %add3A_264 = arith.constant 3 : i32
        %add3A_265 = arith.addi %scan3A_71, %add3A_264 : i32
        %jit3A_266 = arith.constant 8 : i32
        %div3A = arith.divsi %add3A_265, %jit3A_266 : i32
        %sign3A = arith.constant 0 : i32
        %sign3A_267 = arith.cmpi sgt, %add3A_265, %sign3A : i32
        %sign3A_268 = arith.extui %sign3A_267 : i1 to i32
        %sign3A_269 = arith.constant 0 : i32
        %sign3A_270 = arith.cmpi slt, %add3A_265, %sign3A_269 : i32
        %sign3A_271 = arith.extui %sign3A_270 : i1 to i32
        %sign3A_272 = arith.subi %sign3A_268, %sign3A_271 : i32
        %sign3A_273 = arith.constant 0 : i32
        %sign3A_274 = arith.cmpi sgt, %jit3A_266, %sign3A_273 : i32
        %sign3A_275 = arith.extui %sign3A_274 : i1 to i32
        %sign3A_276 = arith.constant 0 : i32
        %sign3A_277 = arith.cmpi slt, %jit3A_266, %sign3A_276 : i32
        %sign3A_278 = arith.extui %sign3A_277 : i1 to i32
        %sign3A_279 = arith.subi %sign3A_275, %sign3A_278 : i32
        %ne3A_280 = arith.cmpi ne, %sign3A_272, %sign3A_279 : i32
        %rem3A_281 = arith.remsi %add3A_265, %jit3A_266 : i32
        %ne3A_282 = arith.constant 0 : i32
        %ne3A_283 = arith.cmpi ne, %rem3A_281, %ne3A_282 : i32
        %and3A_284 = arith.andi %ne3A_280, %ne3A_283 : i1
        %sub3A = arith.constant 1 : i32
        %sub3A_285 = arith.subi %div3A, %sub3A : i32
        %select_n3A_286 = arith.select %and3A_284, %sub3A_285, %div3A : i32
        %lt3A_287 = arith.constant 16 : i32
        %lt3A_288 = arith.cmpi slt, %select_n3A_286, %lt3A_287 : i32
        %and3A_289 = arith.andi %eq3A_263, %lt3A_288 : i1
        %convert_element_type3A_290 = arith.extui %and3A_289 : i1 to i32
        %cond3A_291 = arith.constant 0 : i32
        %cond3A_292 = arith.cmpi ne, %convert_element_type3A_290, %cond3A_291 : i32
        scf.if %cond3A_292 {
          %add3A_300 = arith.constant 3 : i32
          %add3A_301 = arith.addi %scan3A_71, %add3A_300 : i32
          %jit3A_302 = arith.constant 8 : i32
          %div3A_303 = arith.divsi %add3A_301, %jit3A_302 : i32
          %sign3A_304 = arith.constant 0 : i32
          %sign3A_305 = arith.cmpi sgt, %add3A_301, %sign3A_304 : i32
          %sign3A_306 = arith.extui %sign3A_305 : i1 to i32
          %sign3A_307 = arith.constant 0 : i32
          %sign3A_308 = arith.cmpi slt, %add3A_301, %sign3A_307 : i32
          %sign3A_309 = arith.extui %sign3A_308 : i1 to i32
          %sign3A_310 = arith.subi %sign3A_306, %sign3A_309 : i32
          %sign3A_311 = arith.constant 0 : i32
          %sign3A_312 = arith.cmpi sgt, %jit3A_302, %sign3A_311 : i32
          %sign3A_313 = arith.extui %sign3A_312 : i1 to i32
          %sign3A_314 = arith.constant 0 : i32
          %sign3A_315 = arith.cmpi slt, %jit3A_302, %sign3A_314 : i32
          %sign3A_316 = arith.extui %sign3A_315 : i1 to i32
          %sign3A_317 = arith.subi %sign3A_313, %sign3A_316 : i32
          %ne3A_318 = arith.cmpi ne, %sign3A_310, %sign3A_317 : i32
          %rem3A_319 = arith.remsi %add3A_301, %jit3A_302 : i32
          %ne3A_320 = arith.constant 0 : i32
          %ne3A_321 = arith.cmpi ne, %rem3A_319, %ne3A_320 : i32
          %and3A_322 = arith.andi %ne3A_318, %ne3A_321 : i1
          %sub3A_323 = arith.constant 1 : i32
          %sub3A_324 = arith.subi %div3A_303, %sub3A_323 : i32
          %select_n3A_325 = arith.select %and3A_322, %sub3A_324, %div3A_303 : i32
          %jit3A_326 = arith.constant 3 : i32
          %eq3A_327 = arith.constant 0 : i32
          %eq3A_328 = arith.cmpi eq, %jit3A_326, %eq3A_327 : i32
          %jit3A_329 = arith.constant 1 : i32
          %select_n3A_330 = arith.select %eq3A_328, %jit3A_329, %jit3A_326 : i32
          %rem3A_331 = arith.remsi %select_n3A_325, %select_n3A_330 : i32
          %ne3A_332 = arith.constant 0 : i32
          %ne3A_333 = arith.cmpi ne, %rem3A_331, %ne3A_332 : i32
          %lt3A_334 = arith.constant 0 : i32
          %lt3A_335 = arith.cmpi slt, %rem3A_331, %lt3A_334 : i32
          %lt3A_336 = arith.constant 0 : i32
          %lt3A_337 = arith.cmpi slt, %select_n3A_330, %lt3A_336 : i32
          %ne3A_338 = arith.xori %lt3A_335, %lt3A_337 : i1
          %and3A_339 = arith.andi %ne3A_338, %ne3A_333 : i1
          %add3A_340 = arith.addi %rem3A_331, %select_n3A_330 : i32
          %select_n3A_341 = arith.select %and3A_339, %add3A_340, %rem3A_331 : i32
          %mul3A_342 = arith.constant 8 : i32
          %mul3A_343 = arith.muli %select_n3A_341, %mul3A_342 : i32
          %mul3A_344 = arith.constant 8 : i32
          %mul3A_345 = arith.muli %select_n3A_325, %mul3A_344 : i32
          "tpu.region"() ({
            %run_scoped3A = tpu.sem_alloc : memref<!tpu.dma_semaphore, #tpu.memory_space<semaphore_mem>>
            %dma_start3A_348 = arith.constant 0 : i32
            %dma_start3A_349 = tpu.memref_slice %arg6[%mul3A_343, %dma_start3A_348] : memref<24x80xi32, #tpu.memory_space<vmem>> -> memref<8x80xi32, #tpu.memory_space<vmem>>
            %dma_start3A_350 = arith.constant 0 : i32
            %dma_start3A_351 = tpu.memref_slice %arg3[%arg0, %arg1, %mul3A_345, %dma_start3A_350] : memref<2x16x128x80xi32, #tpu.memory_space<hbm>> -> memref<1x1x8x80xi32, #tpu.memory_space<hbm>>
            %dma_start3A_352 = tpu.memref_squeeze %dma_start3A_351 : memref<1x1x8x80xi32, #tpu.memory_space<hbm>> -> memref<8x80xi32, #tpu.memory_space<hbm>>
            %dma_start3A_353 = arith.constant 0 : i32
            %dma_start3A_354 = tpu.memref_slice %arg6[%mul3A_343, %dma_start3A_353] : memref<24x80xi32, #tpu.memory_space<vmem>> -> memref<8x80xi32, #tpu.memory_space<vmem>>
            %dma_start3A_355 = arith.constant 0 : i32
            %dma_start3A_356 = tpu.memref_slice %arg3[%arg0, %arg1, %mul3A_345, %dma_start3A_355] : memref<2x16x128x80xi32, #tpu.memory_space<hbm>> -> memref<1x1x8x80xi32, #tpu.memory_space<hbm>>
            %dma_start3A_357 = tpu.memref_squeeze %dma_start3A_356 : memref<1x1x8x80xi32, #tpu.memory_space<hbm>> -> memref<8x80xi32, #tpu.memory_space<hbm>>
            tpu.enqueue_dma source(%dma_start3A_357 : memref<8x80xi32, #tpu.memory_space<hbm>>) target(%dma_start3A_354 : memref<8x80xi32, #tpu.memory_space<vmem>>) target_semaphore(%run_scoped3A : memref<!tpu.dma_semaphore, #tpu.memory_space<semaphore_mem>>)
            %dma_wait3A_358 = arith.constant 0 : i32
            %dma_wait3A_359 = tpu.memref_slice %arg6[%mul3A_343, %dma_wait3A_358] : memref<24x80xi32, #tpu.memory_space<vmem>> -> memref<8x80xi32, #tpu.memory_space<vmem>>
            %dma_wait3A_360 = arith.constant 0 : i32
            %dma_wait3A_361 = tpu.memref_slice %arg3[%arg0, %arg1, %mul3A_345, %dma_wait3A_360] : memref<2x16x128x80xi32, #tpu.memory_space<hbm>> -> memref<1x1x8x80xi32, #tpu.memory_space<hbm>>
            %dma_wait3A_362 = tpu.memref_squeeze %dma_wait3A_361 : memref<1x1x8x80xi32, #tpu.memory_space<hbm>> -> memref<8x80xi32, #tpu.memory_space<hbm>>
            %dma_wait3A_363 = arith.constant 0 : i32
            %dma_wait3A_364 = tpu.memref_slice %arg6[%mul3A_343, %dma_wait3A_363] : memref<24x80xi32, #tpu.memory_space<vmem>> -> memref<8x80xi32, #tpu.memory_space<vmem>>
            %dma_wait3A_365 = arith.constant 0 : i32
            %dma_wait3A_366 = tpu.memref_slice %arg3[%arg0, %arg1, %mul3A_345, %dma_wait3A_365] : memref<2x16x128x80xi32, #tpu.memory_space<hbm>> -> memref<1x1x8x80xi32, #tpu.memory_space<hbm>>
            %dma_wait3A_367 = tpu.memref_squeeze %dma_wait3A_366 : memref<1x1x8x80xi32, #tpu.memory_space<hbm>> -> memref<8x80xi32, #tpu.memory_space<hbm>>
            tpu.wait_dma2 semaphore(%run_scoped3A : memref<!tpu.dma_semaphore, #tpu.memory_space<semaphore_mem>>) src(%dma_wait3A_367 : memref<8x80xi32, #tpu.memory_space<hbm>>) dst(%dma_wait3A_364 : memref<8x80xi32, #tpu.memory_space<vmem>>)
            tpu.yield
          }) : () -> ()
          %mul3A_346 = arith.constant 8 : i32
          %mul3A_347 = arith.muli %select_n3A_325, %mul3A_346 : i32
          "tpu.region"() ({
            %run_scoped3A = tpu.sem_alloc : memref<!tpu.dma_semaphore, #tpu.memory_space<semaphore_mem>>
            %dma_start3A_348 = arith.constant 0 : i32
            %dma_start3A_349 = tpu.memref_slice %arg7[%mul3A_343, %dma_start3A_348] : memref<24x80xi32, #tpu.memory_space<vmem>> -> memref<8x80xi32, #tpu.memory_space<vmem>>
            %dma_start3A_350 = arith.constant 0 : i32
            %dma_start3A_351 = tpu.memref_slice %arg4[%arg1, %mul3A_347, %dma_start3A_350] : memref<16x128x80xi32, #tpu.memory_space<hbm>> -> memref<1x8x80xi32, #tpu.memory_space<hbm>>
            %dma_start3A_352 = tpu.memref_squeeze %dma_start3A_351 : memref<1x8x80xi32, #tpu.memory_space<hbm>> -> memref<8x80xi32, #tpu.memory_space<hbm>>
            %dma_start3A_353 = arith.constant 0 : i32
            %dma_start3A_354 = tpu.memref_slice %arg7[%mul3A_343, %dma_start3A_353] : memref<24x80xi32, #tpu.memory_space<vmem>> -> memref<8x80xi32, #tpu.memory_space<vmem>>
            %dma_start3A_355 = arith.constant 0 : i32
            %dma_start3A_356 = tpu.memref_slice %arg4[%arg1, %mul3A_347, %dma_start3A_355] : memref<16x128x80xi32, #tpu.memory_space<hbm>> -> memref<1x8x80xi32, #tpu.memory_space<hbm>>
            %dma_start3A_357 = tpu.memref_squeeze %dma_start3A_356 : memref<1x8x80xi32, #tpu.memory_space<hbm>> -> memref<8x80xi32, #tpu.memory_space<hbm>>
            tpu.enqueue_dma source(%dma_start3A_357 : memref<8x80xi32, #tpu.memory_space<hbm>>) target(%dma_start3A_354 : memref<8x80xi32, #tpu.memory_space<vmem>>) target_semaphore(%run_scoped3A : memref<!tpu.dma_semaphore, #tpu.memory_space<semaphore_mem>>)
            %dma_wait3A_358 = arith.constant 0 : i32
            %dma_wait3A_359 = tpu.memref_slice %arg7[%mul3A_343, %dma_wait3A_358] : memref<24x80xi32, #tpu.memory_space<vmem>> -> memref<8x80xi32, #tpu.memory_space<vmem>>
            %dma_wait3A_360 = arith.constant 0 : i32
            %dma_wait3A_361 = tpu.memref_slice %arg4[%arg1, %mul3A_347, %dma_wait3A_360] : memref<16x128x80xi32, #tpu.memory_space<hbm>> -> memref<1x8x80xi32, #tpu.memory_space<hbm>>
            %dma_wait3A_362 = tpu.memref_squeeze %dma_wait3A_361 : memref<1x8x80xi32, #tpu.memory_space<hbm>> -> memref<8x80xi32, #tpu.memory_space<hbm>>
            %dma_wait3A_363 = arith.constant 0 : i32
            %dma_wait3A_364 = tpu.memref_slice %arg7[%mul3A_343, %dma_wait3A_363] : memref<24x80xi32, #tpu.memory_space<vmem>> -> memref<8x80xi32, #tpu.memory_space<vmem>>
            %dma_wait3A_365 = arith.constant 0 : i32
            %dma_wait3A_366 = tpu.memref_slice %arg4[%arg1, %mul3A_347, %dma_wait3A_365] : memref<16x128x80xi32, #tpu.memory_space<hbm>> -> memref<1x8x80xi32, #tpu.memory_space<hbm>>
            %dma_wait3A_367 = tpu.memref_squeeze %dma_wait3A_366 : memref<1x8x80xi32, #tpu.memory_space<hbm>> -> memref<8x80xi32, #tpu.memory_space<hbm>>
            tpu.wait_dma2 semaphore(%run_scoped3A : memref<!tpu.dma_semaphore, #tpu.memory_space<semaphore_mem>>) src(%dma_wait3A_367 : memref<8x80xi32, #tpu.memory_space<hbm>>) dst(%dma_wait3A_364 : memref<8x80xi32, #tpu.memory_space<vmem>>)
            tpu.yield
          }) : () -> ()
        } else {
        }
        %add3A_293 = arith.constant 3 : i32
        %add3A_294 = arith.addi %scan3A_71, %add3A_293 : i32
        %lt3A_295 = arith.constant 128 : i32
        %lt3A_296 = arith.cmpi slt, %add3A_294, %lt3A_295 : i32
        %convert_element_type3A_297 = arith.extui %lt3A_296 : i1 to i32
        %cond3A_298 = arith.constant 0 : i32
        %cond3A_299 = arith.cmpi ne, %convert_element_type3A_297, %cond3A_298 : i32
        scf.if %cond3A_299 {
          %add3A_300 = arith.constant 3 : i32
          %add3A_301 = arith.addi %scan3A_71, %add3A_300 : i32
          %jit3A_302 = arith.constant 8 : i32
          %div3A_303 = arith.divsi %add3A_301, %jit3A_302 : i32
          %sign3A_304 = arith.constant 0 : i32
          %sign3A_305 = arith.cmpi sgt, %add3A_301, %sign3A_304 : i32
          %sign3A_306 = arith.extui %sign3A_305 : i1 to i32
          %sign3A_307 = arith.constant 0 : i32
          %sign3A_308 = arith.cmpi slt, %add3A_301, %sign3A_307 : i32
          %sign3A_309 = arith.extui %sign3A_308 : i1 to i32
          %sign3A_310 = arith.subi %sign3A_306, %sign3A_309 : i32
          %sign3A_311 = arith.constant 0 : i32
          %sign3A_312 = arith.cmpi sgt, %jit3A_302, %sign3A_311 : i32
          %sign3A_313 = arith.extui %sign3A_312 : i1 to i32
          %sign3A_314 = arith.constant 0 : i32
          %sign3A_315 = arith.cmpi slt, %jit3A_302, %sign3A_314 : i32
          %sign3A_316 = arith.extui %sign3A_315 : i1 to i32
          %sign3A_317 = arith.subi %sign3A_313, %sign3A_316 : i32
          %ne3A_318 = arith.cmpi ne, %sign3A_310, %sign3A_317 : i32
          %rem3A_319 = arith.remsi %add3A_301, %jit3A_302 : i32
          %ne3A_320 = arith.constant 0 : i32
          %ne3A_321 = arith.cmpi ne, %rem3A_319, %ne3A_320 : i32
          %and3A_322 = arith.andi %ne3A_318, %ne3A_321 : i1
          %sub3A_323 = arith.constant 1 : i32
          %sub3A_324 = arith.subi %div3A_303, %sub3A_323 : i32
          %select_n3A_325 = arith.select %and3A_322, %sub3A_324, %div3A_303 : i32
          %jit3A_326 = arith.constant 3 : i32
          %eq3A_327 = arith.constant 0 : i32
          %eq3A_328 = arith.cmpi eq, %jit3A_326, %eq3A_327 : i32
          %jit3A_329 = arith.constant 1 : i32
          %select_n3A_330 = arith.select %eq3A_328, %jit3A_329, %jit3A_326 : i32
          %rem3A_331 = arith.remsi %select_n3A_325, %select_n3A_330 : i32
          %ne3A_332 = arith.constant 0 : i32
          %ne3A_333 = arith.cmpi ne, %rem3A_331, %ne3A_332 : i32
          %lt3A_334 = arith.constant 0 : i32
          %lt3A_335 = arith.cmpi slt, %rem3A_331, %lt3A_334 : i32
          %lt3A_336 = arith.constant 0 : i32
          %lt3A_337 = arith.cmpi slt, %select_n3A_330, %lt3A_336 : i32
          %ne3A_338 = arith.xori %lt3A_335, %lt3A_337 : i1
          %and3A_339 = arith.andi %ne3A_338, %ne3A_333 : i1
          %add3A_340 = arith.addi %rem3A_331, %select_n3A_330 : i32
          %select_n3A_341 = arith.select %and3A_339, %add3A_340, %rem3A_331 : i32
          %mul3A_342 = arith.constant 8 : i32
          %mul3A_343 = arith.muli %select_n3A_341, %mul3A_342 : i32
          %jit3A_344 = arith.constant 8 : i32
          %eq3A_345 = arith.constant 0 : i32
          %eq3A_346 = arith.cmpi eq, %jit3A_344, %eq3A_345 : i32
          %jit3A_347 = arith.constant 1 : i32
          %select_n3A_348 = arith.select %eq3A_346, %jit3A_347, %jit3A_344 : i32
          %rem3A_349 = arith.remsi %add3A_301, %select_n3A_348 : i32
          %ne3A_350 = arith.constant 0 : i32
          %ne3A_351 = arith.cmpi ne, %rem3A_349, %ne3A_350 : i32
          %lt3A_352 = arith.constant 0 : i32
          %lt3A_353 = arith.cmpi slt, %rem3A_349, %lt3A_352 : i32
          %lt3A_354 = arith.constant 0 : i32
          %lt3A_355 = arith.cmpi slt, %select_n3A_348, %lt3A_354 : i32
          %ne3A_356 = arith.xori %lt3A_353, %lt3A_355 : i1
          %and3A_357 = arith.andi %ne3A_356, %ne3A_351 : i1
          %add3A_358 = arith.addi %rem3A_349, %select_n3A_348 : i32
          %select_n3A_359 = arith.select %and3A_357, %add3A_358, %rem3A_349 : i32
          %add3A_360 = arith.addi %mul3A_343, %select_n3A_359 : i32
          %dma_start3A_361 = arith.constant 1 : i32
          %dma_start3A_362 = arith.constant 0 : i32
          %dma_start3A_363 = arith.constant 0 : i32
          %dma_start3A_364 = tpu.memref_slice %arg8[%dma_start3A_361, %dma_start3A_362, %dma_start3A_363] : memref<4x80x128xf32, #tpu.memory_space<vmem>> -> memref<1x80x128xf32, #tpu.memory_space<vmem>>
          %dma_start3A_365 = tpu.memref_squeeze %dma_start3A_364 : memref<1x80x128xf32, #tpu.memory_space<vmem>> -> memref<80x128xf32, #tpu.memory_space<vmem>>
          %dma_start3A_366 = arith.constant 0 : i32
          %dma_start3A_367 = tpu.memref_slice %arg6[%add3A_360, %dma_start3A_366] : memref<24x80xi32, #tpu.memory_space<vmem>> -> memref<1x80xi32, #tpu.memory_space<vmem>>
          %dma_start3A_368 = tpu.memref_squeeze %dma_start3A_367 : memref<1x80xi32, #tpu.memory_space<vmem>> -> memref<80xi32, #tpu.memory_space<vmem>>
          %dma_start3A_369 = arith.constant 0 : i32
          %dma_start3A_370 = arith.constant 0 : i32
          %dma_start3A_371 = tpu.memref_slice %arg2[%dma_start3A_369, %dma_start3A_370] : memref<20000x128xf32, #tpu.memory_space<hbm>> -> memref<20000x128xf32, #tpu.memory_space<hbm>>
          tpu.enqueue_indirect_dma source(%dma_start3A_371 : memref<20000x128xf32, #tpu.memory_space<hbm>>) target(%dma_start3A_365 : memref<80x128xf32, #tpu.memory_space<vmem>>) offsets(%dma_start3A_368 : memref<80xi32, #tpu.memory_space<vmem>>) semaphore(%arg11 : memref<!tpu.dma_semaphore, #tpu.memory_space<semaphore_mem>>)
        } else {
        }
      } else {
      }
      %add3A_109 = arith.constant 3 : i32
      %add3A_110 = arith.addi %scan3A_71, %add3A_109 : i32
      %jit3A_111 = arith.constant 4 : i32
      %eq3A_112 = arith.constant 0 : i32
      %eq3A_113 = arith.cmpi eq, %jit3A_111, %eq3A_112 : i32
      %jit3A_114 = arith.constant 1 : i32
      %select_n3A_115 = arith.select %eq3A_113, %jit3A_114, %jit3A_111 : i32
      %rem3A_116 = arith.remsi %add3A_110, %select_n3A_115 : i32
      %ne3A_117 = arith.constant 0 : i32
      %ne3A_118 = arith.cmpi ne, %rem3A_116, %ne3A_117 : i32
      %lt3A_119 = arith.constant 0 : i32
      %lt3A_120 = arith.cmpi slt, %rem3A_116, %lt3A_119 : i32
      %lt3A_121 = arith.constant 0 : i32
      %lt3A_122 = arith.cmpi slt, %select_n3A_115, %lt3A_121 : i32
      %ne3A_123 = arith.xori %lt3A_120, %lt3A_122 : i1
      %and3A_124 = arith.andi %ne3A_123, %ne3A_118 : i1
      %add3A_125 = arith.addi %rem3A_116, %select_n3A_115 : i32
      %select_n3A_126 = arith.select %and3A_124, %add3A_125, %rem3A_116 : i32
      %eq3A_127 = arith.constant 2 : i32
      %eq3A_128 = arith.cmpi eq, %select_n3A_126, %eq3A_127 : i32
      %convert_element_type3A_129 = arith.extui %eq3A_128 : i1 to i32
      %cond3A_130 = arith.constant 0 : i32
      %cond3A_131 = arith.cmpi ne, %convert_element_type3A_129, %cond3A_130 : i32
      scf.if %cond3A_131 {
        %ge3A = arith.constant 1 : i32
        %ge3A_240 = arith.cmpi sge, %scan3A_71, %ge3A : i32
        %convert_element_type3A_241 = arith.extui %ge3A_240 : i1 to i32
        %cond3A_242 = arith.constant 0 : i32
        %cond3A_243 = arith.cmpi ne, %convert_element_type3A_241, %cond3A_242 : i32
        scf.if %cond3A_243 {
          %dma_wait3A_300 = arith.constant 2 : i32
          %dma_wait3A_301 = arith.constant 0 : i32
          %dma_wait3A_302 = arith.constant 0 : i32
          %dma_wait3A_303 = arith.constant 0 : i32
          %dma_wait3A_304 = tpu.memref_slice %arg8[%dma_wait3A_300, %dma_wait3A_302, %dma_wait3A_303] : memref<4x80x128xf32, #tpu.memory_space<vmem>> -> memref<1x80x128xf32, #tpu.memory_space<vmem>>
          %dma_wait3A_305 = tpu.memref_squeeze %dma_wait3A_304 : memref<1x80x128xf32, #tpu.memory_space<vmem>> -> memref<80x128xf32, #tpu.memory_space<vmem>>
          %dma_wait3A_306 = arith.constant 0 : i32
          %dma_wait3A_307 = tpu.memref_slice %arg7[%dma_wait3A_301, %dma_wait3A_306] : memref<24x80xi32, #tpu.memory_space<vmem>> -> memref<1x80xi32, #tpu.memory_space<vmem>>
          %dma_wait3A_308 = tpu.memref_squeeze %dma_wait3A_307 : memref<1x80xi32, #tpu.memory_space<vmem>> -> memref<80xi32, #tpu.memory_space<vmem>>
          %dma_wait3A_309 = arith.constant 0 : i32
          %dma_wait3A_310 = arith.constant 0 : i32
          %dma_wait3A_311 = tpu.memref_slice %arg9[%dma_wait3A_309, %dma_wait3A_310] : memref<10240x128xf32, #tpu.memory_space<vmem_shared>> -> memref<10240x128xf32, #tpu.memory_space<vmem_shared>>
          tpu.wait_indirect_dma semaphore(%arg16 : memref<!tpu.dma_semaphore, #tpu.memory_space<semaphore_mem>>) src(%dma_wait3A_305 : memref<80x128xf32, #tpu.memory_space<vmem>>) dst(%dma_wait3A_311 : memref<10240x128xf32, #tpu.memory_space<vmem_shared>>)
        } else {
        }
        %add3A_244 = arith.constant 3 : i32
        %add3A_245 = arith.addi %scan3A_71, %add3A_244 : i32
        %jit3A_246 = arith.constant 8 : i32
        %eq3A_247 = arith.constant 0 : i32
        %eq3A_248 = arith.cmpi eq, %jit3A_246, %eq3A_247 : i32
        %jit3A_249 = arith.constant 1 : i32
        %select_n3A_250 = arith.select %eq3A_248, %jit3A_249, %jit3A_246 : i32
        %rem3A_251 = arith.remsi %add3A_245, %select_n3A_250 : i32
        %ne3A_252 = arith.constant 0 : i32
        %ne3A_253 = arith.cmpi ne, %rem3A_251, %ne3A_252 : i32
        %lt3A_254 = arith.constant 0 : i32
        %lt3A_255 = arith.cmpi slt, %rem3A_251, %lt3A_254 : i32
        %lt3A_256 = arith.constant 0 : i32
        %lt3A_257 = arith.cmpi slt, %select_n3A_250, %lt3A_256 : i32
        %ne3A_258 = arith.xori %lt3A_255, %lt3A_257 : i1
        %and3A_259 = arith.andi %ne3A_258, %ne3A_253 : i1
        %add3A_260 = arith.addi %rem3A_251, %select_n3A_250 : i32
        %select_n3A_261 = arith.select %and3A_259, %add3A_260, %rem3A_251 : i32
        %eq3A_262 = arith.constant 0 : i32
        %eq3A_263 = arith.cmpi eq, %select_n3A_261, %eq3A_262 : i32
        %add3A_264 = arith.constant 3 : i32
        %add3A_265 = arith.addi %scan3A_71, %add3A_264 : i32
        %jit3A_266 = arith.constant 8 : i32
        %div3A = arith.divsi %add3A_265, %jit3A_266 : i32
        %sign3A = arith.constant 0 : i32
        %sign3A_267 = arith.cmpi sgt, %add3A_265, %sign3A : i32
        %sign3A_268 = arith.extui %sign3A_267 : i1 to i32
        %sign3A_269 = arith.constant 0 : i32
        %sign3A_270 = arith.cmpi slt, %add3A_265, %sign3A_269 : i32
        %sign3A_271 = arith.extui %sign3A_270 : i1 to i32
        %sign3A_272 = arith.subi %sign3A_268, %sign3A_271 : i32
        %sign3A_273 = arith.constant 0 : i32
        %sign3A_274 = arith.cmpi sgt, %jit3A_266, %sign3A_273 : i32
        %sign3A_275 = arith.extui %sign3A_274 : i1 to i32
        %sign3A_276 = arith.constant 0 : i32
        %sign3A_277 = arith.cmpi slt, %jit3A_266, %sign3A_276 : i32
        %sign3A_278 = arith.extui %sign3A_277 : i1 to i32
        %sign3A_279 = arith.subi %sign3A_275, %sign3A_278 : i32
        %ne3A_280 = arith.cmpi ne, %sign3A_272, %sign3A_279 : i32
        %rem3A_281 = arith.remsi %add3A_265, %jit3A_266 : i32
        %ne3A_282 = arith.constant 0 : i32
        %ne3A_283 = arith.cmpi ne, %rem3A_281, %ne3A_282 : i32
        %and3A_284 = arith.andi %ne3A_280, %ne3A_283 : i1
        %sub3A = arith.constant 1 : i32
        %sub3A_285 = arith.subi %div3A, %sub3A : i32
        %select_n3A_286 = arith.select %and3A_284, %sub3A_285, %div3A : i32
        %lt3A_287 = arith.constant 16 : i32
        %lt3A_288 = arith.cmpi slt, %select_n3A_286, %lt3A_287 : i32
        %and3A_289 = arith.andi %eq3A_263, %lt3A_288 : i1
        %convert_element_type3A_290 = arith.extui %and3A_289 : i1 to i32
        %cond3A_291 = arith.constant 0 : i32
        %cond3A_292 = arith.cmpi ne, %convert_element_type3A_290, %cond3A_291 : i32
        scf.if %cond3A_292 {
          %add3A_300 = arith.constant 3 : i32
          %add3A_301 = arith.addi %scan3A_71, %add3A_300 : i32
          %jit3A_302 = arith.constant 8 : i32
          %div3A_303 = arith.divsi %add3A_301, %jit3A_302 : i32
          %sign3A_304 = arith.constant 0 : i32
          %sign3A_305 = arith.cmpi sgt, %add3A_301, %sign3A_304 : i32
          %sign3A_306 = arith.extui %sign3A_305 : i1 to i32
          %sign3A_307 = arith.constant 0 : i32
          %sign3A_308 = arith.cmpi slt, %add3A_301, %sign3A_307 : i32
          %sign3A_309 = arith.extui %sign3A_308 : i1 to i32
          %sign3A_310 = arith.subi %sign3A_306, %sign3A_309 : i32
          %sign3A_311 = arith.constant 0 : i32
          %sign3A_312 = arith.cmpi sgt, %jit3A_302, %sign3A_311 : i32
          %sign3A_313 = arith.extui %sign3A_312 : i1 to i32
          %sign3A_314 = arith.constant 0 : i32
          %sign3A_315 = arith.cmpi slt, %jit3A_302, %sign3A_314 : i32
          %sign3A_316 = arith.extui %sign3A_315 : i1 to i32
          %sign3A_317 = arith.subi %sign3A_313, %sign3A_316 : i32
          %ne3A_318 = arith.cmpi ne, %sign3A_310, %sign3A_317 : i32
          %rem3A_319 = arith.remsi %add3A_301, %jit3A_302 : i32
          %ne3A_320 = arith.constant 0 : i32
          %ne3A_321 = arith.cmpi ne, %rem3A_319, %ne3A_320 : i32
          %and3A_322 = arith.andi %ne3A_318, %ne3A_321 : i1
          %sub3A_323 = arith.constant 1 : i32
          %sub3A_324 = arith.subi %div3A_303, %sub3A_323 : i32
          %select_n3A_325 = arith.select %and3A_322, %sub3A_324, %div3A_303 : i32
          %jit3A_326 = arith.constant 3 : i32
          %eq3A_327 = arith.constant 0 : i32
          %eq3A_328 = arith.cmpi eq, %jit3A_326, %eq3A_327 : i32
          %jit3A_329 = arith.constant 1 : i32
          %select_n3A_330 = arith.select %eq3A_328, %jit3A_329, %jit3A_326 : i32
          %rem3A_331 = arith.remsi %select_n3A_325, %select_n3A_330 : i32
          %ne3A_332 = arith.constant 0 : i32
          %ne3A_333 = arith.cmpi ne, %rem3A_331, %ne3A_332 : i32
          %lt3A_334 = arith.constant 0 : i32
          %lt3A_335 = arith.cmpi slt, %rem3A_331, %lt3A_334 : i32
          %lt3A_336 = arith.constant 0 : i32
          %lt3A_337 = arith.cmpi slt, %select_n3A_330, %lt3A_336 : i32
          %ne3A_338 = arith.xori %lt3A_335, %lt3A_337 : i1
          %and3A_339 = arith.andi %ne3A_338, %ne3A_333 : i1
          %add3A_340 = arith.addi %rem3A_331, %select_n3A_330 : i32
          %select_n3A_341 = arith.select %and3A_339, %add3A_340, %rem3A_331 : i32
          %mul3A_342 = arith.constant 8 : i32
          %mul3A_343 = arith.muli %select_n3A_341, %mul3A_342 : i32
          %mul3A_344 = arith.constant 8 : i32
          %mul3A_345 = arith.muli %select_n3A_325, %mul3A_344 : i32
          "tpu.region"() ({
            %run_scoped3A = tpu.sem_alloc : memref<!tpu.dma_semaphore, #tpu.memory_space<semaphore_mem>>
            %dma_start3A_348 = arith.constant 0 : i32
            %dma_start3A_349 = tpu.memref_slice %arg6[%mul3A_343, %dma_start3A_348] : memref<24x80xi32, #tpu.memory_space<vmem>> -> memref<8x80xi32, #tpu.memory_space<vmem>>
            %dma_start3A_350 = arith.constant 0 : i32
            %dma_start3A_351 = tpu.memref_slice %arg3[%arg0, %arg1, %mul3A_345, %dma_start3A_350] : memref<2x16x128x80xi32, #tpu.memory_space<hbm>> -> memref<1x1x8x80xi32, #tpu.memory_space<hbm>>
            %dma_start3A_352 = tpu.memref_squeeze %dma_start3A_351 : memref<1x1x8x80xi32, #tpu.memory_space<hbm>> -> memref<8x80xi32, #tpu.memory_space<hbm>>
            %dma_start3A_353 = arith.constant 0 : i32
            %dma_start3A_354 = tpu.memref_slice %arg6[%mul3A_343, %dma_start3A_353] : memref<24x80xi32, #tpu.memory_space<vmem>> -> memref<8x80xi32, #tpu.memory_space<vmem>>
            %dma_start3A_355 = arith.constant 0 : i32
            %dma_start3A_356 = tpu.memref_slice %arg3[%arg0, %arg1, %mul3A_345, %dma_start3A_355] : memref<2x16x128x80xi32, #tpu.memory_space<hbm>> -> memref<1x1x8x80xi32, #tpu.memory_space<hbm>>
            %dma_start3A_357 = tpu.memref_squeeze %dma_start3A_356 : memref<1x1x8x80xi32, #tpu.memory_space<hbm>> -> memref<8x80xi32, #tpu.memory_space<hbm>>
            tpu.enqueue_dma source(%dma_start3A_357 : memref<8x80xi32, #tpu.memory_space<hbm>>) target(%dma_start3A_354 : memref<8x80xi32, #tpu.memory_space<vmem>>) target_semaphore(%run_scoped3A : memref<!tpu.dma_semaphore, #tpu.memory_space<semaphore_mem>>)
            %dma_wait3A_358 = arith.constant 0 : i32
            %dma_wait3A_359 = tpu.memref_slice %arg6[%mul3A_343, %dma_wait3A_358] : memref<24x80xi32, #tpu.memory_space<vmem>> -> memref<8x80xi32, #tpu.memory_space<vmem>>
            %dma_wait3A_360 = arith.constant 0 : i32
            %dma_wait3A_361 = tpu.memref_slice %arg3[%arg0, %arg1, %mul3A_345, %dma_wait3A_360] : memref<2x16x128x80xi32, #tpu.memory_space<hbm>> -> memref<1x1x8x80xi32, #tpu.memory_space<hbm>>
            %dma_wait3A_362 = tpu.memref_squeeze %dma_wait3A_361 : memref<1x1x8x80xi32, #tpu.memory_space<hbm>> -> memref<8x80xi32, #tpu.memory_space<hbm>>
            %dma_wait3A_363 = arith.constant 0 : i32
            %dma_wait3A_364 = tpu.memref_slice %arg6[%mul3A_343, %dma_wait3A_363] : memref<24x80xi32, #tpu.memory_space<vmem>> -> memref<8x80xi32, #tpu.memory_space<vmem>>
            %dma_wait3A_365 = arith.constant 0 : i32
            %dma_wait3A_366 = tpu.memref_slice %arg3[%arg0, %arg1, %mul3A_345, %dma_wait3A_365] : memref<2x16x128x80xi32, #tpu.memory_space<hbm>> -> memref<1x1x8x80xi32, #tpu.memory_space<hbm>>
            %dma_wait3A_367 = tpu.memref_squeeze %dma_wait3A_366 : memref<1x1x8x80xi32, #tpu.memory_space<hbm>> -> memref<8x80xi32, #tpu.memory_space<hbm>>
            tpu.wait_dma2 semaphore(%run_scoped3A : memref<!tpu.dma_semaphore, #tpu.memory_space<semaphore_mem>>) src(%dma_wait3A_367 : memref<8x80xi32, #tpu.memory_space<hbm>>) dst(%dma_wait3A_364 : memref<8x80xi32, #tpu.memory_space<vmem>>)
            tpu.yield
          }) : () -> ()
          %mul3A_346 = arith.constant 8 : i32
          %mul3A_347 = arith.muli %select_n3A_325, %mul3A_346 : i32
          "tpu.region"() ({
            %run_scoped3A = tpu.sem_alloc : memref<!tpu.dma_semaphore, #tpu.memory_space<semaphore_mem>>
            %dma_start3A_348 = arith.constant 0 : i32
            %dma_start3A_349 = tpu.memref_slice %arg7[%mul3A_343, %dma_start3A_348] : memref<24x80xi32, #tpu.memory_space<vmem>> -> memref<8x80xi32, #tpu.memory_space<vmem>>
            %dma_start3A_350 = arith.constant 0 : i32
            %dma_start3A_351 = tpu.memref_slice %arg4[%arg1, %mul3A_347, %dma_start3A_350] : memref<16x128x80xi32, #tpu.memory_space<hbm>> -> memref<1x8x80xi32, #tpu.memory_space<hbm>>
            %dma_start3A_352 = tpu.memref_squeeze %dma_start3A_351 : memref<1x8x80xi32, #tpu.memory_space<hbm>> -> memref<8x80xi32, #tpu.memory_space<hbm>>
            %dma_start3A_353 = arith.constant 0 : i32
            %dma_start3A_354 = tpu.memref_slice %arg7[%mul3A_343, %dma_start3A_353] : memref<24x80xi32, #tpu.memory_space<vmem>> -> memref<8x80xi32, #tpu.memory_space<vmem>>
            %dma_start3A_355 = arith.constant 0 : i32
            %dma_start3A_356 = tpu.memref_slice %arg4[%arg1, %mul3A_347, %dma_start3A_355] : memref<16x128x80xi32, #tpu.memory_space<hbm>> -> memref<1x8x80xi32, #tpu.memory_space<hbm>>
            %dma_start3A_357 = tpu.memref_squeeze %dma_start3A_356 : memref<1x8x80xi32, #tpu.memory_space<hbm>> -> memref<8x80xi32, #tpu.memory_space<hbm>>
            tpu.enqueue_dma source(%dma_start3A_357 : memref<8x80xi32, #tpu.memory_space<hbm>>) target(%dma_start3A_354 : memref<8x80xi32, #tpu.memory_space<vmem>>) target_semaphore(%run_scoped3A : memref<!tpu.dma_semaphore, #tpu.memory_space<semaphore_mem>>)
            %dma_wait3A_358 = arith.constant 0 : i32
            %dma_wait3A_359 = tpu.memref_slice %arg7[%mul3A_343, %dma_wait3A_358] : memref<24x80xi32, #tpu.memory_space<vmem>> -> memref<8x80xi32, #tpu.memory_space<vmem>>
            %dma_wait3A_360 = arith.constant 0 : i32
            %dma_wait3A_361 = tpu.memref_slice %arg4[%arg1, %mul3A_347, %dma_wait3A_360] : memref<16x128x80xi32, #tpu.memory_space<hbm>> -> memref<1x8x80xi32, #tpu.memory_space<hbm>>
            %dma_wait3A_362 = tpu.memref_squeeze %dma_wait3A_361 : memref<1x8x80xi32, #tpu.memory_space<hbm>> -> memref<8x80xi32, #tpu.memory_space<hbm>>
            %dma_wait3A_363 = arith.constant 0 : i32
            %dma_wait3A_364 = tpu.memref_slice %arg7[%mul3A_343, %dma_wait3A_363] : memref<24x80xi32, #tpu.memory_space<vmem>> -> memref<8x80xi32, #tpu.memory_space<vmem>>
            %dma_wait3A_365 = arith.constant 0 : i32
            %dma_wait3A_366 = tpu.memref_slice %arg4[%arg1, %mul3A_347, %dma_wait3A_365] : memref<16x128x80xi32, #tpu.memory_space<hbm>> -> memref<1x8x80xi32, #tpu.memory_space<hbm>>
            %dma_wait3A_367 = tpu.memref_squeeze %dma_wait3A_366 : memref<1x8x80xi32, #tpu.memory_space<hbm>> -> memref<8x80xi32, #tpu.memory_space<hbm>>
            tpu.wait_dma2 semaphore(%run_scoped3A : memref<!tpu.dma_semaphore, #tpu.memory_space<semaphore_mem>>) src(%dma_wait3A_367 : memref<8x80xi32, #tpu.memory_space<hbm>>) dst(%dma_wait3A_364 : memref<8x80xi32, #tpu.memory_space<vmem>>)
            tpu.yield
          }) : () -> ()
        } else {
        }
        %add3A_293 = arith.constant 3 : i32
        %add3A_294 = arith.addi %scan3A_71, %add3A_293 : i32
        %lt3A_295 = arith.constant 128 : i32
        %lt3A_296 = arith.cmpi slt, %add3A_294, %lt3A_295 : i32
        %convert_element_type3A_297 = arith.extui %lt3A_296 : i1 to i32
        %cond3A_298 = arith.constant 0 : i32
        %cond3A_299 = arith.cmpi ne, %convert_element_type3A_297, %cond3A_298 : i32
        scf.if %cond3A_299 {
          %add3A_300 = arith.constant 3 : i32
          %add3A_301 = arith.addi %scan3A_71, %add3A_300 : i32
          %jit3A_302 = arith.constant 8 : i32
          %div3A_303 = arith.divsi %add3A_301, %jit3A_302 : i32
          %sign3A_304 = arith.constant 0 : i32
          %sign3A_305 = arith.cmpi sgt, %add3A_301, %sign3A_304 : i32
          %sign3A_306 = arith.extui %sign3A_305 : i1 to i32
          %sign3A_307 = arith.constant 0 : i32
          %sign3A_308 = arith.cmpi slt, %add3A_301, %sign3A_307 : i32
          %sign3A_309 = arith.extui %sign3A_308 : i1 to i32
          %sign3A_310 = arith.subi %sign3A_306, %sign3A_309 : i32
          %sign3A_311 = arith.constant 0 : i32
          %sign3A_312 = arith.cmpi sgt, %jit3A_302, %sign3A_311 : i32
          %sign3A_313 = arith.extui %sign3A_312 : i1 to i32
          %sign3A_314 = arith.constant 0 : i32
          %sign3A_315 = arith.cmpi slt, %jit3A_302, %sign3A_314 : i32
          %sign3A_316 = arith.extui %sign3A_315 : i1 to i32
          %sign3A_317 = arith.subi %sign3A_313, %sign3A_316 : i32
          %ne3A_318 = arith.cmpi ne, %sign3A_310, %sign3A_317 : i32
          %rem3A_319 = arith.remsi %add3A_301, %jit3A_302 : i32
          %ne3A_320 = arith.constant 0 : i32
          %ne3A_321 = arith.cmpi ne, %rem3A_319, %ne3A_320 : i32
          %and3A_322 = arith.andi %ne3A_318, %ne3A_321 : i1
          %sub3A_323 = arith.constant 1 : i32
          %sub3A_324 = arith.subi %div3A_303, %sub3A_323 : i32
          %select_n3A_325 = arith.select %and3A_322, %sub3A_324, %div3A_303 : i32
          %jit3A_326 = arith.constant 3 : i32
          %eq3A_327 = arith.constant 0 : i32
          %eq3A_328 = arith.cmpi eq, %jit3A_326, %eq3A_327 : i32
          %jit3A_329 = arith.constant 1 : i32
          %select_n3A_330 = arith.select %eq3A_328, %jit3A_329, %jit3A_326 : i32
          %rem3A_331 = arith.remsi %select_n3A_325, %select_n3A_330 : i32
          %ne3A_332 = arith.constant 0 : i32
          %ne3A_333 = arith.cmpi ne, %rem3A_331, %ne3A_332 : i32
          %lt3A_334 = arith.constant 0 : i32
          %lt3A_335 = arith.cmpi slt, %rem3A_331, %lt3A_334 : i32
          %lt3A_336 = arith.constant 0 : i32
          %lt3A_337 = arith.cmpi slt, %select_n3A_330, %lt3A_336 : i32
          %ne3A_338 = arith.xori %lt3A_335, %lt3A_337 : i1
          %and3A_339 = arith.andi %ne3A_338, %ne3A_333 : i1
          %add3A_340 = arith.addi %rem3A_331, %select_n3A_330 : i32
          %select_n3A_341 = arith.select %and3A_339, %add3A_340, %rem3A_331 : i32
          %mul3A_342 = arith.constant 8 : i32
          %mul3A_343 = arith.muli %select_n3A_341, %mul3A_342 : i32
          %jit3A_344 = arith.constant 8 : i32
          %eq3A_345 = arith.constant 0 : i32
          %eq3A_346 = arith.cmpi eq, %jit3A_344, %eq3A_345 : i32
          %jit3A_347 = arith.constant 1 : i32
          %select_n3A_348 = arith.select %eq3A_346, %jit3A_347, %jit3A_344 : i32
          %rem3A_349 = arith.remsi %add3A_301, %select_n3A_348 : i32
          %ne3A_350 = arith.constant 0 : i32
          %ne3A_351 = arith.cmpi ne, %rem3A_349, %ne3A_350 : i32
          %lt3A_352 = arith.constant 0 : i32
          %lt3A_353 = arith.cmpi slt, %rem3A_349, %lt3A_352 : i32
          %lt3A_354 = arith.constant 0 : i32
          %lt3A_355 = arith.cmpi slt, %select_n3A_348, %lt3A_354 : i32
          %ne3A_356 = arith.xori %lt3A_353, %lt3A_355 : i1
          %and3A_357 = arith.andi %ne3A_356, %ne3A_351 : i1
          %add3A_358 = arith.addi %rem3A_349, %select_n3A_348 : i32
          %select_n3A_359 = arith.select %and3A_357, %add3A_358, %rem3A_349 : i32
          %add3A_360 = arith.addi %mul3A_343, %select_n3A_359 : i32
          %dma_start3A_361 = arith.constant 2 : i32
          %dma_start3A_362 = arith.constant 0 : i32
          %dma_start3A_363 = arith.constant 0 : i32
          %dma_start3A_364 = tpu.memref_slice %arg8[%dma_start3A_361, %dma_start3A_362, %dma_start3A_363] : memref<4x80x128xf32, #tpu.memory_space<vmem>> -> memref<1x80x128xf32, #tpu.memory_space<vmem>>
          %dma_start3A_365 = tpu.memref_squeeze %dma_start3A_364 : memref<1x80x128xf32, #tpu.memory_space<vmem>> -> memref<80x128xf32, #tpu.memory_space<vmem>>
          %dma_start3A_366 = arith.constant 0 : i32
          %dma_start3A_367 = tpu.memref_slice %arg6[%add3A_360, %dma_start3A_366] : memref<24x80xi32, #tpu.memory_space<vmem>> -> memref<1x80xi32, #tpu.memory_space<vmem>>
          %dma_start3A_368 = tpu.memref_squeeze %dma_start3A_367 : memref<1x80xi32, #tpu.memory_space<vmem>> -> memref<80xi32, #tpu.memory_space<vmem>>
          %dma_start3A_369 = arith.constant 0 : i32
          %dma_start3A_370 = arith.constant 0 : i32
          %dma_start3A_371 = tpu.memref_slice %arg2[%dma_start3A_369, %dma_start3A_370] : memref<20000x128xf32, #tpu.memory_space<hbm>> -> memref<20000x128xf32, #tpu.memory_space<hbm>>
          tpu.enqueue_indirect_dma source(%dma_start3A_371 : memref<20000x128xf32, #tpu.memory_space<hbm>>) target(%dma_start3A_365 : memref<80x128xf32, #tpu.memory_space<vmem>>) offsets(%dma_start3A_368 : memref<80xi32, #tpu.memory_space<vmem>>) semaphore(%arg12 : memref<!tpu.dma_semaphore, #tpu.memory_space<semaphore_mem>>)
        } else {
        }
      } else {
      }
      %add3A_132 = arith.constant 3 : i32
      %add3A_133 = arith.addi %scan3A_71, %add3A_132 : i32
      %jit3A_134 = arith.constant 4 : i32
      %eq3A_135 = arith.constant 0 : i32
      %eq3A_136 = arith.cmpi eq, %jit3A_134, %eq3A_135 : i32
      %jit3A_137 = arith.constant 1 : i32
      %select_n3A_138 = arith.select %eq3A_136, %jit3A_137, %jit3A_134 : i32
      %rem3A_139 = arith.remsi %add3A_133, %select_n3A_138 : i32
      %ne3A_140 = arith.constant 0 : i32
      %ne3A_141 = arith.cmpi ne, %rem3A_139, %ne3A_140 : i32
      %lt3A_142 = arith.constant 0 : i32
      %lt3A_143 = arith.cmpi slt, %rem3A_139, %lt3A_142 : i32
      %lt3A_144 = arith.constant 0 : i32
      %lt3A_145 = arith.cmpi slt, %select_n3A_138, %lt3A_144 : i32
      %ne3A_146 = arith.xori %lt3A_143, %lt3A_145 : i1
      %and3A_147 = arith.andi %ne3A_146, %ne3A_141 : i1
      %add3A_148 = arith.addi %rem3A_139, %select_n3A_138 : i32
      %select_n3A_149 = arith.select %and3A_147, %add3A_148, %rem3A_139 : i32
      %eq3A_150 = arith.constant 3 : i32
      %eq3A_151 = arith.cmpi eq, %select_n3A_149, %eq3A_150 : i32
      %convert_element_type3A_152 = arith.extui %eq3A_151 : i1 to i32
      %cond3A_153 = arith.constant 0 : i32
      %cond3A_154 = arith.cmpi ne, %convert_element_type3A_152, %cond3A_153 : i32
      scf.if %cond3A_154 {
        %ge3A = arith.constant 1 : i32
        %ge3A_240 = arith.cmpi sge, %scan3A_71, %ge3A : i32
        %convert_element_type3A_241 = arith.extui %ge3A_240 : i1 to i32
        %cond3A_242 = arith.constant 0 : i32
        %cond3A_243 = arith.cmpi ne, %convert_element_type3A_241, %cond3A_242 : i32
        scf.if %cond3A_243 {
          %dma_wait3A_300 = arith.constant 3 : i32
          %dma_wait3A_301 = arith.constant 0 : i32
          %dma_wait3A_302 = arith.constant 0 : i32
          %dma_wait3A_303 = arith.constant 0 : i32
          %dma_wait3A_304 = tpu.memref_slice %arg8[%dma_wait3A_300, %dma_wait3A_302, %dma_wait3A_303] : memref<4x80x128xf32, #tpu.memory_space<vmem>> -> memref<1x80x128xf32, #tpu.memory_space<vmem>>
          %dma_wait3A_305 = tpu.memref_squeeze %dma_wait3A_304 : memref<1x80x128xf32, #tpu.memory_space<vmem>> -> memref<80x128xf32, #tpu.memory_space<vmem>>
          %dma_wait3A_306 = arith.constant 0 : i32
          %dma_wait3A_307 = tpu.memref_slice %arg7[%dma_wait3A_301, %dma_wait3A_306] : memref<24x80xi32, #tpu.memory_space<vmem>> -> memref<1x80xi32, #tpu.memory_space<vmem>>
          %dma_wait3A_308 = tpu.memref_squeeze %dma_wait3A_307 : memref<1x80xi32, #tpu.memory_space<vmem>> -> memref<80xi32, #tpu.memory_space<vmem>>
          %dma_wait3A_309 = arith.constant 0 : i32
          %dma_wait3A_310 = arith.constant 0 : i32
          %dma_wait3A_311 = tpu.memref_slice %arg9[%dma_wait3A_309, %dma_wait3A_310] : memref<10240x128xf32, #tpu.memory_space<vmem_shared>> -> memref<10240x128xf32, #tpu.memory_space<vmem_shared>>
          tpu.wait_indirect_dma semaphore(%arg17 : memref<!tpu.dma_semaphore, #tpu.memory_space<semaphore_mem>>) src(%dma_wait3A_305 : memref<80x128xf32, #tpu.memory_space<vmem>>) dst(%dma_wait3A_311 : memref<10240x128xf32, #tpu.memory_space<vmem_shared>>)
        } else {
        }
        %add3A_244 = arith.constant 3 : i32
        %add3A_245 = arith.addi %scan3A_71, %add3A_244 : i32
        %jit3A_246 = arith.constant 8 : i32
        %eq3A_247 = arith.constant 0 : i32
        %eq3A_248 = arith.cmpi eq, %jit3A_246, %eq3A_247 : i32
        %jit3A_249 = arith.constant 1 : i32
        %select_n3A_250 = arith.select %eq3A_248, %jit3A_249, %jit3A_246 : i32
        %rem3A_251 = arith.remsi %add3A_245, %select_n3A_250 : i32
        %ne3A_252 = arith.constant 0 : i32
        %ne3A_253 = arith.cmpi ne, %rem3A_251, %ne3A_252 : i32
        %lt3A_254 = arith.constant 0 : i32
        %lt3A_255 = arith.cmpi slt, %rem3A_251, %lt3A_254 : i32
        %lt3A_256 = arith.constant 0 : i32
        %lt3A_257 = arith.cmpi slt, %select_n3A_250, %lt3A_256 : i32
        %ne3A_258 = arith.xori %lt3A_255, %lt3A_257 : i1
        %and3A_259 = arith.andi %ne3A_258, %ne3A_253 : i1
        %add3A_260 = arith.addi %rem3A_251, %select_n3A_250 : i32
        %select_n3A_261 = arith.select %and3A_259, %add3A_260, %rem3A_251 : i32
        %eq3A_262 = arith.constant 0 : i32
        %eq3A_263 = arith.cmpi eq, %select_n3A_261, %eq3A_262 : i32
        %add3A_264 = arith.constant 3 : i32
        %add3A_265 = arith.addi %scan3A_71, %add3A_264 : i32
        %jit3A_266 = arith.constant 8 : i32
        %div3A = arith.divsi %add3A_265, %jit3A_266 : i32
        %sign3A = arith.constant 0 : i32
        %sign3A_267 = arith.cmpi sgt, %add3A_265, %sign3A : i32
        %sign3A_268 = arith.extui %sign3A_267 : i1 to i32
        %sign3A_269 = arith.constant 0 : i32
        %sign3A_270 = arith.cmpi slt, %add3A_265, %sign3A_269 : i32
        %sign3A_271 = arith.extui %sign3A_270 : i1 to i32
        %sign3A_272 = arith.subi %sign3A_268, %sign3A_271 : i32
        %sign3A_273 = arith.constant 0 : i32
        %sign3A_274 = arith.cmpi sgt, %jit3A_266, %sign3A_273 : i32
        %sign3A_275 = arith.extui %sign3A_274 : i1 to i32
        %sign3A_276 = arith.constant 0 : i32
        %sign3A_277 = arith.cmpi slt, %jit3A_266, %sign3A_276 : i32
        %sign3A_278 = arith.extui %sign3A_277 : i1 to i32
        %sign3A_279 = arith.subi %sign3A_275, %sign3A_278 : i32
        %ne3A_280 = arith.cmpi ne, %sign3A_272, %sign3A_279 : i32
        %rem3A_281 = arith.remsi %add3A_265, %jit3A_266 : i32
        %ne3A_282 = arith.constant 0 : i32
        %ne3A_283 = arith.cmpi ne, %rem3A_281, %ne3A_282 : i32
        %and3A_284 = arith.andi %ne3A_280, %ne3A_283 : i1
        %sub3A = arith.constant 1 : i32
        %sub3A_285 = arith.subi %div3A, %sub3A : i32
        %select_n3A_286 = arith.select %and3A_284, %sub3A_285, %div3A : i32
        %lt3A_287 = arith.constant 16 : i32
        %lt3A_288 = arith.cmpi slt, %select_n3A_286, %lt3A_287 : i32
        %and3A_289 = arith.andi %eq3A_263, %lt3A_288 : i1
        %convert_element_type3A_290 = arith.extui %and3A_289 : i1 to i32
        %cond3A_291 = arith.constant 0 : i32
        %cond3A_292 = arith.cmpi ne, %convert_element_type3A_290, %cond3A_291 : i32
        scf.if %cond3A_292 {
          %add3A_300 = arith.constant 3 : i32
          %add3A_301 = arith.addi %scan3A_71, %add3A_300 : i32
          %jit3A_302 = arith.constant 8 : i32
          %div3A_303 = arith.divsi %add3A_301, %jit3A_302 : i32
          %sign3A_304 = arith.constant 0 : i32
          %sign3A_305 = arith.cmpi sgt, %add3A_301, %sign3A_304 : i32
          %sign3A_306 = arith.extui %sign3A_305 : i1 to i32
          %sign3A_307 = arith.constant 0 : i32
          %sign3A_308 = arith.cmpi slt, %add3A_301, %sign3A_307 : i32
          %sign3A_309 = arith.extui %sign3A_308 : i1 to i32
          %sign3A_310 = arith.subi %sign3A_306, %sign3A_309 : i32
          %sign3A_311 = arith.constant 0 : i32
          %sign3A_312 = arith.cmpi sgt, %jit3A_302, %sign3A_311 : i32
          %sign3A_313 = arith.extui %sign3A_312 : i1 to i32
          %sign3A_314 = arith.constant 0 : i32
          %sign3A_315 = arith.cmpi slt, %jit3A_302, %sign3A_314 : i32
          %sign3A_316 = arith.extui %sign3A_315 : i1 to i32
          %sign3A_317 = arith.subi %sign3A_313, %sign3A_316 : i32
          %ne3A_318 = arith.cmpi ne, %sign3A_310, %sign3A_317 : i32
          %rem3A_319 = arith.remsi %add3A_301, %jit3A_302 : i32
          %ne3A_320 = arith.constant 0 : i32
          %ne3A_321 = arith.cmpi ne, %rem3A_319, %ne3A_320 : i32
          %and3A_322 = arith.andi %ne3A_318, %ne3A_321 : i1
          %sub3A_323 = arith.constant 1 : i32
          %sub3A_324 = arith.subi %div3A_303, %sub3A_323 : i32
          %select_n3A_325 = arith.select %and3A_322, %sub3A_324, %div3A_303 : i32
          %jit3A_326 = arith.constant 3 : i32
          %eq3A_327 = arith.constant 0 : i32
          %eq3A_328 = arith.cmpi eq, %jit3A_326, %eq3A_327 : i32
          %jit3A_329 = arith.constant 1 : i32
          %select_n3A_330 = arith.select %eq3A_328, %jit3A_329, %jit3A_326 : i32
          %rem3A_331 = arith.remsi %select_n3A_325, %select_n3A_330 : i32
          %ne3A_332 = arith.constant 0 : i32
          %ne3A_333 = arith.cmpi ne, %rem3A_331, %ne3A_332 : i32
          %lt3A_334 = arith.constant 0 : i32
          %lt3A_335 = arith.cmpi slt, %rem3A_331, %lt3A_334 : i32
          %lt3A_336 = arith.constant 0 : i32
          %lt3A_337 = arith.cmpi slt, %select_n3A_330, %lt3A_336 : i32
          %ne3A_338 = arith.xori %lt3A_335, %lt3A_337 : i1
          %and3A_339 = arith.andi %ne3A_338, %ne3A_333 : i1
          %add3A_340 = arith.addi %rem3A_331, %select_n3A_330 : i32
          %select_n3A_341 = arith.select %and3A_339, %add3A_340, %rem3A_331 : i32
          %mul3A_342 = arith.constant 8 : i32
          %mul3A_343 = arith.muli %select_n3A_341, %mul3A_342 : i32
          %mul3A_344 = arith.constant 8 : i32
          %mul3A_345 = arith.muli %select_n3A_325, %mul3A_344 : i32
          "tpu.region"() ({
            %run_scoped3A = tpu.sem_alloc : memref<!tpu.dma_semaphore, #tpu.memory_space<semaphore_mem>>
            %dma_start3A_348 = arith.constant 0 : i32
            %dma_start3A_349 = tpu.memref_slice %arg6[%mul3A_343, %dma_start3A_348] : memref<24x80xi32, #tpu.memory_space<vmem>> -> memref<8x80xi32, #tpu.memory_space<vmem>>
            %dma_start3A_350 = arith.constant 0 : i32
            %dma_start3A_351 = tpu.memref_slice %arg3[%arg0, %arg1, %mul3A_345, %dma_start3A_350] : memref<2x16x128x80xi32, #tpu.memory_space<hbm>> -> memref<1x1x8x80xi32, #tpu.memory_space<hbm>>
            %dma_start3A_352 = tpu.memref_squeeze %dma_start3A_351 : memref<1x1x8x80xi32, #tpu.memory_space<hbm>> -> memref<8x80xi32, #tpu.memory_space<hbm>>
            %dma_start3A_353 = arith.constant 0 : i32
            %dma_start3A_354 = tpu.memref_slice %arg6[%mul3A_343, %dma_start3A_353] : memref<24x80xi32, #tpu.memory_space<vmem>> -> memref<8x80xi32, #tpu.memory_space<vmem>>
            %dma_start3A_355 = arith.constant 0 : i32
            %dma_start3A_356 = tpu.memref_slice %arg3[%arg0, %arg1, %mul3A_345, %dma_start3A_355] : memref<2x16x128x80xi32, #tpu.memory_space<hbm>> -> memref<1x1x8x80xi32, #tpu.memory_space<hbm>>
            %dma_start3A_357 = tpu.memref_squeeze %dma_start3A_356 : memref<1x1x8x80xi32, #tpu.memory_space<hbm>> -> memref<8x80xi32, #tpu.memory_space<hbm>>
            tpu.enqueue_dma source(%dma_start3A_357 : memref<8x80xi32, #tpu.memory_space<hbm>>) target(%dma_start3A_354 : memref<8x80xi32, #tpu.memory_space<vmem>>) target_semaphore(%run_scoped3A : memref<!tpu.dma_semaphore, #tpu.memory_space<semaphore_mem>>)
            %dma_wait3A_358 = arith.constant 0 : i32
            %dma_wait3A_359 = tpu.memref_slice %arg6[%mul3A_343, %dma_wait3A_358] : memref<24x80xi32, #tpu.memory_space<vmem>> -> memref<8x80xi32, #tpu.memory_space<vmem>>
            %dma_wait3A_360 = arith.constant 0 : i32
            %dma_wait3A_361 = tpu.memref_slice %arg3[%arg0, %arg1, %mul3A_345, %dma_wait3A_360] : memref<2x16x128x80xi32, #tpu.memory_space<hbm>> -> memref<1x1x8x80xi32, #tpu.memory_space<hbm>>
            %dma_wait3A_362 = tpu.memref_squeeze %dma_wait3A_361 : memref<1x1x8x80xi32, #tpu.memory_space<hbm>> -> memref<8x80xi32, #tpu.memory_space<hbm>>
            %dma_wait3A_363 = arith.constant 0 : i32
            %dma_wait3A_364 = tpu.memref_slice %arg6[%mul3A_343, %dma_wait3A_363] : memref<24x80xi32, #tpu.memory_space<vmem>> -> memref<8x80xi32, #tpu.memory_space<vmem>>
            %dma_wait3A_365 = arith.constant 0 : i32
            %dma_wait3A_366 = tpu.memref_slice %arg3[%arg0, %arg1, %mul3A_345, %dma_wait3A_365] : memref<2x16x128x80xi32, #tpu.memory_space<hbm>> -> memref<1x1x8x80xi32, #tpu.memory_space<hbm>>
            %dma_wait3A_367 = tpu.memref_squeeze %dma_wait3A_366 : memref<1x1x8x80xi32, #tpu.memory_space<hbm>> -> memref<8x80xi32, #tpu.memory_space<hbm>>
            tpu.wait_dma2 semaphore(%run_scoped3A : memref<!tpu.dma_semaphore, #tpu.memory_space<semaphore_mem>>) src(%dma_wait3A_367 : memref<8x80xi32, #tpu.memory_space<hbm>>) dst(%dma_wait3A_364 : memref<8x80xi32, #tpu.memory_space<vmem>>)
            tpu.yield
          }) : () -> ()
          %mul3A_346 = arith.constant 8 : i32
          %mul3A_347 = arith.muli %select_n3A_325, %mul3A_346 : i32
          "tpu.region"() ({
            %run_scoped3A = tpu.sem_alloc : memref<!tpu.dma_semaphore, #tpu.memory_space<semaphore_mem>>
            %dma_start3A_348 = arith.constant 0 : i32
            %dma_start3A_349 = tpu.memref_slice %arg7[%mul3A_343, %dma_start3A_348] : memref<24x80xi32, #tpu.memory_space<vmem>> -> memref<8x80xi32, #tpu.memory_space<vmem>>
            %dma_start3A_350 = arith.constant 0 : i32
            %dma_start3A_351 = tpu.memref_slice %arg4[%arg1, %mul3A_347, %dma_start3A_350] : memref<16x128x80xi32, #tpu.memory_space<hbm>> -> memref<1x8x80xi32, #tpu.memory_space<hbm>>
            %dma_start3A_352 = tpu.memref_squeeze %dma_start3A_351 : memref<1x8x80xi32, #tpu.memory_space<hbm>> -> memref<8x80xi32, #tpu.memory_space<hbm>>
            %dma_start3A_353 = arith.constant 0 : i32
            %dma_start3A_354 = tpu.memref_slice %arg7[%mul3A_343, %dma_start3A_353] : memref<24x80xi32, #tpu.memory_space<vmem>> -> memref<8x80xi32, #tpu.memory_space<vmem>>
            %dma_start3A_355 = arith.constant 0 : i32
            %dma_start3A_356 = tpu.memref_slice %arg4[%arg1, %mul3A_347, %dma_start3A_355] : memref<16x128x80xi32, #tpu.memory_space<hbm>> -> memref<1x8x80xi32, #tpu.memory_space<hbm>>
            %dma_start3A_357 = tpu.memref_squeeze %dma_start3A_356 : memref<1x8x80xi32, #tpu.memory_space<hbm>> -> memref<8x80xi32, #tpu.memory_space<hbm>>
            tpu.enqueue_dma source(%dma_start3A_357 : memref<8x80xi32, #tpu.memory_space<hbm>>) target(%dma_start3A_354 : memref<8x80xi32, #tpu.memory_space<vmem>>) target_semaphore(%run_scoped3A : memref<!tpu.dma_semaphore, #tpu.memory_space<semaphore_mem>>)
            %dma_wait3A_358 = arith.constant 0 : i32
            %dma_wait3A_359 = tpu.memref_slice %arg7[%mul3A_343, %dma_wait3A_358] : memref<24x80xi32, #tpu.memory_space<vmem>> -> memref<8x80xi32, #tpu.memory_space<vmem>>
            %dma_wait3A_360 = arith.constant 0 : i32
            %dma_wait3A_361 = tpu.memref_slice %arg4[%arg1, %mul3A_347, %dma_wait3A_360] : memref<16x128x80xi32, #tpu.memory_space<hbm>> -> memref<1x8x80xi32, #tpu.memory_space<hbm>>
            %dma_wait3A_362 = tpu.memref_squeeze %dma_wait3A_361 : memref<1x8x80xi32, #tpu.memory_space<hbm>> -> memref<8x80xi32, #tpu.memory_space<hbm>>
            %dma_wait3A_363 = arith.constant 0 : i32
            %dma_wait3A_364 = tpu.memref_slice %arg7[%mul3A_343, %dma_wait3A_363] : memref<24x80xi32, #tpu.memory_space<vmem>> -> memref<8x80xi32, #tpu.memory_space<vmem>>
            %dma_wait3A_365 = arith.constant 0 : i32
            %dma_wait3A_366 = tpu.memref_slice %arg4[%arg1, %mul3A_347, %dma_wait3A_365] : memref<16x128x80xi32, #tpu.memory_space<hbm>> -> memref<1x8x80xi32, #tpu.memory_space<hbm>>
            %dma_wait3A_367 = tpu.memref_squeeze %dma_wait3A_366 : memref<1x8x80xi32, #tpu.memory_space<hbm>> -> memref<8x80xi32, #tpu.memory_space<hbm>>
            tpu.wait_dma2 semaphore(%run_scoped3A : memref<!tpu.dma_semaphore, #tpu.memory_space<semaphore_mem>>) src(%dma_wait3A_367 : memref<8x80xi32, #tpu.memory_space<hbm>>) dst(%dma_wait3A_364 : memref<8x80xi32, #tpu.memory_space<vmem>>)
            tpu.yield
          }) : () -> ()
        } else {
        }
        %add3A_293 = arith.constant 3 : i32
        %add3A_294 = arith.addi %scan3A_71, %add3A_293 : i32
        %lt3A_295 = arith.constant 128 : i32
        %lt3A_296 = arith.cmpi slt, %add3A_294, %lt3A_295 : i32
        %convert_element_type3A_297 = arith.extui %lt3A_296 : i1 to i32
        %cond3A_298 = arith.constant 0 : i32
        %cond3A_299 = arith.cmpi ne, %convert_element_type3A_297, %cond3A_298 : i32
        scf.if %cond3A_299 {
          %add3A_300 = arith.constant 3 : i32
          %add3A_301 = arith.addi %scan3A_71, %add3A_300 : i32
          %jit3A_302 = arith.constant 8 : i32
          %div3A_303 = arith.divsi %add3A_301, %jit3A_302 : i32
          %sign3A_304 = arith.constant 0 : i32
          %sign3A_305 = arith.cmpi sgt, %add3A_301, %sign3A_304 : i32
          %sign3A_306 = arith.extui %sign3A_305 : i1 to i32
          %sign3A_307 = arith.constant 0 : i32
          %sign3A_308 = arith.cmpi slt, %add3A_301, %sign3A_307 : i32
          %sign3A_309 = arith.extui %sign3A_308 : i1 to i32
          %sign3A_310 = arith.subi %sign3A_306, %sign3A_309 : i32
          %sign3A_311 = arith.constant 0 : i32
          %sign3A_312 = arith.cmpi sgt, %jit3A_302, %sign3A_311 : i32
          %sign3A_313 = arith.extui %sign3A_312 : i1 to i32
          %sign3A_314 = arith.constant 0 : i32
          %sign3A_315 = arith.cmpi slt, %jit3A_302, %sign3A_314 : i32
          %sign3A_316 = arith.extui %sign3A_315 : i1 to i32
          %sign3A_317 = arith.subi %sign3A_313, %sign3A_316 : i32
          %ne3A_318 = arith.cmpi ne, %sign3A_310, %sign3A_317 : i32
          %rem3A_319 = arith.remsi %add3A_301, %jit3A_302 : i32
          %ne3A_320 = arith.constant 0 : i32
          %ne3A_321 = arith.cmpi ne, %rem3A_319, %ne3A_320 : i32
          %and3A_322 = arith.andi %ne3A_318, %ne3A_321 : i1
          %sub3A_323 = arith.constant 1 : i32
          %sub3A_324 = arith.subi %div3A_303, %sub3A_323 : i32
          %select_n3A_325 = arith.select %and3A_322, %sub3A_324, %div3A_303 : i32
          %jit3A_326 = arith.constant 3 : i32
          %eq3A_327 = arith.constant 0 : i32
          %eq3A_328 = arith.cmpi eq, %jit3A_326, %eq3A_327 : i32
          %jit3A_329 = arith.constant 1 : i32
          %select_n3A_330 = arith.select %eq3A_328, %jit3A_329, %jit3A_326 : i32
          %rem3A_331 = arith.remsi %select_n3A_325, %select_n3A_330 : i32
          %ne3A_332 = arith.constant 0 : i32
          %ne3A_333 = arith.cmpi ne, %rem3A_331, %ne3A_332 : i32
          %lt3A_334 = arith.constant 0 : i32
          %lt3A_335 = arith.cmpi slt, %rem3A_331, %lt3A_334 : i32
          %lt3A_336 = arith.constant 0 : i32
          %lt3A_337 = arith.cmpi slt, %select_n3A_330, %lt3A_336 : i32
          %ne3A_338 = arith.xori %lt3A_335, %lt3A_337 : i1
          %and3A_339 = arith.andi %ne3A_338, %ne3A_333 : i1
          %add3A_340 = arith.addi %rem3A_331, %select_n3A_330 : i32
          %select_n3A_341 = arith.select %and3A_339, %add3A_340, %rem3A_331 : i32
          %mul3A_342 = arith.constant 8 : i32
          %mul3A_343 = arith.muli %select_n3A_341, %mul3A_342 : i32
          %jit3A_344 = arith.constant 8 : i32
          %eq3A_345 = arith.constant 0 : i32
          %eq3A_346 = arith.cmpi eq, %jit3A_344, %eq3A_345 : i32
          %jit3A_347 = arith.constant 1 : i32
          %select_n3A_348 = arith.select %eq3A_346, %jit3A_347, %jit3A_344 : i32
          %rem3A_349 = arith.remsi %add3A_301, %select_n3A_348 : i32
          %ne3A_350 = arith.constant 0 : i32
          %ne3A_351 = arith.cmpi ne, %rem3A_349, %ne3A_350 : i32
          %lt3A_352 = arith.constant 0 : i32
          %lt3A_353 = arith.cmpi slt, %rem3A_349, %lt3A_352 : i32
          %lt3A_354 = arith.constant 0 : i32
          %lt3A_355 = arith.cmpi slt, %select_n3A_348, %lt3A_354 : i32
          %ne3A_356 = arith.xori %lt3A_353, %lt3A_355 : i1
          %and3A_357 = arith.andi %ne3A_356, %ne3A_351 : i1
          %add3A_358 = arith.addi %rem3A_349, %select_n3A_348 : i32
          %select_n3A_359 = arith.select %and3A_357, %add3A_358, %rem3A_349 : i32
          %add3A_360 = arith.addi %mul3A_343, %select_n3A_359 : i32
          %dma_start3A_361 = arith.constant 3 : i32
          %dma_start3A_362 = arith.constant 0 : i32
          %dma_start3A_363 = arith.constant 0 : i32
          %dma_start3A_364 = tpu.memref_slice %arg8[%dma_start3A_361, %dma_start3A_362, %dma_start3A_363] : memref<4x80x128xf32, #tpu.memory_space<vmem>> -> memref<1x80x128xf32, #tpu.memory_space<vmem>>
          %dma_start3A_365 = tpu.memref_squeeze %dma_start3A_364 : memref<1x80x128xf32, #tpu.memory_space<vmem>> -> memref<80x128xf32, #tpu.memory_space<vmem>>
          %dma_start3A_366 = arith.constant 0 : i32
          %dma_start3A_367 = tpu.memref_slice %arg6[%add3A_360, %dma_start3A_366] : memref<24x80xi32, #tpu.memory_space<vmem>> -> memref<1x80xi32, #tpu.memory_space<vmem>>
          %dma_start3A_368 = tpu.memref_squeeze %dma_start3A_367 : memref<1x80xi32, #tpu.memory_space<vmem>> -> memref<80xi32, #tpu.memory_space<vmem>>
          %dma_start3A_369 = arith.constant 0 : i32
          %dma_start3A_370 = arith.constant 0 : i32
          %dma_start3A_371 = tpu.memref_slice %arg2[%dma_start3A_369, %dma_start3A_370] : memref<20000x128xf32, #tpu.memory_space<hbm>> -> memref<20000x128xf32, #tpu.memory_space<hbm>>
          tpu.enqueue_indirect_dma source(%dma_start3A_371 : memref<20000x128xf32, #tpu.memory_space<hbm>>) target(%dma_start3A_365 : memref<80x128xf32, #tpu.memory_space<vmem>>) offsets(%dma_start3A_368 : memref<80xi32, #tpu.memory_space<vmem>>) semaphore(%arg13 : memref<!tpu.dma_semaphore, #tpu.memory_space<semaphore_mem>>)
        } else {
        }
      } else {
      }
      %jit3A_155 = arith.constant 4 : i32
      %eq3A_156 = arith.constant 0 : i32
      %eq3A_157 = arith.cmpi eq, %jit3A_155, %eq3A_156 : i32
      %jit3A_158 = arith.constant 1 : i32
      %select_n3A_159 = arith.select %eq3A_157, %jit3A_158, %jit3A_155 : i32
      %rem3A_160 = arith.remsi %scan3A_71, %select_n3A_159 : i32
      %ne3A_161 = arith.constant 0 : i32
      %ne3A_162 = arith.cmpi ne, %rem3A_160, %ne3A_161 : i32
      %lt3A_163 = arith.constant 0 : i32
      %lt3A_164 = arith.cmpi slt, %rem3A_160, %lt3A_163 : i32
      %lt3A_165 = arith.constant 0 : i32
      %lt3A_166 = arith.cmpi slt, %select_n3A_159, %lt3A_165 : i32
      %ne3A_167 = arith.xori %lt3A_164, %lt3A_166 : i1
      %and3A_168 = arith.andi %ne3A_167, %ne3A_162 : i1
      %add3A_169 = arith.addi %rem3A_160, %select_n3A_159 : i32
      %select_n3A_170 = arith.select %and3A_168, %add3A_169, %rem3A_160 : i32
      %eq3A_171 = arith.constant 0 : i32
      %eq3A_172 = arith.cmpi eq, %select_n3A_170, %eq3A_171 : i32
      %convert_element_type3A_173 = arith.extui %eq3A_172 : i1 to i32
      %cond3A_174 = arith.constant 0 : i32
      %cond3A_175 = arith.cmpi ne, %convert_element_type3A_173, %cond3A_174 : i32
      scf.if %cond3A_175 {
        %dma_wait3A_240 = arith.constant 0 : i32
        %dma_wait3A_241 = arith.constant 0 : i32
        %dma_wait3A_242 = arith.constant 0 : i32
        %dma_wait3A_243 = arith.constant 0 : i32
        %dma_wait3A_244 = tpu.memref_slice %arg8[%dma_wait3A_241, %dma_wait3A_242, %dma_wait3A_243] : memref<4x80x128xf32, #tpu.memory_space<vmem>> -> memref<1x80x128xf32, #tpu.memory_space<vmem>>
        %dma_wait3A_245 = tpu.memref_squeeze %dma_wait3A_244 : memref<1x80x128xf32, #tpu.memory_space<vmem>> -> memref<80x128xf32, #tpu.memory_space<vmem>>
        %dma_wait3A_246 = arith.constant 0 : i32
        %dma_wait3A_247 = tpu.memref_slice %arg6[%dma_wait3A_240, %dma_wait3A_246] : memref<24x80xi32, #tpu.memory_space<vmem>> -> memref<1x80xi32, #tpu.memory_space<vmem>>
        %dma_wait3A_248 = tpu.memref_squeeze %dma_wait3A_247 : memref<1x80xi32, #tpu.memory_space<vmem>> -> memref<80xi32, #tpu.memory_space<vmem>>
        %dma_wait3A_249 = arith.constant 0 : i32
        %dma_wait3A_250 = arith.constant 0 : i32
        %dma_wait3A_251 = tpu.memref_slice %arg2[%dma_wait3A_249, %dma_wait3A_250] : memref<20000x128xf32, #tpu.memory_space<hbm>> -> memref<20000x128xf32, #tpu.memory_space<hbm>>
        tpu.wait_indirect_dma semaphore(%arg10 : memref<!tpu.dma_semaphore, #tpu.memory_space<semaphore_mem>>) src(%dma_wait3A_251 : memref<20000x128xf32, #tpu.memory_space<hbm>>) dst(%dma_wait3A_245 : memref<80x128xf32, #tpu.memory_space<vmem>>)
        %jit3A_252 = arith.constant 8 : i32
        %div3A = arith.divsi %scan3A_71, %jit3A_252 : i32
        %sign3A = arith.constant 0 : i32
        %sign3A_253 = arith.cmpi sgt, %scan3A_71, %sign3A : i32
        %sign3A_254 = arith.extui %sign3A_253 : i1 to i32
        %sign3A_255 = arith.constant 0 : i32
        %sign3A_256 = arith.cmpi slt, %scan3A_71, %sign3A_255 : i32
        %sign3A_257 = arith.extui %sign3A_256 : i1 to i32
        %sign3A_258 = arith.subi %sign3A_254, %sign3A_257 : i32
        %sign3A_259 = arith.constant 0 : i32
        %sign3A_260 = arith.cmpi sgt, %jit3A_252, %sign3A_259 : i32
        %sign3A_261 = arith.extui %sign3A_260 : i1 to i32
        %sign3A_262 = arith.constant 0 : i32
        %sign3A_263 = arith.cmpi slt, %jit3A_252, %sign3A_262 : i32
        %sign3A_264 = arith.extui %sign3A_263 : i1 to i32
        %sign3A_265 = arith.subi %sign3A_261, %sign3A_264 : i32
        %ne3A_266 = arith.cmpi ne, %sign3A_258, %sign3A_265 : i32
        %rem3A_267 = arith.remsi %scan3A_71, %jit3A_252 : i32
        %ne3A_268 = arith.constant 0 : i32
        %ne3A_269 = arith.cmpi ne, %rem3A_267, %ne3A_268 : i32
        %and3A_270 = arith.andi %ne3A_266, %ne3A_269 : i1
        %sub3A = arith.constant 1 : i32
        %sub3A_271 = arith.subi %div3A, %sub3A : i32
        %select_n3A_272 = arith.select %and3A_270, %sub3A_271, %div3A : i32
        %jit3A_273 = arith.constant 3 : i32
        %eq3A_274 = arith.constant 0 : i32
        %eq3A_275 = arith.cmpi eq, %jit3A_273, %eq3A_274 : i32
        %jit3A_276 = arith.constant 1 : i32
        %select_n3A_277 = arith.select %eq3A_275, %jit3A_276, %jit3A_273 : i32
        %rem3A_278 = arith.remsi %select_n3A_272, %select_n3A_277 : i32
        %ne3A_279 = arith.constant 0 : i32
        %ne3A_280 = arith.cmpi ne, %rem3A_278, %ne3A_279 : i32
        %lt3A_281 = arith.constant 0 : i32
        %lt3A_282 = arith.cmpi slt, %rem3A_278, %lt3A_281 : i32
        %lt3A_283 = arith.constant 0 : i32
        %lt3A_284 = arith.cmpi slt, %select_n3A_277, %lt3A_283 : i32
        %ne3A_285 = arith.xori %lt3A_282, %lt3A_284 : i1
        %and3A_286 = arith.andi %ne3A_285, %ne3A_280 : i1
        %add3A_287 = arith.addi %rem3A_278, %select_n3A_277 : i32
        %select_n3A_288 = arith.select %and3A_286, %add3A_287, %rem3A_278 : i32
        %mul3A_289 = arith.constant 8 : i32
        %mul3A_290 = arith.muli %select_n3A_288, %mul3A_289 : i32
        %jit3A_291 = arith.constant 8 : i32
        %eq3A_292 = arith.constant 0 : i32
        %eq3A_293 = arith.cmpi eq, %jit3A_291, %eq3A_292 : i32
        %jit3A_294 = arith.constant 1 : i32
        %select_n3A_295 = arith.select %eq3A_293, %jit3A_294, %jit3A_291 : i32
        %rem3A_296 = arith.remsi %scan3A_71, %select_n3A_295 : i32
        %ne3A_297 = arith.constant 0 : i32
        %ne3A_298 = arith.cmpi ne, %rem3A_296, %ne3A_297 : i32
        %lt3A_299 = arith.constant 0 : i32
        %lt3A_300 = arith.cmpi slt, %rem3A_296, %lt3A_299 : i32
        %lt3A_301 = arith.constant 0 : i32
        %lt3A_302 = arith.cmpi slt, %select_n3A_295, %lt3A_301 : i32
        %ne3A_303 = arith.xori %lt3A_300, %lt3A_302 : i1
        %and3A_304 = arith.andi %ne3A_303, %ne3A_298 : i1
        %add3A_305 = arith.addi %rem3A_296, %select_n3A_295 : i32
        %select_n3A_306 = arith.select %and3A_304, %add3A_305, %rem3A_296 : i32
        %add3A_307 = arith.addi %mul3A_290, %select_n3A_306 : i32
        %dma_start3A_308 = arith.constant 0 : i32
        %dma_start3A_309 = arith.constant 0 : i32
        %dma_start3A_310 = arith.constant 0 : i32
        %dma_start3A_311 = tpu.memref_slice %arg8[%dma_start3A_308, %dma_start3A_309, %dma_start3A_310] : memref<4x80x128xf32, #tpu.memory_space<vmem>> -> memref<1x80x128xf32, #tpu.memory_space<vmem>>
        %dma_start3A_312 = tpu.memref_squeeze %dma_start3A_311 : memref<1x80x128xf32, #tpu.memory_space<vmem>> -> memref<80x128xf32, #tpu.memory_space<vmem>>
        %dma_start3A_313 = arith.constant 0 : i32
        %dma_start3A_314 = tpu.memref_slice %arg7[%add3A_307, %dma_start3A_313] : memref<24x80xi32, #tpu.memory_space<vmem>> -> memref<1x80xi32, #tpu.memory_space<vmem>>
        %dma_start3A_315 = tpu.memref_squeeze %dma_start3A_314 : memref<1x80xi32, #tpu.memory_space<vmem>> -> memref<80xi32, #tpu.memory_space<vmem>>
        %dma_start3A_316 = arith.constant 0 : i32
        %dma_start3A_317 = arith.constant 0 : i32
        %dma_start3A_318 = tpu.memref_slice %arg9[%dma_start3A_316, %dma_start3A_317] : memref<10240x128xf32, #tpu.memory_space<vmem_shared>> -> memref<10240x128xf32, #tpu.memory_space<vmem_shared>>
        tpu.enqueue_indirect_dma source(%dma_start3A_312 : memref<80x128xf32, #tpu.memory_space<vmem>>) target(%dma_start3A_318 : memref<10240x128xf32, #tpu.memory_space<vmem_shared>>) offsets(%dma_start3A_315 : memref<80xi32, #tpu.memory_space<vmem>>) semaphore(%arg14 : memref<!tpu.dma_semaphore, #tpu.memory_space<semaphore_mem>>) {add = true}
      } else {
      }
      %jit3A_176 = arith.constant 4 : i32
      %eq3A_177 = arith.constant 0 : i32
      %eq3A_178 = arith.cmpi eq, %jit3A_176, %eq3A_177 : i32
      %jit3A_179 = arith.constant 1 : i32
      %select_n3A_180 = arith.select %eq3A_178, %jit3A_179, %jit3A_176 : i32
      %rem3A_181 = arith.remsi %scan3A_71, %select_n3A_180 : i32
      %ne3A_182 = arith.constant 0 : i32
      %ne3A_183 = arith.cmpi ne, %rem3A_181, %ne3A_182 : i32
      %lt3A_184 = arith.constant 0 : i32
      %lt3A_185 = arith.cmpi slt, %rem3A_181, %lt3A_184 : i32
      %lt3A_186 = arith.constant 0 : i32
      %lt3A_187 = arith.cmpi slt, %select_n3A_180, %lt3A_186 : i32
      %ne3A_188 = arith.xori %lt3A_185, %lt3A_187 : i1
      %and3A_189 = arith.andi %ne3A_188, %ne3A_183 : i1
      %add3A_190 = arith.addi %rem3A_181, %select_n3A_180 : i32
      %select_n3A_191 = arith.select %and3A_189, %add3A_190, %rem3A_181 : i32
      %eq3A_192 = arith.constant 1 : i32
      %eq3A_193 = arith.cmpi eq, %select_n3A_191, %eq3A_192 : i32
      %convert_element_type3A_194 = arith.extui %eq3A_193 : i1 to i32
      %cond3A_195 = arith.constant 0 : i32
      %cond3A_196 = arith.cmpi ne, %convert_element_type3A_194, %cond3A_195 : i32
      scf.if %cond3A_196 {
        %dma_wait3A_240 = arith.constant 0 : i32
        %dma_wait3A_241 = arith.constant 1 : i32
        %dma_wait3A_242 = arith.constant 0 : i32
        %dma_wait3A_243 = arith.constant 0 : i32
        %dma_wait3A_244 = tpu.memref_slice %arg8[%dma_wait3A_241, %dma_wait3A_242, %dma_wait3A_243] : memref<4x80x128xf32, #tpu.memory_space<vmem>> -> memref<1x80x128xf32, #tpu.memory_space<vmem>>
        %dma_wait3A_245 = tpu.memref_squeeze %dma_wait3A_244 : memref<1x80x128xf32, #tpu.memory_space<vmem>> -> memref<80x128xf32, #tpu.memory_space<vmem>>
        %dma_wait3A_246 = arith.constant 0 : i32
        %dma_wait3A_247 = tpu.memref_slice %arg6[%dma_wait3A_240, %dma_wait3A_246] : memref<24x80xi32, #tpu.memory_space<vmem>> -> memref<1x80xi32, #tpu.memory_space<vmem>>
        %dma_wait3A_248 = tpu.memref_squeeze %dma_wait3A_247 : memref<1x80xi32, #tpu.memory_space<vmem>> -> memref<80xi32, #tpu.memory_space<vmem>>
        %dma_wait3A_249 = arith.constant 0 : i32
        %dma_wait3A_250 = arith.constant 0 : i32
        %dma_wait3A_251 = tpu.memref_slice %arg2[%dma_wait3A_249, %dma_wait3A_250] : memref<20000x128xf32, #tpu.memory_space<hbm>> -> memref<20000x128xf32, #tpu.memory_space<hbm>>
        tpu.wait_indirect_dma semaphore(%arg11 : memref<!tpu.dma_semaphore, #tpu.memory_space<semaphore_mem>>) src(%dma_wait3A_251 : memref<20000x128xf32, #tpu.memory_space<hbm>>) dst(%dma_wait3A_245 : memref<80x128xf32, #tpu.memory_space<vmem>>)
        %jit3A_252 = arith.constant 8 : i32
        %div3A = arith.divsi %scan3A_71, %jit3A_252 : i32
        %sign3A = arith.constant 0 : i32
        %sign3A_253 = arith.cmpi sgt, %scan3A_71, %sign3A : i32
        %sign3A_254 = arith.extui %sign3A_253 : i1 to i32
        %sign3A_255 = arith.constant 0 : i32
        %sign3A_256 = arith.cmpi slt, %scan3A_71, %sign3A_255 : i32
        %sign3A_257 = arith.extui %sign3A_256 : i1 to i32
        %sign3A_258 = arith.subi %sign3A_254, %sign3A_257 : i32
        %sign3A_259 = arith.constant 0 : i32
        %sign3A_260 = arith.cmpi sgt, %jit3A_252, %sign3A_259 : i32
        %sign3A_261 = arith.extui %sign3A_260 : i1 to i32
        %sign3A_262 = arith.constant 0 : i32
        %sign3A_263 = arith.cmpi slt, %jit3A_252, %sign3A_262 : i32
        %sign3A_264 = arith.extui %sign3A_263 : i1 to i32
        %sign3A_265 = arith.subi %sign3A_261, %sign3A_264 : i32
        %ne3A_266 = arith.cmpi ne, %sign3A_258, %sign3A_265 : i32
        %rem3A_267 = arith.remsi %scan3A_71, %jit3A_252 : i32
        %ne3A_268 = arith.constant 0 : i32
        %ne3A_269 = arith.cmpi ne, %rem3A_267, %ne3A_268 : i32
        %and3A_270 = arith.andi %ne3A_266, %ne3A_269 : i1
        %sub3A = arith.constant 1 : i32
        %sub3A_271 = arith.subi %div3A, %sub3A : i32
        %select_n3A_272 = arith.select %and3A_270, %sub3A_271, %div3A : i32
        %jit3A_273 = arith.constant 3 : i32
        %eq3A_274 = arith.constant 0 : i32
        %eq3A_275 = arith.cmpi eq, %jit3A_273, %eq3A_274 : i32
        %jit3A_276 = arith.constant 1 : i32
        %select_n3A_277 = arith.select %eq3A_275, %jit3A_276, %jit3A_273 : i32
        %rem3A_278 = arith.remsi %select_n3A_272, %select_n3A_277 : i32
        %ne3A_279 = arith.constant 0 : i32
        %ne3A_280 = arith.cmpi ne, %rem3A_278, %ne3A_279 : i32
        %lt3A_281 = arith.constant 0 : i32
        %lt3A_282 = arith.cmpi slt, %rem3A_278, %lt3A_281 : i32
        %lt3A_283 = arith.constant 0 : i32
        %lt3A_284 = arith.cmpi slt, %select_n3A_277, %lt3A_283 : i32
        %ne3A_285 = arith.xori %lt3A_282, %lt3A_284 : i1
        %and3A_286 = arith.andi %ne3A_285, %ne3A_280 : i1
        %add3A_287 = arith.addi %rem3A_278, %select_n3A_277 : i32
        %select_n3A_288 = arith.select %and3A_286, %add3A_287, %rem3A_278 : i32
        %mul3A_289 = arith.constant 8 : i32
        %mul3A_290 = arith.muli %select_n3A_288, %mul3A_289 : i32
        %jit3A_291 = arith.constant 8 : i32
        %eq3A_292 = arith.constant 0 : i32
        %eq3A_293 = arith.cmpi eq, %jit3A_291, %eq3A_292 : i32
        %jit3A_294 = arith.constant 1 : i32
        %select_n3A_295 = arith.select %eq3A_293, %jit3A_294, %jit3A_291 : i32
        %rem3A_296 = arith.remsi %scan3A_71, %select_n3A_295 : i32
        %ne3A_297 = arith.constant 0 : i32
        %ne3A_298 = arith.cmpi ne, %rem3A_296, %ne3A_297 : i32
        %lt3A_299 = arith.constant 0 : i32
        %lt3A_300 = arith.cmpi slt, %rem3A_296, %lt3A_299 : i32
        %lt3A_301 = arith.constant 0 : i32
        %lt3A_302 = arith.cmpi slt, %select_n3A_295, %lt3A_301 : i32
        %ne3A_303 = arith.xori %lt3A_300, %lt3A_302 : i1
        %and3A_304 = arith.andi %ne3A_303, %ne3A_298 : i1
        %add3A_305 = arith.addi %rem3A_296, %select_n3A_295 : i32
        %select_n3A_306 = arith.select %and3A_304, %add3A_305, %rem3A_296 : i32
        %add3A_307 = arith.addi %mul3A_290, %select_n3A_306 : i32
        %dma_start3A_308 = arith.constant 1 : i32
        %dma_start3A_309 = arith.constant 0 : i32
        %dma_start3A_310 = arith.constant 0 : i32
        %dma_start3A_311 = tpu.memref_slice %arg8[%dma_start3A_308, %dma_start3A_309, %dma_start3A_310] : memref<4x80x128xf32, #tpu.memory_space<vmem>> -> memref<1x80x128xf32, #tpu.memory_space<vmem>>
        %dma_start3A_312 = tpu.memref_squeeze %dma_start3A_311 : memref<1x80x128xf32, #tpu.memory_space<vmem>> -> memref<80x128xf32, #tpu.memory_space<vmem>>
        %dma_start3A_313 = arith.constant 0 : i32
        %dma_start3A_314 = tpu.memref_slice %arg7[%add3A_307, %dma_start3A_313] : memref<24x80xi32, #tpu.memory_space<vmem>> -> memref<1x80xi32, #tpu.memory_space<vmem>>
        %dma_start3A_315 = tpu.memref_squeeze %dma_start3A_314 : memref<1x80xi32, #tpu.memory_space<vmem>> -> memref<80xi32, #tpu.memory_space<vmem>>
        %dma_start3A_316 = arith.constant 0 : i32
        %dma_start3A_317 = arith.constant 0 : i32
        %dma_start3A_318 = tpu.memref_slice %arg9[%dma_start3A_316, %dma_start3A_317] : memref<10240x128xf32, #tpu.memory_space<vmem_shared>> -> memref<10240x128xf32, #tpu.memory_space<vmem_shared>>
        tpu.enqueue_indirect_dma source(%dma_start3A_312 : memref<80x128xf32, #tpu.memory_space<vmem>>) target(%dma_start3A_318 : memref<10240x128xf32, #tpu.memory_space<vmem_shared>>) offsets(%dma_start3A_315 : memref<80xi32, #tpu.memory_space<vmem>>) semaphore(%arg15 : memref<!tpu.dma_semaphore, #tpu.memory_space<semaphore_mem>>) {add = true}
      } else {
      }
      %jit3A_197 = arith.constant 4 : i32
      %eq3A_198 = arith.constant 0 : i32
      %eq3A_199 = arith.cmpi eq, %jit3A_197, %eq3A_198 : i32
      %jit3A_200 = arith.constant 1 : i32
      %select_n3A_201 = arith.select %eq3A_199, %jit3A_200, %jit3A_197 : i32
      %rem3A_202 = arith.remsi %scan3A_71, %select_n3A_201 : i32
      %ne3A_203 = arith.constant 0 : i32
      %ne3A_204 = arith.cmpi ne, %rem3A_202, %ne3A_203 : i32
      %lt3A_205 = arith.constant 0 : i32
      %lt3A_206 = arith.cmpi slt, %rem3A_202, %lt3A_205 : i32
      %lt3A_207 = arith.constant 0 : i32
      %lt3A_208 = arith.cmpi slt, %select_n3A_201, %lt3A_207 : i32
      %ne3A_209 = arith.xori %lt3A_206, %lt3A_208 : i1
      %and3A_210 = arith.andi %ne3A_209, %ne3A_204 : i1
      %add3A_211 = arith.addi %rem3A_202, %select_n3A_201 : i32
      %select_n3A_212 = arith.select %and3A_210, %add3A_211, %rem3A_202 : i32
      %eq3A_213 = arith.constant 2 : i32
      %eq3A_214 = arith.cmpi eq, %select_n3A_212, %eq3A_213 : i32
      %convert_element_type3A_215 = arith.extui %eq3A_214 : i1 to i32
      %cond3A_216 = arith.constant 0 : i32
      %cond3A_217 = arith.cmpi ne, %convert_element_type3A_215, %cond3A_216 : i32
      scf.if %cond3A_217 {
        %dma_wait3A_240 = arith.constant 0 : i32
        %dma_wait3A_241 = arith.constant 2 : i32
        %dma_wait3A_242 = arith.constant 0 : i32
        %dma_wait3A_243 = arith.constant 0 : i32
        %dma_wait3A_244 = tpu.memref_slice %arg8[%dma_wait3A_241, %dma_wait3A_242, %dma_wait3A_243] : memref<4x80x128xf32, #tpu.memory_space<vmem>> -> memref<1x80x128xf32, #tpu.memory_space<vmem>>
        %dma_wait3A_245 = tpu.memref_squeeze %dma_wait3A_244 : memref<1x80x128xf32, #tpu.memory_space<vmem>> -> memref<80x128xf32, #tpu.memory_space<vmem>>
        %dma_wait3A_246 = arith.constant 0 : i32
        %dma_wait3A_247 = tpu.memref_slice %arg6[%dma_wait3A_240, %dma_wait3A_246] : memref<24x80xi32, #tpu.memory_space<vmem>> -> memref<1x80xi32, #tpu.memory_space<vmem>>
        %dma_wait3A_248 = tpu.memref_squeeze %dma_wait3A_247 : memref<1x80xi32, #tpu.memory_space<vmem>> -> memref<80xi32, #tpu.memory_space<vmem>>
        %dma_wait3A_249 = arith.constant 0 : i32
        %dma_wait3A_250 = arith.constant 0 : i32
        %dma_wait3A_251 = tpu.memref_slice %arg2[%dma_wait3A_249, %dma_wait3A_250] : memref<20000x128xf32, #tpu.memory_space<hbm>> -> memref<20000x128xf32, #tpu.memory_space<hbm>>
        tpu.wait_indirect_dma semaphore(%arg12 : memref<!tpu.dma_semaphore, #tpu.memory_space<semaphore_mem>>) src(%dma_wait3A_251 : memref<20000x128xf32, #tpu.memory_space<hbm>>) dst(%dma_wait3A_245 : memref<80x128xf32, #tpu.memory_space<vmem>>)
        %jit3A_252 = arith.constant 8 : i32
        %div3A = arith.divsi %scan3A_71, %jit3A_252 : i32
        %sign3A = arith.constant 0 : i32
        %sign3A_253 = arith.cmpi sgt, %scan3A_71, %sign3A : i32
        %sign3A_254 = arith.extui %sign3A_253 : i1 to i32
        %sign3A_255 = arith.constant 0 : i32
        %sign3A_256 = arith.cmpi slt, %scan3A_71, %sign3A_255 : i32
        %sign3A_257 = arith.extui %sign3A_256 : i1 to i32
        %sign3A_258 = arith.subi %sign3A_254, %sign3A_257 : i32
        %sign3A_259 = arith.constant 0 : i32
        %sign3A_260 = arith.cmpi sgt, %jit3A_252, %sign3A_259 : i32
        %sign3A_261 = arith.extui %sign3A_260 : i1 to i32
        %sign3A_262 = arith.constant 0 : i32
        %sign3A_263 = arith.cmpi slt, %jit3A_252, %sign3A_262 : i32
        %sign3A_264 = arith.extui %sign3A_263 : i1 to i32
        %sign3A_265 = arith.subi %sign3A_261, %sign3A_264 : i32
        %ne3A_266 = arith.cmpi ne, %sign3A_258, %sign3A_265 : i32
        %rem3A_267 = arith.remsi %scan3A_71, %jit3A_252 : i32
        %ne3A_268 = arith.constant 0 : i32
        %ne3A_269 = arith.cmpi ne, %rem3A_267, %ne3A_268 : i32
        %and3A_270 = arith.andi %ne3A_266, %ne3A_269 : i1
        %sub3A = arith.constant 1 : i32
        %sub3A_271 = arith.subi %div3A, %sub3A : i32
        %select_n3A_272 = arith.select %and3A_270, %sub3A_271, %div3A : i32
        %jit3A_273 = arith.constant 3 : i32
        %eq3A_274 = arith.constant 0 : i32
        %eq3A_275 = arith.cmpi eq, %jit3A_273, %eq3A_274 : i32
        %jit3A_276 = arith.constant 1 : i32
        %select_n3A_277 = arith.select %eq3A_275, %jit3A_276, %jit3A_273 : i32
        %rem3A_278 = arith.remsi %select_n3A_272, %select_n3A_277 : i32
        %ne3A_279 = arith.constant 0 : i32
        %ne3A_280 = arith.cmpi ne, %rem3A_278, %ne3A_279 : i32
        %lt3A_281 = arith.constant 0 : i32
        %lt3A_282 = arith.cmpi slt, %rem3A_278, %lt3A_281 : i32
        %lt3A_283 = arith.constant 0 : i32
        %lt3A_284 = arith.cmpi slt, %select_n3A_277, %lt3A_283 : i32
        %ne3A_285 = arith.xori %lt3A_282, %lt3A_284 : i1
        %and3A_286 = arith.andi %ne3A_285, %ne3A_280 : i1
        %add3A_287 = arith.addi %rem3A_278, %select_n3A_277 : i32
        %select_n3A_288 = arith.select %and3A_286, %add3A_287, %rem3A_278 : i32
        %mul3A_289 = arith.constant 8 : i32
        %mul3A_290 = arith.muli %select_n3A_288, %mul3A_289 : i32
        %jit3A_291 = arith.constant 8 : i32
        %eq3A_292 = arith.constant 0 : i32
        %eq3A_293 = arith.cmpi eq, %jit3A_291, %eq3A_292 : i32
        %jit3A_294 = arith.constant 1 : i32
        %select_n3A_295 = arith.select %eq3A_293, %jit3A_294, %jit3A_291 : i32
        %rem3A_296 = arith.remsi %scan3A_71, %select_n3A_295 : i32
        %ne3A_297 = arith.constant 0 : i32
        %ne3A_298 = arith.cmpi ne, %rem3A_296, %ne3A_297 : i32
        %lt3A_299 = arith.constant 0 : i32
        %lt3A_300 = arith.cmpi slt, %rem3A_296, %lt3A_299 : i32
        %lt3A_301 = arith.constant 0 : i32
        %lt3A_302 = arith.cmpi slt, %select_n3A_295, %lt3A_301 : i32
        %ne3A_303 = arith.xori %lt3A_300, %lt3A_302 : i1
        %and3A_304 = arith.andi %ne3A_303, %ne3A_298 : i1
        %add3A_305 = arith.addi %rem3A_296, %select_n3A_295 : i32
        %select_n3A_306 = arith.select %and3A_304, %add3A_305, %rem3A_296 : i32
        %add3A_307 = arith.addi %mul3A_290, %select_n3A_306 : i32
        %dma_start3A_308 = arith.constant 2 : i32
        %dma_start3A_309 = arith.constant 0 : i32
        %dma_start3A_310 = arith.constant 0 : i32
        %dma_start3A_311 = tpu.memref_slice %arg8[%dma_start3A_308, %dma_start3A_309, %dma_start3A_310] : memref<4x80x128xf32, #tpu.memory_space<vmem>> -> memref<1x80x128xf32, #tpu.memory_space<vmem>>
        %dma_start3A_312 = tpu.memref_squeeze %dma_start3A_311 : memref<1x80x128xf32, #tpu.memory_space<vmem>> -> memref<80x128xf32, #tpu.memory_space<vmem>>
        %dma_start3A_313 = arith.constant 0 : i32
        %dma_start3A_314 = tpu.memref_slice %arg7[%add3A_307, %dma_start3A_313] : memref<24x80xi32, #tpu.memory_space<vmem>> -> memref<1x80xi32, #tpu.memory_space<vmem>>
        %dma_start3A_315 = tpu.memref_squeeze %dma_start3A_314 : memref<1x80xi32, #tpu.memory_space<vmem>> -> memref<80xi32, #tpu.memory_space<vmem>>
        %dma_start3A_316 = arith.constant 0 : i32
        %dma_start3A_317 = arith.constant 0 : i32
        %dma_start3A_318 = tpu.memref_slice %arg9[%dma_start3A_316, %dma_start3A_317] : memref<10240x128xf32, #tpu.memory_space<vmem_shared>> -> memref<10240x128xf32, #tpu.memory_space<vmem_shared>>
        tpu.enqueue_indirect_dma source(%dma_start3A_312 : memref<80x128xf32, #tpu.memory_space<vmem>>) target(%dma_start3A_318 : memref<10240x128xf32, #tpu.memory_space<vmem_shared>>) offsets(%dma_start3A_315 : memref<80xi32, #tpu.memory_space<vmem>>) semaphore(%arg16 : memref<!tpu.dma_semaphore, #tpu.memory_space<semaphore_mem>>) {add = true}
      } else {
      }
      %jit3A_218 = arith.constant 4 : i32
      %eq3A_219 = arith.constant 0 : i32
      %eq3A_220 = arith.cmpi eq, %jit3A_218, %eq3A_219 : i32
      %jit3A_221 = arith.constant 1 : i32
      %select_n3A_222 = arith.select %eq3A_220, %jit3A_221, %jit3A_218 : i32
      %rem3A_223 = arith.remsi %scan3A_71, %select_n3A_222 : i32
      %ne3A_224 = arith.constant 0 : i32
      %ne3A_225 = arith.cmpi ne, %rem3A_223, %ne3A_224 : i32
      %lt3A_226 = arith.constant 0 : i32
      %lt3A_227 = arith.cmpi slt, %rem3A_223, %lt3A_226 : i32
      %lt3A_228 = arith.constant 0 : i32
      %lt3A_229 = arith.cmpi slt, %select_n3A_222, %lt3A_228 : i32
      %ne3A_230 = arith.xori %lt3A_227, %lt3A_229 : i1
      %and3A_231 = arith.andi %ne3A_230, %ne3A_225 : i1
      %add3A_232 = arith.addi %rem3A_223, %select_n3A_222 : i32
      %select_n3A_233 = arith.select %and3A_231, %add3A_232, %rem3A_223 : i32
      %eq3A_234 = arith.constant 3 : i32
      %eq3A_235 = arith.cmpi eq, %select_n3A_233, %eq3A_234 : i32
      %convert_element_type3A_236 = arith.extui %eq3A_235 : i1 to i32
      %cond3A_237 = arith.constant 0 : i32
      %cond3A_238 = arith.cmpi ne, %convert_element_type3A_236, %cond3A_237 : i32
      scf.if %cond3A_238 {
        %dma_wait3A_240 = arith.constant 0 : i32
        %dma_wait3A_241 = arith.constant 3 : i32
        %dma_wait3A_242 = arith.constant 0 : i32
        %dma_wait3A_243 = arith.constant 0 : i32
        %dma_wait3A_244 = tpu.memref_slice %arg8[%dma_wait3A_241, %dma_wait3A_242, %dma_wait3A_243] : memref<4x80x128xf32, #tpu.memory_space<vmem>> -> memref<1x80x128xf32, #tpu.memory_space<vmem>>
        %dma_wait3A_245 = tpu.memref_squeeze %dma_wait3A_244 : memref<1x80x128xf32, #tpu.memory_space<vmem>> -> memref<80x128xf32, #tpu.memory_space<vmem>>
        %dma_wait3A_246 = arith.constant 0 : i32
        %dma_wait3A_247 = tpu.memref_slice %arg6[%dma_wait3A_240, %dma_wait3A_246] : memref<24x80xi32, #tpu.memory_space<vmem>> -> memref<1x80xi32, #tpu.memory_space<vmem>>
        %dma_wait3A_248 = tpu.memref_squeeze %dma_wait3A_247 : memref<1x80xi32, #tpu.memory_space<vmem>> -> memref<80xi32, #tpu.memory_space<vmem>>
        %dma_wait3A_249 = arith.constant 0 : i32
        %dma_wait3A_250 = arith.constant 0 : i32
        %dma_wait3A_251 = tpu.memref_slice %arg2[%dma_wait3A_249, %dma_wait3A_250] : memref<20000x128xf32, #tpu.memory_space<hbm>> -> memref<20000x128xf32, #tpu.memory_space<hbm>>
        tpu.wait_indirect_dma semaphore(%arg13 : memref<!tpu.dma_semaphore, #tpu.memory_space<semaphore_mem>>) src(%dma_wait3A_251 : memref<20000x128xf32, #tpu.memory_space<hbm>>) dst(%dma_wait3A_245 : memref<80x128xf32, #tpu.memory_space<vmem>>)
        %jit3A_252 = arith.constant 8 : i32
        %div3A = arith.divsi %scan3A_71, %jit3A_252 : i32
        %sign3A = arith.constant 0 : i32
        %sign3A_253 = arith.cmpi sgt, %scan3A_71, %sign3A : i32
        %sign3A_254 = arith.extui %sign3A_253 : i1 to i32
        %sign3A_255 = arith.constant 0 : i32
        %sign3A_256 = arith.cmpi slt, %scan3A_71, %sign3A_255 : i32
        %sign3A_257 = arith.extui %sign3A_256 : i1 to i32
        %sign3A_258 = arith.subi %sign3A_254, %sign3A_257 : i32
        %sign3A_259 = arith.constant 0 : i32
        %sign3A_260 = arith.cmpi sgt, %jit3A_252, %sign3A_259 : i32
        %sign3A_261 = arith.extui %sign3A_260 : i1 to i32
        %sign3A_262 = arith.constant 0 : i32
        %sign3A_263 = arith.cmpi slt, %jit3A_252, %sign3A_262 : i32
        %sign3A_264 = arith.extui %sign3A_263 : i1 to i32
        %sign3A_265 = arith.subi %sign3A_261, %sign3A_264 : i32
        %ne3A_266 = arith.cmpi ne, %sign3A_258, %sign3A_265 : i32
        %rem3A_267 = arith.remsi %scan3A_71, %jit3A_252 : i32
        %ne3A_268 = arith.constant 0 : i32
        %ne3A_269 = arith.cmpi ne, %rem3A_267, %ne3A_268 : i32
        %and3A_270 = arith.andi %ne3A_266, %ne3A_269 : i1
        %sub3A = arith.constant 1 : i32
        %sub3A_271 = arith.subi %div3A, %sub3A : i32
        %select_n3A_272 = arith.select %and3A_270, %sub3A_271, %div3A : i32
        %jit3A_273 = arith.constant 3 : i32
        %eq3A_274 = arith.constant 0 : i32
        %eq3A_275 = arith.cmpi eq, %jit3A_273, %eq3A_274 : i32
        %jit3A_276 = arith.constant 1 : i32
        %select_n3A_277 = arith.select %eq3A_275, %jit3A_276, %jit3A_273 : i32
        %rem3A_278 = arith.remsi %select_n3A_272, %select_n3A_277 : i32
        %ne3A_279 = arith.constant 0 : i32
        %ne3A_280 = arith.cmpi ne, %rem3A_278, %ne3A_279 : i32
        %lt3A_281 = arith.constant 0 : i32
        %lt3A_282 = arith.cmpi slt, %rem3A_278, %lt3A_281 : i32
        %lt3A_283 = arith.constant 0 : i32
        %lt3A_284 = arith.cmpi slt, %select_n3A_277, %lt3A_283 : i32
        %ne3A_285 = arith.xori %lt3A_282, %lt3A_284 : i1
        %and3A_286 = arith.andi %ne3A_285, %ne3A_280 : i1
        %add3A_287 = arith.addi %rem3A_278, %select_n3A_277 : i32
        %select_n3A_288 = arith.select %and3A_286, %add3A_287, %rem3A_278 : i32
        %mul3A_289 = arith.constant 8 : i32
        %mul3A_290 = arith.muli %select_n3A_288, %mul3A_289 : i32
        %jit3A_291 = arith.constant 8 : i32
        %eq3A_292 = arith.constant 0 : i32
        %eq3A_293 = arith.cmpi eq, %jit3A_291, %eq3A_292 : i32
        %jit3A_294 = arith.constant 1 : i32
        %select_n3A_295 = arith.select %eq3A_293, %jit3A_294, %jit3A_291 : i32
        %rem3A_296 = arith.remsi %scan3A_71, %select_n3A_295 : i32
        %ne3A_297 = arith.constant 0 : i32
        %ne3A_298 = arith.cmpi ne, %rem3A_296, %ne3A_297 : i32
        %lt3A_299 = arith.constant 0 : i32
        %lt3A_300 = arith.cmpi slt, %rem3A_296, %lt3A_299 : i32
        %lt3A_301 = arith.constant 0 : i32
        %lt3A_302 = arith.cmpi slt, %select_n3A_295, %lt3A_301 : i32
        %ne3A_303 = arith.xori %lt3A_300, %lt3A_302 : i1
        %and3A_304 = arith.andi %ne3A_303, %ne3A_298 : i1
        %add3A_305 = arith.addi %rem3A_296, %select_n3A_295 : i32
        %select_n3A_306 = arith.select %and3A_304, %add3A_305, %rem3A_296 : i32
        %add3A_307 = arith.addi %mul3A_290, %select_n3A_306 : i32
        %dma_start3A_308 = arith.constant 3 : i32
        %dma_start3A_309 = arith.constant 0 : i32
        %dma_start3A_310 = arith.constant 0 : i32
        %dma_start3A_311 = tpu.memref_slice %arg8[%dma_start3A_308, %dma_start3A_309, %dma_start3A_310] : memref<4x80x128xf32, #tpu.memory_space<vmem>> -> memref<1x80x128xf32, #tpu.memory_space<vmem>>
        %dma_start3A_312 = tpu.memref_squeeze %dma_start3A_311 : memref<1x80x128xf32, #tpu.memory_space<vmem>> -> memref<80x128xf32, #tpu.memory_space<vmem>>
        %dma_start3A_313 = arith.constant 0 : i32
        %dma_start3A_314 = tpu.memref_slice %arg7[%add3A_307, %dma_start3A_313] : memref<24x80xi32, #tpu.memory_space<vmem>> -> memref<1x80xi32, #tpu.memory_space<vmem>>
        %dma_start3A_315 = tpu.memref_squeeze %dma_start3A_314 : memref<1x80xi32, #tpu.memory_space<vmem>> -> memref<80xi32, #tpu.memory_space<vmem>>
        %dma_start3A_316 = arith.constant 0 : i32
        %dma_start3A_317 = arith.constant 0 : i32
        %dma_start3A_318 = tpu.memref_slice %arg9[%dma_start3A_316, %dma_start3A_317] : memref<10240x128xf32, #tpu.memory_space<vmem_shared>> -> memref<10240x128xf32, #tpu.memory_space<vmem_shared>>
        tpu.enqueue_indirect_dma source(%dma_start3A_312 : memref<80x128xf32, #tpu.memory_space<vmem>>) target(%dma_start3A_318 : memref<10240x128xf32, #tpu.memory_space<vmem_shared>>) offsets(%dma_start3A_315 : memref<80xi32, #tpu.memory_space<vmem>>) semaphore(%arg17 : memref<!tpu.dma_semaphore, #tpu.memory_space<semaphore_mem>>) {add = true}
      } else {
      }
      %scan3A_239 = arith.constant 0 : i32
      scf.yield %scan3A_239 : i32
    }
    %scan3A_55 = arith.constant 128 : i32
    %dma_wait3A = arith.constant 3 : i32
    %dma_wait3A_56 = arith.constant 0 : i32
    %dma_wait3A_57 = arith.constant 0 : i32
    %dma_wait3A_58 = arith.constant 0 : i32
    %dma_wait3A_59 = tpu.memref_slice %arg8[%dma_wait3A, %dma_wait3A_57, %dma_wait3A_58] : memref<4x80x128xf32, #tpu.memory_space<vmem>> -> memref<1x80x128xf32, #tpu.memory_space<vmem>>
    %dma_wait3A_60 = tpu.memref_squeeze %dma_wait3A_59 : memref<1x80x128xf32, #tpu.memory_space<vmem>> -> memref<80x128xf32, #tpu.memory_space<vmem>>
    %dma_wait3A_61 = arith.constant 0 : i32
    %dma_wait3A_62 = tpu.memref_slice %arg7[%dma_wait3A_56, %dma_wait3A_61] : memref<24x80xi32, #tpu.memory_space<vmem>> -> memref<1x80xi32, #tpu.memory_space<vmem>>
    %dma_wait3A_63 = tpu.memref_squeeze %dma_wait3A_62 : memref<1x80xi32, #tpu.memory_space<vmem>> -> memref<80xi32, #tpu.memory_space<vmem>>
    %dma_wait3A_64 = arith.constant 0 : i32
    %dma_wait3A_65 = arith.constant 0 : i32
    %dma_wait3A_66 = tpu.memref_slice %arg9[%dma_wait3A_64, %dma_wait3A_65] : memref<10240x128xf32, #tpu.memory_space<vmem_shared>> -> memref<10240x128xf32, #tpu.memory_space<vmem_shared>>
    tpu.wait_indirect_dma semaphore(%arg17 : memref<!tpu.dma_semaphore, #tpu.memory_space<semaphore_mem>>) src(%dma_wait3A_60 : memref<80x128xf32, #tpu.memory_space<vmem>>) dst(%dma_wait3A_66 : memref<10240x128xf32, #tpu.memory_space<vmem_shared>>)
    %barrier3A_67 = arith.constant 0 : index
    tpu.barrier barrier_id(%barrier3A_67)
    %mul3A = arith.constant 640 : i32
    %mul3A_68 = arith.muli %arg1, %mul3A : i32
    %mul3A_69 = arith.constant 640 : i32
    %mul3A_70 = arith.muli %arg1, %mul3A_69 : i32
    "tpu.region"() ({
      %run_scoped3A = tpu.sem_alloc : memref<!tpu.dma_semaphore, #tpu.memory_space<semaphore_mem>>
      %dma_start3A_71 = arith.constant 0 : i32
      %dma_start3A_72 = tpu.memref_slice %arg5[%arg0, %mul3A_70, %dma_start3A_71] : memref<2x10240x128xf32, #tpu.memory_space<hbm>> -> memref<1x640x128xf32, #tpu.memory_space<hbm>>
      %dma_start3A_73 = tpu.memref_squeeze %dma_start3A_72 : memref<1x640x128xf32, #tpu.memory_space<hbm>> -> memref<640x128xf32, #tpu.memory_space<hbm>>
      %dma_start3A_74 = arith.constant 0 : i32
      %dma_start3A_75 = tpu.memref_slice %arg9[%mul3A_68, %dma_start3A_74] : memref<10240x128xf32, #tpu.memory_space<vmem_shared>> -> memref<640x128xf32, #tpu.memory_space<vmem_shared>>
      tpu.enqueue_dma source(%dma_start3A_75 : memref<640x128xf32, #tpu.memory_space<vmem_shared>>) target(%dma_start3A_73 : memref<640x128xf32, #tpu.memory_space<hbm>>) target_semaphore(%run_scoped3A : memref<!tpu.dma_semaphore, #tpu.memory_space<semaphore_mem>>)
      %dma_wait3A_76 = arith.constant 0 : i32
      %dma_wait3A_77 = tpu.memref_slice %arg5[%arg0, %mul3A_70, %dma_wait3A_76] : memref<2x10240x128xf32, #tpu.memory_space<hbm>> -> memref<1x640x128xf32, #tpu.memory_space<hbm>>
      %dma_wait3A_78 = tpu.memref_squeeze %dma_wait3A_77 : memref<1x640x128xf32, #tpu.memory_space<hbm>> -> memref<640x128xf32, #tpu.memory_space<hbm>>
      %dma_wait3A_79 = arith.constant 0 : i32
      %dma_wait3A_80 = tpu.memref_slice %arg9[%mul3A_68, %dma_wait3A_79] : memref<10240x128xf32, #tpu.memory_space<vmem_shared>> -> memref<640x128xf32, #tpu.memory_space<vmem_shared>>
      tpu.wait_dma2 semaphore(%run_scoped3A : memref<!tpu.dma_semaphore, #tpu.memory_space<semaphore_mem>>) src(%dma_wait3A_80 : memref<640x128xf32, #tpu.memory_space<vmem_shared>>) dst(%dma_wait3A_78 : memref<640x128xf32, #tpu.memory_space<hbm>>)
      tpu.yield
    }) : () -> ()
    return
  }
}

module attributes {stable_mosaic.version = 14 : i64} {
  func.func @_mm_scale_body(%arg0: i32, %arg1: memref<1000x256xf32, #tpu.memory_space<vmem>>, %arg2: memref<256x256xf32, #tpu.memory_space<vmem>>, %arg3: memref<1000x1xf32, #tpu.memory_space<vmem>>, %arg4: memref<1000x256xf32, #tpu.memory_space<vmem>>) attributes {dimension_semantics = [#tpu.dimension_semantics<arbitrary>], iteration_bounds = array<i64: 10>, scalar_prefetch = 0 : i64, scratch_operands = 0 : i64, tpu.core_type = #tpu.core_type<tc>, window_params = [{transform_indices = @transform_0, window_bounds = array<i64: 1000, 256>}, {pipeline_mode = #tpu.pipeline_mode<synchronous>, transform_indices = @transform_1, window_bounds = array<i64: 256, 256>}, {transform_indices = @transform_2, window_bounds = array<i64: 1000, 1>}, {transform_indices = @transform_3, window_bounds = array<i64: 1000, 256>}]} {
    %get3A = arith.constant 0 : index
    %get3A_0 = arith.constant 0 : index
    %get3A_1 = vector.load %arg1[%get3A, %get3A_0] : memref<1000x256xf32, #tpu.memory_space<vmem>>, vector<1000x256xf32>
    %get3A_2 = arith.constant 0 : index
    %get3A_3 = arith.constant 0 : index
    %get3A_4 = vector.load %arg2[%get3A_2, %get3A_3] : memref<256x256xf32, #tpu.memory_space<vmem>>, vector<256x256xf32>
    %dot_general3A = arith.constant dense<0.000000e+00> : vector<1000x256xf32>
    %dot_general3A_5 = tpu.matmul %get3A_1, %get3A_4, %dot_general3A {dimension_numbers = #tpu.dot_dimension_numbers<[1], [0], [0], [1], [0, 0, 1, 1], [], []>, transpose_lhs_hint = false} : vector<1000x256xf32>, vector<256x256xf32>, vector<1000x256xf32> -> vector<1000x256xf32>
    %get3A_6 = arith.constant 0 : index
    %get3A_7 = arith.constant 0 : index
    %get3A_8 = vector.load %arg3[%get3A_6, %get3A_7] : memref<1000x1xf32, #tpu.memory_space<vmem>>, vector<1000x1xf32>
    %mul3A = vector.broadcast %get3A_8 : vector<1000x1xf32> to vector<1000x256xf32>
    %mul3A_9 = arith.mulf %mul3A, %dot_general3A_5 : vector<1000x256xf32>
    %swap3A = arith.constant 0 : index
    %swap3A_10 = arith.constant 0 : index
    %swap3A_11 = vector.load %arg4[%swap3A, %swap3A_10] : memref<1000x256xf32, #tpu.memory_space<vmem>>, vector<1000x256xf32>
    tpu.vector_store %arg4[%swap3A, %swap3A_10], %mul3A_9 {strides = array<i32>} : memref<1000x256xf32, #tpu.memory_space<vmem>>, vector<1000x256xf32>,
    return
  }
  func.func @transform_0(%arg0: i32) -> (i32, i32) {
    %c0_i32 = arith.constant 0 : i32
    %c0_i32_0 = arith.constant 0 : i32
    return %arg0, %c0_i32 : i32, i32
  }
  func.func @transform_1(%arg0: i32) -> (i32, i32) {
    %c0_i32 = arith.constant 0 : i32
    %c0_i32_0 = arith.constant 0 : i32
    %c0_i32_1 = arith.constant 0 : i32
    return %c0_i32, %c0_i32_0 : i32, i32
  }
  func.func @transform_2(%arg0: i32) -> (i32, i32) {
    %c0_i32 = arith.constant 0 : i32
    %c0_i32_0 = arith.constant 0 : i32
    return %arg0, %c0_i32 : i32, i32
  }
  func.func @transform_3(%arg0: i32) -> (i32, i32) {
    %c0_i32 = arith.constant 0 : i32
    %c0_i32_0 = arith.constant 0 : i32
    return %arg0, %c0_i32 : i32, i32
  }
}

module attributes {stable_mosaic.version = 14 : i64} {
  func.func @_layer2_body(%arg0: i32, %arg1: memref<2x1000x128xf32, #tpu.memory_space<vmem>>, %arg2: memref<1000x256xf32, #tpu.memory_space<vmem>>, %arg3: memref<1000x1xf32, #tpu.memory_space<vmem>>, %arg4: memref<1x256xf32, #tpu.memory_space<vmem>>, %arg5: memref<256x256xf32, #tpu.memory_space<vmem>>, %arg6: memref<1000x256xf32, #tpu.memory_space<vmem>>) attributes {dimension_semantics = [#tpu.dimension_semantics<arbitrary>], iteration_bounds = array<i64: 10>, scalar_prefetch = 0 : i64, scratch_operands = 0 : i64, tpu.core_type = #tpu.core_type<tc>, window_params = [{transform_indices = @transform_0, window_bounds = array<i64: 2, 1000, 128>}, {transform_indices = @transform_1, window_bounds = array<i64: 1000, 256>}, {transform_indices = @transform_2, window_bounds = array<i64: 1000, 1>}, {pipeline_mode = #tpu.pipeline_mode<synchronous>, transform_indices = @transform_3, window_bounds = array<i64: 1, 256>}, {pipeline_mode = #tpu.pipeline_mode<synchronous>, transform_indices = @transform_4, window_bounds = array<i64: 256, 256>}, {transform_indices = @transform_5, window_bounds = array<i64: 1000, 256>}]} {
    %get3A = arith.constant 0 : index
    %get3A_0 = arith.constant 0 : index
    %get3A_1 = arith.constant 0 : index
    %get3A_2 = vector.load %arg1[%get3A, %get3A_0, %get3A_1] : memref<2x1000x128xf32, #tpu.memory_space<vmem>>, vector<1x1000x128xf32>
    %get3A_3 = vector.shape_cast %get3A_2 : vector<1x1000x128xf32> to vector<1000x128xf32>
    %get3A_4 = arith.constant 1 : index
    %get3A_5 = arith.constant 0 : index
    %get3A_6 = arith.constant 0 : index
    %get3A_7 = vector.load %arg1[%get3A_4, %get3A_5, %get3A_6] : memref<2x1000x128xf32, #tpu.memory_space<vmem>>, vector<1x1000x128xf32>
    %get3A_8 = vector.shape_cast %get3A_7 : vector<1x1000x128xf32> to vector<1000x128xf32>
    %concatenate3A = tpu.concatenate %get3A_3, %get3A_8 in 1 : vector<1000x128xf32>, vector<1000x128xf32> -> vector<1000x256xf32>
    %get3A_9 = arith.constant 0 : index
    %get3A_10 = arith.constant 0 : index
    %get3A_11 = vector.load %arg3[%get3A_9, %get3A_10] : memref<1000x1xf32, #tpu.memory_space<vmem>>, vector<1000x1xf32>
    %get3A_12 = arith.constant 0 : index
    %get3A_13 = arith.constant 0 : index
    %get3A_14 = vector.load %arg2[%get3A_12, %get3A_13] : memref<1000x256xf32, #tpu.memory_space<vmem>>, vector<1000x256xf32>
    %add3A = arith.addf %concatenate3A, %get3A_14 : vector<1000x256xf32>
    %mul3A = vector.broadcast %get3A_11 : vector<1000x1xf32> to vector<1000x256xf32>
    %mul3A_15 = arith.mulf %mul3A, %add3A : vector<1000x256xf32>
    %get3A_16 = arith.constant 0 : index
    %get3A_17 = arith.constant 0 : index
    %get3A_18 = vector.load %arg4[%get3A_16, %get3A_17] : memref<1x256xf32, #tpu.memory_space<vmem>>, vector<1x256xf32>
    %add3A_19 = vector.broadcast %get3A_18 : vector<1x256xf32> to vector<1000x256xf32>
    %add3A_20 = arith.addf %mul3A_15, %add3A_19 : vector<1000x256xf32>
    %tanh3A = math.tanh %add3A_20 : vector<1000x256xf32>
    %get3A_21 = arith.constant 0 : index
    %get3A_22 = arith.constant 0 : index
    %get3A_23 = vector.load %arg5[%get3A_21, %get3A_22] : memref<256x256xf32, #tpu.memory_space<vmem>>, vector<256x256xf32>
    %dot_general3A = arith.constant dense<0.000000e+00> : vector<1000x256xf32>
    %dot_general3A_24 = tpu.matmul %tanh3A, %get3A_23, %dot_general3A {dimension_numbers = #tpu.dot_dimension_numbers<[1], [0], [0], [1], [0, 0, 1, 1], [], []>, transpose_lhs_hint = false} : vector<1000x256xf32>, vector<256x256xf32>, vector<1000x256xf32> -> vector<1000x256xf32>
    %get3A_25 = arith.constant 0 : index
    %get3A_26 = arith.constant 0 : index
    %get3A_27 = vector.load %arg3[%get3A_25, %get3A_26] : memref<1000x1xf32, #tpu.memory_space<vmem>>, vector<1000x1xf32>
    %mul3A_28 = vector.broadcast %get3A_27 : vector<1000x1xf32> to vector<1000x256xf32>
    %mul3A_29 = arith.mulf %mul3A_28, %dot_general3A_24 : vector<1000x256xf32>
    %swap3A = arith.constant 0 : index
    %swap3A_30 = arith.constant 0 : index
    %swap3A_31 = vector.load %arg6[%swap3A, %swap3A_30] : memref<1000x256xf32, #tpu.memory_space<vmem>>, vector<1000x256xf32>
    tpu.vector_store %arg6[%swap3A, %swap3A_30], %mul3A_29 {strides = array<i32>} : memref<1000x256xf32, #tpu.memory_space<vmem>>, vector<1000x256xf32>,
    return
  }
  func.func @transform_0(%arg0: i32) -> (i32, i32, i32) {
    %c0_i32 = arith.constant 0 : i32
    %c0_i32_0 = arith.constant 0 : i32
    %c0_i32_1 = arith.constant 0 : i32
    return %c0_i32, %arg0, %c0_i32_0 : i32, i32, i32
  }
  func.func @transform_1(%arg0: i32) -> (i32, i32) {
    %c0_i32 = arith.constant 0 : i32
    %c0_i32_0 = arith.constant 0 : i32
    return %arg0, %c0_i32 : i32, i32
  }
  func.func @transform_2(%arg0: i32) -> (i32, i32) {
    %c0_i32 = arith.constant 0 : i32
    %c0_i32_0 = arith.constant 0 : i32
    return %arg0, %c0_i32 : i32, i32
  }
  func.func @transform_3(%arg0: i32) -> (i32, i32) {
    %c0_i32 = arith.constant 0 : i32
    %c0_i32_0 = arith.constant 0 : i32
    %c0_i32_1 = arith.constant 0 : i32
    return %c0_i32, %c0_i32_0 : i32, i32
  }
  func.func @transform_4(%arg0: i32) -> (i32, i32) {
    %c0_i32 = arith.constant 0 : i32
    %c0_i32_0 = arith.constant 0 : i32
    %c0_i32_1 = arith.constant 0 : i32
    return %c0_i32, %c0_i32_0 : i32, i32
  }
  func.func @transform_5(%arg0: i32) -> (i32, i32) {
    %c0_i32 = arith.constant 0 : i32
    %c0_i32_0 = arith.constant 0 : i32
    return %arg0, %c0_i32 : i32, i32
  }
}

module attributes {stable_mosaic.version = 14 : i64} {
  func.func @_final_body(%arg0: i32, %arg1: memref<2x1000x128xf32, #tpu.memory_space<vmem>>, %arg2: memref<1000x256xf32, #tpu.memory_space<vmem>>, %arg3: memref<1000x1xf32, #tpu.memory_space<vmem>>, %arg4: memref<1x256xf32, #tpu.memory_space<vmem>>, %arg5: memref<1000x256xf32, #tpu.memory_space<vmem>>) attributes {dimension_semantics = [#tpu.dimension_semantics<arbitrary>], iteration_bounds = array<i64: 10>, scalar_prefetch = 0 : i64, scratch_operands = 0 : i64, tpu.core_type = #tpu.core_type<tc>, window_params = [{transform_indices = @transform_0, window_bounds = array<i64: 2, 1000, 128>}, {transform_indices = @transform_1, window_bounds = array<i64: 1000, 256>}, {transform_indices = @transform_2, window_bounds = array<i64: 1000, 1>}, {pipeline_mode = #tpu.pipeline_mode<synchronous>, transform_indices = @transform_3, window_bounds = array<i64: 1, 256>}, {transform_indices = @transform_4, window_bounds = array<i64: 1000, 256>}]} {
    %get3A = arith.constant 0 : index
    %get3A_0 = arith.constant 0 : index
    %get3A_1 = arith.constant 0 : index
    %get3A_2 = vector.load %arg1[%get3A, %get3A_0, %get3A_1] : memref<2x1000x128xf32, #tpu.memory_space<vmem>>, vector<1x1000x128xf32>
    %get3A_3 = vector.shape_cast %get3A_2 : vector<1x1000x128xf32> to vector<1000x128xf32>
    %get3A_4 = arith.constant 1 : index
    %get3A_5 = arith.constant 0 : index
    %get3A_6 = arith.constant 0 : index
    %get3A_7 = vector.load %arg1[%get3A_4, %get3A_5, %get3A_6] : memref<2x1000x128xf32, #tpu.memory_space<vmem>>, vector<1x1000x128xf32>
    %get3A_8 = vector.shape_cast %get3A_7 : vector<1x1000x128xf32> to vector<1000x128xf32>
    %concatenate3A = tpu.concatenate %get3A_3, %get3A_8 in 1 : vector<1000x128xf32>, vector<1000x128xf32> -> vector<1000x256xf32>
    %get3A_9 = arith.constant 0 : index
    %get3A_10 = arith.constant 0 : index
    %get3A_11 = vector.load %arg3[%get3A_9, %get3A_10] : memref<1000x1xf32, #tpu.memory_space<vmem>>, vector<1000x1xf32>
    %get3A_12 = arith.constant 0 : index
    %get3A_13 = arith.constant 0 : index
    %get3A_14 = vector.load %arg2[%get3A_12, %get3A_13] : memref<1000x256xf32, #tpu.memory_space<vmem>>, vector<1000x256xf32>
    %add3A = arith.addf %concatenate3A, %get3A_14 : vector<1000x256xf32>
    %mul3A = vector.broadcast %get3A_11 : vector<1000x1xf32> to vector<1000x256xf32>
    %mul3A_15 = arith.mulf %mul3A, %add3A : vector<1000x256xf32>
    %get3A_16 = arith.constant 0 : index
    %get3A_17 = arith.constant 0 : index
    %get3A_18 = vector.load %arg4[%get3A_16, %get3A_17] : memref<1x256xf32, #tpu.memory_space<vmem>>, vector<1x256xf32>
    %add3A_19 = vector.broadcast %get3A_18 : vector<1x256xf32> to vector<1000x256xf32>
    %add3A_20 = arith.addf %mul3A_15, %add3A_19 : vector<1000x256xf32>
    %swap3A = arith.constant 0 : index
    %swap3A_21 = arith.constant 0 : index
    %swap3A_22 = vector.load %arg5[%swap3A, %swap3A_21] : memref<1000x256xf32, #tpu.memory_space<vmem>>, vector<1000x256xf32>
    tpu.vector_store %arg5[%swap3A, %swap3A_21], %add3A_20 {strides = array<i32>} : memref<1000x256xf32, #tpu.memory_space<vmem>>, vector<1000x256xf32>,
    return
  }
  func.func @transform_0(%arg0: i32) -> (i32, i32, i32) {
    %c0_i32 = arith.constant 0 : i32
    %c0_i32_0 = arith.constant 0 : i32
    %c0_i32_1 = arith.constant 0 : i32
    return %c0_i32, %arg0, %c0_i32_0 : i32, i32, i32
  }
  func.func @transform_1(%arg0: i32) -> (i32, i32) {
    %c0_i32 = arith.constant 0 : i32
    %c0_i32_0 = arith.constant 0 : i32
    return %arg0, %c0_i32 : i32, i32
  }
  func.func @transform_2(%arg0: i32) -> (i32, i32) {
    %c0_i32 = arith.constant 0 : i32
    %c0_i32_0 = arith.constant 0 : i32
    return %arg0, %c0_i32 : i32, i32
  }
  func.func @transform_3(%arg0: i32) -> (i32, i32) {
    %c0_i32 = arith.constant 0 : i32
    %c0_i32_0 = arith.constant 0 : i32
    %c0_i32_1 = arith.constant 0 : i32
    return %c0_i32, %c0_i32_0 : i32, i32
  }
  func.func @transform_4(%arg0: i32) -> (i32, i32) {
    %c0_i32 = arith.constant 0 : i32
    %c0_i32_0 = arith.constant 0 : i32
    return %arg0, %c0_i32 : i32, i32
  }
}

</mosaic_0001>

<sc_bundles>
// kernel: kernel.11.cloned.1.call-start
scs
__scs_entry_jumppad:
0x0: {  	(pc) =	sbr.rel $0x88, $3  }
0x1: {  	(tag) =	ssettag $0x0;
	lr =	simm.s32 $0x1  }
0x2: {  	[smem:$0x3F9B] =	sst lr;
	_ =	strace $0xD0000000  }
0x3: {  	_ = 	snop  }
0x4: {  	_ = 	snop  }
0x5: {  	_ = 	snop  }
0x6: {  	_ = 	snop  }
0x7: {  	_ = 	snop  }
__scs_overlays_trampoline_lowered:
0x8: {  	[smem:$0x3FAA] =	sst s0  }
0x9: {  	[smem:$0x3FAB] =	sst s1  }
0xa: {  	[smem:$0x3FAC] =	sst s2  }
0xb: {  	[smem:$0x3FAD] =	sst s3  }
0xc: {  	[smem:$0x3FAE] =	sst s4  }
0xd: {  	[smem:$0x3FAF] =	sst s5  }
0xe: {  	[smem:$0x3FB0] =	sst s6  }
0xf: {  	[smem:$0x3FB1] =	sst s7  }
0x10: {  	[smem:$0x3FB2] =	sst s8  }
0x11: {  	[smem:$0x3FB3] =	sst s9;
	s0 =	simm.s32 @!p0 $0x0  }
0x12: {  	s1 =	sld [smem:$0x3F99];
	s0 =	simm.s32 @p0 $0x1  }
0x13: {  	[smem:$0x3FB4] =	sst s0;
	s0 =	simm.s32 @!p1 $0x0  }
0x14: {  	s2 =	sld [smem:$0x3F98];
	s0 =	simm.s32 @p1 $0x1  }
0x15: {  	[smem:$0x3FB5] =	sst s0;
	s0 =	simm.s32 @!p2 $0x0  }
0x16: {  	s3 =	sld [smem:$0x3FDB];
	s0 =	simm.s32 @p2 $0x1  }
0x17: {  	s4 =	simm.s32 $0x1BF5;
	[smem:$0x3FB7] =	sst s0  }
0x18: {  	s0 =	sld [smem:$0x3F9A];
	_ =	swait.ge [sflag:s4], $0x0  }
0x19: {  	s7 =	sld [smem:$0x3F9B]  }
0x1a: {  	s8 =	sadd.s32 $0xFFFFE003, lr  }
0x1b: {  	s9 =	sadd.s32 $0xFFFFFEF7, lr;
	s5 =	simm.s32 $0xFFFFFFFF;
	p2 =	slt.u32 s8, $0xFFFFF086  }
0x1c: {  	p1 =	slt.u32 s9, $0xF7A;
	s5 =	simm.s32 @!p2 $0x0  }
0x1d: {  	s5 =	simm.s32 @p1 $0x1;
	p0 =	seq.s32 s7, s2  }
0x1e: {  	s7 =	smul.u32 @!p0 $0xF7A, s2;
	p2 =	seq.s32 @!p0 s5, $0x0  }
0x1f: {  	s9 =	smul.u32 $0xF7A, s1;
	s8 =	simm.s32 @!p0 $0x1BF5;
	p2 =	por !p2, p0  }
0x20: {  	[sflag:s8] =	ssyncset.s32 @!p0 $0xFFFFF086;
	s6 =	sadd.s32 @!p0 s3, s7;
	s7 =	simm.s32 @!p0 $0x108  }
0x21: {  	s3 =	sadd.s32 s3, s9;
	s6 =	sadd.s32 @!p0 $0x88, s6;
	s7 =	simm.s32 @p2 $0x1082  }
0x22: {  	[simem:s7], [sflag:s8] =	dma.local @!p0 [hbm:s6], $0xF7A  }
0x23: {  	s9 =	sor.u32 $0xD0000000, s2;
	s6 =	simm.s32 $0x108;
	_ =	swait.ge @!p0 [sflag:s8], $0x0  }
0x24: {  	s3 =	sadd.s32 $0x88, s3;
	s6 =	simm.s32 @!p1 $0x1082;
	[sflag:s4] =	ssyncset.s32 $0xFFFFF086  }
0x25: {  	[simem:s6], [sflag:s4] =	dma.local [hbm:s3], $0xF7A  }
0x26: {  	[smem:$0x3F9B] =	sst s1;
	(tag) =	ssettag s2;
	_ =	strace s9  }
0x27: {  	s1 =	sld [smem:$0x3FAB]  }
0x28: {  	s2 =	sld [smem:$0x3FAC]  }
0x29: {  	s4 =	sld [smem:$0x3FAE]  }
0x2a: {  	p0 =	seq.s32 s5, $0x0;
	s5 =	sld [smem:$0x3FAF]  }
0x2b: {  	s6 =	sld [smem:$0x3FB0]  }
0x2c: {  	s7 =	sld [smem:$0x3FB1]  }
0x2d: {  	s3 =	simm.s32 $0x108;
	s8 =	sld [smem:$0x3FB2]  }
0x2e: {  	s3 =	simm.s32 @!p0 $0x1082;
	s9 =	sld [smem:$0x3FB3]  }
0x2f: {  	lr =	sadd.s32 s0, s3;
	s0 =	sld [smem:$0x3FAA]  }
0x30: {  	s3 =	sld [smem:$0x3FAD]  }
0x31: {  	[smem:$0x3FB6] =	sst s10  }
0x32: {  	s10 =	sld [smem:$0x3FB4];
	_ =	sdelay $0x3  }
0x33: {  	p0 =	seq.s32 s10, $0x1;
	s10 =	sld [smem:$0x3FB6];
	_ =	sdelay $0x3  }
0x34: {  	[smem:$0x3FB6] =	sst s10  }
0x35: {  	s10 =	sld [smem:$0x3FB5];
	_ =	sdelay $0x3  }
0x36: {  	p1 =	seq.s32 s10, $0x1;
	s10 =	sld [smem:$0x3FB6];
	_ =	sdelay $0x3  }
0x37: {  	[smem:$0x3FB6] =	sst s10  }
0x38: {  	s10 =	sld [smem:$0x3FB7]  }
0x39: {  	_ = 	snop;
	(pc) =	sbr.ind lr, $3  }
0x3a: {  	_ = 	snop  }
0x3b: {  	_ = 	snop  }
0x3c: {  	p2 =	seq.s32 s10, $0x1;
	s10 =	sld [smem:$0x3FB6]  }
0x3d: {  	_ =	shalt  }
0x3e: {  	_ =	shalt  }
0x3f: {  	_ =	shalt  }
0x40: {  	_ =	shalt  }
0x41: {  	_ =	shalt  }
0x42: {  	_ =	shalt  }
0x43: {  	_ =	shalt  }
0x44: {  	_ =	shalt  }
0x45: {  	_ =	shalt  }
0x46: {  	_ =	shalt  }
0x47: {  	_ =	shalt  }
0x48: {  	_ =	shalt  }
0x49: {  	_ =	shalt  }
0x4a: {  	_ =	shalt  }
0x4b: {  	_ =	shalt  }
0x4c: {  	_ =	shalt  }
0x4d: {  	_ =	shalt  }
0x4e: {  	_ =	shalt  }
0x4f: {  	_ =	shalt  }
0x50: {  	_ =	shalt  }
0x51: {  	_ =	shalt  }
0x52: {  	_ =	shalt  }
0x53: {  	_ =	shalt  }
0x54: {  	_ =	shalt  }
0x55: {  	_ =	shalt  }
0x56: {  	_ =	shalt  }
0x57: {  	_ =	shalt  }
0x58: {  	_ =	shalt  }
0x59: {  	_ =	shalt  }
0x5a: {  	_ =	shalt  }
0x5b: {  	_ =	shalt  }
0x5c: {  	_ =	shalt  }
0x5d: {  	_ =	shalt  }
0x5e: {  	_ =	shalt  }
0x5f: {  	_ =	shalt  }
0x60: {  	_ =	shalt  }
0x61: {  	_ =	shalt  }
0x62: {  	_ =	shalt  }
0x63: {  	_ =	shalt  }
0x64: {  	_ =	shalt  }
0x65: {  	_ =	shalt  }
0x66: {  	_ =	shalt  }
0x67: {  	_ =	shalt  }
0x68: {  	_ =	shalt  }
0x69: {  	_ =	shalt  }
0x6a: {  	_ =	shalt  }
0x6b: {  	_ =	shalt  }
0x6c: {  	_ =	shalt  }
0x6d: {  	_ =	shalt  }
0x6e: {  	_ =	shalt  }
0x6f: {  	_ =	shalt  }
0x70: {  	_ =	shalt  }
0x71: {  	_ =	shalt  }
0x72: {  	_ =	shalt  }
0x73: {  	_ =	shalt  }
0x74: {  	_ =	shalt  }
0x75: {  	_ =	shalt  }
0x76: {  	_ =	shalt  }
0x77: {  	_ =	shalt  }
0x78: {  	_ =	shalt  }
0x79: {  	_ =	shalt  }
0x7a: {  	_ =	shalt  }
0x7b: {  	_ =	shalt  }
0x7c: {  	_ =	shalt  }
0x7d: {  	_ =	shalt  }
0x7e: {  	_ =	shalt  }
0x7f: {  	_ =	shalt  }
0x80: {  	_ =	shalt  }
0x81: {  	_ =	shalt  }
0x82: {  	_ =	shalt  }
0x83: {  	_ =	shalt  }
0x84: {  	_ =	shalt  }
0x85: {  	_ =	shalt  }
0x86: {  	_ =	shalt  }
0x87: {  	_ =	shalt  }
.Lfunc_end0:
.L_simem_size_0:
called_computation.1_lowered:
.L_overlay_start_0:
0x88: {  	s2 =	sld [smem:$0x3FD9]  }
0x89: {  	s3 =	sld [smem:$0x3FFE];
	_ =	sdelay $0x1  }
0x8a: {  	s1 =	srdreg.scid  }
0x8b: {  	s0 =	sand.u32 $0x1, s1  }
0x8c: {  	s17 =	sshll.u32 s0, $0xA;
	s2 =	sadd.s32 s3, s2  }
0x8d: {  	s2 =	sadd.s32 s2, s17  }
0x8e: {  	[smem:$0x3FC2] =	sst s2  }
0x8f: {  	_ = 	snop  }
0x90: {  	s2 =	sld [smem:$0x3FD0];
	(tm) =	ssettm $0x1  }
0x91: {  	s18 =	sld [smem:$0x3FFB];
	_ =	sdelay $0x3  }
0x92: {  	_ =	strace s18  }
0x93: {  	s3 =	sld [smem:$0x3FFC];
	_ =	sdelay $0x3  }
0x94: {  	_ =	strace s3  }
0x95: {  	s3 =	sld [smem:$0x3FFD];
	_ =	sdelay $0x3  }
0x96: {  	_ =	strace s3  }
0x97: {  	_ =	strace $0x8FFFFFFF  }
0x98: {  	s19 =	sld [smem:$0x3FDB];
	_ =	sdelay $0x1  }
0x99: {  	s4 =	simm.s32 $_scs_section_size  }
0x9a: {  	s5 =	simm.s32 $_size__tile_overlayer_lowered;
	s6 =	simm.s32 $_tile_overlayer_lowered  }
0x9b: {  	s22 =	simm.s32 $0x1BFF;
	s21 =	sshll.u32 s6, $0x1;
	s3 =	sadd.s32 s4, s19  }
0x9c: {  	s7 =	simm.s32 $0x0;
	s20 =	sshll.u32 s5, $0x1;
	s5 =	sadd.s32 s21, s3  }
0x9d: {  	[timem:s7], [sflag:s22] =	dma.local [hbm:s5], s20  }
0x9e: {  	_ =	swait.ge [sflag:s22], s20  }
0x9f: {  	s4 =	ssub.s32 $0x0, s20;
	[sflag:s22] =	ssyncset.done $0x0  }
0xa0: {  	[sflag:s22] =	ssyncadd.s32 s4;
	_ =	sdelay $0x1  }
0xa1: {  	s23 =	simm.s32 $0x1B8B  }
0xa2: {  	_ =	swait.ge [sflag:s23], $0x1  }
0xa3: {  	[sflag:s23] =	ssyncset.done $0x0  }
0xa4: {  	s25 =	simm.s32 $0x1B8E;
	s24 =	sld [smem:$0x3FFE];
	[sflag:s23] =	ssyncadd.s32 $0xFFFFFFFF  }
0xa5: {  	s26 =	simm.s32 $execute0_lowered;
	[smem:$0x3FD2] =	sst s25  }
0xa6: {  	s5 =	sshll.u32 s26, $0x1;
	_ =	strace $0x80000049;
	[dreg:$0x1] =	wrdreg $0xFFFFFFFF  }
0xa7: {  	s28 =	simm.s32 $_size_execute0_lowered;
	s3 =	sadd.s32 s3, s5;
	[dreg:$0x0] =	wrdreg $0x0  }
0xa8: {  	s5 =	sshll.u32 s28, $0x1;
	[dreg:$0x2] =	wrdreg s3  }
0xa9: {  	[dreg:$0x3] =	wrdreg s5  }
0xaa: {  	[dreg:$0x4] =	wrdreg $0xC0  }
0xab: {  	_ =	task [dreg:s7], $0x5FFFF  }
0xac: {  	[dreg:$0x1] =	wrdreg $0xFFFFFFFF  }
0xad: {  	[dreg:$0x0] =	wrdreg $0x60  }
0xae: {  	[dreg:$0x2] =	wrdreg s2  }
0xaf: {  	[dreg:$0x3] =	wrdreg s24  }
0xb0: {  	[dreg:$0x4] =	wrdreg $0xB8000  }
0xb1: {  	[dreg:$0x5] =	wrdreg $0x9  }
0xb2: {  	_ =	task.clear_ibuf [dreg:s7], $0x6FFFF;
	_ =	strace $0x90000049  }
0xb3: {  	s29 =	simm.s32 $0x9;
	_ =	strace $0x8000004B  }
0xb4: {  	_ =	swait.ge [sflag:s29], $0x1  }
0xb5: {  	[sflag:s29] =	ssyncadd.s32 $0xFFFFFFFF  }
0xb6: {  	_ =	strace $0x9000004B  }
0xb7: {  	_ =	sfence  }
0xb8: {  	s30 =	sld [smem:$0x0];
	_ =	sdelay $0x2  }
0xb9: {  	s31 =	sshll.u32 s1, $0xD;
	s1 =	sshrl.u32 s1, $0x2  }
0xba: {  	s3 =	sand.u32 $0x4000, s31;
	s1 =	sadd.s32 s1, s30  }
0xbb: {  	s0 =	sor.u32 s3, s0;
	s1 =	sshll.u32 s1, $0x11  }
0xbc: {  	s0 =	sor.u32 s1, s0  }
0xbd: {  	s0 =	sadd.s32 $0x8F2B, s0  }
0xbe: {  	[sflag:s0] =	ssyncadd.remote.s32 $0x1  }
0xbf: {  	_ =	sfence.sel $0xFFFF  }
0xc0: {  	[dreg:$0x0] =	wrdreg $0xFFFFFFFF;
	(pc) =	sbr.abs _section_cstart, $3  }
0xc1: {  	[dreg:$0x1] =	wrdreg $0xFFFFFFFF  }
0xc2: {  	_ =	task.clear_ibuf [dreg:s7], $0x2FFFF;
	_ =	strace $0x9FFFFFFF  }
0xc3: {  	(tm) =	ssettm $0x7FFFFFFF  }
tec
execute0_lowered:
.L_overlay_start_1:
0x0: {  	(tag) =	ssettag $0x1  }
0x1: {  	s1 =	rddreg [dreg:$0x0]  }
0x2: {  	s0 =	rddreg [dreg:$0x1]  }
0x3: {  	s2 =	rddreg [dreg:$0x2]  }
0x4: {  	s3 =	srdreg.scid;
	s4 =	simm.s32 $0x0;
	s9 =	stileid.u32  }
0x5: {  	s28 =	simm.s32 $0x5;
	s29 =	simm.s32 $0x180;
	s30 =	simm.s32 $0x6  }
0x6: {  	s31 =	simm.s32 $0x8;
	s3 =	sand.u32 $0x1, s3;
	s6 =	smul.u32 $0x14000, s9  }
0x7: {  	[smem:$0x7FF] =	sst s4;
	s7 =	sshll.u32 s9, $0xB;
	s18 =	smul.u32 $0x50000, s9  }
0x8: {  	s17 =	sadd.s32 $0x9C00, s0;
	s8 =	sshll.u32 s9, $0xE;
	s5 =	smul.u32 $0x140000, s3  }
0x9: {  	_ =	strace $0x8000004A;
	s16 =	sshll.u32 s3, $0x12;
	s3 =	ssub.s32 $0x2, s3  }
0xa: {  	s7 =	sadd.s32 s7, s0;
	s19 =	sshrl.u32 s3, $0x1;
	s22 =	sshrl.u32 s18, $0x2  }
0xb: {  	s23 =	sadd.s32 $0x1C00, s7;
	s5 =	sadd.s32 s6, s5;
	s6 =	sor.u32 s8, s16  }
0xc: {  	s3 =	ssub.s32 s3, s19;
	[dreg:$0x5] =	wrdreg s23;
	s8 =	sadd.s32 s22, s2  }
0xd: {  	s19 =	simm.s32 $0x1800;
	s22 =	simm.s32 $0x50;
	s23 =	simm.s32 $0x0  }
0xe: {  	s5 =	sshrl.u32 s5, $0x3;
	s20 =	sshrl.u32 s6, $0x3;
	s24 =	smax.u32 s3, $0x1  }
0xf: {  	s25 =	sadd.s32 $0x2800, s8;
	s11 =	sadd.s32 $0x5000, s8;
	s12 =	sadd.s32 $0x7800, s8  }
0x10: {  	s13 =	sadd.s32 $0xA000, s8;
	s26 =	sor.u32 $0x180, s6;
	s14 =	sadd.s32 $0xC800, s8  }
0x11: {  	s15 =	sadd.s32 $0xF000, s8;
	s16 =	sadd.s32 $0x11800, s8;
	s0 =	sadd.s32 s5, s0  }
.Ltmp0:
0x12: {  	s21 =	sadd.s32 s17, s20;
	[dreg:$0x7] =	wrdreg s24;
	(pc) =	sbr.rel .LBB2_1-.Ltmp0, $4  }
0x13: {  	[dreg:$0x8] =	wrdreg s25;
	s5 =	sadd.s32 $0x1C30, s7;
	s20 =	simm.s32 $0x9  }
0x14: {  	s24 =	simm.s32 $0x4000;
	[dreg:$0x4] =	wrdreg s21;
	s0 =	sadd.s32 $0x67E00, s0  }
0x15: {  	s21 =	simm.s32 $0x7;
	[dreg:$0x6] =	wrdreg s0;
	s0 =	sshrl.u32 s26, $0x3  }
0x16: {  	v0 =	vimm.f32 $0.0e+00;
	s26 =	simm.s32 $0x6800;
	s3 =	sadd.s32 s0, s17;
	s0 =	simm.s32 $0x9000  }
.LBB2_30:
0x17: {  	_ =	swait.ge [sflag:s31], $0x2800  }
0x18: {  	[sflag:s31] =	ssyncset.done $0x0  }
0x19: {  	s6 =	stileid.u32;
	[sflag:s31] =	ssyncadd.s32 $0xFFFFD800  }
0x1a: {  	s6 =	sshll.u32 s6, $0x6;
	[bflag:$0x0] =	sbarrier.arrive $0xFFFF  }
0x1b: {  	s7 =	sshrl.u32 s8, $0x3;
	s6 =	sor.u32 $0x1C09, s6;
	s9 =	rddreg [dreg:$0x6]  }
0x1c: {  	[hbm:s9], [sflag:s6] =	dma.local [spmem:s7], $0x2800  }
0x1d: {  	_ =	swait.ge [sflag:s20], $0x2800  }
0x1e: {  	s23 =	sadd.s32 $0x1, s23;
	s25 =	rddreg [dreg:$0x7]  }
0x1f: {  	p0 =	sne.s32 s23, s25  }
.Ltmp1:
0x20: {  	_ = 	snop;
	(pc) =	sbr.rel @!p0 .LBB2_31-.Ltmp1, $3  }
0x21: {  	_ =	sdelay $0x1  }
0x22: {  	[sflag:s20] =	ssyncset.done $0x0  }
0x23: {  	[sflag:s20] =	ssyncadd.s32 $0xFFFFD800  }
.LBB2_1:
0x24: {  	s6 =	simm.s32 $0x70;
	s17 =	simm.s32 $0x3C0  }
.LBB2_2:
0x25: {  	p0 =	sne.s32 s17, $0x9FC0;
	[tilespmem:s6+$0x1800] =	vst v0  }
0x26: {  	[tilespmem:s6+$0x1790] =	vst v0  }
0x27: {  	[tilespmem:s6+$0x17A0] =	vst v0  }
.Ltmp2:
0x28: {  	[tilespmem:s6+$0x17B0] =	vst v0;
	(pc) =	sbr.rel @p0 .LBB2_2-.Ltmp2, $4  }
0x29: {  	[tilespmem:s6+$0x17C0] =	vst v0  }
0x2a: {  	[tilespmem:s6+$0x17D0] =	vst v0  }
0x2b: {  	[tilespmem:s6+$0x17E0] =	vst v0  }
0x2c: {  	[tilespmem:s6+$0x17F0] =	vst v0;
	s6 =	sshra.s32 s17, $0x2;
	s17 =	sadd.s32 $0x200, s17  }
0x2d: {  	[tilespmem:s6+$0x1800] =	vst v0  }
0x2e: {  	[tilespmem:s6+$0x1790] =	vst v0  }
0x2f: {  	[tilespmem:s6+$0x17A0] =	vst v0  }
0x30: {  	[tilespmem:s6+$0x17B0] =	vst v0  }
0x31: {  	[tilespmem:s6+$0x17C0] =	vst v0  }
0x32: {  	[tilespmem:s6+$0x17D0] =	vst v0  }
0x33: {  	[tilespmem:s6+$0x17E0] =	vst v0  }
0x34: {  	[tilespmem:s6+$0x17F0] =	vst v0  }
0x35: {  	[spmem:s8] =	stream.linear.scatter [tilespmem:s19], [sflag:$0x9], $0x2800, $0x38;
	[tilespmem:$0x1F800] =	vst v63  }
0x36: {  	_ =	swait.ge [sflag:s20], $0x2800  }
0x37: {  	[sflag:s20] =	ssyncset.done $0x0  }
0x38: {  	s7 =	rddreg [dreg:$0x8];
	[sflag:s20] =	ssyncadd.s32 $0xFFFFD800  }
0x39: {  	[spmem:s7] =	stream.linear.scatter [tilespmem:s19], [sflag:$0x9], $0x2800, $0x38;
	[tilespmem:$0x1F800] =	vst v63  }
0x3a: {  	_ =	swait.ge [sflag:s20], $0x2800  }
0x3b: {  	[sflag:s20] =	ssyncset.done $0x0  }
0x3c: {  	[sflag:s20] =	ssyncadd.s32 $0xFFFFD800  }
0x3d: {  	[spmem:s11] =	stream.linear.scatter [tilespmem:s19], [sflag:$0x9], $0x2800, $0x38;
	[tilespmem:$0x1F800] =	vst v63  }
0x3e: {  	_ =	swait.ge [sflag:s20], $0x2800  }
0x3f: {  	[sflag:s20] =	ssyncset.done $0x0  }
0x40: {  	[sflag:s20] =	ssyncadd.s32 $0xFFFFD800  }
0x41: {  	[spmem:s12] =	stream.linear.scatter [tilespmem:s19], [sflag:$0x9], $0x2800, $0x38;
	[tilespmem:$0x1F800] =	vst v63  }
0x42: {  	_ =	swait.ge [sflag:s20], $0x2800  }
0x43: {  	[sflag:s20] =	ssyncset.done $0x0  }
0x44: {  	[sflag:s20] =	ssyncadd.s32 $0xFFFFD800  }
0x45: {  	[spmem:s13] =	stream.linear.scatter [tilespmem:s19], [sflag:$0x9], $0x2800, $0x38;
	[tilespmem:$0x1F800] =	vst v63  }
0x46: {  	_ =	swait.ge [sflag:s20], $0x2800  }
0x47: {  	[sflag:s20] =	ssyncset.done $0x0  }
0x48: {  	[sflag:s20] =	ssyncadd.s32 $0xFFFFD800  }
0x49: {  	[spmem:s14] =	stream.linear.scatter [tilespmem:s19], [sflag:$0x9], $0x2800, $0x38;
	[tilespmem:$0x1F800] =	vst v63  }
0x4a: {  	_ =	swait.ge [sflag:s20], $0x2800  }
0x4b: {  	[sflag:s20] =	ssyncset.done $0x0  }
0x4c: {  	[sflag:s20] =	ssyncadd.s32 $0xFFFFD800  }
0x4d: {  	[spmem:s15] =	stream.linear.scatter [tilespmem:s19], [sflag:$0x9], $0x2800, $0x38;
	[tilespmem:$0x1F800] =	vst v63  }
0x4e: {  	_ =	swait.ge [sflag:s20], $0x2800  }
0x4f: {  	[sflag:s20] =	ssyncset.done $0x0  }
0x50: {  	[sflag:s20] =	ssyncadd.s32 $0xFFFFD800  }
0x51: {  	[spmem:s16] =	stream.linear.scatter [tilespmem:s19], [sflag:$0x9], $0x2800, $0x38;
	[tilespmem:$0x1F800] =	vst v63  }
0x52: {  	_ =	swait.ge [sflag:s20], $0x2800  }
0x53: {  	[sflag:s20] =	ssyncset.done $0x0  }
0x54: {  	[sflag:s20] =	ssyncadd.s32 $0xFFFFD800  }
0x55: {  	[bflag:$0x0] =	sbarrier.arrive $0xFFFF  }
0x56: {  	s25 =	simm.s32 $0x0;
	s9 =	rddreg [dreg:$0x4]  }
0x57: {  	[tilespmem:s25], [sflag:$0x9] =	stream.linear.gather [hbm4b:s9+s25], $0x400, $0x38;
	[tilespmem:$0x1F800] =	vst v63  }
0x58: {  	_ =	swait.ge [sflag:s20], $0x400  }
0x59: {  	[sflag:s20] =	ssyncset.done $0x0  }
0x5a: {  	s7 =	simm.s32 $0xC00;
	s10 =	rddreg [dreg:$0x5];
	[sflag:s20] =	ssyncadd.s32 $0xFFFFFC00  }
0x5b: {  	[tilespmem:s7], [sflag:$0x9] =	stream.linear.gather [hbm4b:s10+s25], $0x400, $0x38;
	[tilespmem:$0x1F800] =	vst v63  }
0x5c: {  	_ =	swait.ge [sflag:s20], $0x400  }
0x5d: {  	[sflag:s20] =	ssyncset.done $0x0  }
0x5e: {  	[sflag:s20] =	ssyncadd.s32 $0xFFFFFC00  }
0x5f: {  	[tilespmem:s19], [sflag:$0x1] =	stream.indirect.gather [hbm4b:s1+s22], $0x80, s25, s22, $0xb8;
	[tilespmem:$0x1F800] =	vst v63  }
.Ltmp3:
0x60: {  	s17 =	simm.s32 $0x80;
	(pc) =	sbr.rel .LBB2_4-.Ltmp3, $4  }
0x61: {  	[tilespmem:s24], [sflag:$0x2] =	stream.indirect.gather [hbm4b:s1+s22], $0x80, s17, s22, $0xb8;
	[tilespmem:$0x1F800] =	vst v63  }
0x62: {  	s18 =	simm.s32 $0x100  }
0x63: {  	[tilespmem:s26], [sflag:$0x3] =	stream.indirect.gather [hbm4b:s1+s22], $0x80, s18, s22, $0xb8;
	[tilespmem:$0x1F800] =	vst v63  }
0x64: {  	s17 =	smov.u32 s5;
	s18 =	smov.u32 s3  }
.LBB2_22:
0x65: {  	[tilespmem:s26], [sflag:$0x3] =	stream.indirect.gather [hbm4b:s1+s22], $0x80, s29, s22, $0xb8;
	[tilespmem:$0x1F800] =	vst v63  }
.LBB2_28:
0x66: {  	s7 =	smul.u32 $0xAB, s6;
	_ =	sdelay $0x1  }
0x67: {  	s7 =	sshrl.u32 s7, $0xC  }
0x68: {  	s7 =	sand.u32 $0xF, s7  }
0x69: {  	s7 =	smul.u32 $0x18, s7;
	_ =	sdelay $0x1  }
0x6a: {  	s10 =	ssub.s32 s6, s7  }
0x6b: {  	s6 =	sand.u32 $0xFF, s10  }
0x6c: {  	s6 =	sshll.u32 s6, $0x7  }
0x6d: {  	[tilespmem:s0], [sflag:$0x4] =	stream.indirect.gather [hbm4b:s1+s22], $0x80, s6, s22, $0xb8;
	[tilespmem:$0x1F800] =	vst v63  }
.LBB2_29:
0x6e: {  	s6 =	smul.u32 $0xAB, s25;
	_ =	sdelay $0x1  }
0x6f: {  	s7 =	sand.u32 $0x3, s25;
	s6 =	sshrl.u32 s6, $0xC  }
0x70: {  	p0 =	sgt.s32 s7, $0x1;
	s6 =	sand.u32 $0xF, s6  }
0x71: {  	p1 =	seq.s32 @p0 s7, $0x2;
	s6 =	smul.u32 $0x18, s6  }
0x72: {  	p2 =	por !p1, !p0  }
0x73: {  	s9 =	simm.s32 @!p2 $0x3;
	s6 =	ssub.s32 s25, s6  }
0x74: {  	p1 =	por p1, !p0;
	_ =	swait.ge @!p2 [sflag:s9], $0x2800;
	s6 =	sand.u32 $0xFF, s6  }
0x75: {  	s10 =	simm.s32 @!p2 $0x6800;
	[sflag:s9] =	ssyncset.done @!p2 $0x0;
	s6 =	sshll.u32 s6, $0x7  }
0x76: {  	[sflag:s9] =	ssyncadd.s32 @!p2 $0xFFFFD800;
	s9 =	simm.s32 @!p2 $0x50;
	s6 =	sadd.s32 $0xC00, s6  }
0x77: {  	[spmem:s2] =	stream.indirect.scatter.add.f32 @!p2 [tilespmem:s10], [sflag:$0x7], $0x80, s6, s9, $0xb8;
	[tilespmem:$0x1F800] =	vst v63  }
0x78: {  	s9 =	simm.s32 @!p1 $0x4  }
0x79: {  	_ =	swait.ge @!p1 [sflag:s9], $0x2800  }
0x7a: {  	[sflag:s9] =	ssyncset.done @!p1 $0x0  }
0x7b: {  	s10 =	simm.s32 @!p1 $0x9000;
	[sflag:s9] =	ssyncadd.s32 @!p1 $0xFFFFD800;
	s9 =	simm.s32 @!p1 $0x50  }
0x7c: {  	[spmem:s2] =	stream.indirect.scatter.add.f32 @!p1 [tilespmem:s10], [sflag:$0x8], $0x80, s6, s9, $0xb8;
	[tilespmem:$0x1F800] =	vst v63  }
0x7d: {  	p1 =	seq.s32 @!p0 s7, $0x0  }
0x7e: {  	p2 =	por !p1, p0  }
0x7f: {  	s7 =	simm.s32 @!p2 $0x1  }
0x80: {  	_ =	swait.ge @!p2 [sflag:s7], $0x2800  }
0x81: {  	p0 =	por p1, p0;
	[sflag:s7] =	ssyncset.done @!p2 $0x0  }
0x82: {  	s9 =	simm.s32 @!p2 $0x1800;
	[sflag:s7] =	ssyncadd.s32 @!p2 $0xFFFFD800;
	s7 =	simm.s32 @!p2 $0x50  }
0x83: {  	[spmem:s2] =	stream.indirect.scatter.add.f32 @!p2 [tilespmem:s9], [sflag:$0x5], $0x80, s6, s7, $0xb8;
	[tilespmem:$0x1F800] =	vst v63  }
0x84: {  	s7 =	simm.s32 @!p0 $0x2  }
0x85: {  	_ =	swait.ge @!p0 [sflag:s7], $0x2800  }
0x86: {  	s25 =	sadd.s32 $0x1, s25;
	[sflag:s7] =	ssyncset.done @!p0 $0x0  }
0x87: {  	s9 =	simm.s32 @!p0 $0x4000;
	[sflag:s7] =	ssyncadd.s32 @!p0 $0xFFFFD800;
	s7 =	simm.s32 @!p0 $0x50  }
0x88: {  	[spmem:s2] =	stream.indirect.scatter.add.f32 @!p0 [tilespmem:s9], [sflag:$0x6], $0x80, s6, s7, $0xb8;
	[tilespmem:$0x1F800] =	vst v63  }
0x89: {  	p0 =	sne.s32 s25, $0x80  }
.Ltmp4:
0x8a: {  	_ = 	snop;
	(pc) =	sbr.rel @!p0 .LBB2_30-.Ltmp4, $2  }
0x8b: {  	_ =	sdelay $0x2  }
0x8c: {  	s17 =	sadd.s32 $0x10, s17;
	s18 =	sadd.s32 $0x10, s18  }
.LBB2_4:
0x8d: {  	s6 =	sadd.s32 $0x3, s25  }
0x8e: {  	s7 =	sand.u32 $0x3, s6  }
0x8f: {  	p0 =	sgt.s32 s7, $0x1  }
.Ltmp5:
0x90: {  	_ = 	snop;
	(pc) =	sbr.rel @p0 .LBB2_23-.Ltmp5, $1  }
0x91: {  	_ =	sdelay $0x3  }
0x92: {  	p0 =	seq.s32 s7, $0x0  }
.Ltmp6:
0x93: {  	_ = 	snop;
	(pc) =	sbr.rel @!p0 .LBB2_11-.Ltmp6, $1  }
0x94: {  	_ =	sdelay $0x3  }
0x95: {  	p0 =	seq.s32 s25, $0x0  }
.Ltmp7:
0x96: {  	_ = 	snop;
	(pc) =	sbr.rel @p0 .LBB2_10-.Ltmp7, $1  }
0x97: {  	_ =	sdelay $0x3  }
0x98: {  	s7 =	sand.u32 $0x7, s6;
	p0 =	sgt.u32 s25, $0x7C  }
0x99: {  	p1 =	sne.s32 @!p0 s7, $0x0  }
0x9a: {  	p1 =	por p0, p1  }
.Ltmp8:
0x9b: {  	_ = 	snop;
	(pc) =	sbr.rel @p1 .LBB2_9-.Ltmp8, $4  }
0x9c: {  	_ = 	snop  }
0x9d: {  	_ =	swait.ge [sflag:s28], $0x2800  }
0x9e: {  	[sflag:s28] =	ssyncset.done $0x0  }
0x9f: {  	[sflag:s28] =	ssyncadd.s32 $0xFFFFD800  }
0xa0: {  	s7 =	sshrl.u32 s6, $0x3  }
0xa1: {  	s9 =	smul.u32 $0xAB, s7;
	_ =	sdelay $0x1  }
0xa2: {  	s9 =	sshrl.u32 s9, $0x9  }
0xa3: {  	s9 =	sand.u32 $0x7F, s9  }
0xa4: {  	s9 =	smul.u32 $0x3, s9;
	_ =	sdelay $0x1  }
0xa5: {  	s7 =	ssub.s32 s7, s9  }
0xa6: {  	s7 =	sand.u32 $0xFF, s7  }
0xa7: {  	s7 =	sshll.u32 s7, $0xA  }
0xa8: {  	[tilespmem:s7], [sflag:$0x9] =	stream.linear.gather [hbm4b:s18+s4], $0x400, $0x38;
	[tilespmem:$0x1F800] =	vst v63  }
0xa9: {  	_ =	swait.ge [sflag:s20], $0x400  }
0xaa: {  	[sflag:s20] =	ssyncset.done $0x0  }
0xab: {  	s7 =	sadd.s32 $0xC00, s7;
	[sflag:s20] =	ssyncadd.s32 $0xFFFFFC00  }
0xac: {  	[tilespmem:s7], [sflag:$0x9] =	stream.linear.gather [hbm4b:s17+s4], $0x400, $0x38;
	[tilespmem:$0x1F800] =	vst v63  }
0xad: {  	_ =	swait.ge [sflag:s20], $0x400  }
0xae: {  	[sflag:s20] =	ssyncset.done $0x0  }
0xaf: {  	[sflag:s20] =	ssyncadd.s32 $0xFFFFFC00  }
.LBB2_10:
0xb0: {  	s7 =	smul.u32 $0xAB, s6;
	_ =	sdelay $0x1  }
0xb1: {  	s7 =	sshrl.u32 s7, $0xC  }
0xb2: {  	s7 =	sand.u32 $0xF, s7  }
0xb3: {  	s7 =	smul.u32 $0x18, s7  }
.Ltmp9:
0xb4: {  	_ = 	snop;
	(pc) =	sbr.rel .LBB2_29-.Ltmp9, $4  }
0xb5: {  	s10 =	ssub.s32 s6, s7  }
0xb6: {  	s6 =	sand.u32 $0xFF, s10  }
0xb7: {  	s6 =	sshll.u32 s6, $0x7  }
0xb8: {  	[tilespmem:s19], [sflag:$0x1] =	stream.indirect.gather [hbm4b:s1+s22], $0x80, s6, s22, $0xb8;
	[tilespmem:$0x1F800] =	vst v63  }
.LBB2_23:
0xb9: {  	p1 =	seq.s32 s7, $0x2  }
.Ltmp10:
0xba: {  	_ = 	snop;
	(pc) =	sbr.rel @!p1 .LBB2_24-.Ltmp10, $2  }
0xbb: {  	_ =	sdelay $0x2  }
0xbc: {  	p0 =	seq.s32 s25, $0x0  }
.Ltmp11:
0xbd: {  	(pc) =	sbr.rel @p0 .LBB2_22-.Ltmp11, $1  }
0xbe: {  	_ =	sdelay $0x3  }
0xbf: {  	s7 =	sand.u32 $0x7, s6;
	p0 =	sgt.u32 s25, $0x7C  }
0xc0: {  	p1 =	sne.s32 @!p0 s7, $0x0  }
0xc1: {  	p1 =	por p0, p1  }
.Ltmp12:
0xc2: {  	_ = 	snop;
	(pc) =	sbr.rel @p1 .LBB2_20-.Ltmp12, $4  }
0xc3: {  	_ = 	snop  }
0xc4: {  	_ =	swait.ge [sflag:s21], $0x2800  }
0xc5: {  	[sflag:s21] =	ssyncset.done $0x0  }
0xc6: {  	[sflag:s21] =	ssyncadd.s32 $0xFFFFD800  }
0xc7: {  	s7 =	sshrl.u32 s6, $0x3  }
0xc8: {  	s9 =	smul.u32 $0xAB, s7;
	_ =	sdelay $0x1  }
0xc9: {  	s9 =	sshrl.u32 s9, $0x9  }
0xca: {  	s9 =	sand.u32 $0x7F, s9  }
0xcb: {  	s9 =	smul.u32 $0x3, s9;
	_ =	sdelay $0x1  }
0xcc: {  	s7 =	ssub.s32 s7, s9  }
0xcd: {  	s7 =	sand.u32 $0xFF, s7  }
0xce: {  	s7 =	sshll.u32 s7, $0xA  }
0xcf: {  	[tilespmem:s7], [sflag:$0x9] =	stream.linear.gather [hbm4b:s18+s4], $0x400, $0x38;
	[tilespmem:$0x1F800] =	vst v63  }
0xd0: {  	_ =	swait.ge [sflag:s20], $0x400  }
0xd1: {  	[sflag:s20] =	ssyncset.done $0x0  }
0xd2: {  	s7 =	sadd.s32 $0xC00, s7;
	[sflag:s20] =	ssyncadd.s32 $0xFFFFFC00  }
0xd3: {  	[tilespmem:s7], [sflag:$0x9] =	stream.linear.gather [hbm4b:s17+s4], $0x400, $0x38;
	[tilespmem:$0x1F800] =	vst v63  }
0xd4: {  	_ =	swait.ge [sflag:s20], $0x400  }
0xd5: {  	[sflag:s20] =	ssyncset.done $0x0  }
0xd6: {  	[sflag:s20] =	ssyncadd.s32 $0xFFFFFC00  }
.LBB2_21:
0xd7: {  	s7 =	smul.u32 $0xAB, s6;
	_ =	sdelay $0x1  }
0xd8: {  	s7 =	sshrl.u32 s7, $0xC  }
0xd9: {  	s7 =	sand.u32 $0xF, s7  }
0xda: {  	s7 =	smul.u32 $0x18, s7  }
.Ltmp13:
0xdb: {  	_ = 	snop;
	(pc) =	sbr.rel .LBB2_29-.Ltmp13, $4  }
0xdc: {  	s10 =	ssub.s32 s6, s7  }
0xdd: {  	s6 =	sand.u32 $0xFF, s10  }
0xde: {  	s6 =	sshll.u32 s6, $0x7  }
0xdf: {  	[tilespmem:s26], [sflag:$0x3] =	stream.indirect.gather [hbm4b:s1+s22], $0x80, s6, s22, $0xb8;
	[tilespmem:$0x1F800] =	vst v63  }
.LBB2_11:
0xe0: {  	p0 =	seq.s32 s25, $0x0  }
.Ltmp14:
0xe1: {  	_ = 	snop;
	(pc) =	sbr.rel @p0 .LBB2_16-.Ltmp14, $1  }
0xe2: {  	_ =	sdelay $0x3  }
0xe3: {  	s7 =	sand.u32 $0x7, s6;
	p0 =	sgt.u32 s25, $0x7C  }
0xe4: {  	p1 =	sne.s32 @!p0 s7, $0x0  }
0xe5: {  	p1 =	por p0, p1  }
.Ltmp15:
0xe6: {  	_ = 	snop;
	(pc) =	sbr.rel @p1 .LBB2_14-.Ltmp15, $4  }
0xe7: {  	_ = 	snop  }
0xe8: {  	_ =	swait.ge [sflag:s30], $0x2800  }
0xe9: {  	[sflag:s30] =	ssyncset.done $0x0  }
0xea: {  	[sflag:s30] =	ssyncadd.s32 $0xFFFFD800  }
0xeb: {  	s7 =	sshrl.u32 s6, $0x3  }
0xec: {  	s9 =	smul.u32 $0xAB, s7;
	_ =	sdelay $0x1  }
0xed: {  	s9 =	sshrl.u32 s9, $0x9  }
0xee: {  	s9 =	sand.u32 $0x7F, s9  }
0xef: {  	s9 =	smul.u32 $0x3, s9;
	_ =	sdelay $0x1  }
0xf0: {  	s7 =	ssub.s32 s7, s9  }
0xf1: {  	s7 =	sand.u32 $0xFF, s7  }
0xf2: {  	s7 =	sshll.u32 s7, $0xA  }
0xf3: {  	[tilespmem:s7], [sflag:$0x9] =	stream.linear.gather [hbm4b:s18+s4], $0x400, $0x38;
	[tilespmem:$0x1F800] =	vst v63  }
0xf4: {  	_ =	swait.ge [sflag:s20], $0x400  }
0xf5: {  	[sflag:s20] =	ssyncset.done $0x0  }
0xf6: {  	s7 =	sadd.s32 $0xC00, s7;
	[sflag:s20] =	ssyncadd.s32 $0xFFFFFC00  }
0xf7: {  	[tilespmem:s7], [sflag:$0x9] =	stream.linear.gather [hbm4b:s17+s4], $0x400, $0x38;
	[tilespmem:$0x1F800] =	vst v63  }
0xf8: {  	_ =	swait.ge [sflag:s20], $0x400  }
0xf9: {  	[sflag:s20] =	ssyncset.done $0x0  }
0xfa: {  	[sflag:s20] =	ssyncadd.s32 $0xFFFFFC00  }
.LBB2_15:
0xfb: {  	s7 =	smul.u32 $0xAB, s6;
	_ =	sdelay $0x1  }
0xfc: {  	s7 =	sshrl.u32 s7, $0xC  }
0xfd: {  	s7 =	sand.u32 $0xF, s7  }
0xfe: {  	s7 =	smul.u32 $0x18, s7  }
.Ltmp16:
0xff: {  	_ = 	snop;
	(pc) =	sbr.rel .LBB2_29-.Ltmp16, $4  }
0x100: {  	s10 =	ssub.s32 s6, s7  }
0x101: {  	s6 =	sand.u32 $0xFF, s10  }
0x102: {  	s6 =	sshll.u32 s6, $0x7  }
0x103: {  	[tilespmem:s24], [sflag:$0x2] =	stream.indirect.gather [hbm4b:s1+s22], $0x80, s6, s22, $0xb8;
	[tilespmem:$0x1F800] =	vst v63  }
.LBB2_24:
.Ltmp17:
0x104: {  	(pc) =	sbr.rel @p0 .LBB2_28-.Ltmp17, $1  }
0x105: {  	_ =	sdelay $0x3  }
0x106: {  	s7 =	sand.u32 $0x7, s6;
	p0 =	sgt.u32 s25, $0x7C  }
0x107: {  	p1 =	sne.s32 @!p0 s7, $0x0  }
0x108: {  	p1 =	por p0, p1  }
.Ltmp18:
0x109: {  	_ = 	snop;
	(pc) =	sbr.rel @p1 .LBB2_27-.Ltmp18, $4  }
0x10a: {  	_ = 	snop  }
0x10b: {  	_ =	swait.ge [sflag:s31], $0x2800  }
0x10c: {  	[sflag:s31] =	ssyncset.done $0x0  }
0x10d: {  	[sflag:s31] =	ssyncadd.s32 $0xFFFFD800  }
0x10e: {  	s7 =	sshrl.u32 s6, $0x3  }
0x10f: {  	s9 =	smul.u32 $0xAB, s7;
	_ =	sdelay $0x1  }
0x110: {  	s9 =	sshrl.u32 s9, $0x9  }
0x111: {  	s9 =	sand.u32 $0x7F, s9  }
0x112: {  	s9 =	smul.u32 $0x3, s9;
	_ =	sdelay $0x1  }
0x113: {  	s7 =	ssub.s32 s7, s9  }
0x114: {  	s7 =	sand.u32 $0xFF, s7  }
0x115: {  	s7 =	sshll.u32 s7, $0xA  }
0x116: {  	[tilespmem:s7], [sflag:$0x9] =	stream.linear.gather [hbm4b:s18+s4], $0x400, $0x38;
	[tilespmem:$0x1F800] =	vst v63  }
0x117: {  	_ =	swait.ge [sflag:s20], $0x400  }
0x118: {  	[sflag:s20] =	ssyncset.done $0x0  }
.Ltmp19:
0x119: {  	s7 =	sadd.s32 $0xC00, s7;
	[sflag:s20] =	ssyncadd.s32 $0xFFFFFC00;
	(pc) =	sbr.rel .LBB2_28-.Ltmp19, $4  }
0x11a: {  	[tilespmem:s7], [sflag:$0x9] =	stream.linear.gather [hbm4b:s17+s4], $0x400, $0x38;
	[tilespmem:$0x1F800] =	vst v63  }
0x11b: {  	_ =	swait.ge [sflag:s20], $0x400  }
0x11c: {  	[sflag:s20] =	ssyncset.done $0x0  }
0x11d: {  	[sflag:s20] =	ssyncadd.s32 $0xFFFFFC00  }
.LBB2_16:
.Ltmp20:
0x11e: {  	(pc) =	sbr.rel .LBB2_28-.Ltmp20, $2  }
0x11f: {  	_ =	sdelay $0x2  }
0x120: {  	[tilespmem:s24], [sflag:$0x2] =	stream.indirect.gather [hbm4b:s1+s22], $0x80, s29, s22, $0xb8;
	[tilespmem:$0x1F800] =	vst v63  }
.LBB2_9:
.Ltmp21:
0x121: {  	(pc) =	sbr.rel @p0 .LBB2_29-.Ltmp21, $4  }
.Ltmp22:
0x122: {  	(pc) =	sbr.rel @!p0 .LBB2_10-.Ltmp22, $4  }
0x123: {  	_ = 	snop  }
0x124: {  	_ = 	snop  }
0x125: {  	_ = 	snop  }
0x126: {  	_ = 	snop  }
.LBB2_20:
.Ltmp23:
0x127: {  	(pc) =	sbr.rel @p0 .LBB2_29-.Ltmp23, $4  }
.Ltmp24:
0x128: {  	(pc) =	sbr.rel @!p0 .LBB2_21-.Ltmp24, $4  }
0x129: {  	_ = 	snop  }
0x12a: {  	_ = 	snop  }
0x12b: {  	_ = 	snop  }
0x12c: {  	_ = 	snop  }
.LBB2_14:
.Ltmp25:
0x12d: {  	(pc) =	sbr.rel @p0 .LBB2_29-.Ltmp25, $4  }
.Ltmp26:
0x12e: {  	(pc) =	sbr.rel @!p0 .LBB2_15-.Ltmp26, $4  }
0x12f: {  	_ = 	snop  }
0x130: {  	_ = 	snop  }
0x131: {  	_ = 	snop  }
0x132: {  	_ = 	snop  }
.LBB2_27:
.Ltmp27:
0x133: {  	(pc) =	sbr.rel @p0 .LBB2_29-.Ltmp27, $4  }
.Ltmp28:
0x134: {  	(pc) =	sbr.rel @!p0 .LBB2_28-.Ltmp28, $4  }
0x135: {  	_ = 	snop  }
0x136: {  	_ = 	snop  }
0x137: {  	_ = 	snop  }
0x138: {  	_ = 	snop  }
.LBB2_31:
0x139: {  	_ =	sfence.sel $0x180000  }
0x13a: {  	[bflag:$0x0] =	sbarrier.arrive $0xFFFF  }
0x13b: {  	_ =	strace $0x9000004A  }
0x13c: {  	s0 =	stileid.u32;
	[bflag:$0x2] =	sbarrier.arrive $0xFFFF  }
0x13d: {  	p0 =	sne.s32 s0, $0x0;
	s0 =	rddreg [dreg:$0x3]  }
0x13e: {  	s0 =	sadd.s32 @!p0 $0x100000, s0  }
0x13f: {  	[sflag:s0] =	ssyncadd.tile.s32 @!p0 $0x1;
	_ =	shalt  }
.Lfunc_end2:
_tile_overlayer_lowered:
.L_overlay_start_2:
0x140: {  	(tag) =	ssettag $0x2  }
0x141: {  	s0 =	rddreg [dreg:$0x0];
	s2 =	stileid.u32  }
0x142: {  	s1 =	rddreg [dreg:$0x1];
	p0 =	sne.s32 s2, $0x0  }
0x143: {  	s3 =	rddreg [dreg:$0x2];
	[bflag:$0x3] =	sbarrier.arrive $0xFFFF;
	s2 =	simm.s32 @!p0 $0x1C09  }
0x144: {  	[timem:s3], [sflag:s2] =	dma.local @!p0 [hbm:s0], s1  }
0x145: {  	s0 =	simm.s32 @!p0 $0x9  }
0x146: {  	_ =	swait.ge @!p0 [sflag:s0], s1  }
0x147: {  	s1 =	ssub.s32 @!p0 $0x0, s1;
	[sflag:s0] =	ssyncset.done @!p0 $0x0  }
0x148: {  	[sflag:s0] =	ssyncadd.s32 @!p0 s1  }
0x149: {  	[bflag:$0x3] =	sbarrier.arrive $0xFFFF  }
0x14a: {  	_ =	shalt  }

// kernel: kernel.14.cloned.1.call-start
scs
__scs_entry_jumppad:
0x0: {  	(pc) =	sbr.rel $0x88, $3  }
0x1: {  	(tag) =	ssettag $0x0;
	lr =	simm.s32 $0x1  }
0x2: {  	[smem:$0x3F9B] =	sst lr;
	_ =	strace $0xD0000000  }
0x3: {  	_ = 	snop  }
0x4: {  	_ = 	snop  }
0x5: {  	_ = 	snop  }
0x6: {  	_ = 	snop  }
0x7: {  	_ = 	snop  }
__scs_overlays_trampoline_lowered:
0x8: {  	[smem:$0x3FAA] =	sst s0  }
0x9: {  	[smem:$0x3FAB] =	sst s1  }
0xa: {  	[smem:$0x3FAC] =	sst s2  }
0xb: {  	[smem:$0x3FAD] =	sst s3  }
0xc: {  	[smem:$0x3FAE] =	sst s4  }
0xd: {  	[smem:$0x3FAF] =	sst s5  }
0xe: {  	[smem:$0x3FB0] =	sst s6  }
0xf: {  	[smem:$0x3FB1] =	sst s7  }
0x10: {  	[smem:$0x3FB2] =	sst s8  }
0x11: {  	[smem:$0x3FB3] =	sst s9;
	s0 =	simm.s32 @!p0 $0x0  }
0x12: {  	s1 =	sld [smem:$0x3F99];
	s0 =	simm.s32 @p0 $0x1  }
0x13: {  	[smem:$0x3FB4] =	sst s0;
	s0 =	simm.s32 @!p1 $0x0  }
0x14: {  	s2 =	sld [smem:$0x3F98];
	s0 =	simm.s32 @p1 $0x1  }
0x15: {  	[smem:$0x3FB5] =	sst s0;
	s0 =	simm.s32 @!p2 $0x0  }
0x16: {  	s3 =	sld [smem:$0x3FDB];
	s0 =	simm.s32 @p2 $0x1  }
0x17: {  	s4 =	simm.s32 $0x1BF5;
	[smem:$0x3FB7] =	sst s0  }
0x18: {  	s0 =	sld [smem:$0x3F9A];
	_ =	swait.ge [sflag:s4], $0x0  }
0x19: {  	s7 =	sld [smem:$0x3F9B]  }
0x1a: {  	s8 =	sadd.s32 $0xFFFFE003, lr  }
0x1b: {  	s9 =	sadd.s32 $0xFFFFFEF7, lr;
	s5 =	simm.s32 $0xFFFFFFFF;
	p2 =	slt.u32 s8, $0xFFFFF086  }
0x1c: {  	p1 =	slt.u32 s9, $0xF7A;
	s5 =	simm.s32 @!p2 $0x0  }
0x1d: {  	s5 =	simm.s32 @p1 $0x1;
	p0 =	seq.s32 s7, s2  }
0x1e: {  	s7 =	smul.u32 @!p0 $0xF7A, s2;
	p2 =	seq.s32 @!p0 s5, $0x0  }
0x1f: {  	s9 =	smul.u32 $0xF7A, s1;
	s8 =	simm.s32 @!p0 $0x1BF5;
	p2 =	por !p2, p0  }
0x20: {  	[sflag:s8] =	ssyncset.s32 @!p0 $0xFFFFF086;
	s6 =	sadd.s32 @!p0 s3, s7;
	s7 =	simm.s32 @!p0 $0x108  }
0x21: {  	s3 =	sadd.s32 s3, s9;
	s6 =	sadd.s32 @!p0 $0x88, s6;
	s7 =	simm.s32 @p2 $0x1082  }
0x22: {  	[simem:s7], [sflag:s8] =	dma.local @!p0 [hbm:s6], $0xF7A  }
0x23: {  	s9 =	sor.u32 $0xD0000000, s2;
	s6 =	simm.s32 $0x108;
	_ =	swait.ge @!p0 [sflag:s8], $0x0  }
0x24: {  	s3 =	sadd.s32 $0x88, s3;
	s6 =	simm.s32 @!p1 $0x1082;
	[sflag:s4] =	ssyncset.s32 $0xFFFFF086  }
0x25: {  	[simem:s6], [sflag:s4] =	dma.local [hbm:s3], $0xF7A  }
0x26: {  	[smem:$0x3F9B] =	sst s1;
	(tag) =	ssettag s2;
	_ =	strace s9  }
0x27: {  	s1 =	sld [smem:$0x3FAB]  }
0x28: {  	s2 =	sld [smem:$0x3FAC]  }
0x29: {  	s4 =	sld [smem:$0x3FAE]  }
0x2a: {  	p0 =	seq.s32 s5, $0x0;
	s5 =	sld [smem:$0x3FAF]  }
0x2b: {  	s6 =	sld [smem:$0x3FB0]  }
0x2c: {  	s7 =	sld [smem:$0x3FB1]  }
0x2d: {  	s3 =	simm.s32 $0x108;
	s8 =	sld [smem:$0x3FB2]  }
0x2e: {  	s3 =	simm.s32 @!p0 $0x1082;
	s9 =	sld [smem:$0x3FB3]  }
0x2f: {  	lr =	sadd.s32 s0, s3;
	s0 =	sld [smem:$0x3FAA]  }
0x30: {  	s3 =	sld [smem:$0x3FAD]  }
0x31: {  	[smem:$0x3FB6] =	sst s10  }
0x32: {  	s10 =	sld [smem:$0x3FB4];
	_ =	sdelay $0x3  }
0x33: {  	p0 =	seq.s32 s10, $0x1;
	s10 =	sld [smem:$0x3FB6];
	_ =	sdelay $0x3  }
0x34: {  	[smem:$0x3FB6] =	sst s10  }
0x35: {  	s10 =	sld [smem:$0x3FB5];
	_ =	sdelay $0x3  }
0x36: {  	p1 =	seq.s32 s10, $0x1;
	s10 =	sld [smem:$0x3FB6];
	_ =	sdelay $0x3  }
0x37: {  	[smem:$0x3FB6] =	sst s10  }
0x38: {  	s10 =	sld [smem:$0x3FB7]  }
0x39: {  	_ = 	snop;
	(pc) =	sbr.ind lr, $3  }
0x3a: {  	_ = 	snop  }
0x3b: {  	_ = 	snop  }
0x3c: {  	p2 =	seq.s32 s10, $0x1;
	s10 =	sld [smem:$0x3FB6]  }
0x3d: {  	_ =	shalt  }
0x3e: {  	_ =	shalt  }
0x3f: {  	_ =	shalt  }
0x40: {  	_ =	shalt  }
0x41: {  	_ =	shalt  }
0x42: {  	_ =	shalt  }
0x43: {  	_ =	shalt  }
0x44: {  	_ =	shalt  }
0x45: {  	_ =	shalt  }
0x46: {  	_ =	shalt  }
0x47: {  	_ =	shalt  }
0x48: {  	_ =	shalt  }
0x49: {  	_ =	shalt  }
0x4a: {  	_ =	shalt  }
0x4b: {  	_ =	shalt  }
0x4c: {  	_ =	shalt  }
0x4d: {  	_ =	shalt  }
0x4e: {  	_ =	shalt  }
0x4f: {  	_ =	shalt  }
0x50: {  	_ =	shalt  }
0x51: {  	_ =	shalt  }
0x52: {  	_ =	shalt  }
0x53: {  	_ =	shalt  }
0x54: {  	_ =	shalt  }
0x55: {  	_ =	shalt  }
0x56: {  	_ =	shalt  }
0x57: {  	_ =	shalt  }
0x58: {  	_ =	shalt  }
0x59: {  	_ =	shalt  }
0x5a: {  	_ =	shalt  }
0x5b: {  	_ =	shalt  }
0x5c: {  	_ =	shalt  }
0x5d: {  	_ =	shalt  }
0x5e: {  	_ =	shalt  }
0x5f: {  	_ =	shalt  }
0x60: {  	_ =	shalt  }
0x61: {  	_ =	shalt  }
0x62: {  	_ =	shalt  }
0x63: {  	_ =	shalt  }
0x64: {  	_ =	shalt  }
0x65: {  	_ =	shalt  }
0x66: {  	_ =	shalt  }
0x67: {  	_ =	shalt  }
0x68: {  	_ =	shalt  }
0x69: {  	_ =	shalt  }
0x6a: {  	_ =	shalt  }
0x6b: {  	_ =	shalt  }
0x6c: {  	_ =	shalt  }
0x6d: {  	_ =	shalt  }
0x6e: {  	_ =	shalt  }
0x6f: {  	_ =	shalt  }
0x70: {  	_ =	shalt  }
0x71: {  	_ =	shalt  }
0x72: {  	_ =	shalt  }
0x73: {  	_ =	shalt  }
0x74: {  	_ =	shalt  }
0x75: {  	_ =	shalt  }
0x76: {  	_ =	shalt  }
0x77: {  	_ =	shalt  }
0x78: {  	_ =	shalt  }
0x79: {  	_ =	shalt  }
0x7a: {  	_ =	shalt  }
0x7b: {  	_ =	shalt  }
0x7c: {  	_ =	shalt  }
0x7d: {  	_ =	shalt  }
0x7e: {  	_ =	shalt  }
0x7f: {  	_ =	shalt  }
0x80: {  	_ =	shalt  }
0x81: {  	_ =	shalt  }
0x82: {  	_ =	shalt  }
0x83: {  	_ =	shalt  }
0x84: {  	_ =	shalt  }
0x85: {  	_ =	shalt  }
0x86: {  	_ =	shalt  }
0x87: {  	_ =	shalt  }
.Lfunc_end0:
.L_simem_size_0:
called_computation.2_lowered:
.L_overlay_start_0:
0x88: {  	s2 =	sld [smem:$0x3FD9]  }
0x89: {  	s3 =	sld [smem:$0x3FFE];
	_ =	sdelay $0x1  }
0x8a: {  	s1 =	srdreg.scid  }
0x8b: {  	s0 =	sand.u32 $0x1, s1  }
0x8c: {  	s17 =	sshll.u32 s0, $0xA;
	s2 =	sadd.s32 s3, s2  }
0x8d: {  	s2 =	sadd.s32 s2, s17  }
0x8e: {  	[smem:$0x3FC2] =	sst s2  }
0x8f: {  	_ = 	snop  }
0x90: {  	s2 =	sld [smem:$0x3FD0];
	(tm) =	ssettm $0x1  }
0x91: {  	s18 =	sld [smem:$0x3FFB];
	_ =	sdelay $0x3  }
0x92: {  	_ =	strace s18  }
0x93: {  	s3 =	sld [smem:$0x3FFC];
	_ =	sdelay $0x3  }
0x94: {  	_ =	strace s3  }
0x95: {  	s3 =	sld [smem:$0x3FFD];
	_ =	sdelay $0x3  }
0x96: {  	_ =	strace s3  }
0x97: {  	_ =	strace $0x8FFFFFFF  }
0x98: {  	s19 =	sld [smem:$0x3FDB];
	_ =	sdelay $0x1  }
0x99: {  	s4 =	simm.s32 $_scs_section_size  }
0x9a: {  	s5 =	simm.s32 $_size__tile_overlayer_lowered;
	s6 =	simm.s32 $_tile_overlayer_lowered  }
0x9b: {  	s22 =	simm.s32 $0x1BFF;
	s21 =	sshll.u32 s6, $0x1;
	s3 =	sadd.s32 s4, s19  }
0x9c: {  	s7 =	simm.s32 $0x0;
	s20 =	sshll.u32 s5, $0x1;
	s5 =	sadd.s32 s21, s3  }
0x9d: {  	[timem:s7], [sflag:s22] =	dma.local [hbm:s5], s20  }
0x9e: {  	_ =	swait.ge [sflag:s22], s20  }
0x9f: {  	s4 =	ssub.s32 $0x0, s20;
	[sflag:s22] =	ssyncset.done $0x0  }
0xa0: {  	[sflag:s22] =	ssyncadd.s32 s4;
	_ =	sdelay $0x1  }
0xa1: {  	s23 =	simm.s32 $0x1B8B  }
0xa2: {  	_ =	swait.ge [sflag:s23], $0x1  }
0xa3: {  	[sflag:s23] =	ssyncset.done $0x0  }
0xa4: {  	s25 =	simm.s32 $0x1B8E;
	s24 =	sld [smem:$0x3FFE];
	[sflag:s23] =	ssyncadd.s32 $0xFFFFFFFF  }
0xa5: {  	s26 =	simm.s32 $execute0_lowered;
	[smem:$0x3FD2] =	sst s25  }
0xa6: {  	s5 =	sshll.u32 s26, $0x1;
	_ =	strace $0x8000004C;
	[dreg:$0x1] =	wrdreg $0xFFFFFFFF  }
0xa7: {  	s28 =	simm.s32 $_size_execute0_lowered;
	s3 =	sadd.s32 s3, s5;
	[dreg:$0x0] =	wrdreg $0x0  }
0xa8: {  	s5 =	sshll.u32 s28, $0x1;
	[dreg:$0x2] =	wrdreg s3  }
0xa9: {  	[dreg:$0x3] =	wrdreg s5  }
0xaa: {  	[dreg:$0x4] =	wrdreg $0xC0  }
0xab: {  	_ =	task [dreg:s7], $0x5FFFF  }
0xac: {  	[dreg:$0x1] =	wrdreg $0xFFFFFFFF  }
0xad: {  	[dreg:$0x0] =	wrdreg $0x60  }
0xae: {  	[dreg:$0x2] =	wrdreg s2  }
0xaf: {  	[dreg:$0x3] =	wrdreg s24  }
0xb0: {  	[dreg:$0x4] =	wrdreg $0xB8000  }
0xb1: {  	[dreg:$0x5] =	wrdreg $0x9  }
0xb2: {  	_ =	task.clear_ibuf [dreg:s7], $0x6FFFF;
	_ =	strace $0x9000004C  }
0xb3: {  	s29 =	simm.s32 $0x9;
	_ =	strace $0x8000004E  }
0xb4: {  	_ =	swait.ge [sflag:s29], $0x1  }
0xb5: {  	[sflag:s29] =	ssyncadd.s32 $0xFFFFFFFF  }
0xb6: {  	_ =	strace $0x9000004E  }
0xb7: {  	_ =	sfence  }
0xb8: {  	s30 =	sld [smem:$0x0];
	_ =	sdelay $0x2  }
0xb9: {  	s31 =	sshll.u32 s1, $0xD;
	s1 =	sshrl.u32 s1, $0x2  }
0xba: {  	s3 =	sand.u32 $0x4000, s31;
	s1 =	sadd.s32 s1, s30  }
0xbb: {  	s0 =	sor.u32 s3, s0;
	s1 =	sshll.u32 s1, $0x11  }
0xbc: {  	s0 =	sor.u32 s1, s0  }
0xbd: {  	s0 =	sadd.s32 $0x8F2B, s0  }
0xbe: {  	[sflag:s0] =	ssyncadd.remote.s32 $0x1  }
0xbf: {  	_ =	sfence.sel $0xFFFF  }
0xc0: {  	[dreg:$0x0] =	wrdreg $0xFFFFFFFF;
	(pc) =	sbr.abs _section_cstart, $3  }
0xc1: {  	[dreg:$0x1] =	wrdreg $0xFFFFFFFF  }
0xc2: {  	_ =	task.clear_ibuf [dreg:s7], $0x2FFFF;
	_ =	strace $0x9FFFFFFF  }
0xc3: {  	(tm) =	ssettm $0x7FFFFFFF  }
tec
execute0_lowered:
.L_overlay_start_1:
0x0: {  	(tag) =	ssettag $0x1  }
0x1: {  	s1 =	rddreg [dreg:$0x0]  }
0x2: {  	s0 =	rddreg [dreg:$0x1]  }
0x3: {  	s2 =	rddreg [dreg:$0x2]  }
0x4: {  	s3 =	srdreg.scid;
	s4 =	simm.s32 $0x0;
	s9 =	stileid.u32  }
0x5: {  	s28 =	simm.s32 $0x5;
	s29 =	simm.s32 $0x180;
	s30 =	simm.s32 $0x6  }
0x6: {  	s31 =	simm.s32 $0x8;
	s3 =	sand.u32 $0x1, s3;
	s6 =	smul.u32 $0x14000, s9  }
0x7: {  	[smem:$0x7FF] =	sst s4;
	s7 =	sshll.u32 s9, $0xB;
	s18 =	smul.u32 $0x50000, s9  }
0x8: {  	s17 =	sadd.s32 $0x9C00, s0;
	s8 =	sshll.u32 s9, $0xE;
	s5 =	smul.u32 $0x140000, s3  }
0x9: {  	_ =	strace $0x8000004D;
	s16 =	sshll.u32 s3, $0x12;
	s3 =	ssub.s32 $0x2, s3  }
0xa: {  	s7 =	sadd.s32 s7, s0;
	s19 =	sshrl.u32 s3, $0x1;
	s22 =	sshrl.u32 s18, $0x2  }
0xb: {  	s23 =	sadd.s32 $0x1C00, s7;
	s5 =	sadd.s32 s6, s5;
	s6 =	sor.u32 s8, s16  }
0xc: {  	s3 =	ssub.s32 s3, s19;
	[dreg:$0x5] =	wrdreg s23;
	s8 =	sadd.s32 s22, s2  }
0xd: {  	s19 =	simm.s32 $0x1800;
	s22 =	simm.s32 $0x50;
	s23 =	simm.s32 $0x0  }
0xe: {  	s5 =	sshrl.u32 s5, $0x3;
	s20 =	sshrl.u32 s6, $0x3;
	s24 =	smax.u32 s3, $0x1  }
0xf: {  	s25 =	sadd.s32 $0x2800, s8;
	s11 =	sadd.s32 $0x5000, s8;
	s12 =	sadd.s32 $0x7800, s8  }
0x10: {  	s13 =	sadd.s32 $0xA000, s8;
	s26 =	sor.u32 $0x180, s6;
	s14 =	sadd.s32 $0xC800, s8  }
0x11: {  	s15 =	sadd.s32 $0xF000, s8;
	s16 =	sadd.s32 $0x11800, s8;
	s0 =	sadd.s32 s5, s0  }
.Ltmp0:
0x12: {  	s21 =	sadd.s32 s17, s20;
	[dreg:$0x7] =	wrdreg s24;
	(pc) =	sbr.rel .LBB2_1-.Ltmp0, $4  }
0x13: {  	[dreg:$0x8] =	wrdreg s25;
	s5 =	sadd.s32 $0x1C30, s7;
	s20 =	simm.s32 $0x9  }
0x14: {  	s24 =	simm.s32 $0x4000;
	[dreg:$0x4] =	wrdreg s21;
	s0 =	sadd.s32 $0x19C00, s0  }
0x15: {  	s21 =	simm.s32 $0x7;
	[dreg:$0x6] =	wrdreg s0;
	s0 =	sshrl.u32 s26, $0x3  }
0x16: {  	v0 =	vimm.f32 $0.0e+00;
	s26 =	simm.s32 $0x6800;
	s3 =	sadd.s32 s0, s17;
	s0 =	simm.s32 $0x9000  }
.LBB2_30:
0x17: {  	_ =	swait.ge [sflag:s31], $0x2800  }
0x18: {  	[sflag:s31] =	ssyncset.done $0x0  }
0x19: {  	s6 =	stileid.u32;
	[sflag:s31] =	ssyncadd.s32 $0xFFFFD800  }
0x1a: {  	s6 =	sshll.u32 s6, $0x6;
	[bflag:$0x0] =	sbarrier.arrive $0xFFFF  }
0x1b: {  	s7 =	sshrl.u32 s8, $0x3;
	s6 =	sor.u32 $0x1C09, s6;
	s9 =	rddreg [dreg:$0x6]  }
0x1c: {  	[hbm:s9], [sflag:s6] =	dma.local [spmem:s7], $0x2800  }
0x1d: {  	_ =	swait.ge [sflag:s20], $0x2800  }
0x1e: {  	s23 =	sadd.s32 $0x1, s23;
	s25 =	rddreg [dreg:$0x7]  }
0x1f: {  	p0 =	sne.s32 s23, s25  }
.Ltmp1:
0x20: {  	_ = 	snop;
	(pc) =	sbr.rel @!p0 .LBB2_31-.Ltmp1, $3  }
0x21: {  	_ =	sdelay $0x1  }
0x22: {  	[sflag:s20] =	ssyncset.done $0x0  }
0x23: {  	[sflag:s20] =	ssyncadd.s32 $0xFFFFD800  }
.LBB2_1:
0x24: {  	s6 =	simm.s32 $0x70;
	s17 =	simm.s32 $0x3C0  }
.LBB2_2:
0x25: {  	p0 =	sne.s32 s17, $0x9FC0;
	[tilespmem:s6+$0x1800] =	vst v0  }
0x26: {  	[tilespmem:s6+$0x1790] =	vst v0  }
0x27: {  	[tilespmem:s6+$0x17A0] =	vst v0  }
.Ltmp2:
0x28: {  	[tilespmem:s6+$0x17B0] =	vst v0;
	(pc) =	sbr.rel @p0 .LBB2_2-.Ltmp2, $4  }
0x29: {  	[tilespmem:s6+$0x17C0] =	vst v0  }
0x2a: {  	[tilespmem:s6+$0x17D0] =	vst v0  }
0x2b: {  	[tilespmem:s6+$0x17E0] =	vst v0  }
0x2c: {  	[tilespmem:s6+$0x17F0] =	vst v0;
	s6 =	sshra.s32 s17, $0x2;
	s17 =	sadd.s32 $0x200, s17  }
0x2d: {  	[tilespmem:s6+$0x1800] =	vst v0  }
0x2e: {  	[tilespmem:s6+$0x1790] =	vst v0  }
0x2f: {  	[tilespmem:s6+$0x17A0] =	vst v0  }
0x30: {  	[tilespmem:s6+$0x17B0] =	vst v0  }
0x31: {  	[tilespmem:s6+$0x17C0] =	vst v0  }
0x32: {  	[tilespmem:s6+$0x17D0] =	vst v0  }
0x33: {  	[tilespmem:s6+$0x17E0] =	vst v0  }
0x34: {  	[tilespmem:s6+$0x17F0] =	vst v0  }
0x35: {  	[spmem:s8] =	stream.linear.scatter [tilespmem:s19], [sflag:$0x9], $0x2800, $0x38;
	[tilespmem:$0x1F800] =	vst v63  }
0x36: {  	_ =	swait.ge [sflag:s20], $0x2800  }
0x37: {  	[sflag:s20] =	ssyncset.done $0x0  }
0x38: {  	s7 =	rddreg [dreg:$0x8];
	[sflag:s20] =	ssyncadd.s32 $0xFFFFD800  }
0x39: {  	[spmem:s7] =	stream.linear.scatter [tilespmem:s19], [sflag:$0x9], $0x2800, $0x38;
	[tilespmem:$0x1F800] =	vst v63  }
0x3a: {  	_ =	swait.ge [sflag:s20], $0x2800  }
0x3b: {  	[sflag:s20] =	ssyncset.done $0x0  }
0x3c: {  	[sflag:s20] =	ssyncadd.s32 $0xFFFFD800  }
0x3d: {  	[spmem:s11] =	stream.linear.scatter [tilespmem:s19], [sflag:$0x9], $0x2800, $0x38;
	[tilespmem:$0x1F800] =	vst v63  }
0x3e: {  	_ =	swait.ge [sflag:s20], $0x2800  }
0x3f: {  	[sflag:s20] =	ssyncset.done $0x0  }
0x40: {  	[sflag:s20] =	ssyncadd.s32 $0xFFFFD800  }
0x41: {  	[spmem:s12] =	stream.linear.scatter [tilespmem:s19], [sflag:$0x9], $0x2800, $0x38;
	[tilespmem:$0x1F800] =	vst v63  }
0x42: {  	_ =	swait.ge [sflag:s20], $0x2800  }
0x43: {  	[sflag:s20] =	ssyncset.done $0x0  }
0x44: {  	[sflag:s20] =	ssyncadd.s32 $0xFFFFD800  }
0x45: {  	[spmem:s13] =	stream.linear.scatter [tilespmem:s19], [sflag:$0x9], $0x2800, $0x38;
	[tilespmem:$0x1F800] =	vst v63  }
0x46: {  	_ =	swait.ge [sflag:s20], $0x2800  }
0x47: {  	[sflag:s20] =	ssyncset.done $0x0  }
0x48: {  	[sflag:s20] =	ssyncadd.s32 $0xFFFFD800  }
0x49: {  	[spmem:s14] =	stream.linear.scatter [tilespmem:s19], [sflag:$0x9], $0x2800, $0x38;
	[tilespmem:$0x1F800] =	vst v63  }
0x4a: {  	_ =	swait.ge [sflag:s20], $0x2800  }
0x4b: {  	[sflag:s20] =	ssyncset.done $0x0  }
0x4c: {  	[sflag:s20] =	ssyncadd.s32 $0xFFFFD800  }
0x4d: {  	[spmem:s15] =	stream.linear.scatter [tilespmem:s19], [sflag:$0x9], $0x2800, $0x38;
	[tilespmem:$0x1F800] =	vst v63  }
0x4e: {  	_ =	swait.ge [sflag:s20], $0x2800  }
0x4f: {  	[sflag:s20] =	ssyncset.done $0x0  }
0x50: {  	[sflag:s20] =	ssyncadd.s32 $0xFFFFD800  }
0x51: {  	[spmem:s16] =	stream.linear.scatter [tilespmem:s19], [sflag:$0x9], $0x2800, $0x38;
	[tilespmem:$0x1F800] =	vst v63  }
0x52: {  	_ =	swait.ge [sflag:s20], $0x2800  }
0x53: {  	[sflag:s20] =	ssyncset.done $0x0  }
0x54: {  	[sflag:s20] =	ssyncadd.s32 $0xFFFFD800  }
0x55: {  	[bflag:$0x0] =	sbarrier.arrive $0xFFFF  }
0x56: {  	s25 =	simm.s32 $0x0;
	s9 =	rddreg [dreg:$0x4]  }
0x57: {  	[tilespmem:s25], [sflag:$0x9] =	stream.linear.gather [hbm4b:s9+s25], $0x400, $0x38;
	[tilespmem:$0x1F800] =	vst v63  }
0x58: {  	_ =	swait.ge [sflag:s20], $0x400  }
0x59: {  	[sflag:s20] =	ssyncset.done $0x0  }
0x5a: {  	s7 =	simm.s32 $0xC00;
	s10 =	rddreg [dreg:$0x5];
	[sflag:s20] =	ssyncadd.s32 $0xFFFFFC00  }
0x5b: {  	[tilespmem:s7], [sflag:$0x9] =	stream.linear.gather [hbm4b:s10+s25], $0x400, $0x38;
	[tilespmem:$0x1F800] =	vst v63  }
0x5c: {  	_ =	swait.ge [sflag:s20], $0x400  }
0x5d: {  	[sflag:s20] =	ssyncset.done $0x0  }
0x5e: {  	[sflag:s20] =	ssyncadd.s32 $0xFFFFFC00  }
0x5f: {  	[tilespmem:s19], [sflag:$0x1] =	stream.indirect.gather [hbm4b:s1+s22], $0x80, s25, s22, $0xb8;
	[tilespmem:$0x1F800] =	vst v63  }
.Ltmp3:
0x60: {  	s17 =	simm.s32 $0x80;
	(pc) =	sbr.rel .LBB2_4-.Ltmp3, $4  }
0x61: {  	[tilespmem:s24], [sflag:$0x2] =	stream.indirect.gather [hbm4b:s1+s22], $0x80, s17, s22, $0xb8;
	[tilespmem:$0x1F800] =	vst v63  }
0x62: {  	s18 =	simm.s32 $0x100  }
0x63: {  	[tilespmem:s26], [sflag:$0x3] =	stream.indirect.gather [hbm4b:s1+s22], $0x80, s18, s22, $0xb8;
	[tilespmem:$0x1F800] =	vst v63  }
0x64: {  	s17 =	smov.u32 s5;
	s18 =	smov.u32 s3  }
.LBB2_22:
0x65: {  	[tilespmem:s26], [sflag:$0x3] =	stream.indirect.gather [hbm4b:s1+s22], $0x80, s29, s22, $0xb8;
	[tilespmem:$0x1F800] =	vst v63  }
.LBB2_28:
0x66: {  	s7 =	smul.u32 $0xAB, s6;
	_ =	sdelay $0x1  }
0x67: {  	s7 =	sshrl.u32 s7, $0xC  }
0x68: {  	s7 =	sand.u32 $0xF, s7  }
0x69: {  	s7 =	smul.u32 $0x18, s7;
	_ =	sdelay $0x1  }
0x6a: {  	s10 =	ssub.s32 s6, s7  }
0x6b: {  	s6 =	sand.u32 $0xFF, s10  }
0x6c: {  	s6 =	sshll.u32 s6, $0x7  }
0x6d: {  	[tilespmem:s0], [sflag:$0x4] =	stream.indirect.gather [hbm4b:s1+s22], $0x80, s6, s22, $0xb8;
	[tilespmem:$0x1F800] =	vst v63  }
.LBB2_29:
0x6e: {  	s6 =	smul.u32 $0xAB, s25;
	_ =	sdelay $0x1  }
0x6f: {  	s7 =	sand.u32 $0x3, s25;
	s6 =	sshrl.u32 s6, $0xC  }
0x70: {  	p0 =	sgt.s32 s7, $0x1;
	s6 =	sand.u32 $0xF, s6  }
0x71: {  	p1 =	seq.s32 @p0 s7, $0x2;
	s6 =	smul.u32 $0x18, s6  }
0x72: {  	p2 =	por !p1, !p0  }
0x73: {  	s9 =	simm.s32 @!p2 $0x3;
	s6 =	ssub.s32 s25, s6  }
0x74: {  	p1 =	por p1, !p0;
	_ =	swait.ge @!p2 [sflag:s9], $0x2800;
	s6 =	sand.u32 $0xFF, s6  }
0x75: {  	s10 =	simm.s32 @!p2 $0x6800;
	[sflag:s9] =	ssyncset.done @!p2 $0x0;
	s6 =	sshll.u32 s6, $0x7  }
0x76: {  	[sflag:s9] =	ssyncadd.s32 @!p2 $0xFFFFD800;
	s9 =	simm.s32 @!p2 $0x50;
	s6 =	sadd.s32 $0xC00, s6  }
0x77: {  	[spmem:s2] =	stream.indirect.scatter.add.f32 @!p2 [tilespmem:s10], [sflag:$0x7], $0x80, s6, s9, $0xb8;
	[tilespmem:$0x1F800] =	vst v63  }
0x78: {  	s9 =	simm.s32 @!p1 $0x4  }
0x79: {  	_ =	swait.ge @!p1 [sflag:s9], $0x2800  }
0x7a: {  	[sflag:s9] =	ssyncset.done @!p1 $0x0  }
0x7b: {  	s10 =	simm.s32 @!p1 $0x9000;
	[sflag:s9] =	ssyncadd.s32 @!p1 $0xFFFFD800;
	s9 =	simm.s32 @!p1 $0x50  }
0x7c: {  	[spmem:s2] =	stream.indirect.scatter.add.f32 @!p1 [tilespmem:s10], [sflag:$0x8], $0x80, s6, s9, $0xb8;
	[tilespmem:$0x1F800] =	vst v63  }
0x7d: {  	p1 =	seq.s32 @!p0 s7, $0x0  }
0x7e: {  	p2 =	por !p1, p0  }
0x7f: {  	s7 =	simm.s32 @!p2 $0x1  }
0x80: {  	_ =	swait.ge @!p2 [sflag:s7], $0x2800  }
0x81: {  	p0 =	por p1, p0;
	[sflag:s7] =	ssyncset.done @!p2 $0x0  }
0x82: {  	s9 =	simm.s32 @!p2 $0x1800;
	[sflag:s7] =	ssyncadd.s32 @!p2 $0xFFFFD800;
	s7 =	simm.s32 @!p2 $0x50  }
0x83: {  	[spmem:s2] =	stream.indirect.scatter.add.f32 @!p2 [tilespmem:s9], [sflag:$0x5], $0x80, s6, s7, $0xb8;
	[tilespmem:$0x1F800] =	vst v63  }
0x84: {  	s7 =	simm.s32 @!p0 $0x2  }
0x85: {  	_ =	swait.ge @!p0 [sflag:s7], $0x2800  }
0x86: {  	s25 =	sadd.s32 $0x1, s25;
	[sflag:s7] =	ssyncset.done @!p0 $0x0  }
0x87: {  	s9 =	simm.s32 @!p0 $0x4000;
	[sflag:s7] =	ssyncadd.s32 @!p0 $0xFFFFD800;
	s7 =	simm.s32 @!p0 $0x50  }
0x88: {  	[spmem:s2] =	stream.indirect.scatter.add.f32 @!p0 [tilespmem:s9], [sflag:$0x6], $0x80, s6, s7, $0xb8;
	[tilespmem:$0x1F800] =	vst v63  }
0x89: {  	p0 =	sne.s32 s25, $0x80  }
.Ltmp4:
0x8a: {  	_ = 	snop;
	(pc) =	sbr.rel @!p0 .LBB2_30-.Ltmp4, $2  }
0x8b: {  	_ =	sdelay $0x2  }
0x8c: {  	s17 =	sadd.s32 $0x10, s17;
	s18 =	sadd.s32 $0x10, s18  }
.LBB2_4:
0x8d: {  	s6 =	sadd.s32 $0x3, s25  }
0x8e: {  	s7 =	sand.u32 $0x3, s6  }
0x8f: {  	p0 =	sgt.s32 s7, $0x1  }
.Ltmp5:
0x90: {  	_ = 	snop;
	(pc) =	sbr.rel @p0 .LBB2_23-.Ltmp5, $1  }
0x91: {  	_ =	sdelay $0x3  }
0x92: {  	p0 =	seq.s32 s7, $0x0  }
.Ltmp6:
0x93: {  	_ = 	snop;
	(pc) =	sbr.rel @!p0 .LBB2_11-.Ltmp6, $1  }
0x94: {  	_ =	sdelay $0x3  }
0x95: {  	p0 =	seq.s32 s25, $0x0  }
.Ltmp7:
0x96: {  	_ = 	snop;
	(pc) =	sbr.rel @p0 .LBB2_10-.Ltmp7, $1  }
0x97: {  	_ =	sdelay $0x3  }
0x98: {  	s7 =	sand.u32 $0x7, s6;
	p0 =	sgt.u32 s25, $0x7C  }
0x99: {  	p1 =	sne.s32 @!p0 s7, $0x0  }
0x9a: {  	p1 =	por p0, p1  }
.Ltmp8:
0x9b: {  	_ = 	snop;
	(pc) =	sbr.rel @p1 .LBB2_9-.Ltmp8, $4  }
0x9c: {  	_ = 	snop  }
0x9d: {  	_ =	swait.ge [sflag:s28], $0x2800  }
0x9e: {  	[sflag:s28] =	ssyncset.done $0x0  }
0x9f: {  	[sflag:s28] =	ssyncadd.s32 $0xFFFFD800  }
0xa0: {  	s7 =	sshrl.u32 s6, $0x3  }
0xa1: {  	s9 =	smul.u32 $0xAB, s7;
	_ =	sdelay $0x1  }
0xa2: {  	s9 =	sshrl.u32 s9, $0x9  }
0xa3: {  	s9 =	sand.u32 $0x7F, s9  }
0xa4: {  	s9 =	smul.u32 $0x3, s9;
	_ =	sdelay $0x1  }
0xa5: {  	s7 =	ssub.s32 s7, s9  }
0xa6: {  	s7 =	sand.u32 $0xFF, s7  }
0xa7: {  	s7 =	sshll.u32 s7, $0xA  }
0xa8: {  	[tilespmem:s7], [sflag:$0x9] =	stream.linear.gather [hbm4b:s18+s4], $0x400, $0x38;
	[tilespmem:$0x1F800] =	vst v63  }
0xa9: {  	_ =	swait.ge [sflag:s20], $0x400  }
0xaa: {  	[sflag:s20] =	ssyncset.done $0x0  }
0xab: {  	s7 =	sadd.s32 $0xC00, s7;
	[sflag:s20] =	ssyncadd.s32 $0xFFFFFC00  }
0xac: {  	[tilespmem:s7], [sflag:$0x9] =	stream.linear.gather [hbm4b:s17+s4], $0x400, $0x38;
	[tilespmem:$0x1F800] =	vst v63  }
0xad: {  	_ =	swait.ge [sflag:s20], $0x400  }
0xae: {  	[sflag:s20] =	ssyncset.done $0x0  }
0xaf: {  	[sflag:s20] =	ssyncadd.s32 $0xFFFFFC00  }
.LBB2_10:
0xb0: {  	s7 =	smul.u32 $0xAB, s6;
	_ =	sdelay $0x1  }
0xb1: {  	s7 =	sshrl.u32 s7, $0xC  }
0xb2: {  	s7 =	sand.u32 $0xF, s7  }
0xb3: {  	s7 =	smul.u32 $0x18, s7  }
.Ltmp9:
0xb4: {  	_ = 	snop;
	(pc) =	sbr.rel .LBB2_29-.Ltmp9, $4  }
0xb5: {  	s10 =	ssub.s32 s6, s7  }
0xb6: {  	s6 =	sand.u32 $0xFF, s10  }
0xb7: {  	s6 =	sshll.u32 s6, $0x7  }
0xb8: {  	[tilespmem:s19], [sflag:$0x1] =	stream.indirect.gather [hbm4b:s1+s22], $0x80, s6, s22, $0xb8;
	[tilespmem:$0x1F800] =	vst v63  }
.LBB2_23:
0xb9: {  	p1 =	seq.s32 s7, $0x2  }
.Ltmp10:
0xba: {  	_ = 	snop;
	(pc) =	sbr.rel @!p1 .LBB2_24-.Ltmp10, $2  }
0xbb: {  	_ =	sdelay $0x2  }
0xbc: {  	p0 =	seq.s32 s25, $0x0  }
.Ltmp11:
0xbd: {  	(pc) =	sbr.rel @p0 .LBB2_22-.Ltmp11, $1  }
0xbe: {  	_ =	sdelay $0x3  }
0xbf: {  	s7 =	sand.u32 $0x7, s6;
	p0 =	sgt.u32 s25, $0x7C  }
0xc0: {  	p1 =	sne.s32 @!p0 s7, $0x0  }
0xc1: {  	p1 =	por p0, p1  }
.Ltmp12:
0xc2: {  	_ = 	snop;
	(pc) =	sbr.rel @p1 .LBB2_20-.Ltmp12, $4  }
0xc3: {  	_ = 	snop  }
0xc4: {  	_ =	swait.ge [sflag:s21], $0x2800  }
0xc5: {  	[sflag:s21] =	ssyncset.done $0x0  }
0xc6: {  	[sflag:s21] =	ssyncadd.s32 $0xFFFFD800  }
0xc7: {  	s7 =	sshrl.u32 s6, $0x3  }
0xc8: {  	s9 =	smul.u32 $0xAB, s7;
	_ =	sdelay $0x1  }
0xc9: {  	s9 =	sshrl.u32 s9, $0x9  }
0xca: {  	s9 =	sand.u32 $0x7F, s9  }
0xcb: {  	s9 =	smul.u32 $0x3, s9;
	_ =	sdelay $0x1  }
0xcc: {  	s7 =	ssub.s32 s7, s9  }
0xcd: {  	s7 =	sand.u32 $0xFF, s7  }
0xce: {  	s7 =	sshll.u32 s7, $0xA  }
0xcf: {  	[tilespmem:s7], [sflag:$0x9] =	stream.linear.gather [hbm4b:s18+s4], $0x400, $0x38;
	[tilespmem:$0x1F800] =	vst v63  }
0xd0: {  	_ =	swait.ge [sflag:s20], $0x400  }
0xd1: {  	[sflag:s20] =	ssyncset.done $0x0  }
0xd2: {  	s7 =	sadd.s32 $0xC00, s7;
	[sflag:s20] =	ssyncadd.s32 $0xFFFFFC00  }
0xd3: {  	[tilespmem:s7], [sflag:$0x9] =	stream.linear.gather [hbm4b:s17+s4], $0x400, $0x38;
	[tilespmem:$0x1F800] =	vst v63  }
0xd4: {  	_ =	swait.ge [sflag:s20], $0x400  }
0xd5: {  	[sflag:s20] =	ssyncset.done $0x0  }
0xd6: {  	[sflag:s20] =	ssyncadd.s32 $0xFFFFFC00  }
.LBB2_21:
0xd7: {  	s7 =	smul.u32 $0xAB, s6;
	_ =	sdelay $0x1  }
0xd8: {  	s7 =	sshrl.u32 s7, $0xC  }
0xd9: {  	s7 =	sand.u32 $0xF, s7  }
0xda: {  	s7 =	smul.u32 $0x18, s7  }
.Ltmp13:
0xdb: {  	_ = 	snop;
	(pc) =	sbr.rel .LBB2_29-.Ltmp13, $4  }
0xdc: {  	s10 =	ssub.s32 s6, s7  }
0xdd: {  	s6 =	sand.u32 $0xFF, s10  }
0xde: {  	s6 =	sshll.u32 s6, $0x7  }
0xdf: {  	[tilespmem:s26], [sflag:$0x3] =	stream.indirect.gather [hbm4b:s1+s22], $0x80, s6, s22, $0xb8;
	[tilespmem:$0x1F800] =	vst v63  }
.LBB2_11:
0xe0: {  	p0 =	seq.s32 s25, $0x0  }
.Ltmp14:
0xe1: {  	_ = 	snop;
	(pc) =	sbr.rel @p0 .LBB2_16-.Ltmp14, $1  }
0xe2: {  	_ =	sdelay $0x3  }
0xe3: {  	s7 =	sand.u32 $0x7, s6;
	p0 =	sgt.u32 s25, $0x7C  }
0xe4: {  	p1 =	sne.s32 @!p0 s7, $0x0  }
0xe5: {  	p1 =	por p0, p1  }
.Ltmp15:
0xe6: {  	_ = 	snop;
	(pc) =	sbr.rel @p1 .LBB2_14-.Ltmp15, $4  }
0xe7: {  	_ = 	snop  }
0xe8: {  	_ =	swait.ge [sflag:s30], $0x2800  }
0xe9: {  	[sflag:s30] =	ssyncset.done $0x0  }
0xea: {  	[sflag:s30] =	ssyncadd.s32 $0xFFFFD800  }
0xeb: {  	s7 =	sshrl.u32 s6, $0x3  }
0xec: {  	s9 =	smul.u32 $0xAB, s7;
	_ =	sdelay $0x1  }
0xed: {  	s9 =	sshrl.u32 s9, $0x9  }
0xee: {  	s9 =	sand.u32 $0x7F, s9  }
0xef: {  	s9 =	smul.u32 $0x3, s9;
	_ =	sdelay $0x1  }
0xf0: {  	s7 =	ssub.s32 s7, s9  }
0xf1: {  	s7 =	sand.u32 $0xFF, s7  }
0xf2: {  	s7 =	sshll.u32 s7, $0xA  }
0xf3: {  	[tilespmem:s7], [sflag:$0x9] =	stream.linear.gather [hbm4b:s18+s4], $0x400, $0x38;
	[tilespmem:$0x1F800] =	vst v63  }
0xf4: {  	_ =	swait.ge [sflag:s20], $0x400  }
0xf5: {  	[sflag:s20] =	ssyncset.done $0x0  }
0xf6: {  	s7 =	sadd.s32 $0xC00, s7;
	[sflag:s20] =	ssyncadd.s32 $0xFFFFFC00  }
0xf7: {  	[tilespmem:s7], [sflag:$0x9] =	stream.linear.gather [hbm4b:s17+s4], $0x400, $0x38;
	[tilespmem:$0x1F800] =	vst v63  }
0xf8: {  	_ =	swait.ge [sflag:s20], $0x400  }
0xf9: {  	[sflag:s20] =	ssyncset.done $0x0  }
0xfa: {  	[sflag:s20] =	ssyncadd.s32 $0xFFFFFC00  }
.LBB2_15:
0xfb: {  	s7 =	smul.u32 $0xAB, s6;
	_ =	sdelay $0x1  }
0xfc: {  	s7 =	sshrl.u32 s7, $0xC  }
0xfd: {  	s7 =	sand.u32 $0xF, s7  }
0xfe: {  	s7 =	smul.u32 $0x18, s7  }
.Ltmp16:
0xff: {  	_ = 	snop;
	(pc) =	sbr.rel .LBB2_29-.Ltmp16, $4  }
0x100: {  	s10 =	ssub.s32 s6, s7  }
0x101: {  	s6 =	sand.u32 $0xFF, s10  }
0x102: {  	s6 =	sshll.u32 s6, $0x7  }
0x103: {  	[tilespmem:s24], [sflag:$0x2] =	stream.indirect.gather [hbm4b:s1+s22], $0x80, s6, s22, $0xb8;
	[tilespmem:$0x1F800] =	vst v63  }
.LBB2_24:
.Ltmp17:
0x104: {  	(pc) =	sbr.rel @p0 .LBB2_28-.Ltmp17, $1  }
0x105: {  	_ =	sdelay $0x3  }
0x106: {  	s7 =	sand.u32 $0x7, s6;
	p0 =	sgt.u32 s25, $0x7C  }
0x107: {  	p1 =	sne.s32 @!p0 s7, $0x0  }
0x108: {  	p1 =	por p0, p1  }
.Ltmp18:
0x109: {  	_ = 	snop;
	(pc) =	sbr.rel @p1 .LBB2_27-.Ltmp18, $4  }
0x10a: {  	_ = 	snop  }
0x10b: {  	_ =	swait.ge [sflag:s31], $0x2800  }
0x10c: {  	[sflag:s31] =	ssyncset.done $0x0  }
0x10d: {  	[sflag:s31] =	ssyncadd.s32 $0xFFFFD800  }
0x10e: {  	s7 =	sshrl.u32 s6, $0x3  }
0x10f: {  	s9 =	smul.u32 $0xAB, s7;
	_ =	sdelay $0x1  }
0x110: {  	s9 =	sshrl.u32 s9, $0x9  }
0x111: {  	s9 =	sand.u32 $0x7F, s9  }
0x112: {  	s9 =	smul.u32 $0x3, s9;
	_ =	sdelay $0x1  }
0x113: {  	s7 =	ssub.s32 s7, s9  }
0x114: {  	s7 =	sand.u32 $0xFF, s7  }
0x115: {  	s7 =	sshll.u32 s7, $0xA  }
0x116: {  	[tilespmem:s7], [sflag:$0x9] =	stream.linear.gather [hbm4b:s18+s4], $0x400, $0x38;
	[tilespmem:$0x1F800] =	vst v63  }
0x117: {  	_ =	swait.ge [sflag:s20], $0x400  }
0x118: {  	[sflag:s20] =	ssyncset.done $0x0  }
.Ltmp19:
0x119: {  	s7 =	sadd.s32 $0xC00, s7;
	[sflag:s20] =	ssyncadd.s32 $0xFFFFFC00;
	(pc) =	sbr.rel .LBB2_28-.Ltmp19, $4  }
0x11a: {  	[tilespmem:s7], [sflag:$0x9] =	stream.linear.gather [hbm4b:s17+s4], $0x400, $0x38;
	[tilespmem:$0x1F800] =	vst v63  }
0x11b: {  	_ =	swait.ge [sflag:s20], $0x400  }
0x11c: {  	[sflag:s20] =	ssyncset.done $0x0  }
0x11d: {  	[sflag:s20] =	ssyncadd.s32 $0xFFFFFC00  }
.LBB2_16:
.Ltmp20:
0x11e: {  	(pc) =	sbr.rel .LBB2_28-.Ltmp20, $2  }
0x11f: {  	_ =	sdelay $0x2  }
0x120: {  	[tilespmem:s24], [sflag:$0x2] =	stream.indirect.gather [hbm4b:s1+s22], $0x80, s29, s22, $0xb8;
	[tilespmem:$0x1F800] =	vst v63  }
.LBB2_9:
.Ltmp21:
0x121: {  	(pc) =	sbr.rel @p0 .LBB2_29-.Ltmp21, $4  }
.Ltmp22:
0x122: {  	(pc) =	sbr.rel @!p0 .LBB2_10-.Ltmp22, $4  }
0x123: {  	_ = 	snop  }
0x124: {  	_ = 	snop  }
0x125: {  	_ = 	snop  }
0x126: {  	_ = 	snop  }
.LBB2_20:
.Ltmp23:
0x127: {  	(pc) =	sbr.rel @p0 .LBB2_29-.Ltmp23, $4  }
.Ltmp24:
0x128: {  	(pc) =	sbr.rel @!p0 .LBB2_21-.Ltmp24, $4  }
0x129: {  	_ = 	snop  }
0x12a: {  	_ = 	snop  }
0x12b: {  	_ = 	snop  }
0x12c: {  	_ = 	snop  }
.LBB2_14:
.Ltmp25:
0x12d: {  	(pc) =	sbr.rel @p0 .LBB2_29-.Ltmp25, $4  }
.Ltmp26:
0x12e: {  	(pc) =	sbr.rel @!p0 .LBB2_15-.Ltmp26, $4  }
0x12f: {  	_ = 	snop  }
0x130: {  	_ = 	snop  }
0x131: {  	_ = 	snop  }
0x132: {  	_ = 	snop  }
.LBB2_27:
.Ltmp27:
0x133: {  	(pc) =	sbr.rel @p0 .LBB2_29-.Ltmp27, $4  }
.Ltmp28:
0x134: {  	(pc) =	sbr.rel @!p0 .LBB2_28-.Ltmp28, $4  }
0x135: {  	_ = 	snop  }
0x136: {  	_ = 	snop  }
0x137: {  	_ = 	snop  }
0x138: {  	_ = 	snop  }
.LBB2_31:
0x139: {  	_ =	sfence.sel $0x180000  }
0x13a: {  	[bflag:$0x0] =	sbarrier.arrive $0xFFFF  }
0x13b: {  	_ =	strace $0x9000004D  }
0x13c: {  	s0 =	stileid.u32;
	[bflag:$0x2] =	sbarrier.arrive $0xFFFF  }
0x13d: {  	p0 =	sne.s32 s0, $0x0;
	s0 =	rddreg [dreg:$0x3]  }
0x13e: {  	s0 =	sadd.s32 @!p0 $0x100000, s0  }
0x13f: {  	[sflag:s0] =	ssyncadd.tile.s32 @!p0 $0x1;
	_ =	shalt  }
.Lfunc_end2:
_tile_overlayer_lowered:
.L_overlay_start_2:
0x140: {  	(tag) =	ssettag $0x2  }
0x141: {  	s0 =	rddreg [dreg:$0x0];
	s2 =	stileid.u32  }
0x142: {  	s1 =	rddreg [dreg:$0x1];
	p0 =	sne.s32 s2, $0x0  }
0x143: {  	s3 =	rddreg [dreg:$0x2];
	[bflag:$0x3] =	sbarrier.arrive $0xFFFF;
	s2 =	simm.s32 @!p0 $0x1C09  }
0x144: {  	[timem:s3], [sflag:s2] =	dma.local @!p0 [hbm:s0], s1  }
0x145: {  	s0 =	simm.s32 @!p0 $0x9  }
0x146: {  	_ =	swait.ge @!p0 [sflag:s0], s1  }
0x147: {  	s1 =	ssub.s32 @!p0 $0x0, s1;
	[sflag:s0] =	ssyncset.done @!p0 $0x0  }
0x148: {  	[sflag:s0] =	ssyncadd.s32 @!p0 s1  }
0x149: {  	[bflag:$0x3] =	sbarrier.arrive $0xFFFF  }
0x14a: {  	_ =	shalt  }

// kernel: kernel.8.cloned.1.call-start
scs
__scs_entry_jumppad:
0x0: {  	(pc) =	sbr.rel $0x88, $3  }
0x1: {  	(tag) =	ssettag $0x0;
	lr =	simm.s32 $0x1  }
0x2: {  	[smem:$0x3F9B] =	sst lr;
	_ =	strace $0xD0000000  }
0x3: {  	_ = 	snop  }
0x4: {  	_ = 	snop  }
0x5: {  	_ = 	snop  }
0x6: {  	_ = 	snop  }
0x7: {  	_ = 	snop  }
__scs_overlays_trampoline_lowered:
0x8: {  	[smem:$0x3FAA] =	sst s0  }
0x9: {  	[smem:$0x3FAB] =	sst s1  }
0xa: {  	[smem:$0x3FAC] =	sst s2  }
0xb: {  	[smem:$0x3FAD] =	sst s3  }
0xc: {  	[smem:$0x3FAE] =	sst s4  }
0xd: {  	[smem:$0x3FAF] =	sst s5  }
0xe: {  	[smem:$0x3FB0] =	sst s6  }
0xf: {  	[smem:$0x3FB1] =	sst s7  }
0x10: {  	[smem:$0x3FB2] =	sst s8  }
0x11: {  	[smem:$0x3FB3] =	sst s9;
	s0 =	simm.s32 @!p0 $0x0  }
0x12: {  	s1 =	sld [smem:$0x3F99];
	s0 =	simm.s32 @p0 $0x1  }
0x13: {  	[smem:$0x3FB4] =	sst s0;
	s0 =	simm.s32 @!p1 $0x0  }
0x14: {  	s2 =	sld [smem:$0x3F98];
	s0 =	simm.s32 @p1 $0x1  }
0x15: {  	[smem:$0x3FB5] =	sst s0;
	s0 =	simm.s32 @!p2 $0x0  }
0x16: {  	s3 =	sld [smem:$0x3FDB];
	s0 =	simm.s32 @p2 $0x1  }
0x17: {  	s4 =	simm.s32 $0x1BF5;
	[smem:$0x3FB7] =	sst s0  }
0x18: {  	s0 =	sld [smem:$0x3F9A];
	_ =	swait.ge [sflag:s4], $0x0  }
0x19: {  	s7 =	sld [smem:$0x3F9B]  }
0x1a: {  	s8 =	sadd.s32 $0xFFFFE003, lr  }
0x1b: {  	s9 =	sadd.s32 $0xFFFFFEF7, lr;
	s5 =	simm.s32 $0xFFFFFFFF;
	p2 =	slt.u32 s8, $0xFFFFF086  }
0x1c: {  	p1 =	slt.u32 s9, $0xF7A;
	s5 =	simm.s32 @!p2 $0x0  }
0x1d: {  	s5 =	simm.s32 @p1 $0x1;
	p0 =	seq.s32 s7, s2  }
0x1e: {  	s7 =	smul.u32 @!p0 $0xF7A, s2;
	p2 =	seq.s32 @!p0 s5, $0x0  }
0x1f: {  	s9 =	smul.u32 $0xF7A, s1;
	s8 =	simm.s32 @!p0 $0x1BF5;
	p2 =	por !p2, p0  }
0x20: {  	[sflag:s8] =	ssyncset.s32 @!p0 $0xFFFFF086;
	s6 =	sadd.s32 @!p0 s3, s7;
	s7 =	simm.s32 @!p0 $0x108  }
0x21: {  	s3 =	sadd.s32 s3, s9;
	s6 =	sadd.s32 @!p0 $0x88, s6;
	s7 =	simm.s32 @p2 $0x1082  }
0x22: {  	[simem:s7], [sflag:s8] =	dma.local @!p0 [hbm:s6], $0xF7A  }
0x23: {  	s9 =	sor.u32 $0xD0000000, s2;
	s6 =	simm.s32 $0x108;
	_ =	swait.ge @!p0 [sflag:s8], $0x0  }
0x24: {  	s3 =	sadd.s32 $0x88, s3;
	s6 =	simm.s32 @!p1 $0x1082;
	[sflag:s4] =	ssyncset.s32 $0xFFFFF086  }
0x25: {  	[simem:s6], [sflag:s4] =	dma.local [hbm:s3], $0xF7A  }
0x26: {  	[smem:$0x3F9B] =	sst s1;
	(tag) =	ssettag s2;
	_ =	strace s9  }
0x27: {  	s1 =	sld [smem:$0x3FAB]  }
0x28: {  	s2 =	sld [smem:$0x3FAC]  }
0x29: {  	s4 =	sld [smem:$0x3FAE]  }
0x2a: {  	p0 =	seq.s32 s5, $0x0;
	s5 =	sld [smem:$0x3FAF]  }
0x2b: {  	s6 =	sld [smem:$0x3FB0]  }
0x2c: {  	s7 =	sld [smem:$0x3FB1]  }
0x2d: {  	s3 =	simm.s32 $0x108;
	s8 =	sld [smem:$0x3FB2]  }
0x2e: {  	s3 =	simm.s32 @!p0 $0x1082;
	s9 =	sld [smem:$0x3FB3]  }
0x2f: {  	lr =	sadd.s32 s0, s3;
	s0 =	sld [smem:$0x3FAA]  }
0x30: {  	s3 =	sld [smem:$0x3FAD]  }
0x31: {  	[smem:$0x3FB6] =	sst s10  }
0x32: {  	s10 =	sld [smem:$0x3FB4];
	_ =	sdelay $0x3  }
0x33: {  	p0 =	seq.s32 s10, $0x1;
	s10 =	sld [smem:$0x3FB6];
	_ =	sdelay $0x3  }
0x34: {  	[smem:$0x3FB6] =	sst s10  }
0x35: {  	s10 =	sld [smem:$0x3FB5];
	_ =	sdelay $0x3  }
0x36: {  	p1 =	seq.s32 s10, $0x1;
	s10 =	sld [smem:$0x3FB6];
	_ =	sdelay $0x3  }
0x37: {  	[smem:$0x3FB6] =	sst s10  }
0x38: {  	s10 =	sld [smem:$0x3FB7]  }
0x39: {  	_ = 	snop;
	(pc) =	sbr.ind lr, $3  }
0x3a: {  	_ = 	snop  }
0x3b: {  	_ = 	snop  }
0x3c: {  	p2 =	seq.s32 s10, $0x1;
	s10 =	sld [smem:$0x3FB6]  }
0x3d: {  	_ =	shalt  }
0x3e: {  	_ =	shalt  }
0x3f: {  	_ =	shalt  }
0x40: {  	_ =	shalt  }
0x41: {  	_ =	shalt  }
0x42: {  	_ =	shalt  }
0x43: {  	_ =	shalt  }
0x44: {  	_ =	shalt  }
0x45: {  	_ =	shalt  }
0x46: {  	_ =	shalt  }
0x47: {  	_ =	shalt  }
0x48: {  	_ =	shalt  }
0x49: {  	_ =	shalt  }
0x4a: {  	_ =	shalt  }
0x4b: {  	_ =	shalt  }
0x4c: {  	_ =	shalt  }
0x4d: {  	_ =	shalt  }
0x4e: {  	_ =	shalt  }
0x4f: {  	_ =	shalt  }
0x50: {  	_ =	shalt  }
0x51: {  	_ =	shalt  }
0x52: {  	_ =	shalt  }
0x53: {  	_ =	shalt  }
0x54: {  	_ =	shalt  }
0x55: {  	_ =	shalt  }
0x56: {  	_ =	shalt  }
0x57: {  	_ =	shalt  }
0x58: {  	_ =	shalt  }
0x59: {  	_ =	shalt  }
0x5a: {  	_ =	shalt  }
0x5b: {  	_ =	shalt  }
0x5c: {  	_ =	shalt  }
0x5d: {  	_ =	shalt  }
0x5e: {  	_ =	shalt  }
0x5f: {  	_ =	shalt  }
0x60: {  	_ =	shalt  }
0x61: {  	_ =	shalt  }
0x62: {  	_ =	shalt  }
0x63: {  	_ =	shalt  }
0x64: {  	_ =	shalt  }
0x65: {  	_ =	shalt  }
0x66: {  	_ =	shalt  }
0x67: {  	_ =	shalt  }
0x68: {  	_ =	shalt  }
0x69: {  	_ =	shalt  }
0x6a: {  	_ =	shalt  }
0x6b: {  	_ =	shalt  }
0x6c: {  	_ =	shalt  }
0x6d: {  	_ =	shalt  }
0x6e: {  	_ =	shalt  }
0x6f: {  	_ =	shalt  }
0x70: {  	_ =	shalt  }
0x71: {  	_ =	shalt  }
0x72: {  	_ =	shalt  }
0x73: {  	_ =	shalt  }
0x74: {  	_ =	shalt  }
0x75: {  	_ =	shalt  }
0x76: {  	_ =	shalt  }
0x77: {  	_ =	shalt  }
0x78: {  	_ =	shalt  }
0x79: {  	_ =	shalt  }
0x7a: {  	_ =	shalt  }
0x7b: {  	_ =	shalt  }
0x7c: {  	_ =	shalt  }
0x7d: {  	_ =	shalt  }
0x7e: {  	_ =	shalt  }
0x7f: {  	_ =	shalt  }
0x80: {  	_ =	shalt  }
0x81: {  	_ =	shalt  }
0x82: {  	_ =	shalt  }
0x83: {  	_ =	shalt  }
0x84: {  	_ =	shalt  }
0x85: {  	_ =	shalt  }
0x86: {  	_ =	shalt  }
0x87: {  	_ =	shalt  }
.Lfunc_end0:
.L_simem_size_0:
called_computation_lowered:
.L_overlay_start_0:
0x88: {  	s2 =	sld [smem:$0x3FD9]  }
0x89: {  	s3 =	sld [smem:$0x3FFE];
	_ =	sdelay $0x1  }
0x8a: {  	s1 =	srdreg.scid  }
0x8b: {  	s0 =	sand.u32 $0x1, s1  }
0x8c: {  	s17 =	sshll.u32 s0, $0xA;
	s2 =	sadd.s32 s3, s2  }
0x8d: {  	s2 =	sadd.s32 s2, s17  }
0x8e: {  	[smem:$0x3FC2] =	sst s2  }
0x8f: {  	_ = 	snop  }
0x90: {  	s2 =	sld [smem:$0x3FD0];
	(tm) =	ssettm $0x1  }
0x91: {  	s18 =	sld [smem:$0x3FFB];
	_ =	sdelay $0x3  }
0x92: {  	_ =	strace s18  }
0x93: {  	s3 =	sld [smem:$0x3FFC];
	_ =	sdelay $0x3  }
0x94: {  	_ =	strace s3  }
0x95: {  	s3 =	sld [smem:$0x3FFD];
	_ =	sdelay $0x3  }
0x96: {  	_ =	strace s3  }
0x97: {  	_ =	strace $0x8FFFFFFF  }
0x98: {  	s19 =	sld [smem:$0x3FDB];
	_ =	sdelay $0x1  }
0x99: {  	s4 =	simm.s32 $_scs_section_size  }
0x9a: {  	s5 =	simm.s32 $_size__tile_overlayer_lowered;
	s6 =	simm.s32 $_tile_overlayer_lowered  }
0x9b: {  	s22 =	simm.s32 $0x1BFF;
	s21 =	sshll.u32 s6, $0x1;
	s3 =	sadd.s32 s4, s19  }
0x9c: {  	s7 =	simm.s32 $0x0;
	s20 =	sshll.u32 s5, $0x1;
	s5 =	sadd.s32 s21, s3  }
0x9d: {  	[timem:s7], [sflag:s22] =	dma.local [hbm:s5], s20  }
0x9e: {  	_ =	swait.ge [sflag:s22], s20  }
0x9f: {  	s4 =	ssub.s32 $0x0, s20;
	[sflag:s22] =	ssyncset.done $0x0  }
0xa0: {  	[sflag:s22] =	ssyncadd.s32 s4;
	_ =	sdelay $0x1  }
0xa1: {  	s23 =	simm.s32 $0x1B8B  }
0xa2: {  	_ =	swait.ge [sflag:s23], $0x1  }
0xa3: {  	[sflag:s23] =	ssyncset.done $0x0  }
0xa4: {  	s25 =	simm.s32 $0x1B8E;
	s24 =	sld [smem:$0x3FFE];
	[sflag:s23] =	ssyncadd.s32 $0xFFFFFFFF  }
0xa5: {  	s26 =	simm.s32 $execute0_lowered;
	[smem:$0x3FD2] =	sst s25  }
0xa6: {  	s5 =	sshll.u32 s26, $0x1;
	_ =	strace $0x80000046;
	[dreg:$0x1] =	wrdreg $0xFFFFFFFF  }
0xa7: {  	s28 =	simm.s32 $_size_execute0_lowered;
	s3 =	sadd.s32 s3, s5;
	[dreg:$0x0] =	wrdreg $0x0  }
0xa8: {  	s5 =	sshll.u32 s28, $0x1;
	[dreg:$0x2] =	wrdreg s3  }
0xa9: {  	[dreg:$0x3] =	wrdreg s5  }
0xaa: {  	[dreg:$0x4] =	wrdreg $0xC0  }
0xab: {  	_ =	task [dreg:s7], $0x5FFFF  }
0xac: {  	[dreg:$0x1] =	wrdreg $0xFFFFFFFF  }
0xad: {  	[dreg:$0x0] =	wrdreg $0x60  }
0xae: {  	[dreg:$0x2] =	wrdreg s2  }
0xaf: {  	[dreg:$0x3] =	wrdreg s24  }
0xb0: {  	[dreg:$0x4] =	wrdreg $0x17000  }
0xb1: {  	[dreg:$0x5] =	wrdreg $0x9  }
0xb2: {  	_ =	task.clear_ibuf [dreg:s7], $0x6FFFF;
	_ =	strace $0x90000046  }
0xb3: {  	s29 =	simm.s32 $0x9;
	_ =	strace $0x80000048  }
0xb4: {  	_ =	swait.ge [sflag:s29], $0x1  }
0xb5: {  	[sflag:s29] =	ssyncadd.s32 $0xFFFFFFFF  }
0xb6: {  	_ =	strace $0x90000048  }
0xb7: {  	_ =	sfence  }
0xb8: {  	s30 =	sld [smem:$0x0];
	_ =	sdelay $0x2  }
0xb9: {  	s31 =	sshll.u32 s1, $0xD;
	s1 =	sshrl.u32 s1, $0x2  }
0xba: {  	s3 =	sand.u32 $0x4000, s31;
	s1 =	sadd.s32 s1, s30  }
0xbb: {  	s0 =	sor.u32 s3, s0;
	s1 =	sshll.u32 s1, $0x11  }
0xbc: {  	s0 =	sor.u32 s1, s0  }
0xbd: {  	s0 =	sadd.s32 $0x8F2B, s0  }
0xbe: {  	[sflag:s0] =	ssyncadd.remote.s32 $0x1  }
0xbf: {  	_ =	sfence.sel $0xFFFF  }
0xc0: {  	[dreg:$0x0] =	wrdreg $0xFFFFFFFF;
	(pc) =	sbr.abs _section_cstart, $3  }
0xc1: {  	[dreg:$0x1] =	wrdreg $0xFFFFFFFF  }
0xc2: {  	_ =	task.clear_ibuf [dreg:s7], $0x2FFFF;
	_ =	strace $0x9FFFFFFF  }
0xc3: {  	(tm) =	ssettm $0x7FFFFFFF  }
tec
execute0_lowered:
.L_overlay_start_1:
0x0: {  	(tag) =	ssettag $0x1  }
0x1: {  	s4 =	rddreg [dreg:$0x0]  }
0x2: {  	s5 =	rddreg [dreg:$0x1]  }
0x3: {  	s2 =	rddreg [dreg:$0x2]  }
0x4: {  	s3 =	srdreg.scid;
	s1 =	stileid.u32  }
0x5: {  	s0 =	rddreg [dreg:$0x3];
	s11 =	simm.s32 $0x1400;
	s14 =	simm.s32 $0x20  }
0x6: {  	s15 =	simm.s32 $0x10;
	s16 =	simm.s32 $0x0;
	s7 =	smul.u32 $0x500, s1  }
0x7: {  	s6 =	sand.u32 $0x1, s3;
	s3 =	simm.s32 $0x0;
	s26 =	smul.u32 $0x1400, s1  }
0x8: {  	s10 =	smul.u32 $0xA00, s1;
	s12 =	sshll.u32 s1, $0x6;
	s8 =	sshll.u32 s6, $0x7  }
0x9: {  	s9 =	smul.u32 $0x14000, s6;
	[smem:$0x7FF] =	sst s3;
	s28 =	ssub.s32 $0x2, s6  }
0xa: {  	s12 =	sor.u32 $0x1C01, s12;
	s7 =	sor.u32 s8, s7;
	_ =	strace $0x80000047  }
0xb: {  	s30 =	sshrl.u32 s28, $0x1;
	s31 =	sshrl.u32 s10, $0x2;
	s10 =	simm.s32 $0x80  }
0xc: {  	s7 =	sshrl.u32 s7, $0x3;
	s29 =	sadd.s32 s26, s9;
	s8 =	ssub.s32 s28, s30  }
0xd: {  	s9 =	simm.s32 $0x1480;
	s7 =	sadd.s32 s7, s5;
	s6 =	sshrl.u32 s29, $0x3  }
0xe: {  	s5 =	sadd.s32 s31, s2;
	s4 =	sadd.s32 s4, s6;
	s6 =	sadd.s32 $0x1200, s7  }
0xf: {  	v0 =	vimm.f32 $1.000000000e+00;
	v1 =	vimm.f32 $0.0e+00;
	s7 =	smax.u32 s8, $0x1;
	s8 =	simm.s32 $0x1;
	s13 =	sshrl.u32 s5, $0x3  }
.LBB2_1:
0x10: {  	[tilespmem:s3], [sflag:$0x1] =	stream.linear.gather [hbm4b:s4+s3], $0x1400, $0x38;
	[tilespmem:$0x1980] =	vst v63  }
0x11: {  	_ =	swait.ge [sflag:s8], $0x1400  }
0x12: {  	[sflag:s8] =	ssyncset.done $0x0  }
0x13: {  	[sflag:s8] =	ssyncadd.s32 $0xFFFFEC00  }
0x14: {  	[tilespmem:$0x1400] =	vst v0  }
0x15: {  	[tilespmem:$0x1410] =	vst v0  }
0x16: {  	[tilespmem:$0x1420] =	vst v0  }
0x17: {  	[tilespmem:$0x1430] =	vst v0  }
0x18: {  	[tilespmem:$0x1440] =	vst v0  }
0x19: {  	[tilespmem:$0x1450] =	vst v0  }
0x1a: {  	[tilespmem:$0x1460] =	vst v0  }
0x1b: {  	[tilespmem:$0x1470] =	vst v0  }
0x1c: {  	[tilespmem:$0x1480] =	vst v1  }
0x1d: {  	[tilespmem:$0x1490] =	vst v1  }
0x1e: {  	[tilespmem:$0x14A0] =	vst v1  }
0x1f: {  	[tilespmem:$0x14B0] =	vst v1  }
0x20: {  	[tilespmem:$0x14C0] =	vst v1  }
0x21: {  	[tilespmem:$0x14D0] =	vst v1  }
0x22: {  	[tilespmem:$0x14E0] =	vst v1  }
0x23: {  	[tilespmem:$0x14F0] =	vst v1  }
0x24: {  	[tilespmem:$0x1500] =	vst v1  }
0x25: {  	[tilespmem:$0x1510] =	vst v1  }
0x26: {  	[tilespmem:$0x1520] =	vst v1  }
0x27: {  	[tilespmem:$0x1530] =	vst v1  }
0x28: {  	[tilespmem:$0x1540] =	vst v1  }
0x29: {  	[tilespmem:$0x1550] =	vst v1  }
0x2a: {  	[tilespmem:$0x1560] =	vst v1  }
0x2b: {  	[tilespmem:$0x1570] =	vst v1  }
0x2c: {  	[tilespmem:$0x1580] =	vst v1  }
0x2d: {  	[tilespmem:$0x1590] =	vst v1  }
0x2e: {  	[tilespmem:$0x15A0] =	vst v1  }
0x2f: {  	[tilespmem:$0x15B0] =	vst v1  }
0x30: {  	[tilespmem:$0x15C0] =	vst v1  }
0x31: {  	[tilespmem:$0x15D0] =	vst v1  }
0x32: {  	[tilespmem:$0x15E0] =	vst v1  }
0x33: {  	[tilespmem:$0x15F0] =	vst v1  }
0x34: {  	[tilespmem:$0x1600] =	vst v1  }
0x35: {  	[tilespmem:$0x1610] =	vst v1  }
0x36: {  	[tilespmem:$0x1620] =	vst v1  }
0x37: {  	[tilespmem:$0x1630] =	vst v1  }
0x38: {  	[tilespmem:$0x1640] =	vst v1  }
0x39: {  	[tilespmem:$0x1650] =	vst v1  }
0x3a: {  	[tilespmem:$0x1660] =	vst v1  }
0x3b: {  	[tilespmem:$0x1670] =	vst v1  }
0x3c: {  	[tilespmem:$0x1680] =	vst v1  }
0x3d: {  	[tilespmem:$0x1690] =	vst v1  }
0x3e: {  	[tilespmem:$0x16A0] =	vst v1  }
0x3f: {  	[tilespmem:$0x16B0] =	vst v1  }
0x40: {  	[tilespmem:$0x16C0] =	vst v1  }
0x41: {  	[tilespmem:$0x16D0] =	vst v1  }
0x42: {  	[tilespmem:$0x16E0] =	vst v1  }
0x43: {  	[tilespmem:$0x16F0] =	vst v1  }
0x44: {  	[spmem:s5] =	stream.linear.scatter [tilespmem:s9], [sflag:$0x1], $0x280, $0x38;
	[tilespmem:$0x1980] =	vst v63  }
0x45: {  	_ =	swait.ge [sflag:s8], $0x280  }
0x46: {  	[sflag:s8] =	ssyncset.done $0x0  }
0x47: {  	[sflag:s8] =	ssyncadd.s32 $0xFFFFFD80  }
0x48: {  	s17 =	simm.s32 $0x0;
	[bflag:$0x0] =	sbarrier.arrive $0xFFFF  }
0x49: {  	[spmem:s2] =	stream.indirect.scatter.add.f32 [tilespmem:s11], [sflag:$0x1], $0x1, s17, s10, $0xb8;
	[tilespmem:$0x1980] =	vst v63  }
0x4a: {  	_ =	swait.ge [sflag:s8], $0x80  }
0x4b: {  	s17 =	simm.s32 $0x200;
	[sflag:s8] =	ssyncset.done $0x0  }
.LBB2_2:
0x4c: {  	s18 =	sshra.s32 s17, $0x2;
	[sflag:s8] =	ssyncadd.s32 $0xFFFFFF80;
	p0 =	sne.s32 s17, $0x4E00  }
0x4d: {  	[spmem:s2] =	stream.indirect.scatter.add.f32 [tilespmem:s11], [sflag:$0x1], $0x1, s18, s10, $0xb8;
	[tilespmem:$0x1980] =	vst v63  }
.Ltmp0:
0x4e: {  	_ = 	snop;
	(pc) =	sbr.rel @p0 .LBB2_2-.Ltmp0, $4  }
0x4f: {  	_ = 	snop  }
0x50: {  	s17 =	sadd.s32 $0x200, s17  }
0x51: {  	_ =	swait.ge [sflag:s8], $0x80  }
0x52: {  	[sflag:s8] =	ssyncset.done $0x0  }
0x53: {  	s16 =	sadd.s32 $0x1, s16  }
0x54: {  	[sflag:s8] =	ssyncadd.s32 $0xFFFFFF80;
	p0 =	sne.s32 s16, s7  }
.Ltmp1:
0x55: {  	[bflag:$0x0] =	sbarrier.arrive $0xFFFF;
	(pc) =	sbr.rel @p0 .LBB2_1-.Ltmp1, $4  }
0x56: {  	[hbm:s6@s14], [sflag:s12] =	dma.strided [spmem:s13@s15], $0x50, s8, $0x10   }
0x57: {  	_ =	swait.ge [sflag:s8], $0x50  }
0x58: {  	[sflag:s8] =	ssyncset.done $0x0  }
0x59: {  	[sflag:s8] =	ssyncadd.s32 $0xFFFFFFB0  }
0x5a: {  	_ =	sfence.sel $0x180000  }
0x5b: {  	[bflag:$0x0] =	sbarrier.arrive $0xFFFF  }
0x5c: {  	p0 =	sne.s32 s1, $0x0;
	_ =	strace $0x90000047  }
0x5d: {  	s0 =	sadd.s32 @!p0 $0x100000, s0;
	[bflag:$0x2] =	sbarrier.arrive $0xFFFF  }
0x5e: {  	[sflag:s0] =	ssyncadd.tile.s32 @!p0 $0x1;
	_ =	shalt  }
.Lfunc_end2:
_tile_overlayer_lowered:
.L_overlay_start_2:
0x5f: {  	(tag) =	ssettag $0x2  }
0x60: {  	s0 =	rddreg [dreg:$0x0];
	s2 =	stileid.u32  }
0x61: {  	s1 =	rddreg [dreg:$0x1];
	p0 =	sne.s32 s2, $0x0  }
0x62: {  	s3 =	rddreg [dreg:$0x2];
	[bflag:$0x3] =	sbarrier.arrive $0xFFFF;
	s2 =	simm.s32 @!p0 $0x1C01  }
0x63: {  	[timem:s3], [sflag:s2] =	dma.local @!p0 [hbm:s0], s1  }
0x64: {  	s0 =	simm.s32 @!p0 $0x1  }
0x65: {  	_ =	swait.ge @!p0 [sflag:s0], s1  }
0x66: {  	s1 =	ssub.s32 @!p0 $0x0, s1;
	[sflag:s0] =	ssyncset.done @!p0 $0x0  }
0x67: {  	[sflag:s0] =	ssyncadd.s32 @!p0 s1  }
0x68: {  	[bflag:$0x3] =	sbarrier.arrive $0xFFFF  }
0x69: {  	_ =	shalt  }

</sc_bundles>
